<compile_context>
chip_gen: v7x
topology: tpu7x:2x2x1
jax: 0.10.2.dev20260603
libtpu: 0.0.44.dev20260713+nightly
codegen_flags: <defaults>
</compile_context>

<pallas_src>
import functools

import jax
import jax.numpy as jnp
from jax import lax
from jax.experimental import pallas as pl
from jax.experimental.pallas import tpu as pltpu
from jax.experimental.pallas import tpu_sc as plsc

_N_CLASSES = 1000000
_DIM = 64
_B = 16384

_info = plsc.get_sparse_core_info()
_NC, _NS, _L = _info.num_cores, _info.num_subcores, _info.num_lanes
_NW = _NC * _NS
_BPW = _B // _NW
_NG = _BPW // _L
_REP = 128

_mesh = plsc.VectorSubcoreMesh(core_axis_name="c", subcore_axis_name="s")


@functools.partial(
    pl.kernel,
    mesh=_mesh,
    out_type=jax.ShapeDtypeStruct((_B, _DIM), jnp.float32),
    compiler_params=pltpu.CompilerParams(needs_layout_passes=False,
                                         use_tc_tiling_on_sc=True),
    scratch_types=[
        pltpu.VMEM((_BPW,), jnp.int32),
        pltpu.VMEM((_BPW,), jnp.int32),
        pltpu.VMEM((_BPW + _L,), jnp.int32),
        pltpu.VMEM((_BPW + _L,), jnp.int32),
        pltpu.VMEM((_REP, _DIM), jnp.float32),
        pltpu.SMEM((2,), jnp.int32),
        pltpu.SemaphoreType.DMA,
    ],
)
def _embed_lookup(cond_hbm, unc_hbm, table_hbm, out_hbm,
                  cond_v, unc_v, cidx_v, cpos_v, rep_v, smem, sem):
  wid = lax.axis_index("s") * _NC + lax.axis_index("c")
  base = wid * _BPW
  pltpu.sync_copy(cond_hbm.at[pl.ds(base, _BPW)], cond_v)
  pltpu.sync_copy(unc_hbm.at[pl.ds(base, _BPW)], unc_v)

  pltpu.sync_copy(table_hbm.at[pl.ds(_N_CLASSES, 1)], rep_v.at[pl.ds(0, 1)])
  row = [rep_v[0, pl.ds(k * _L, _L)] for k in range(_DIM // _L)]
  for i in range(1, _REP):
    for k in range(_DIM // _L):
      rep_v[i, pl.ds(k * _L, _L)] = row[k]

  for b in range(_BPW // _REP):
    pltpu.sync_copy(rep_v, out_hbm.at[pl.ds(base + b * _REP, _REP)])

  lanes = jnp.arange(_L, dtype=jnp.int32)

  smem[0] = jnp.int32(0)
  smem[1] = jnp.int32(1 << 30)

  def _compact(g, carry):
    off = g * _L
    c = cond_v[pl.ds(off, _L)]
    u = unc_v[pl.ds(off, _L)]
    is_cond = (u == 0)
    fired = smem[0]
    cs = plsc.cumsum(is_cond.astype(jnp.int32))
    dst = fired + cs - 1
    plsc.store_scatter(cidx_v, [dst], c, mask=is_cond)
    plsc.store_scatter(cpos_v, [dst], base + off + lanes, mask=is_cond)
    smem[0] = fired + cs[_L - 1]
    upos = jnp.where(u != 0, base + off + lanes,
                     jnp.full((_L,), 1 << 30, jnp.int32))
    ucs = plsc.cummax(-upos)
    gmin = -ucs[_L - 1]
    cur = smem[1]
    smem[1] = lax.select(cur <= gmin, cur, gmin)
    return carry

  lax.fori_loop(0, _NG, _compact, jnp.int32(0))
  fired = smem[0]
  first_unc = smem[1]

  n2 = jnp.maximum(jnp.int32(1), (fired + _L - 1) // _L)
  pad_mask = lanes < (n2 * _L - fired)
  plsc.store_scatter(cidx_v, [fired + lanes],
                     jnp.full((_L,), _N_CLASSES, jnp.int32), mask=pad_mask)
  plsc.store_scatter(cpos_v, [fired + lanes],
                     jnp.zeros((_L,), jnp.int32) + first_unc, mask=pad_mask)

  def _drain_16():
    for _ in range(_L):
      pltpu.make_async_copy(table_hbm.at[pl.ds(0, 1)],
                            out_hbm.at[pl.ds(base, 1)], sem).wait()

  def _fire(q, carry):
    off = q * _L
    idx16 = cidx_v[pl.ds(off, _L)]
    pos16 = cpos_v[pl.ds(off, _L)]
    for lane in range(_L):
      pltpu.async_copy(table_hbm.at[pl.ds(idx16[lane], 1)],
                       out_hbm.at[pl.ds(pos16[lane], 1)], sem)

    @pl.when(q >= 1)
    def _():
      _drain_16()

    return carry

  lax.fori_loop(0, n2, _fire, jnp.int32(0))
  _drain_16()


def kernel(condition, is_uncond, embed):
  return _embed_lookup(condition.astype(jnp.int32),
                       is_uncond.astype(jnp.int32),
                       embed)

# --- scband reference (transcript-rebuilt; emitter-appended) ---
"""Pipeline reference for scband-class-embedding-2456721293878 (READ-ONLY COPY).

The authoritative reference and input builder live on the scoring server;
editing this copy changes nothing except your own understanding.
"""

import jax, jax.numpy as jnp
import numpy as np

N_CLASSES = 1000000
DIM = 64
B = 16384

def setup_inputs(seed: int = 0) -> dict:
    key = jax.random.key(seed)
    k1, k2, k3 = jax.random.split(key, 3)
    condition = jax.random.randint(k1, (B,), 0, N_CLASSES)
    is_uncond = jax.random.randint(k2, (B,), 0, 2).astype(bool)
    embed = jax.random.normal(k3, (N_CLASSES + 1, DIM), dtype=jnp.float32)
    return {"condition": condition, "is_uncond": is_uncond, "embed": embed}

def reference(condition, is_uncond, embed):
    uncond_class = jnp.full((condition.shape[0],), N_CLASSES, dtype=condition.dtype)
    cond = jnp.where(is_uncond, uncond_class, condition)
    out = jnp.take(embed, cond, axis=0)
    return out

if __name__ == "__main__":
    import jax
    _d = setup_inputs()
    print(jax.jit(kernel)(*tuple(_d.values())))

</pallas_src>

<mosaic_0001>
#map = affine_map<(d0, d1) -> (0)>
#map1 = affine_map<(d0, d1) -> (0, 0)>
module attributes {stable_mosaic.version = 14 : i64} {
  func.func @_embed_lookup(%arg0: i32, %arg1: i32, %arg2: memref<16384xi32, #tpu.memory_space<hbm>>, %arg3: memref<16384xi32, #tpu.memory_space<hbm>>, %arg4: memref<1000001x64xf32, #tpu.memory_space<hbm>>, %arg5: memref<16384x64xf32, #tpu.memory_space<hbm>>, %arg6: memref<512xi32, #tpu.memory_space<vmem>>, %arg7: memref<512xi32, #tpu.memory_space<vmem>>, %arg8: memref<528xi32, #tpu.memory_space<vmem>>, %arg9: memref<528xi32, #tpu.memory_space<vmem>>, %arg10: memref<128x64xf32, #tpu.memory_space<vmem>>, %arg11: memref<2xi32, #tpu.memory_space<smem>>, %arg12: memref<!tpu.dma_semaphore, #tpu.memory_space<semaphore_mem>>) attributes {dimension_semantics = [#tpu.dimension_semantics<core_parallel>, #tpu.dimension_semantics<subcore_parallel>], iteration_bounds = array<i64: 2, 16>, scalar_prefetch = 0 : i64, scratch_operands = 7 : i64, tpu.core_type = #tpu.core_type<sc_vector_subcore>, window_params = [{transform_indices = #map}, {transform_indices = #map}, {transform_indices = #map1}, {transform_indices = #map1}]} {
    %mul3A = arith.constant 2 : i32
    %mul3A_0 = arith.muli %arg1, %mul3A : i32
    %add3A = arith.addi %mul3A_0, %arg0 : i32
    %mul3A_1 = arith.constant 512 : i32
    %mul3A_2 = arith.muli %add3A, %mul3A_1 : i32
    "tpu.region"() ({
      %run_scoped3A = tpu.sem_alloc : memref<!tpu.dma_semaphore, #tpu.memory_space<semaphore_mem>>
      %dma_start3A = tpu.memref_slice %arg2[%mul3A_2] : memref<16384xi32, #tpu.memory_space<hbm>> -> memref<512xi32, #tpu.memory_space<hbm>>
      %dma_start3A_2198 = tpu.memref_slice %arg2[%mul3A_2] : memref<16384xi32, #tpu.memory_space<hbm>> -> memref<512xi32, #tpu.memory_space<hbm>>
      tpu.enqueue_dma source(%dma_start3A_2198 : memref<512xi32, #tpu.memory_space<hbm>>) target(%arg6 : memref<512xi32, #tpu.memory_space<vmem>>) target_semaphore(%run_scoped3A : memref<!tpu.dma_semaphore, #tpu.memory_space<semaphore_mem>>)
      %dma_wait3A_2199 = tpu.memref_slice %arg2[%mul3A_2] : memref<16384xi32, #tpu.memory_space<hbm>> -> memref<512xi32, #tpu.memory_space<hbm>>
      %dma_wait3A_2200 = tpu.memref_slice %arg2[%mul3A_2] : memref<16384xi32, #tpu.memory_space<hbm>> -> memref<512xi32, #tpu.memory_space<hbm>>
      tpu.wait_dma2 semaphore(%run_scoped3A : memref<!tpu.dma_semaphore, #tpu.memory_space<semaphore_mem>>) src(%dma_wait3A_2200 : memref<512xi32, #tpu.memory_space<hbm>>) dst(%arg6 : memref<512xi32, #tpu.memory_space<vmem>>)
      tpu.yield
    }) : () -> ()
    "tpu.region"() ({
      %run_scoped3A = tpu.sem_alloc : memref<!tpu.dma_semaphore, #tpu.memory_space<semaphore_mem>>
      %dma_start3A = tpu.memref_slice %arg3[%mul3A_2] : memref<16384xi32, #tpu.memory_space<hbm>> -> memref<512xi32, #tpu.memory_space<hbm>>
      %dma_start3A_2198 = tpu.memref_slice %arg3[%mul3A_2] : memref<16384xi32, #tpu.memory_space<hbm>> -> memref<512xi32, #tpu.memory_space<hbm>>
      tpu.enqueue_dma source(%dma_start3A_2198 : memref<512xi32, #tpu.memory_space<hbm>>) target(%arg7 : memref<512xi32, #tpu.memory_space<vmem>>) target_semaphore(%run_scoped3A : memref<!tpu.dma_semaphore, #tpu.memory_space<semaphore_mem>>)
      %dma_wait3A_2199 = tpu.memref_slice %arg3[%mul3A_2] : memref<16384xi32, #tpu.memory_space<hbm>> -> memref<512xi32, #tpu.memory_space<hbm>>
      %dma_wait3A_2200 = tpu.memref_slice %arg3[%mul3A_2] : memref<16384xi32, #tpu.memory_space<hbm>> -> memref<512xi32, #tpu.memory_space<hbm>>
      tpu.wait_dma2 semaphore(%run_scoped3A : memref<!tpu.dma_semaphore, #tpu.memory_space<semaphore_mem>>) src(%dma_wait3A_2200 : memref<512xi32, #tpu.memory_space<hbm>>) dst(%arg7 : memref<512xi32, #tpu.memory_space<vmem>>)
      tpu.yield
    }) : () -> ()
    "tpu.region"() ({
      %run_scoped3A = tpu.sem_alloc : memref<!tpu.dma_semaphore, #tpu.memory_space<semaphore_mem>>
      %dma_start3A = arith.constant 0 : i32
      %dma_start3A_2198 = arith.constant 0 : i32
      %dma_start3A_2199 = tpu.memref_slice %arg10[%dma_start3A, %dma_start3A_2198] : memref<128x64xf32, #tpu.memory_space<vmem>> -> memref<1x64xf32, #tpu.memory_space<vmem>>
      %dma_start3A_2200 = arith.constant 1000000 : i32
      %dma_start3A_2201 = arith.constant 0 : i32
      %dma_start3A_2202 = tpu.memref_slice %arg4[%dma_start3A_2200, %dma_start3A_2201] : memref<1000001x64xf32, #tpu.memory_space<hbm>> -> memref<1x64xf32, #tpu.memory_space<hbm>>
      %dma_start3A_2203 = arith.constant 0 : i32
      %dma_start3A_2204 = arith.constant 0 : i32
      %dma_start3A_2205 = tpu.memref_slice %arg10[%dma_start3A_2203, %dma_start3A_2204] : memref<128x64xf32, #tpu.memory_space<vmem>> -> memref<1x64xf32, #tpu.memory_space<vmem>>
      %dma_start3A_2206 = arith.constant 1000000 : i32
      %dma_start3A_2207 = arith.constant 0 : i32
      %dma_start3A_2208 = tpu.memref_slice %arg4[%dma_start3A_2206, %dma_start3A_2207] : memref<1000001x64xf32, #tpu.memory_space<hbm>> -> memref<1x64xf32, #tpu.memory_space<hbm>>
      tpu.enqueue_dma source(%dma_start3A_2208 : memref<1x64xf32, #tpu.memory_space<hbm>>) target(%dma_start3A_2205 : memref<1x64xf32, #tpu.memory_space<vmem>>) target_semaphore(%run_scoped3A : memref<!tpu.dma_semaphore, #tpu.memory_space<semaphore_mem>>)
      %dma_wait3A_2209 = arith.constant 0 : i32
      %dma_wait3A_2210 = arith.constant 0 : i32
      %dma_wait3A_2211 = tpu.memref_slice %arg10[%dma_wait3A_2209, %dma_wait3A_2210] : memref<128x64xf32, #tpu.memory_space<vmem>> -> memref<1x64xf32, #tpu.memory_space<vmem>>
      %dma_wait3A_2212 = arith.constant 1000000 : i32
      %dma_wait3A_2213 = arith.constant 0 : i32
      %dma_wait3A_2214 = tpu.memref_slice %arg4[%dma_wait3A_2212, %dma_wait3A_2213] : memref<1000001x64xf32, #tpu.memory_space<hbm>> -> memref<1x64xf32, #tpu.memory_space<hbm>>
      %dma_wait3A_2215 = arith.constant 0 : i32
      %dma_wait3A_2216 = arith.constant 0 : i32
      %dma_wait3A_2217 = tpu.memref_slice %arg10[%dma_wait3A_2215, %dma_wait3A_2216] : memref<128x64xf32, #tpu.memory_space<vmem>> -> memref<1x64xf32, #tpu.memory_space<vmem>>
      %dma_wait3A_2218 = arith.constant 1000000 : i32
      %dma_wait3A_2219 = arith.constant 0 : i32
      %dma_wait3A_2220 = tpu.memref_slice %arg4[%dma_wait3A_2218, %dma_wait3A_2219] : memref<1000001x64xf32, #tpu.memory_space<hbm>> -> memref<1x64xf32, #tpu.memory_space<hbm>>
      tpu.wait_dma2 semaphore(%run_scoped3A : memref<!tpu.dma_semaphore, #tpu.memory_space<semaphore_mem>>) src(%dma_wait3A_2220 : memref<1x64xf32, #tpu.memory_space<hbm>>) dst(%dma_wait3A_2217 : memref<1x64xf32, #tpu.memory_space<vmem>>)
      tpu.yield
    }) : () -> ()
    %get3A = arith.constant 0 : i32
    %get3A_3 = arith.index_cast %get3A : i32 to index
    %get3A_4 = arith.constant 0 : index
    %get3A_5 = tpu.vector_load %arg10[%get3A_3, %get3A_4] {strides = array<i32>} : memref<128x64xf32, #tpu.memory_space<vmem>>, vector<16xf32>,
    %get3A_6 = arith.constant 0 : i32
    %get3A_7 = arith.index_cast %get3A_6 : i32 to index
    %get3A_8 = arith.constant 16 : index
    %get3A_9 = tpu.vector_load %arg10[%get3A_7, %get3A_8] {strides = array<i32>} : memref<128x64xf32, #tpu.memory_space<vmem>>, vector<16xf32>,
    %get3A_10 = arith.constant 0 : i32
    %get3A_11 = arith.index_cast %get3A_10 : i32 to index
    %get3A_12 = arith.constant 32 : index
    %get3A_13 = tpu.vector_load %arg10[%get3A_11, %get3A_12] {strides = array<i32>} : memref<128x64xf32, #tpu.memory_space<vmem>>, vector<16xf32>,
    %get3A_14 = arith.constant 0 : i32
    %get3A_15 = arith.index_cast %get3A_14 : i32 to index
    %get3A_16 = arith.constant 48 : index
    %get3A_17 = tpu.vector_load %arg10[%get3A_15, %get3A_16] {strides = array<i32>} : memref<128x64xf32, #tpu.memory_space<vmem>>, vector<16xf32>,
    %swap3A = arith.constant 1 : i32
    %swap3A_18 = arith.index_cast %swap3A : i32 to index
    %swap3A_19 = arith.constant 0 : index
    %swap3A_20 = tpu.vector_load %arg10[%swap3A_18, %swap3A_19] {strides = array<i32>} : memref<128x64xf32, #tpu.memory_space<vmem>>, vector<16xf32>,
    tpu.vector_store %arg10[%swap3A_18, %swap3A_19], %get3A_5 {strides = array<i32>} : memref<128x64xf32, #tpu.memory_space<vmem>>, vector<16xf32>,
    %swap3A_21 = arith.constant 1 : i32
    %swap3A_22 = arith.index_cast %swap3A_21 : i32 to index
    %swap3A_23 = arith.constant 16 : index
    %swap3A_24 = tpu.vector_load %arg10[%swap3A_22, %swap3A_23] {strides = array<i32>} : memref<128x64xf32, #tpu.memory_space<vmem>>, vector<16xf32>,
    tpu.vector_store %arg10[%swap3A_22, %swap3A_23], %get3A_9 {strides = array<i32>} : memref<128x64xf32, #tpu.memory_space<vmem>>, vector<16xf32>,
    %swap3A_25 = arith.constant 1 : i32
    %swap3A_26 = arith.index_cast %swap3A_25 : i32 to index
    %swap3A_27 = arith.constant 32 : index
    %swap3A_28 = tpu.vector_load %arg10[%swap3A_26, %swap3A_27] {strides = array<i32>} : memref<128x64xf32, #tpu.memory_space<vmem>>, vector<16xf32>,
    tpu.vector_store %arg10[%swap3A_26, %swap3A_27], %get3A_13 {strides = array<i32>} : memref<128x64xf32, #tpu.memory_space<vmem>>, vector<16xf32>,
    %swap3A_29 = arith.constant 1 : i32
    %swap3A_30 = arith.index_cast %swap3A_29 : i32 to index
    %swap3A_31 = arith.constant 48 : index
    %swap3A_32 = tpu.vector_load %arg10[%swap3A_30, %swap3A_31] {strides = array<i32>} : memref<128x64xf32, #tpu.memory_space<vmem>>, vector<16xf32>,
    tpu.vector_store %arg10[%swap3A_30, %swap3A_31], %get3A_17 {strides = array<i32>} : memref<128x64xf32, #tpu.memory_space<vmem>>, vector<16xf32>,
    %swap3A_33 = arith.constant 2 : i32
    %swap3A_34 = arith.index_cast %swap3A_33 : i32 to index
    %swap3A_35 = arith.constant 0 : index
    %swap3A_36 = tpu.vector_load %arg10[%swap3A_34, %swap3A_35] {strides = array<i32>} : memref<128x64xf32, #tpu.memory_space<vmem>>, vector<16xf32>,
    tpu.vector_store %arg10[%swap3A_34, %swap3A_35], %get3A_5 {strides = array<i32>} : memref<128x64xf32, #tpu.memory_space<vmem>>, vector<16xf32>,
    %swap3A_37 = arith.constant 2 : i32
    %swap3A_38 = arith.index_cast %swap3A_37 : i32 to index
    %swap3A_39 = arith.constant 16 : index
    %swap3A_40 = tpu.vector_load %arg10[%swap3A_38, %swap3A_39] {strides = array<i32>} : memref<128x64xf32, #tpu.memory_space<vmem>>, vector<16xf32>,
    tpu.vector_store %arg10[%swap3A_38, %swap3A_39], %get3A_9 {strides = array<i32>} : memref<128x64xf32, #tpu.memory_space<vmem>>, vector<16xf32>,
    %swap3A_41 = arith.constant 2 : i32
    %swap3A_42 = arith.index_cast %swap3A_41 : i32 to index
    %swap3A_43 = arith.constant 32 : index
    %swap3A_44 = tpu.vector_load %arg10[%swap3A_42, %swap3A_43] {strides = array<i32>} : memref<128x64xf32, #tpu.memory_space<vmem>>, vector<16xf32>,
    tpu.vector_store %arg10[%swap3A_42, %swap3A_43], %get3A_13 {strides = array<i32>} : memref<128x64xf32, #tpu.memory_space<vmem>>, vector<16xf32>,
    %swap3A_45 = arith.constant 2 : i32
    %swap3A_46 = arith.index_cast %swap3A_45 : i32 to index
    %swap3A_47 = arith.constant 48 : index
    %swap3A_48 = tpu.vector_load %arg10[%swap3A_46, %swap3A_47] {strides = array<i32>} : memref<128x64xf32, #tpu.memory_space<vmem>>, vector<16xf32>,
    tpu.vector_store %arg10[%swap3A_46, %swap3A_47], %get3A_17 {strides = array<i32>} : memref<128x64xf32, #tpu.memory_space<vmem>>, vector<16xf32>,
    %swap3A_49 = arith.constant 3 : i32
    %swap3A_50 = arith.index_cast %swap3A_49 : i32 to index
    %swap3A_51 = arith.constant 0 : index
    %swap3A_52 = tpu.vector_load %arg10[%swap3A_50, %swap3A_51] {strides = array<i32>} : memref<128x64xf32, #tpu.memory_space<vmem>>, vector<16xf32>,
    tpu.vector_store %arg10[%swap3A_50, %swap3A_51], %get3A_5 {strides = array<i32>} : memref<128x64xf32, #tpu.memory_space<vmem>>, vector<16xf32>,
    %swap3A_53 = arith.constant 3 : i32
    %swap3A_54 = arith.index_cast %swap3A_53 : i32 to index
    %swap3A_55 = arith.constant 16 : index
    %swap3A_56 = tpu.vector_load %arg10[%swap3A_54, %swap3A_55] {strides = array<i32>} : memref<128x64xf32, #tpu.memory_space<vmem>>, vector<16xf32>,
    tpu.vector_store %arg10[%swap3A_54, %swap3A_55], %get3A_9 {strides = array<i32>} : memref<128x64xf32, #tpu.memory_space<vmem>>, vector<16xf32>,
    %swap3A_57 = arith.constant 3 : i32
    %swap3A_58 = arith.index_cast %swap3A_57 : i32 to index
    %swap3A_59 = arith.constant 32 : index
    %swap3A_60 = tpu.vector_load %arg10[%swap3A_58, %swap3A_59] {strides = array<i32>} : memref<128x64xf32, #tpu.memory_space<vmem>>, vector<16xf32>,
    tpu.vector_store %arg10[%swap3A_58, %swap3A_59], %get3A_13 {strides = array<i32>} : memref<128x64xf32, #tpu.memory_space<vmem>>, vector<16xf32>,
    %swap3A_61 = arith.constant 3 : i32
    %swap3A_62 = arith.index_cast %swap3A_61 : i32 to index
    %swap3A_63 = arith.constant 48 : index
    %swap3A_64 = tpu.vector_load %arg10[%swap3A_62, %swap3A_63] {strides = array<i32>} : memref<128x64xf32, #tpu.memory_space<vmem>>, vector<16xf32>,
    tpu.vector_store %arg10[%swap3A_62, %swap3A_63], %get3A_17 {strides = array<i32>} : memref<128x64xf32, #tpu.memory_space<vmem>>, vector<16xf32>,
    %swap3A_65 = arith.constant 4 : i32
    %swap3A_66 = arith.index_cast %swap3A_65 : i32 to index
    %swap3A_67 = arith.constant 0 : index
    %swap3A_68 = tpu.vector_load %arg10[%swap3A_66, %swap3A_67] {strides = array<i32>} : memref<128x64xf32, #tpu.memory_space<vmem>>, vector<16xf32>,
    tpu.vector_store %arg10[%swap3A_66, %swap3A_67], %get3A_5 {strides = array<i32>} : memref<128x64xf32, #tpu.memory_space<vmem>>, vector<16xf32>,
    %swap3A_69 = arith.constant 4 : i32
    %swap3A_70 = arith.index_cast %swap3A_69 : i32 to index
    %swap3A_71 = arith.constant 16 : index
    %swap3A_72 = tpu.vector_load %arg10[%swap3A_70, %swap3A_71] {strides = array<i32>} : memref<128x64xf32, #tpu.memory_space<vmem>>, vector<16xf32>,
    tpu.vector_store %arg10[%swap3A_70, %swap3A_71], %get3A_9 {strides = array<i32>} : memref<128x64xf32, #tpu.memory_space<vmem>>, vector<16xf32>,
    %swap3A_73 = arith.constant 4 : i32
    %swap3A_74 = arith.index_cast %swap3A_73 : i32 to index
    %swap3A_75 = arith.constant 32 : index
    %swap3A_76 = tpu.vector_load %arg10[%swap3A_74, %swap3A_75] {strides = array<i32>} : memref<128x64xf32, #tpu.memory_space<vmem>>, vector<16xf32>,
    tpu.vector_store %arg10[%swap3A_74, %swap3A_75], %get3A_13 {strides = array<i32>} : memref<128x64xf32, #tpu.memory_space<vmem>>, vector<16xf32>,
    %swap3A_77 = arith.constant 4 : i32
    %swap3A_78 = arith.index_cast %swap3A_77 : i32 to index
    %swap3A_79 = arith.constant 48 : index
    %swap3A_80 = tpu.vector_load %arg10[%swap3A_78, %swap3A_79] {strides = array<i32>} : memref<128x64xf32, #tpu.memory_space<vmem>>, vector<16xf32>,
    tpu.vector_store %arg10[%swap3A_78, %swap3A_79], %get3A_17 {strides = array<i32>} : memref<128x64xf32, #tpu.memory_space<vmem>>, vector<16xf32>,
    %swap3A_81 = arith.constant 5 : i32
    %swap3A_82 = arith.index_cast %swap3A_81 : i32 to index
    %swap3A_83 = arith.constant 0 : index
    %swap3A_84 = tpu.vector_load %arg10[%swap3A_82, %swap3A_83] {strides = array<i32>} : memref<128x64xf32, #tpu.memory_space<vmem>>, vector<16xf32>,
    tpu.vector_store %arg10[%swap3A_82, %swap3A_83], %get3A_5 {strides = array<i32>} : memref<128x64xf32, #tpu.memory_space<vmem>>, vector<16xf32>,
    %swap3A_85 = arith.constant 5 : i32
    %swap3A_86 = arith.index_cast %swap3A_85 : i32 to index
    %swap3A_87 = arith.constant 16 : index
    %swap3A_88 = tpu.vector_load %arg10[%swap3A_86, %swap3A_87] {strides = array<i32>} : memref<128x64xf32, #tpu.memory_space<vmem>>, vector<16xf32>,
    tpu.vector_store %arg10[%swap3A_86, %swap3A_87], %get3A_9 {strides = array<i32>} : memref<128x64xf32, #tpu.memory_space<vmem>>, vector<16xf32>,
    %swap3A_89 = arith.constant 5 : i32
    %swap3A_90 = arith.index_cast %swap3A_89 : i32 to index
    %swap3A_91 = arith.constant 32 : index
    %swap3A_92 = tpu.vector_load %arg10[%swap3A_90, %swap3A_91] {strides = array<i32>} : memref<128x64xf32, #tpu.memory_space<vmem>>, vector<16xf32>,
    tpu.vector_store %arg10[%swap3A_90, %swap3A_91], %get3A_13 {strides = array<i32>} : memref<128x64xf32, #tpu.memory_space<vmem>>, vector<16xf32>,
    %swap3A_93 = arith.constant 5 : i32
    %swap3A_94 = arith.index_cast %swap3A_93 : i32 to index
    %swap3A_95 = arith.constant 48 : index
    %swap3A_96 = tpu.vector_load %arg10[%swap3A_94, %swap3A_95] {strides = array<i32>} : memref<128x64xf32, #tpu.memory_space<vmem>>, vector<16xf32>,
    tpu.vector_store %arg10[%swap3A_94, %swap3A_95], %get3A_17 {strides = array<i32>} : memref<128x64xf32, #tpu.memory_space<vmem>>, vector<16xf32>,
    %swap3A_97 = arith.constant 6 : i32
    %swap3A_98 = arith.index_cast %swap3A_97 : i32 to index
    %swap3A_99 = arith.constant 0 : index
    %swap3A_100 = tpu.vector_load %arg10[%swap3A_98, %swap3A_99] {strides = array<i32>} : memref<128x64xf32, #tpu.memory_space<vmem>>, vector<16xf32>,
    tpu.vector_store %arg10[%swap3A_98, %swap3A_99], %get3A_5 {strides = array<i32>} : memref<128x64xf32, #tpu.memory_space<vmem>>, vector<16xf32>,
    %swap3A_101 = arith.constant 6 : i32
    %swap3A_102 = arith.index_cast %swap3A_101 : i32 to index
    %swap3A_103 = arith.constant 16 : index
    %swap3A_104 = tpu.vector_load %arg10[%swap3A_102, %swap3A_103] {strides = array<i32>} : memref<128x64xf32, #tpu.memory_space<vmem>>, vector<16xf32>,
    tpu.vector_store %arg10[%swap3A_102, %swap3A_103], %get3A_9 {strides = array<i32>} : memref<128x64xf32, #tpu.memory_space<vmem>>, vector<16xf32>,
    %swap3A_105 = arith.constant 6 : i32
    %swap3A_106 = arith.index_cast %swap3A_105 : i32 to index
    %swap3A_107 = arith.constant 32 : index
    %swap3A_108 = tpu.vector_load %arg10[%swap3A_106, %swap3A_107] {strides = array<i32>} : memref<128x64xf32, #tpu.memory_space<vmem>>, vector<16xf32>,
    tpu.vector_store %arg10[%swap3A_106, %swap3A_107], %get3A_13 {strides = array<i32>} : memref<128x64xf32, #tpu.memory_space<vmem>>, vector<16xf32>,
    %swap3A_109 = arith.constant 6 : i32
    %swap3A_110 = arith.index_cast %swap3A_109 : i32 to index
    %swap3A_111 = arith.constant 48 : index
    %swap3A_112 = tpu.vector_load %arg10[%swap3A_110, %swap3A_111] {strides = array<i32>} : memref<128x64xf32, #tpu.memory_space<vmem>>, vector<16xf32>,
    tpu.vector_store %arg10[%swap3A_110, %swap3A_111], %get3A_17 {strides = array<i32>} : memref<128x64xf32, #tpu.memory_space<vmem>>, vector<16xf32>,
    %swap3A_113 = arith.constant 7 : i32
    %swap3A_114 = arith.index_cast %swap3A_113 : i32 to index
    %swap3A_115 = arith.constant 0 : index
    %swap3A_116 = tpu.vector_load %arg10[%swap3A_114, %swap3A_115] {strides = array<i32>} : memref<128x64xf32, #tpu.memory_space<vmem>>, vector<16xf32>,
    tpu.vector_store %arg10[%swap3A_114, %swap3A_115], %get3A_5 {strides = array<i32>} : memref<128x64xf32, #tpu.memory_space<vmem>>, vector<16xf32>,
    %swap3A_117 = arith.constant 7 : i32
    %swap3A_118 = arith.index_cast %swap3A_117 : i32 to index
    %swap3A_119 = arith.constant 16 : index
    %swap3A_120 = tpu.vector_load %arg10[%swap3A_118, %swap3A_119] {strides = array<i32>} : memref<128x64xf32, #tpu.memory_space<vmem>>, vector<16xf32>,
    tpu.vector_store %arg10[%swap3A_118, %swap3A_119], %get3A_9 {strides = array<i32>} : memref<128x64xf32, #tpu.memory_space<vmem>>, vector<16xf32>,
    %swap3A_121 = arith.constant 7 : i32
    %swap3A_122 = arith.index_cast %swap3A_121 : i32 to index
    %swap3A_123 = arith.constant 32 : index
    %swap3A_124 = tpu.vector_load %arg10[%swap3A_122, %swap3A_123] {strides = array<i32>} : memref<128x64xf32, #tpu.memory_space<vmem>>, vector<16xf32>,
    tpu.vector_store %arg10[%swap3A_122, %swap3A_123], %get3A_13 {strides = array<i32>} : memref<128x64xf32, #tpu.memory_space<vmem>>, vector<16xf32>,
    %swap3A_125 = arith.constant 7 : i32
    %swap3A_126 = arith.index_cast %swap3A_125 : i32 to index
    %swap3A_127 = arith.constant 48 : index
    %swap3A_128 = tpu.vector_load %arg10[%swap3A_126, %swap3A_127] {strides = array<i32>} : memref<128x64xf32, #tpu.memory_space<vmem>>, vector<16xf32>,
    tpu.vector_store %arg10[%swap3A_126, %swap3A_127], %get3A_17 {strides = array<i32>} : memref<128x64xf32, #tpu.memory_space<vmem>>, vector<16xf32>,
    %swap3A_129 = arith.constant 8 : i32
    %swap3A_130 = arith.index_cast %swap3A_129 : i32 to index
    %swap3A_131 = arith.constant 0 : index
    %swap3A_132 = tpu.vector_load %arg10[%swap3A_130, %swap3A_131] {strides = array<i32>} : memref<128x64xf32, #tpu.memory_space<vmem>>, vector<16xf32>,
    tpu.vector_store %arg10[%swap3A_130, %swap3A_131], %get3A_5 {strides = array<i32>} : memref<128x64xf32, #tpu.memory_space<vmem>>, vector<16xf32>,
    %swap3A_133 = arith.constant 8 : i32
    %swap3A_134 = arith.index_cast %swap3A_133 : i32 to index
    %swap3A_135 = arith.constant 16 : index
    %swap3A_136 = tpu.vector_load %arg10[%swap3A_134, %swap3A_135] {strides = array<i32>} : memref<128x64xf32, #tpu.memory_space<vmem>>, vector<16xf32>,
    tpu.vector_store %arg10[%swap3A_134, %swap3A_135], %get3A_9 {strides = array<i32>} : memref<128x64xf32, #tpu.memory_space<vmem>>, vector<16xf32>,
    %swap3A_137 = arith.constant 8 : i32
    %swap3A_138 = arith.index_cast %swap3A_137 : i32 to index
    %swap3A_139 = arith.constant 32 : index
    %swap3A_140 = tpu.vector_load %arg10[%swap3A_138, %swap3A_139] {strides = array<i32>} : memref<128x64xf32, #tpu.memory_space<vmem>>, vector<16xf32>,
    tpu.vector_store %arg10[%swap3A_138, %swap3A_139], %get3A_13 {strides = array<i32>} : memref<128x64xf32, #tpu.memory_space<vmem>>, vector<16xf32>,
    %swap3A_141 = arith.constant 8 : i32
    %swap3A_142 = arith.index_cast %swap3A_141 : i32 to index
    %swap3A_143 = arith.constant 48 : index
    %swap3A_144 = tpu.vector_load %arg10[%swap3A_142, %swap3A_143] {strides = array<i32>} : memref<128x64xf32, #tpu.memory_space<vmem>>, vector<16xf32>,
    tpu.vector_store %arg10[%swap3A_142, %swap3A_143], %get3A_17 {strides = array<i32>} : memref<128x64xf32, #tpu.memory_space<vmem>>, vector<16xf32>,
    %swap3A_145 = arith.constant 9 : i32
    %swap3A_146 = arith.index_cast %swap3A_145 : i32 to index
    %swap3A_147 = arith.constant 0 : index
    %swap3A_148 = tpu.vector_load %arg10[%swap3A_146, %swap3A_147] {strides = array<i32>} : memref<128x64xf32, #tpu.memory_space<vmem>>, vector<16xf32>,
    tpu.vector_store %arg10[%swap3A_146, %swap3A_147], %get3A_5 {strides = array<i32>} : memref<128x64xf32, #tpu.memory_space<vmem>>, vector<16xf32>,
    %swap3A_149 = arith.constant 9 : i32
    %swap3A_150 = arith.index_cast %swap3A_149 : i32 to index
    %swap3A_151 = arith.constant 16 : index
    %swap3A_152 = tpu.vector_load %arg10[%swap3A_150, %swap3A_151] {strides = array<i32>} : memref<128x64xf32, #tpu.memory_space<vmem>>, vector<16xf32>,
    tpu.vector_store %arg10[%swap3A_150, %swap3A_151], %get3A_9 {strides = array<i32>} : memref<128x64xf32, #tpu.memory_space<vmem>>, vector<16xf32>,
    %swap3A_153 = arith.constant 9 : i32
    %swap3A_154 = arith.index_cast %swap3A_153 : i32 to index
    %swap3A_155 = arith.constant 32 : index
    %swap3A_156 = tpu.vector_load %arg10[%swap3A_154, %swap3A_155] {strides = array<i32>} : memref<128x64xf32, #tpu.memory_space<vmem>>, vector<16xf32>,
    tpu.vector_store %arg10[%swap3A_154, %swap3A_155], %get3A_13 {strides = array<i32>} : memref<128x64xf32, #tpu.memory_space<vmem>>, vector<16xf32>,
    %swap3A_157 = arith.constant 9 : i32
    %swap3A_158 = arith.index_cast %swap3A_157 : i32 to index
    %swap3A_159 = arith.constant 48 : index
    %swap3A_160 = tpu.vector_load %arg10[%swap3A_158, %swap3A_159] {strides = array<i32>} : memref<128x64xf32, #tpu.memory_space<vmem>>, vector<16xf32>,
    tpu.vector_store %arg10[%swap3A_158, %swap3A_159], %get3A_17 {strides = array<i32>} : memref<128x64xf32, #tpu.memory_space<vmem>>, vector<16xf32>,
    %swap3A_161 = arith.constant 10 : i32
    %swap3A_162 = arith.index_cast %swap3A_161 : i32 to index
    %swap3A_163 = arith.constant 0 : index
    %swap3A_164 = tpu.vector_load %arg10[%swap3A_162, %swap3A_163] {strides = array<i32>} : memref<128x64xf32, #tpu.memory_space<vmem>>, vector<16xf32>,
    tpu.vector_store %arg10[%swap3A_162, %swap3A_163], %get3A_5 {strides = array<i32>} : memref<128x64xf32, #tpu.memory_space<vmem>>, vector<16xf32>,
    %swap3A_165 = arith.constant 10 : i32
    %swap3A_166 = arith.index_cast %swap3A_165 : i32 to index
    %swap3A_167 = arith.constant 16 : index
    %swap3A_168 = tpu.vector_load %arg10[%swap3A_166, %swap3A_167] {strides = array<i32>} : memref<128x64xf32, #tpu.memory_space<vmem>>, vector<16xf32>,
    tpu.vector_store %arg10[%swap3A_166, %swap3A_167], %get3A_9 {strides = array<i32>} : memref<128x64xf32, #tpu.memory_space<vmem>>, vector<16xf32>,
    %swap3A_169 = arith.constant 10 : i32
    %swap3A_170 = arith.index_cast %swap3A_169 : i32 to index
    %swap3A_171 = arith.constant 32 : index
    %swap3A_172 = tpu.vector_load %arg10[%swap3A_170, %swap3A_171] {strides = array<i32>} : memref<128x64xf32, #tpu.memory_space<vmem>>, vector<16xf32>,
    tpu.vector_store %arg10[%swap3A_170, %swap3A_171], %get3A_13 {strides = array<i32>} : memref<128x64xf32, #tpu.memory_space<vmem>>, vector<16xf32>,
    %swap3A_173 = arith.constant 10 : i32
    %swap3A_174 = arith.index_cast %swap3A_173 : i32 to index
    %swap3A_175 = arith.constant 48 : index
    %swap3A_176 = tpu.vector_load %arg10[%swap3A_174, %swap3A_175] {strides = array<i32>} : memref<128x64xf32, #tpu.memory_space<vmem>>, vector<16xf32>,
    tpu.vector_store %arg10[%swap3A_174, %swap3A_175], %get3A_17 {strides = array<i32>} : memref<128x64xf32, #tpu.memory_space<vmem>>, vector<16xf32>,
    %swap3A_177 = arith.constant 11 : i32
    %swap3A_178 = arith.index_cast %swap3A_177 : i32 to index
    %swap3A_179 = arith.constant 0 : index
    %swap3A_180 = tpu.vector_load %arg10[%swap3A_178, %swap3A_179] {strides = array<i32>} : memref<128x64xf32, #tpu.memory_space<vmem>>, vector<16xf32>,
    tpu.vector_store %arg10[%swap3A_178, %swap3A_179], %get3A_5 {strides = array<i32>} : memref<128x64xf32, #tpu.memory_space<vmem>>, vector<16xf32>,
    %swap3A_181 = arith.constant 11 : i32
    %swap3A_182 = arith.index_cast %swap3A_181 : i32 to index
    %swap3A_183 = arith.constant 16 : index
    %swap3A_184 = tpu.vector_load %arg10[%swap3A_182, %swap3A_183] {strides = array<i32>} : memref<128x64xf32, #tpu.memory_space<vmem>>, vector<16xf32>,
    tpu.vector_store %arg10[%swap3A_182, %swap3A_183], %get3A_9 {strides = array<i32>} : memref<128x64xf32, #tpu.memory_space<vmem>>, vector<16xf32>,
    %swap3A_185 = arith.constant 11 : i32
    %swap3A_186 = arith.index_cast %swap3A_185 : i32 to index
    %swap3A_187 = arith.constant 32 : index
    %swap3A_188 = tpu.vector_load %arg10[%swap3A_186, %swap3A_187] {strides = array<i32>} : memref<128x64xf32, #tpu.memory_space<vmem>>, vector<16xf32>,
    tpu.vector_store %arg10[%swap3A_186, %swap3A_187], %get3A_13 {strides = array<i32>} : memref<128x64xf32, #tpu.memory_space<vmem>>, vector<16xf32>,
    %swap3A_189 = arith.constant 11 : i32
    %swap3A_190 = arith.index_cast %swap3A_189 : i32 to index
    %swap3A_191 = arith.constant 48 : index
    %swap3A_192 = tpu.vector_load %arg10[%swap3A_190, %swap3A_191] {strides = array<i32>} : memref<128x64xf32, #tpu.memory_space<vmem>>, vector<16xf32>,
    tpu.vector_store %arg10[%swap3A_190, %swap3A_191], %get3A_17 {strides = array<i32>} : memref<128x64xf32, #tpu.memory_space<vmem>>, vector<16xf32>,
    %swap3A_193 = arith.constant 12 : i32
    %swap3A_194 = arith.index_cast %swap3A_193 : i32 to index
    %swap3A_195 = arith.constant 0 : index
    %swap3A_196 = tpu.vector_load %arg10[%swap3A_194, %swap3A_195] {strides = array<i32>} : memref<128x64xf32, #tpu.memory_space<vmem>>, vector<16xf32>,
    tpu.vector_store %arg10[%swap3A_194, %swap3A_195], %get3A_5 {strides = array<i32>} : memref<128x64xf32, #tpu.memory_space<vmem>>, vector<16xf32>,
    %swap3A_197 = arith.constant 12 : i32
    %swap3A_198 = arith.index_cast %swap3A_197 : i32 to index
    %swap3A_199 = arith.constant 16 : index
    %swap3A_200 = tpu.vector_load %arg10[%swap3A_198, %swap3A_199] {strides = array<i32>} : memref<128x64xf32, #tpu.memory_space<vmem>>, vector<16xf32>,
    tpu.vector_store %arg10[%swap3A_198, %swap3A_199], %get3A_9 {strides = array<i32>} : memref<128x64xf32, #tpu.memory_space<vmem>>, vector<16xf32>,
    %swap3A_201 = arith.constant 12 : i32
    %swap3A_202 = arith.index_cast %swap3A_201 : i32 to index
    %swap3A_203 = arith.constant 32 : index
    %swap3A_204 = tpu.vector_load %arg10[%swap3A_202, %swap3A_203] {strides = array<i32>} : memref<128x64xf32, #tpu.memory_space<vmem>>, vector<16xf32>,
    tpu.vector_store %arg10[%swap3A_202, %swap3A_203], %get3A_13 {strides = array<i32>} : memref<128x64xf32, #tpu.memory_space<vmem>>, vector<16xf32>,
    %swap3A_205 = arith.constant 12 : i32
    %swap3A_206 = arith.index_cast %swap3A_205 : i32 to index
    %swap3A_207 = arith.constant 48 : index
    %swap3A_208 = tpu.vector_load %arg10[%swap3A_206, %swap3A_207] {strides = array<i32>} : memref<128x64xf32, #tpu.memory_space<vmem>>, vector<16xf32>,
    tpu.vector_store %arg10[%swap3A_206, %swap3A_207], %get3A_17 {strides = array<i32>} : memref<128x64xf32, #tpu.memory_space<vmem>>, vector<16xf32>,
    %swap3A_209 = arith.constant 13 : i32
    %swap3A_210 = arith.index_cast %swap3A_209 : i32 to index
    %swap3A_211 = arith.constant 0 : index
    %swap3A_212 = tpu.vector_load %arg10[%swap3A_210, %swap3A_211] {strides = array<i32>} : memref<128x64xf32, #tpu.memory_space<vmem>>, vector<16xf32>,
    tpu.vector_store %arg10[%swap3A_210, %swap3A_211], %get3A_5 {strides = array<i32>} : memref<128x64xf32, #tpu.memory_space<vmem>>, vector<16xf32>,
    %swap3A_213 = arith.constant 13 : i32
    %swap3A_214 = arith.index_cast %swap3A_213 : i32 to index
    %swap3A_215 = arith.constant 16 : index
    %swap3A_216 = tpu.vector_load %arg10[%swap3A_214, %swap3A_215] {strides = array<i32>} : memref<128x64xf32, #tpu.memory_space<vmem>>, vector<16xf32>,
    tpu.vector_store %arg10[%swap3A_214, %swap3A_215], %get3A_9 {strides = array<i32>} : memref<128x64xf32, #tpu.memory_space<vmem>>, vector<16xf32>,
    %swap3A_217 = arith.constant 13 : i32
    %swap3A_218 = arith.index_cast %swap3A_217 : i32 to index
    %swap3A_219 = arith.constant 32 : index
    %swap3A_220 = tpu.vector_load %arg10[%swap3A_218, %swap3A_219] {strides = array<i32>} : memref<128x64xf32, #tpu.memory_space<vmem>>, vector<16xf32>,
    tpu.vector_store %arg10[%swap3A_218, %swap3A_219], %get3A_13 {strides = array<i32>} : memref<128x64xf32, #tpu.memory_space<vmem>>, vector<16xf32>,
    %swap3A_221 = arith.constant 13 : i32
    %swap3A_222 = arith.index_cast %swap3A_221 : i32 to index
    %swap3A_223 = arith.constant 48 : index
    %swap3A_224 = tpu.vector_load %arg10[%swap3A_222, %swap3A_223] {strides = array<i32>} : memref<128x64xf32, #tpu.memory_space<vmem>>, vector<16xf32>,
    tpu.vector_store %arg10[%swap3A_222, %swap3A_223], %get3A_17 {strides = array<i32>} : memref<128x64xf32, #tpu.memory_space<vmem>>, vector<16xf32>,
    %swap3A_225 = arith.constant 14 : i32
    %swap3A_226 = arith.index_cast %swap3A_225 : i32 to index
    %swap3A_227 = arith.constant 0 : index
    %swap3A_228 = tpu.vector_load %arg10[%swap3A_226, %swap3A_227] {strides = array<i32>} : memref<128x64xf32, #tpu.memory_space<vmem>>, vector<16xf32>,
    tpu.vector_store %arg10[%swap3A_226, %swap3A_227], %get3A_5 {strides = array<i32>} : memref<128x64xf32, #tpu.memory_space<vmem>>, vector<16xf32>,
    %swap3A_229 = arith.constant 14 : i32
    %swap3A_230 = arith.index_cast %swap3A_229 : i32 to index
    %swap3A_231 = arith.constant 16 : index
    %swap3A_232 = tpu.vector_load %arg10[%swap3A_230, %swap3A_231] {strides = array<i32>} : memref<128x64xf32, #tpu.memory_space<vmem>>, vector<16xf32>,
    tpu.vector_store %arg10[%swap3A_230, %swap3A_231], %get3A_9 {strides = array<i32>} : memref<128x64xf32, #tpu.memory_space<vmem>>, vector<16xf32>,
    %swap3A_233 = arith.constant 14 : i32
    %swap3A_234 = arith.index_cast %swap3A_233 : i32 to index
    %swap3A_235 = arith.constant 32 : index
    %swap3A_236 = tpu.vector_load %arg10[%swap3A_234, %swap3A_235] {strides = array<i32>} : memref<128x64xf32, #tpu.memory_space<vmem>>, vector<16xf32>,
    tpu.vector_store %arg10[%swap3A_234, %swap3A_235], %get3A_13 {strides = array<i32>} : memref<128x64xf32, #tpu.memory_space<vmem>>, vector<16xf32>,
    %swap3A_237 = arith.constant 14 : i32
    %swap3A_238 = arith.index_cast %swap3A_237 : i32 to index
    %swap3A_239 = arith.constant 48 : index
    %swap3A_240 = tpu.vector_load %arg10[%swap3A_238, %swap3A_239] {strides = array<i32>} : memref<128x64xf32, #tpu.memory_space<vmem>>, vector<16xf32>,
    tpu.vector_store %arg10[%swap3A_238, %swap3A_239], %get3A_17 {strides = array<i32>} : memref<128x64xf32, #tpu.memory_space<vmem>>, vector<16xf32>,
    %swap3A_241 = arith.constant 15 : i32
    %swap3A_242 = arith.index_cast %swap3A_241 : i32 to index
    %swap3A_243 = arith.constant 0 : index
    %swap3A_244 = tpu.vector_load %arg10[%swap3A_242, %swap3A_243] {strides = array<i32>} : memref<128x64xf32, #tpu.memory_space<vmem>>, vector<16xf32>,
    tpu.vector_store %arg10[%swap3A_242, %swap3A_243], %get3A_5 {strides = array<i32>} : memref<128x64xf32, #tpu.memory_space<vmem>>, vector<16xf32>,
    %swap3A_245 = arith.constant 15 : i32
    %swap3A_246 = arith.index_cast %swap3A_245 : i32 to index
    %swap3A_247 = arith.constant 16 : index
    %swap3A_248 = tpu.vector_load %arg10[%swap3A_246, %swap3A_247] {strides = array<i32>} : memref<128x64xf32, #tpu.memory_space<vmem>>, vector<16xf32>,
    tpu.vector_store %arg10[%swap3A_246, %swap3A_247], %get3A_9 {strides = array<i32>} : memref<128x64xf32, #tpu.memory_space<vmem>>, vector<16xf32>,
    %swap3A_249 = arith.constant 15 : i32
    %swap3A_250 = arith.index_cast %swap3A_249 : i32 to index
    %swap3A_251 = arith.constant 32 : index
    %swap3A_252 = tpu.vector_load %arg10[%swap3A_250, %swap3A_251] {strides = array<i32>} : memref<128x64xf32, #tpu.memory_space<vmem>>, vector<16xf32>,
    tpu.vector_store %arg10[%swap3A_250, %swap3A_251], %get3A_13 {strides = array<i32>} : memref<128x64xf32, #tpu.memory_space<vmem>>, vector<16xf32>,
    %swap3A_253 = arith.constant 15 : i32
    %swap3A_254 = arith.index_cast %swap3A_253 : i32 to index
    %swap3A_255 = arith.constant 48 : index
    %swap3A_256 = tpu.vector_load %arg10[%swap3A_254, %swap3A_255] {strides = array<i32>} : memref<128x64xf32, #tpu.memory_space<vmem>>, vector<16xf32>,
    tpu.vector_store %arg10[%swap3A_254, %swap3A_255], %get3A_17 {strides = array<i32>} : memref<128x64xf32, #tpu.memory_space<vmem>>, vector<16xf32>,
    %swap3A_257 = arith.constant 16 : i32
    %swap3A_258 = arith.index_cast %swap3A_257 : i32 to index
    %swap3A_259 = arith.constant 0 : index
    %swap3A_260 = tpu.vector_load %arg10[%swap3A_258, %swap3A_259] {strides = array<i32>} : memref<128x64xf32, #tpu.memory_space<vmem>>, vector<16xf32>,
    tpu.vector_store %arg10[%swap3A_258, %swap3A_259], %get3A_5 {strides = array<i32>} : memref<128x64xf32, #tpu.memory_space<vmem>>, vector<16xf32>,
    %swap3A_261 = arith.constant 16 : i32
    %swap3A_262 = arith.index_cast %swap3A_261 : i32 to index
    %swap3A_263 = arith.constant 16 : index
    %swap3A_264 = tpu.vector_load %arg10[%swap3A_262, %swap3A_263] {strides = array<i32>} : memref<128x64xf32, #tpu.memory_space<vmem>>, vector<16xf32>,
    tpu.vector_store %arg10[%swap3A_262, %swap3A_263], %get3A_9 {strides = array<i32>} : memref<128x64xf32, #tpu.memory_space<vmem>>, vector<16xf32>,
    %swap3A_265 = arith.constant 16 : i32
    %swap3A_266 = arith.index_cast %swap3A_265 : i32 to index
    %swap3A_267 = arith.constant 32 : index
    %swap3A_268 = tpu.vector_load %arg10[%swap3A_266, %swap3A_267] {strides = array<i32>} : memref<128x64xf32, #tpu.memory_space<vmem>>, vector<16xf32>,
    tpu.vector_store %arg10[%swap3A_266, %swap3A_267], %get3A_13 {strides = array<i32>} : memref<128x64xf32, #tpu.memory_space<vmem>>, vector<16xf32>,
    %swap3A_269 = arith.constant 16 : i32
    %swap3A_270 = arith.index_cast %swap3A_269 : i32 to index
    %swap3A_271 = arith.constant 48 : index
    %swap3A_272 = tpu.vector_load %arg10[%swap3A_270, %swap3A_271] {strides = array<i32>} : memref<128x64xf32, #tpu.memory_space<vmem>>, vector<16xf32>,
    tpu.vector_store %arg10[%swap3A_270, %swap3A_271], %get3A_17 {strides = array<i32>} : memref<128x64xf32, #tpu.memory_space<vmem>>, vector<16xf32>,
    %swap3A_273 = arith.constant 17 : i32
    %swap3A_274 = arith.index_cast %swap3A_273 : i32 to index
    %swap3A_275 = arith.constant 0 : index
    %swap3A_276 = tpu.vector_load %arg10[%swap3A_274, %swap3A_275] {strides = array<i32>} : memref<128x64xf32, #tpu.memory_space<vmem>>, vector<16xf32>,
    tpu.vector_store %arg10[%swap3A_274, %swap3A_275], %get3A_5 {strides = array<i32>} : memref<128x64xf32, #tpu.memory_space<vmem>>, vector<16xf32>,
    %swap3A_277 = arith.constant 17 : i32
    %swap3A_278 = arith.index_cast %swap3A_277 : i32 to index
    %swap3A_279 = arith.constant 16 : index
    %swap3A_280 = tpu.vector_load %arg10[%swap3A_278, %swap3A_279] {strides = array<i32>} : memref<128x64xf32, #tpu.memory_space<vmem>>, vector<16xf32>,
    tpu.vector_store %arg10[%swap3A_278, %swap3A_279], %get3A_9 {strides = array<i32>} : memref<128x64xf32, #tpu.memory_space<vmem>>, vector<16xf32>,
    %swap3A_281 = arith.constant 17 : i32
    %swap3A_282 = arith.index_cast %swap3A_281 : i32 to index
    %swap3A_283 = arith.constant 32 : index
    %swap3A_284 = tpu.vector_load %arg10[%swap3A_282, %swap3A_283] {strides = array<i32>} : memref<128x64xf32, #tpu.memory_space<vmem>>, vector<16xf32>,
    tpu.vector_store %arg10[%swap3A_282, %swap3A_283], %get3A_13 {strides = array<i32>} : memref<128x64xf32, #tpu.memory_space<vmem>>, vector<16xf32>,
    %swap3A_285 = arith.constant 17 : i32
    %swap3A_286 = arith.index_cast %swap3A_285 : i32 to index
    %swap3A_287 = arith.constant 48 : index
    %swap3A_288 = tpu.vector_load %arg10[%swap3A_286, %swap3A_287] {strides = array<i32>} : memref<128x64xf32, #tpu.memory_space<vmem>>, vector<16xf32>,
    tpu.vector_store %arg10[%swap3A_286, %swap3A_287], %get3A_17 {strides = array<i32>} : memref<128x64xf32, #tpu.memory_space<vmem>>, vector<16xf32>,
    %swap3A_289 = arith.constant 18 : i32
    %swap3A_290 = arith.index_cast %swap3A_289 : i32 to index
    %swap3A_291 = arith.constant 0 : index
    %swap3A_292 = tpu.vector_load %arg10[%swap3A_290, %swap3A_291] {strides = array<i32>} : memref<128x64xf32, #tpu.memory_space<vmem>>, vector<16xf32>,
    tpu.vector_store %arg10[%swap3A_290, %swap3A_291], %get3A_5 {strides = array<i32>} : memref<128x64xf32, #tpu.memory_space<vmem>>, vector<16xf32>,
    %swap3A_293 = arith.constant 18 : i32
    %swap3A_294 = arith.index_cast %swap3A_293 : i32 to index
    %swap3A_295 = arith.constant 16 : index
    %swap3A_296 = tpu.vector_load %arg10[%swap3A_294, %swap3A_295] {strides = array<i32>} : memref<128x64xf32, #tpu.memory_space<vmem>>, vector<16xf32>,
    tpu.vector_store %arg10[%swap3A_294, %swap3A_295], %get3A_9 {strides = array<i32>} : memref<128x64xf32, #tpu.memory_space<vmem>>, vector<16xf32>,
    %swap3A_297 = arith.constant 18 : i32
    %swap3A_298 = arith.index_cast %swap3A_297 : i32 to index
    %swap3A_299 = arith.constant 32 : index
    %swap3A_300 = tpu.vector_load %arg10[%swap3A_298, %swap3A_299] {strides = array<i32>} : memref<128x64xf32, #tpu.memory_space<vmem>>, vector<16xf32>,
    tpu.vector_store %arg10[%swap3A_298, %swap3A_299], %get3A_13 {strides = array<i32>} : memref<128x64xf32, #tpu.memory_space<vmem>>, vector<16xf32>,
    %swap3A_301 = arith.constant 18 : i32
    %swap3A_302 = arith.index_cast %swap3A_301 : i32 to index
    %swap3A_303 = arith.constant 48 : index
    %swap3A_304 = tpu.vector_load %arg10[%swap3A_302, %swap3A_303] {strides = array<i32>} : memref<128x64xf32, #tpu.memory_space<vmem>>, vector<16xf32>,
    tpu.vector_store %arg10[%swap3A_302, %swap3A_303], %get3A_17 {strides = array<i32>} : memref<128x64xf32, #tpu.memory_space<vmem>>, vector<16xf32>,
    %swap3A_305 = arith.constant 19 : i32
    %swap3A_306 = arith.index_cast %swap3A_305 : i32 to index
    %swap3A_307 = arith.constant 0 : index
    %swap3A_308 = tpu.vector_load %arg10[%swap3A_306, %swap3A_307] {strides = array<i32>} : memref<128x64xf32, #tpu.memory_space<vmem>>, vector<16xf32>,
    tpu.vector_store %arg10[%swap3A_306, %swap3A_307], %get3A_5 {strides = array<i32>} : memref<128x64xf32, #tpu.memory_space<vmem>>, vector<16xf32>,
    %swap3A_309 = arith.constant 19 : i32
    %swap3A_310 = arith.index_cast %swap3A_309 : i32 to index
    %swap3A_311 = arith.constant 16 : index
    %swap3A_312 = tpu.vector_load %arg10[%swap3A_310, %swap3A_311] {strides = array<i32>} : memref<128x64xf32, #tpu.memory_space<vmem>>, vector<16xf32>,
    tpu.vector_store %arg10[%swap3A_310, %swap3A_311], %get3A_9 {strides = array<i32>} : memref<128x64xf32, #tpu.memory_space<vmem>>, vector<16xf32>,
    %swap3A_313 = arith.constant 19 : i32
    %swap3A_314 = arith.index_cast %swap3A_313 : i32 to index
    %swap3A_315 = arith.constant 32 : index
    %swap3A_316 = tpu.vector_load %arg10[%swap3A_314, %swap3A_315] {strides = array<i32>} : memref<128x64xf32, #tpu.memory_space<vmem>>, vector<16xf32>,
    tpu.vector_store %arg10[%swap3A_314, %swap3A_315], %get3A_13 {strides = array<i32>} : memref<128x64xf32, #tpu.memory_space<vmem>>, vector<16xf32>,
    %swap3A_317 = arith.constant 19 : i32
    %swap3A_318 = arith.index_cast %swap3A_317 : i32 to index
    %swap3A_319 = arith.constant 48 : index
    %swap3A_320 = tpu.vector_load %arg10[%swap3A_318, %swap3A_319] {strides = array<i32>} : memref<128x64xf32, #tpu.memory_space<vmem>>, vector<16xf32>,
    tpu.vector_store %arg10[%swap3A_318, %swap3A_319], %get3A_17 {strides = array<i32>} : memref<128x64xf32, #tpu.memory_space<vmem>>, vector<16xf32>,
    %swap3A_321 = arith.constant 20 : i32
    %swap3A_322 = arith.index_cast %swap3A_321 : i32 to index
    %swap3A_323 = arith.constant 0 : index
    %swap3A_324 = tpu.vector_load %arg10[%swap3A_322, %swap3A_323] {strides = array<i32>} : memref<128x64xf32, #tpu.memory_space<vmem>>, vector<16xf32>,
    tpu.vector_store %arg10[%swap3A_322, %swap3A_323], %get3A_5 {strides = array<i32>} : memref<128x64xf32, #tpu.memory_space<vmem>>, vector<16xf32>,
    %swap3A_325 = arith.constant 20 : i32
    %swap3A_326 = arith.index_cast %swap3A_325 : i32 to index
    %swap3A_327 = arith.constant 16 : index
    %swap3A_328 = tpu.vector_load %arg10[%swap3A_326, %swap3A_327] {strides = array<i32>} : memref<128x64xf32, #tpu.memory_space<vmem>>, vector<16xf32>,
    tpu.vector_store %arg10[%swap3A_326, %swap3A_327], %get3A_9 {strides = array<i32>} : memref<128x64xf32, #tpu.memory_space<vmem>>, vector<16xf32>,
    %swap3A_329 = arith.constant 20 : i32
    %swap3A_330 = arith.index_cast %swap3A_329 : i32 to index
    %swap3A_331 = arith.constant 32 : index
    %swap3A_332 = tpu.vector_load %arg10[%swap3A_330, %swap3A_331] {strides = array<i32>} : memref<128x64xf32, #tpu.memory_space<vmem>>, vector<16xf32>,
    tpu.vector_store %arg10[%swap3A_330, %swap3A_331], %get3A_13 {strides = array<i32>} : memref<128x64xf32, #tpu.memory_space<vmem>>, vector<16xf32>,
    %swap3A_333 = arith.constant 20 : i32
    %swap3A_334 = arith.index_cast %swap3A_333 : i32 to index
    %swap3A_335 = arith.constant 48 : index
    %swap3A_336 = tpu.vector_load %arg10[%swap3A_334, %swap3A_335] {strides = array<i32>} : memref<128x64xf32, #tpu.memory_space<vmem>>, vector<16xf32>,
    tpu.vector_store %arg10[%swap3A_334, %swap3A_335], %get3A_17 {strides = array<i32>} : memref<128x64xf32, #tpu.memory_space<vmem>>, vector<16xf32>,
    %swap3A_337 = arith.constant 21 : i32
    %swap3A_338 = arith.index_cast %swap3A_337 : i32 to index
    %swap3A_339 = arith.constant 0 : index
    %swap3A_340 = tpu.vector_load %arg10[%swap3A_338, %swap3A_339] {strides = array<i32>} : memref<128x64xf32, #tpu.memory_space<vmem>>, vector<16xf32>,
    tpu.vector_store %arg10[%swap3A_338, %swap3A_339], %get3A_5 {strides = array<i32>} : memref<128x64xf32, #tpu.memory_space<vmem>>, vector<16xf32>,
    %swap3A_341 = arith.constant 21 : i32
    %swap3A_342 = arith.index_cast %swap3A_341 : i32 to index
    %swap3A_343 = arith.constant 16 : index
    %swap3A_344 = tpu.vector_load %arg10[%swap3A_342, %swap3A_343] {strides = array<i32>} : memref<128x64xf32, #tpu.memory_space<vmem>>, vector<16xf32>,
    tpu.vector_store %arg10[%swap3A_342, %swap3A_343], %get3A_9 {strides = array<i32>} : memref<128x64xf32, #tpu.memory_space<vmem>>, vector<16xf32>,
    %swap3A_345 = arith.constant 21 : i32
    %swap3A_346 = arith.index_cast %swap3A_345 : i32 to index
    %swap3A_347 = arith.constant 32 : index
    %swap3A_348 = tpu.vector_load %arg10[%swap3A_346, %swap3A_347] {strides = array<i32>} : memref<128x64xf32, #tpu.memory_space<vmem>>, vector<16xf32>,
    tpu.vector_store %arg10[%swap3A_346, %swap3A_347], %get3A_13 {strides = array<i32>} : memref<128x64xf32, #tpu.memory_space<vmem>>, vector<16xf32>,
    %swap3A_349 = arith.constant 21 : i32
    %swap3A_350 = arith.index_cast %swap3A_349 : i32 to index
    %swap3A_351 = arith.constant 48 : index
    %swap3A_352 = tpu.vector_load %arg10[%swap3A_350, %swap3A_351] {strides = array<i32>} : memref<128x64xf32, #tpu.memory_space<vmem>>, vector<16xf32>,
    tpu.vector_store %arg10[%swap3A_350, %swap3A_351], %get3A_17 {strides = array<i32>} : memref<128x64xf32, #tpu.memory_space<vmem>>, vector<16xf32>,
    %swap3A_353 = arith.constant 22 : i32
    %swap3A_354 = arith.index_cast %swap3A_353 : i32 to index
    %swap3A_355 = arith.constant 0 : index
    %swap3A_356 = tpu.vector_load %arg10[%swap3A_354, %swap3A_355] {strides = array<i32>} : memref<128x64xf32, #tpu.memory_space<vmem>>, vector<16xf32>,
    tpu.vector_store %arg10[%swap3A_354, %swap3A_355], %get3A_5 {strides = array<i32>} : memref<128x64xf32, #tpu.memory_space<vmem>>, vector<16xf32>,
    %swap3A_357 = arith.constant 22 : i32
    %swap3A_358 = arith.index_cast %swap3A_357 : i32 to index
    %swap3A_359 = arith.constant 16 : index
    %swap3A_360 = tpu.vector_load %arg10[%swap3A_358, %swap3A_359] {strides = array<i32>} : memref<128x64xf32, #tpu.memory_space<vmem>>, vector<16xf32>,
    tpu.vector_store %arg10[%swap3A_358, %swap3A_359], %get3A_9 {strides = array<i32>} : memref<128x64xf32, #tpu.memory_space<vmem>>, vector<16xf32>,
    %swap3A_361 = arith.constant 22 : i32
    %swap3A_362 = arith.index_cast %swap3A_361 : i32 to index
    %swap3A_363 = arith.constant 32 : index
    %swap3A_364 = tpu.vector_load %arg10[%swap3A_362, %swap3A_363] {strides = array<i32>} : memref<128x64xf32, #tpu.memory_space<vmem>>, vector<16xf32>,
    tpu.vector_store %arg10[%swap3A_362, %swap3A_363], %get3A_13 {strides = array<i32>} : memref<128x64xf32, #tpu.memory_space<vmem>>, vector<16xf32>,
    %swap3A_365 = arith.constant 22 : i32
    %swap3A_366 = arith.index_cast %swap3A_365 : i32 to index
    %swap3A_367 = arith.constant 48 : index
    %swap3A_368 = tpu.vector_load %arg10[%swap3A_366, %swap3A_367] {strides = array<i32>} : memref<128x64xf32, #tpu.memory_space<vmem>>, vector<16xf32>,
    tpu.vector_store %arg10[%swap3A_366, %swap3A_367], %get3A_17 {strides = array<i32>} : memref<128x64xf32, #tpu.memory_space<vmem>>, vector<16xf32>,
    %swap3A_369 = arith.constant 23 : i32
    %swap3A_370 = arith.index_cast %swap3A_369 : i32 to index
    %swap3A_371 = arith.constant 0 : index
    %swap3A_372 = tpu.vector_load %arg10[%swap3A_370, %swap3A_371] {strides = array<i32>} : memref<128x64xf32, #tpu.memory_space<vmem>>, vector<16xf32>,
    tpu.vector_store %arg10[%swap3A_370, %swap3A_371], %get3A_5 {strides = array<i32>} : memref<128x64xf32, #tpu.memory_space<vmem>>, vector<16xf32>,
    %swap3A_373 = arith.constant 23 : i32
    %swap3A_374 = arith.index_cast %swap3A_373 : i32 to index
    %swap3A_375 = arith.constant 16 : index
    %swap3A_376 = tpu.vector_load %arg10[%swap3A_374, %swap3A_375] {strides = array<i32>} : memref<128x64xf32, #tpu.memory_space<vmem>>, vector<16xf32>,
    tpu.vector_store %arg10[%swap3A_374, %swap3A_375], %get3A_9 {strides = array<i32>} : memref<128x64xf32, #tpu.memory_space<vmem>>, vector<16xf32>,
    %swap3A_377 = arith.constant 23 : i32
    %swap3A_378 = arith.index_cast %swap3A_377 : i32 to index
    %swap3A_379 = arith.constant 32 : index
    %swap3A_380 = tpu.vector_load %arg10[%swap3A_378, %swap3A_379] {strides = array<i32>} : memref<128x64xf32, #tpu.memory_space<vmem>>, vector<16xf32>,
    tpu.vector_store %arg10[%swap3A_378, %swap3A_379], %get3A_13 {strides = array<i32>} : memref<128x64xf32, #tpu.memory_space<vmem>>, vector<16xf32>,
    %swap3A_381 = arith.constant 23 : i32
    %swap3A_382 = arith.index_cast %swap3A_381 : i32 to index
    %swap3A_383 = arith.constant 48 : index
    %swap3A_384 = tpu.vector_load %arg10[%swap3A_382, %swap3A_383] {strides = array<i32>} : memref<128x64xf32, #tpu.memory_space<vmem>>, vector<16xf32>,
    tpu.vector_store %arg10[%swap3A_382, %swap3A_383], %get3A_17 {strides = array<i32>} : memref<128x64xf32, #tpu.memory_space<vmem>>, vector<16xf32>,
    %swap3A_385 = arith.constant 24 : i32
    %swap3A_386 = arith.index_cast %swap3A_385 : i32 to index
    %swap3A_387 = arith.constant 0 : index
    %swap3A_388 = tpu.vector_load %arg10[%swap3A_386, %swap3A_387] {strides = array<i32>} : memref<128x64xf32, #tpu.memory_space<vmem>>, vector<16xf32>,
    tpu.vector_store %arg10[%swap3A_386, %swap3A_387], %get3A_5 {strides = array<i32>} : memref<128x64xf32, #tpu.memory_space<vmem>>, vector<16xf32>,
    %swap3A_389 = arith.constant 24 : i32
    %swap3A_390 = arith.index_cast %swap3A_389 : i32 to index
    %swap3A_391 = arith.constant 16 : index
    %swap3A_392 = tpu.vector_load %arg10[%swap3A_390, %swap3A_391] {strides = array<i32>} : memref<128x64xf32, #tpu.memory_space<vmem>>, vector<16xf32>,
    tpu.vector_store %arg10[%swap3A_390, %swap3A_391], %get3A_9 {strides = array<i32>} : memref<128x64xf32, #tpu.memory_space<vmem>>, vector<16xf32>,
    %swap3A_393 = arith.constant 24 : i32
    %swap3A_394 = arith.index_cast %swap3A_393 : i32 to index
    %swap3A_395 = arith.constant 32 : index
    %swap3A_396 = tpu.vector_load %arg10[%swap3A_394, %swap3A_395] {strides = array<i32>} : memref<128x64xf32, #tpu.memory_space<vmem>>, vector<16xf32>,
    tpu.vector_store %arg10[%swap3A_394, %swap3A_395], %get3A_13 {strides = array<i32>} : memref<128x64xf32, #tpu.memory_space<vmem>>, vector<16xf32>,
    %swap3A_397 = arith.constant 24 : i32
    %swap3A_398 = arith.index_cast %swap3A_397 : i32 to index
    %swap3A_399 = arith.constant 48 : index
    %swap3A_400 = tpu.vector_load %arg10[%swap3A_398, %swap3A_399] {strides = array<i32>} : memref<128x64xf32, #tpu.memory_space<vmem>>, vector<16xf32>,
    tpu.vector_store %arg10[%swap3A_398, %swap3A_399], %get3A_17 {strides = array<i32>} : memref<128x64xf32, #tpu.memory_space<vmem>>, vector<16xf32>,
    %swap3A_401 = arith.constant 25 : i32
    %swap3A_402 = arith.index_cast %swap3A_401 : i32 to index
    %swap3A_403 = arith.constant 0 : index
    %swap3A_404 = tpu.vector_load %arg10[%swap3A_402, %swap3A_403] {strides = array<i32>} : memref<128x64xf32, #tpu.memory_space<vmem>>, vector<16xf32>,
    tpu.vector_store %arg10[%swap3A_402, %swap3A_403], %get3A_5 {strides = array<i32>} : memref<128x64xf32, #tpu.memory_space<vmem>>, vector<16xf32>,
    %swap3A_405 = arith.constant 25 : i32
    %swap3A_406 = arith.index_cast %swap3A_405 : i32 to index
    %swap3A_407 = arith.constant 16 : index
    %swap3A_408 = tpu.vector_load %arg10[%swap3A_406, %swap3A_407] {strides = array<i32>} : memref<128x64xf32, #tpu.memory_space<vmem>>, vector<16xf32>,
    tpu.vector_store %arg10[%swap3A_406, %swap3A_407], %get3A_9 {strides = array<i32>} : memref<128x64xf32, #tpu.memory_space<vmem>>, vector<16xf32>,
    %swap3A_409 = arith.constant 25 : i32
    %swap3A_410 = arith.index_cast %swap3A_409 : i32 to index
    %swap3A_411 = arith.constant 32 : index
    %swap3A_412 = tpu.vector_load %arg10[%swap3A_410, %swap3A_411] {strides = array<i32>} : memref<128x64xf32, #tpu.memory_space<vmem>>, vector<16xf32>,
    tpu.vector_store %arg10[%swap3A_410, %swap3A_411], %get3A_13 {strides = array<i32>} : memref<128x64xf32, #tpu.memory_space<vmem>>, vector<16xf32>,
    %swap3A_413 = arith.constant 25 : i32
    %swap3A_414 = arith.index_cast %swap3A_413 : i32 to index
    %swap3A_415 = arith.constant 48 : index
    %swap3A_416 = tpu.vector_load %arg10[%swap3A_414, %swap3A_415] {strides = array<i32>} : memref<128x64xf32, #tpu.memory_space<vmem>>, vector<16xf32>,
    tpu.vector_store %arg10[%swap3A_414, %swap3A_415], %get3A_17 {strides = array<i32>} : memref<128x64xf32, #tpu.memory_space<vmem>>, vector<16xf32>,
    %swap3A_417 = arith.constant 26 : i32
    %swap3A_418 = arith.index_cast %swap3A_417 : i32 to index
    %swap3A_419 = arith.constant 0 : index
    %swap3A_420 = tpu.vector_load %arg10[%swap3A_418, %swap3A_419] {strides = array<i32>} : memref<128x64xf32, #tpu.memory_space<vmem>>, vector<16xf32>,
    tpu.vector_store %arg10[%swap3A_418, %swap3A_419], %get3A_5 {strides = array<i32>} : memref<128x64xf32, #tpu.memory_space<vmem>>, vector<16xf32>,
    %swap3A_421 = arith.constant 26 : i32
    %swap3A_422 = arith.index_cast %swap3A_421 : i32 to index
    %swap3A_423 = arith.constant 16 : index
    %swap3A_424 = tpu.vector_load %arg10[%swap3A_422, %swap3A_423] {strides = array<i32>} : memref<128x64xf32, #tpu.memory_space<vmem>>, vector<16xf32>,
    tpu.vector_store %arg10[%swap3A_422, %swap3A_423], %get3A_9 {strides = array<i32>} : memref<128x64xf32, #tpu.memory_space<vmem>>, vector<16xf32>,
    %swap3A_425 = arith.constant 26 : i32
    %swap3A_426 = arith.index_cast %swap3A_425 : i32 to index
    %swap3A_427 = arith.constant 32 : index
    %swap3A_428 = tpu.vector_load %arg10[%swap3A_426, %swap3A_427] {strides = array<i32>} : memref<128x64xf32, #tpu.memory_space<vmem>>, vector<16xf32>,
    tpu.vector_store %arg10[%swap3A_426, %swap3A_427], %get3A_13 {strides = array<i32>} : memref<128x64xf32, #tpu.memory_space<vmem>>, vector<16xf32>,
    %swap3A_429 = arith.constant 26 : i32
    %swap3A_430 = arith.index_cast %swap3A_429 : i32 to index
    %swap3A_431 = arith.constant 48 : index
    %swap3A_432 = tpu.vector_load %arg10[%swap3A_430, %swap3A_431] {strides = array<i32>} : memref<128x64xf32, #tpu.memory_space<vmem>>, vector<16xf32>,
    tpu.vector_store %arg10[%swap3A_430, %swap3A_431], %get3A_17 {strides = array<i32>} : memref<128x64xf32, #tpu.memory_space<vmem>>, vector<16xf32>,
    %swap3A_433 = arith.constant 27 : i32
    %swap3A_434 = arith.index_cast %swap3A_433 : i32 to index
    %swap3A_435 = arith.constant 0 : index
    %swap3A_436 = tpu.vector_load %arg10[%swap3A_434, %swap3A_435] {strides = array<i32>} : memref<128x64xf32, #tpu.memory_space<vmem>>, vector<16xf32>,
    tpu.vector_store %arg10[%swap3A_434, %swap3A_435], %get3A_5 {strides = array<i32>} : memref<128x64xf32, #tpu.memory_space<vmem>>, vector<16xf32>,
    %swap3A_437 = arith.constant 27 : i32
    %swap3A_438 = arith.index_cast %swap3A_437 : i32 to index
    %swap3A_439 = arith.constant 16 : index
    %swap3A_440 = tpu.vector_load %arg10[%swap3A_438, %swap3A_439] {strides = array<i32>} : memref<128x64xf32, #tpu.memory_space<vmem>>, vector<16xf32>,
    tpu.vector_store %arg10[%swap3A_438, %swap3A_439], %get3A_9 {strides = array<i32>} : memref<128x64xf32, #tpu.memory_space<vmem>>, vector<16xf32>,
    %swap3A_441 = arith.constant 27 : i32
    %swap3A_442 = arith.index_cast %swap3A_441 : i32 to index
    %swap3A_443 = arith.constant 32 : index
    %swap3A_444 = tpu.vector_load %arg10[%swap3A_442, %swap3A_443] {strides = array<i32>} : memref<128x64xf32, #tpu.memory_space<vmem>>, vector<16xf32>,
    tpu.vector_store %arg10[%swap3A_442, %swap3A_443], %get3A_13 {strides = array<i32>} : memref<128x64xf32, #tpu.memory_space<vmem>>, vector<16xf32>,
    %swap3A_445 = arith.constant 27 : i32
    %swap3A_446 = arith.index_cast %swap3A_445 : i32 to index
    %swap3A_447 = arith.constant 48 : index
    %swap3A_448 = tpu.vector_load %arg10[%swap3A_446, %swap3A_447] {strides = array<i32>} : memref<128x64xf32, #tpu.memory_space<vmem>>, vector<16xf32>,
    tpu.vector_store %arg10[%swap3A_446, %swap3A_447], %get3A_17 {strides = array<i32>} : memref<128x64xf32, #tpu.memory_space<vmem>>, vector<16xf32>,
    %swap3A_449 = arith.constant 28 : i32
    %swap3A_450 = arith.index_cast %swap3A_449 : i32 to index
    %swap3A_451 = arith.constant 0 : index
    %swap3A_452 = tpu.vector_load %arg10[%swap3A_450, %swap3A_451] {strides = array<i32>} : memref<128x64xf32, #tpu.memory_space<vmem>>, vector<16xf32>,
    tpu.vector_store %arg10[%swap3A_450, %swap3A_451], %get3A_5 {strides = array<i32>} : memref<128x64xf32, #tpu.memory_space<vmem>>, vector<16xf32>,
    %swap3A_453 = arith.constant 28 : i32
    %swap3A_454 = arith.index_cast %swap3A_453 : i32 to index
    %swap3A_455 = arith.constant 16 : index
    %swap3A_456 = tpu.vector_load %arg10[%swap3A_454, %swap3A_455] {strides = array<i32>} : memref<128x64xf32, #tpu.memory_space<vmem>>, vector<16xf32>,
    tpu.vector_store %arg10[%swap3A_454, %swap3A_455], %get3A_9 {strides = array<i32>} : memref<128x64xf32, #tpu.memory_space<vmem>>, vector<16xf32>,
    %swap3A_457 = arith.constant 28 : i32
    %swap3A_458 = arith.index_cast %swap3A_457 : i32 to index
    %swap3A_459 = arith.constant 32 : index
    %swap3A_460 = tpu.vector_load %arg10[%swap3A_458, %swap3A_459] {strides = array<i32>} : memref<128x64xf32, #tpu.memory_space<vmem>>, vector<16xf32>,
    tpu.vector_store %arg10[%swap3A_458, %swap3A_459], %get3A_13 {strides = array<i32>} : memref<128x64xf32, #tpu.memory_space<vmem>>, vector<16xf32>,
    %swap3A_461 = arith.constant 28 : i32
    %swap3A_462 = arith.index_cast %swap3A_461 : i32 to index
    %swap3A_463 = arith.constant 48 : index
    %swap3A_464 = tpu.vector_load %arg10[%swap3A_462, %swap3A_463] {strides = array<i32>} : memref<128x64xf32, #tpu.memory_space<vmem>>, vector<16xf32>,
    tpu.vector_store %arg10[%swap3A_462, %swap3A_463], %get3A_17 {strides = array<i32>} : memref<128x64xf32, #tpu.memory_space<vmem>>, vector<16xf32>,
    %swap3A_465 = arith.constant 29 : i32
    %swap3A_466 = arith.index_cast %swap3A_465 : i32 to index
    %swap3A_467 = arith.constant 0 : index
    %swap3A_468 = tpu.vector_load %arg10[%swap3A_466, %swap3A_467] {strides = array<i32>} : memref<128x64xf32, #tpu.memory_space<vmem>>, vector<16xf32>,
    tpu.vector_store %arg10[%swap3A_466, %swap3A_467], %get3A_5 {strides = array<i32>} : memref<128x64xf32, #tpu.memory_space<vmem>>, vector<16xf32>,
    %swap3A_469 = arith.constant 29 : i32
    %swap3A_470 = arith.index_cast %swap3A_469 : i32 to index
    %swap3A_471 = arith.constant 16 : index
    %swap3A_472 = tpu.vector_load %arg10[%swap3A_470, %swap3A_471] {strides = array<i32>} : memref<128x64xf32, #tpu.memory_space<vmem>>, vector<16xf32>,
    tpu.vector_store %arg10[%swap3A_470, %swap3A_471], %get3A_9 {strides = array<i32>} : memref<128x64xf32, #tpu.memory_space<vmem>>, vector<16xf32>,
    %swap3A_473 = arith.constant 29 : i32
    %swap3A_474 = arith.index_cast %swap3A_473 : i32 to index
    %swap3A_475 = arith.constant 32 : index
    %swap3A_476 = tpu.vector_load %arg10[%swap3A_474, %swap3A_475] {strides = array<i32>} : memref<128x64xf32, #tpu.memory_space<vmem>>, vector<16xf32>,
    tpu.vector_store %arg10[%swap3A_474, %swap3A_475], %get3A_13 {strides = array<i32>} : memref<128x64xf32, #tpu.memory_space<vmem>>, vector<16xf32>,
    %swap3A_477 = arith.constant 29 : i32
    %swap3A_478 = arith.index_cast %swap3A_477 : i32 to index
    %swap3A_479 = arith.constant 48 : index
    %swap3A_480 = tpu.vector_load %arg10[%swap3A_478, %swap3A_479] {strides = array<i32>} : memref<128x64xf32, #tpu.memory_space<vmem>>, vector<16xf32>,
    tpu.vector_store %arg10[%swap3A_478, %swap3A_479], %get3A_17 {strides = array<i32>} : memref<128x64xf32, #tpu.memory_space<vmem>>, vector<16xf32>,
    %swap3A_481 = arith.constant 30 : i32
    %swap3A_482 = arith.index_cast %swap3A_481 : i32 to index
    %swap3A_483 = arith.constant 0 : index
    %swap3A_484 = tpu.vector_load %arg10[%swap3A_482, %swap3A_483] {strides = array<i32>} : memref<128x64xf32, #tpu.memory_space<vmem>>, vector<16xf32>,
    tpu.vector_store %arg10[%swap3A_482, %swap3A_483], %get3A_5 {strides = array<i32>} : memref<128x64xf32, #tpu.memory_space<vmem>>, vector<16xf32>,
    %swap3A_485 = arith.constant 30 : i32
    %swap3A_486 = arith.index_cast %swap3A_485 : i32 to index
    %swap3A_487 = arith.constant 16 : index
    %swap3A_488 = tpu.vector_load %arg10[%swap3A_486, %swap3A_487] {strides = array<i32>} : memref<128x64xf32, #tpu.memory_space<vmem>>, vector<16xf32>,
    tpu.vector_store %arg10[%swap3A_486, %swap3A_487], %get3A_9 {strides = array<i32>} : memref<128x64xf32, #tpu.memory_space<vmem>>, vector<16xf32>,
    %swap3A_489 = arith.constant 30 : i32
    %swap3A_490 = arith.index_cast %swap3A_489 : i32 to index
    %swap3A_491 = arith.constant 32 : index
    %swap3A_492 = tpu.vector_load %arg10[%swap3A_490, %swap3A_491] {strides = array<i32>} : memref<128x64xf32, #tpu.memory_space<vmem>>, vector<16xf32>,
    tpu.vector_store %arg10[%swap3A_490, %swap3A_491], %get3A_13 {strides = array<i32>} : memref<128x64xf32, #tpu.memory_space<vmem>>, vector<16xf32>,
    %swap3A_493 = arith.constant 30 : i32
    %swap3A_494 = arith.index_cast %swap3A_493 : i32 to index
    %swap3A_495 = arith.constant 48 : index
    %swap3A_496 = tpu.vector_load %arg10[%swap3A_494, %swap3A_495] {strides = array<i32>} : memref<128x64xf32, #tpu.memory_space<vmem>>, vector<16xf32>,
    tpu.vector_store %arg10[%swap3A_494, %swap3A_495], %get3A_17 {strides = array<i32>} : memref<128x64xf32, #tpu.memory_space<vmem>>, vector<16xf32>,
    %swap3A_497 = arith.constant 31 : i32
    %swap3A_498 = arith.index_cast %swap3A_497 : i32 to index
    %swap3A_499 = arith.constant 0 : index
    %swap3A_500 = tpu.vector_load %arg10[%swap3A_498, %swap3A_499] {strides = array<i32>} : memref<128x64xf32, #tpu.memory_space<vmem>>, vector<16xf32>,
    tpu.vector_store %arg10[%swap3A_498, %swap3A_499], %get3A_5 {strides = array<i32>} : memref<128x64xf32, #tpu.memory_space<vmem>>, vector<16xf32>,
    %swap3A_501 = arith.constant 31 : i32
    %swap3A_502 = arith.index_cast %swap3A_501 : i32 to index
    %swap3A_503 = arith.constant 16 : index
    %swap3A_504 = tpu.vector_load %arg10[%swap3A_502, %swap3A_503] {strides = array<i32>} : memref<128x64xf32, #tpu.memory_space<vmem>>, vector<16xf32>,
    tpu.vector_store %arg10[%swap3A_502, %swap3A_503], %get3A_9 {strides = array<i32>} : memref<128x64xf32, #tpu.memory_space<vmem>>, vector<16xf32>,
    %swap3A_505 = arith.constant 31 : i32
    %swap3A_506 = arith.index_cast %swap3A_505 : i32 to index
    %swap3A_507 = arith.constant 32 : index
    %swap3A_508 = tpu.vector_load %arg10[%swap3A_506, %swap3A_507] {strides = array<i32>} : memref<128x64xf32, #tpu.memory_space<vmem>>, vector<16xf32>,
    tpu.vector_store %arg10[%swap3A_506, %swap3A_507], %get3A_13 {strides = array<i32>} : memref<128x64xf32, #tpu.memory_space<vmem>>, vector<16xf32>,
    %swap3A_509 = arith.constant 31 : i32
    %swap3A_510 = arith.index_cast %swap3A_509 : i32 to index
    %swap3A_511 = arith.constant 48 : index
    %swap3A_512 = tpu.vector_load %arg10[%swap3A_510, %swap3A_511] {strides = array<i32>} : memref<128x64xf32, #tpu.memory_space<vmem>>, vector<16xf32>,
    tpu.vector_store %arg10[%swap3A_510, %swap3A_511], %get3A_17 {strides = array<i32>} : memref<128x64xf32, #tpu.memory_space<vmem>>, vector<16xf32>,
    %swap3A_513 = arith.constant 32 : i32
    %swap3A_514 = arith.index_cast %swap3A_513 : i32 to index
    %swap3A_515 = arith.constant 0 : index
    %swap3A_516 = tpu.vector_load %arg10[%swap3A_514, %swap3A_515] {strides = array<i32>} : memref<128x64xf32, #tpu.memory_space<vmem>>, vector<16xf32>,
    tpu.vector_store %arg10[%swap3A_514, %swap3A_515], %get3A_5 {strides = array<i32>} : memref<128x64xf32, #tpu.memory_space<vmem>>, vector<16xf32>,
    %swap3A_517 = arith.constant 32 : i32
    %swap3A_518 = arith.index_cast %swap3A_517 : i32 to index
    %swap3A_519 = arith.constant 16 : index
    %swap3A_520 = tpu.vector_load %arg10[%swap3A_518, %swap3A_519] {strides = array<i32>} : memref<128x64xf32, #tpu.memory_space<vmem>>, vector<16xf32>,
    tpu.vector_store %arg10[%swap3A_518, %swap3A_519], %get3A_9 {strides = array<i32>} : memref<128x64xf32, #tpu.memory_space<vmem>>, vector<16xf32>,
    %swap3A_521 = arith.constant 32 : i32
    %swap3A_522 = arith.index_cast %swap3A_521 : i32 to index
    %swap3A_523 = arith.constant 32 : index
    %swap3A_524 = tpu.vector_load %arg10[%swap3A_522, %swap3A_523] {strides = array<i32>} : memref<128x64xf32, #tpu.memory_space<vmem>>, vector<16xf32>,
    tpu.vector_store %arg10[%swap3A_522, %swap3A_523], %get3A_13 {strides = array<i32>} : memref<128x64xf32, #tpu.memory_space<vmem>>, vector<16xf32>,
    %swap3A_525 = arith.constant 32 : i32
    %swap3A_526 = arith.index_cast %swap3A_525 : i32 to index
    %swap3A_527 = arith.constant 48 : index
    %swap3A_528 = tpu.vector_load %arg10[%swap3A_526, %swap3A_527] {strides = array<i32>} : memref<128x64xf32, #tpu.memory_space<vmem>>, vector<16xf32>,
    tpu.vector_store %arg10[%swap3A_526, %swap3A_527], %get3A_17 {strides = array<i32>} : memref<128x64xf32, #tpu.memory_space<vmem>>, vector<16xf32>,
    %swap3A_529 = arith.constant 33 : i32
    %swap3A_530 = arith.index_cast %swap3A_529 : i32 to index
    %swap3A_531 = arith.constant 0 : index
    %swap3A_532 = tpu.vector_load %arg10[%swap3A_530, %swap3A_531] {strides = array<i32>} : memref<128x64xf32, #tpu.memory_space<vmem>>, vector<16xf32>,
    tpu.vector_store %arg10[%swap3A_530, %swap3A_531], %get3A_5 {strides = array<i32>} : memref<128x64xf32, #tpu.memory_space<vmem>>, vector<16xf32>,
    %swap3A_533 = arith.constant 33 : i32
    %swap3A_534 = arith.index_cast %swap3A_533 : i32 to index
    %swap3A_535 = arith.constant 16 : index
    %swap3A_536 = tpu.vector_load %arg10[%swap3A_534, %swap3A_535] {strides = array<i32>} : memref<128x64xf32, #tpu.memory_space<vmem>>, vector<16xf32>,
    tpu.vector_store %arg10[%swap3A_534, %swap3A_535], %get3A_9 {strides = array<i32>} : memref<128x64xf32, #tpu.memory_space<vmem>>, vector<16xf32>,
    %swap3A_537 = arith.constant 33 : i32
    %swap3A_538 = arith.index_cast %swap3A_537 : i32 to index
    %swap3A_539 = arith.constant 32 : index
    %swap3A_540 = tpu.vector_load %arg10[%swap3A_538, %swap3A_539] {strides = array<i32>} : memref<128x64xf32, #tpu.memory_space<vmem>>, vector<16xf32>,
    tpu.vector_store %arg10[%swap3A_538, %swap3A_539], %get3A_13 {strides = array<i32>} : memref<128x64xf32, #tpu.memory_space<vmem>>, vector<16xf32>,
    %swap3A_541 = arith.constant 33 : i32
    %swap3A_542 = arith.index_cast %swap3A_541 : i32 to index
    %swap3A_543 = arith.constant 48 : index
    %swap3A_544 = tpu.vector_load %arg10[%swap3A_542, %swap3A_543] {strides = array<i32>} : memref<128x64xf32, #tpu.memory_space<vmem>>, vector<16xf32>,
    tpu.vector_store %arg10[%swap3A_542, %swap3A_543], %get3A_17 {strides = array<i32>} : memref<128x64xf32, #tpu.memory_space<vmem>>, vector<16xf32>,
    %swap3A_545 = arith.constant 34 : i32
    %swap3A_546 = arith.index_cast %swap3A_545 : i32 to index
    %swap3A_547 = arith.constant 0 : index
    %swap3A_548 = tpu.vector_load %arg10[%swap3A_546, %swap3A_547] {strides = array<i32>} : memref<128x64xf32, #tpu.memory_space<vmem>>, vector<16xf32>,
    tpu.vector_store %arg10[%swap3A_546, %swap3A_547], %get3A_5 {strides = array<i32>} : memref<128x64xf32, #tpu.memory_space<vmem>>, vector<16xf32>,
    %swap3A_549 = arith.constant 34 : i32
    %swap3A_550 = arith.index_cast %swap3A_549 : i32 to index
    %swap3A_551 = arith.constant 16 : index
    %swap3A_552 = tpu.vector_load %arg10[%swap3A_550, %swap3A_551] {strides = array<i32>} : memref<128x64xf32, #tpu.memory_space<vmem>>, vector<16xf32>,
    tpu.vector_store %arg10[%swap3A_550, %swap3A_551], %get3A_9 {strides = array<i32>} : memref<128x64xf32, #tpu.memory_space<vmem>>, vector<16xf32>,
    %swap3A_553 = arith.constant 34 : i32
    %swap3A_554 = arith.index_cast %swap3A_553 : i32 to index
    %swap3A_555 = arith.constant 32 : index
    %swap3A_556 = tpu.vector_load %arg10[%swap3A_554, %swap3A_555] {strides = array<i32>} : memref<128x64xf32, #tpu.memory_space<vmem>>, vector<16xf32>,
    tpu.vector_store %arg10[%swap3A_554, %swap3A_555], %get3A_13 {strides = array<i32>} : memref<128x64xf32, #tpu.memory_space<vmem>>, vector<16xf32>,
    %swap3A_557 = arith.constant 34 : i32
    %swap3A_558 = arith.index_cast %swap3A_557 : i32 to index
    %swap3A_559 = arith.constant 48 : index
    %swap3A_560 = tpu.vector_load %arg10[%swap3A_558, %swap3A_559] {strides = array<i32>} : memref<128x64xf32, #tpu.memory_space<vmem>>, vector<16xf32>,
    tpu.vector_store %arg10[%swap3A_558, %swap3A_559], %get3A_17 {strides = array<i32>} : memref<128x64xf32, #tpu.memory_space<vmem>>, vector<16xf32>,
    %swap3A_561 = arith.constant 35 : i32
    %swap3A_562 = arith.index_cast %swap3A_561 : i32 to index
    %swap3A_563 = arith.constant 0 : index
    %swap3A_564 = tpu.vector_load %arg10[%swap3A_562, %swap3A_563] {strides = array<i32>} : memref<128x64xf32, #tpu.memory_space<vmem>>, vector<16xf32>,
    tpu.vector_store %arg10[%swap3A_562, %swap3A_563], %get3A_5 {strides = array<i32>} : memref<128x64xf32, #tpu.memory_space<vmem>>, vector<16xf32>,
    %swap3A_565 = arith.constant 35 : i32
    %swap3A_566 = arith.index_cast %swap3A_565 : i32 to index
    %swap3A_567 = arith.constant 16 : index
    %swap3A_568 = tpu.vector_load %arg10[%swap3A_566, %swap3A_567] {strides = array<i32>} : memref<128x64xf32, #tpu.memory_space<vmem>>, vector<16xf32>,
    tpu.vector_store %arg10[%swap3A_566, %swap3A_567], %get3A_9 {strides = array<i32>} : memref<128x64xf32, #tpu.memory_space<vmem>>, vector<16xf32>,
    %swap3A_569 = arith.constant 35 : i32
    %swap3A_570 = arith.index_cast %swap3A_569 : i32 to index
    %swap3A_571 = arith.constant 32 : index
    %swap3A_572 = tpu.vector_load %arg10[%swap3A_570, %swap3A_571] {strides = array<i32>} : memref<128x64xf32, #tpu.memory_space<vmem>>, vector<16xf32>,
    tpu.vector_store %arg10[%swap3A_570, %swap3A_571], %get3A_13 {strides = array<i32>} : memref<128x64xf32, #tpu.memory_space<vmem>>, vector<16xf32>,
    %swap3A_573 = arith.constant 35 : i32
    %swap3A_574 = arith.index_cast %swap3A_573 : i32 to index
    %swap3A_575 = arith.constant 48 : index
    %swap3A_576 = tpu.vector_load %arg10[%swap3A_574, %swap3A_575] {strides = array<i32>} : memref<128x64xf32, #tpu.memory_space<vmem>>, vector<16xf32>,
    tpu.vector_store %arg10[%swap3A_574, %swap3A_575], %get3A_17 {strides = array<i32>} : memref<128x64xf32, #tpu.memory_space<vmem>>, vector<16xf32>,
    %swap3A_577 = arith.constant 36 : i32
    %swap3A_578 = arith.index_cast %swap3A_577 : i32 to index
    %swap3A_579 = arith.constant 0 : index
    %swap3A_580 = tpu.vector_load %arg10[%swap3A_578, %swap3A_579] {strides = array<i32>} : memref<128x64xf32, #tpu.memory_space<vmem>>, vector<16xf32>,
    tpu.vector_store %arg10[%swap3A_578, %swap3A_579], %get3A_5 {strides = array<i32>} : memref<128x64xf32, #tpu.memory_space<vmem>>, vector<16xf32>,
    %swap3A_581 = arith.constant 36 : i32
    %swap3A_582 = arith.index_cast %swap3A_581 : i32 to index
    %swap3A_583 = arith.constant 16 : index
    %swap3A_584 = tpu.vector_load %arg10[%swap3A_582, %swap3A_583] {strides = array<i32>} : memref<128x64xf32, #tpu.memory_space<vmem>>, vector<16xf32>,
    tpu.vector_store %arg10[%swap3A_582, %swap3A_583], %get3A_9 {strides = array<i32>} : memref<128x64xf32, #tpu.memory_space<vmem>>, vector<16xf32>,
    %swap3A_585 = arith.constant 36 : i32
    %swap3A_586 = arith.index_cast %swap3A_585 : i32 to index
    %swap3A_587 = arith.constant 32 : index
    %swap3A_588 = tpu.vector_load %arg10[%swap3A_586, %swap3A_587] {strides = array<i32>} : memref<128x64xf32, #tpu.memory_space<vmem>>, vector<16xf32>,
    tpu.vector_store %arg10[%swap3A_586, %swap3A_587], %get3A_13 {strides = array<i32>} : memref<128x64xf32, #tpu.memory_space<vmem>>, vector<16xf32>,
    %swap3A_589 = arith.constant 36 : i32
    %swap3A_590 = arith.index_cast %swap3A_589 : i32 to index
    %swap3A_591 = arith.constant 48 : index
    %swap3A_592 = tpu.vector_load %arg10[%swap3A_590, %swap3A_591] {strides = array<i32>} : memref<128x64xf32, #tpu.memory_space<vmem>>, vector<16xf32>,
    tpu.vector_store %arg10[%swap3A_590, %swap3A_591], %get3A_17 {strides = array<i32>} : memref<128x64xf32, #tpu.memory_space<vmem>>, vector<16xf32>,
    %swap3A_593 = arith.constant 37 : i32
    %swap3A_594 = arith.index_cast %swap3A_593 : i32 to index
    %swap3A_595 = arith.constant 0 : index
    %swap3A_596 = tpu.vector_load %arg10[%swap3A_594, %swap3A_595] {strides = array<i32>} : memref<128x64xf32, #tpu.memory_space<vmem>>, vector<16xf32>,
    tpu.vector_store %arg10[%swap3A_594, %swap3A_595], %get3A_5 {strides = array<i32>} : memref<128x64xf32, #tpu.memory_space<vmem>>, vector<16xf32>,
    %swap3A_597 = arith.constant 37 : i32
    %swap3A_598 = arith.index_cast %swap3A_597 : i32 to index
    %swap3A_599 = arith.constant 16 : index
    %swap3A_600 = tpu.vector_load %arg10[%swap3A_598, %swap3A_599] {strides = array<i32>} : memref<128x64xf32, #tpu.memory_space<vmem>>, vector<16xf32>,
    tpu.vector_store %arg10[%swap3A_598, %swap3A_599], %get3A_9 {strides = array<i32>} : memref<128x64xf32, #tpu.memory_space<vmem>>, vector<16xf32>,
    %swap3A_601 = arith.constant 37 : i32
    %swap3A_602 = arith.index_cast %swap3A_601 : i32 to index
    %swap3A_603 = arith.constant 32 : index
    %swap3A_604 = tpu.vector_load %arg10[%swap3A_602, %swap3A_603] {strides = array<i32>} : memref<128x64xf32, #tpu.memory_space<vmem>>, vector<16xf32>,
    tpu.vector_store %arg10[%swap3A_602, %swap3A_603], %get3A_13 {strides = array<i32>} : memref<128x64xf32, #tpu.memory_space<vmem>>, vector<16xf32>,
    %swap3A_605 = arith.constant 37 : i32
    %swap3A_606 = arith.index_cast %swap3A_605 : i32 to index
    %swap3A_607 = arith.constant 48 : index
    %swap3A_608 = tpu.vector_load %arg10[%swap3A_606, %swap3A_607] {strides = array<i32>} : memref<128x64xf32, #tpu.memory_space<vmem>>, vector<16xf32>,
    tpu.vector_store %arg10[%swap3A_606, %swap3A_607], %get3A_17 {strides = array<i32>} : memref<128x64xf32, #tpu.memory_space<vmem>>, vector<16xf32>,
    %swap3A_609 = arith.constant 38 : i32
    %swap3A_610 = arith.index_cast %swap3A_609 : i32 to index
    %swap3A_611 = arith.constant 0 : index
    %swap3A_612 = tpu.vector_load %arg10[%swap3A_610, %swap3A_611] {strides = array<i32>} : memref<128x64xf32, #tpu.memory_space<vmem>>, vector<16xf32>,
    tpu.vector_store %arg10[%swap3A_610, %swap3A_611], %get3A_5 {strides = array<i32>} : memref<128x64xf32, #tpu.memory_space<vmem>>, vector<16xf32>,
    %swap3A_613 = arith.constant 38 : i32
    %swap3A_614 = arith.index_cast %swap3A_613 : i32 to index
    %swap3A_615 = arith.constant 16 : index
    %swap3A_616 = tpu.vector_load %arg10[%swap3A_614, %swap3A_615] {strides = array<i32>} : memref<128x64xf32, #tpu.memory_space<vmem>>, vector<16xf32>,
    tpu.vector_store %arg10[%swap3A_614, %swap3A_615], %get3A_9 {strides = array<i32>} : memref<128x64xf32, #tpu.memory_space<vmem>>, vector<16xf32>,
    %swap3A_617 = arith.constant 38 : i32
    %swap3A_618 = arith.index_cast %swap3A_617 : i32 to index
    %swap3A_619 = arith.constant 32 : index
    %swap3A_620 = tpu.vector_load %arg10[%swap3A_618, %swap3A_619] {strides = array<i32>} : memref<128x64xf32, #tpu.memory_space<vmem>>, vector<16xf32>,
    tpu.vector_store %arg10[%swap3A_618, %swap3A_619], %get3A_13 {strides = array<i32>} : memref<128x64xf32, #tpu.memory_space<vmem>>, vector<16xf32>,
    %swap3A_621 = arith.constant 38 : i32
    %swap3A_622 = arith.index_cast %swap3A_621 : i32 to index
    %swap3A_623 = arith.constant 48 : index
    %swap3A_624 = tpu.vector_load %arg10[%swap3A_622, %swap3A_623] {strides = array<i32>} : memref<128x64xf32, #tpu.memory_space<vmem>>, vector<16xf32>,
    tpu.vector_store %arg10[%swap3A_622, %swap3A_623], %get3A_17 {strides = array<i32>} : memref<128x64xf32, #tpu.memory_space<vmem>>, vector<16xf32>,
    %swap3A_625 = arith.constant 39 : i32
    %swap3A_626 = arith.index_cast %swap3A_625 : i32 to index
    %swap3A_627 = arith.constant 0 : index
    %swap3A_628 = tpu.vector_load %arg10[%swap3A_626, %swap3A_627] {strides = array<i32>} : memref<128x64xf32, #tpu.memory_space<vmem>>, vector<16xf32>,
    tpu.vector_store %arg10[%swap3A_626, %swap3A_627], %get3A_5 {strides = array<i32>} : memref<128x64xf32, #tpu.memory_space<vmem>>, vector<16xf32>,
    %swap3A_629 = arith.constant 39 : i32
    %swap3A_630 = arith.index_cast %swap3A_629 : i32 to index
    %swap3A_631 = arith.constant 16 : index
    %swap3A_632 = tpu.vector_load %arg10[%swap3A_630, %swap3A_631] {strides = array<i32>} : memref<128x64xf32, #tpu.memory_space<vmem>>, vector<16xf32>,
    tpu.vector_store %arg10[%swap3A_630, %swap3A_631], %get3A_9 {strides = array<i32>} : memref<128x64xf32, #tpu.memory_space<vmem>>, vector<16xf32>,
    %swap3A_633 = arith.constant 39 : i32
    %swap3A_634 = arith.index_cast %swap3A_633 : i32 to index
    %swap3A_635 = arith.constant 32 : index
    %swap3A_636 = tpu.vector_load %arg10[%swap3A_634, %swap3A_635] {strides = array<i32>} : memref<128x64xf32, #tpu.memory_space<vmem>>, vector<16xf32>,
    tpu.vector_store %arg10[%swap3A_634, %swap3A_635], %get3A_13 {strides = array<i32>} : memref<128x64xf32, #tpu.memory_space<vmem>>, vector<16xf32>,
    %swap3A_637 = arith.constant 39 : i32
    %swap3A_638 = arith.index_cast %swap3A_637 : i32 to index
    %swap3A_639 = arith.constant 48 : index
    %swap3A_640 = tpu.vector_load %arg10[%swap3A_638, %swap3A_639] {strides = array<i32>} : memref<128x64xf32, #tpu.memory_space<vmem>>, vector<16xf32>,
    tpu.vector_store %arg10[%swap3A_638, %swap3A_639], %get3A_17 {strides = array<i32>} : memref<128x64xf32, #tpu.memory_space<vmem>>, vector<16xf32>,
    %swap3A_641 = arith.constant 40 : i32
    %swap3A_642 = arith.index_cast %swap3A_641 : i32 to index
    %swap3A_643 = arith.constant 0 : index
    %swap3A_644 = tpu.vector_load %arg10[%swap3A_642, %swap3A_643] {strides = array<i32>} : memref<128x64xf32, #tpu.memory_space<vmem>>, vector<16xf32>,
    tpu.vector_store %arg10[%swap3A_642, %swap3A_643], %get3A_5 {strides = array<i32>} : memref<128x64xf32, #tpu.memory_space<vmem>>, vector<16xf32>,
    %swap3A_645 = arith.constant 40 : i32
    %swap3A_646 = arith.index_cast %swap3A_645 : i32 to index
    %swap3A_647 = arith.constant 16 : index
    %swap3A_648 = tpu.vector_load %arg10[%swap3A_646, %swap3A_647] {strides = array<i32>} : memref<128x64xf32, #tpu.memory_space<vmem>>, vector<16xf32>,
    tpu.vector_store %arg10[%swap3A_646, %swap3A_647], %get3A_9 {strides = array<i32>} : memref<128x64xf32, #tpu.memory_space<vmem>>, vector<16xf32>,
    %swap3A_649 = arith.constant 40 : i32
    %swap3A_650 = arith.index_cast %swap3A_649 : i32 to index
    %swap3A_651 = arith.constant 32 : index
    %swap3A_652 = tpu.vector_load %arg10[%swap3A_650, %swap3A_651] {strides = array<i32>} : memref<128x64xf32, #tpu.memory_space<vmem>>, vector<16xf32>,
    tpu.vector_store %arg10[%swap3A_650, %swap3A_651], %get3A_13 {strides = array<i32>} : memref<128x64xf32, #tpu.memory_space<vmem>>, vector<16xf32>,
    %swap3A_653 = arith.constant 40 : i32
    %swap3A_654 = arith.index_cast %swap3A_653 : i32 to index
    %swap3A_655 = arith.constant 48 : index
    %swap3A_656 = tpu.vector_load %arg10[%swap3A_654, %swap3A_655] {strides = array<i32>} : memref<128x64xf32, #tpu.memory_space<vmem>>, vector<16xf32>,
    tpu.vector_store %arg10[%swap3A_654, %swap3A_655], %get3A_17 {strides = array<i32>} : memref<128x64xf32, #tpu.memory_space<vmem>>, vector<16xf32>,
    %swap3A_657 = arith.constant 41 : i32
    %swap3A_658 = arith.index_cast %swap3A_657 : i32 to index
    %swap3A_659 = arith.constant 0 : index
    %swap3A_660 = tpu.vector_load %arg10[%swap3A_658, %swap3A_659] {strides = array<i32>} : memref<128x64xf32, #tpu.memory_space<vmem>>, vector<16xf32>,
    tpu.vector_store %arg10[%swap3A_658, %swap3A_659], %get3A_5 {strides = array<i32>} : memref<128x64xf32, #tpu.memory_space<vmem>>, vector<16xf32>,
    %swap3A_661 = arith.constant 41 : i32
    %swap3A_662 = arith.index_cast %swap3A_661 : i32 to index
    %swap3A_663 = arith.constant 16 : index
    %swap3A_664 = tpu.vector_load %arg10[%swap3A_662, %swap3A_663] {strides = array<i32>} : memref<128x64xf32, #tpu.memory_space<vmem>>, vector<16xf32>,
    tpu.vector_store %arg10[%swap3A_662, %swap3A_663], %get3A_9 {strides = array<i32>} : memref<128x64xf32, #tpu.memory_space<vmem>>, vector<16xf32>,
    %swap3A_665 = arith.constant 41 : i32
    %swap3A_666 = arith.index_cast %swap3A_665 : i32 to index
    %swap3A_667 = arith.constant 32 : index
    %swap3A_668 = tpu.vector_load %arg10[%swap3A_666, %swap3A_667] {strides = array<i32>} : memref<128x64xf32, #tpu.memory_space<vmem>>, vector<16xf32>,
    tpu.vector_store %arg10[%swap3A_666, %swap3A_667], %get3A_13 {strides = array<i32>} : memref<128x64xf32, #tpu.memory_space<vmem>>, vector<16xf32>,
    %swap3A_669 = arith.constant 41 : i32
    %swap3A_670 = arith.index_cast %swap3A_669 : i32 to index
    %swap3A_671 = arith.constant 48 : index
    %swap3A_672 = tpu.vector_load %arg10[%swap3A_670, %swap3A_671] {strides = array<i32>} : memref<128x64xf32, #tpu.memory_space<vmem>>, vector<16xf32>,
    tpu.vector_store %arg10[%swap3A_670, %swap3A_671], %get3A_17 {strides = array<i32>} : memref<128x64xf32, #tpu.memory_space<vmem>>, vector<16xf32>,
    %swap3A_673 = arith.constant 42 : i32
    %swap3A_674 = arith.index_cast %swap3A_673 : i32 to index
    %swap3A_675 = arith.constant 0 : index
    %swap3A_676 = tpu.vector_load %arg10[%swap3A_674, %swap3A_675] {strides = array<i32>} : memref<128x64xf32, #tpu.memory_space<vmem>>, vector<16xf32>,
    tpu.vector_store %arg10[%swap3A_674, %swap3A_675], %get3A_5 {strides = array<i32>} : memref<128x64xf32, #tpu.memory_space<vmem>>, vector<16xf32>,
    %swap3A_677 = arith.constant 42 : i32
    %swap3A_678 = arith.index_cast %swap3A_677 : i32 to index
    %swap3A_679 = arith.constant 16 : index
    %swap3A_680 = tpu.vector_load %arg10[%swap3A_678, %swap3A_679] {strides = array<i32>} : memref<128x64xf32, #tpu.memory_space<vmem>>, vector<16xf32>,
    tpu.vector_store %arg10[%swap3A_678, %swap3A_679], %get3A_9 {strides = array<i32>} : memref<128x64xf32, #tpu.memory_space<vmem>>, vector<16xf32>,
    %swap3A_681 = arith.constant 42 : i32
    %swap3A_682 = arith.index_cast %swap3A_681 : i32 to index
    %swap3A_683 = arith.constant 32 : index
    %swap3A_684 = tpu.vector_load %arg10[%swap3A_682, %swap3A_683] {strides = array<i32>} : memref<128x64xf32, #tpu.memory_space<vmem>>, vector<16xf32>,
    tpu.vector_store %arg10[%swap3A_682, %swap3A_683], %get3A_13 {strides = array<i32>} : memref<128x64xf32, #tpu.memory_space<vmem>>, vector<16xf32>,
    %swap3A_685 = arith.constant 42 : i32
    %swap3A_686 = arith.index_cast %swap3A_685 : i32 to index
    %swap3A_687 = arith.constant 48 : index
    %swap3A_688 = tpu.vector_load %arg10[%swap3A_686, %swap3A_687] {strides = array<i32>} : memref<128x64xf32, #tpu.memory_space<vmem>>, vector<16xf32>,
    tpu.vector_store %arg10[%swap3A_686, %swap3A_687], %get3A_17 {strides = array<i32>} : memref<128x64xf32, #tpu.memory_space<vmem>>, vector<16xf32>,
    %swap3A_689 = arith.constant 43 : i32
    %swap3A_690 = arith.index_cast %swap3A_689 : i32 to index
    %swap3A_691 = arith.constant 0 : index
    %swap3A_692 = tpu.vector_load %arg10[%swap3A_690, %swap3A_691] {strides = array<i32>} : memref<128x64xf32, #tpu.memory_space<vmem>>, vector<16xf32>,
    tpu.vector_store %arg10[%swap3A_690, %swap3A_691], %get3A_5 {strides = array<i32>} : memref<128x64xf32, #tpu.memory_space<vmem>>, vector<16xf32>,
    %swap3A_693 = arith.constant 43 : i32
    %swap3A_694 = arith.index_cast %swap3A_693 : i32 to index
    %swap3A_695 = arith.constant 16 : index
    %swap3A_696 = tpu.vector_load %arg10[%swap3A_694, %swap3A_695] {strides = array<i32>} : memref<128x64xf32, #tpu.memory_space<vmem>>, vector<16xf32>,
    tpu.vector_store %arg10[%swap3A_694, %swap3A_695], %get3A_9 {strides = array<i32>} : memref<128x64xf32, #tpu.memory_space<vmem>>, vector<16xf32>,
    %swap3A_697 = arith.constant 43 : i32
    %swap3A_698 = arith.index_cast %swap3A_697 : i32 to index
    %swap3A_699 = arith.constant 32 : index
    %swap3A_700 = tpu.vector_load %arg10[%swap3A_698, %swap3A_699] {strides = array<i32>} : memref<128x64xf32, #tpu.memory_space<vmem>>, vector<16xf32>,
    tpu.vector_store %arg10[%swap3A_698, %swap3A_699], %get3A_13 {strides = array<i32>} : memref<128x64xf32, #tpu.memory_space<vmem>>, vector<16xf32>,
    %swap3A_701 = arith.constant 43 : i32
    %swap3A_702 = arith.index_cast %swap3A_701 : i32 to index
    %swap3A_703 = arith.constant 48 : index
    %swap3A_704 = tpu.vector_load %arg10[%swap3A_702, %swap3A_703] {strides = array<i32>} : memref<128x64xf32, #tpu.memory_space<vmem>>, vector<16xf32>,
    tpu.vector_store %arg10[%swap3A_702, %swap3A_703], %get3A_17 {strides = array<i32>} : memref<128x64xf32, #tpu.memory_space<vmem>>, vector<16xf32>,
    %swap3A_705 = arith.constant 44 : i32
    %swap3A_706 = arith.index_cast %swap3A_705 : i32 to index
    %swap3A_707 = arith.constant 0 : index
    %swap3A_708 = tpu.vector_load %arg10[%swap3A_706, %swap3A_707] {strides = array<i32>} : memref<128x64xf32, #tpu.memory_space<vmem>>, vector<16xf32>,
    tpu.vector_store %arg10[%swap3A_706, %swap3A_707], %get3A_5 {strides = array<i32>} : memref<128x64xf32, #tpu.memory_space<vmem>>, vector<16xf32>,
    %swap3A_709 = arith.constant 44 : i32
    %swap3A_710 = arith.index_cast %swap3A_709 : i32 to index
    %swap3A_711 = arith.constant 16 : index
    %swap3A_712 = tpu.vector_load %arg10[%swap3A_710, %swap3A_711] {strides = array<i32>} : memref<128x64xf32, #tpu.memory_space<vmem>>, vector<16xf32>,
    tpu.vector_store %arg10[%swap3A_710, %swap3A_711], %get3A_9 {strides = array<i32>} : memref<128x64xf32, #tpu.memory_space<vmem>>, vector<16xf32>,
    %swap3A_713 = arith.constant 44 : i32
    %swap3A_714 = arith.index_cast %swap3A_713 : i32 to index
    %swap3A_715 = arith.constant 32 : index
    %swap3A_716 = tpu.vector_load %arg10[%swap3A_714, %swap3A_715] {strides = array<i32>} : memref<128x64xf32, #tpu.memory_space<vmem>>, vector<16xf32>,
    tpu.vector_store %arg10[%swap3A_714, %swap3A_715], %get3A_13 {strides = array<i32>} : memref<128x64xf32, #tpu.memory_space<vmem>>, vector<16xf32>,
    %swap3A_717 = arith.constant 44 : i32
    %swap3A_718 = arith.index_cast %swap3A_717 : i32 to index
    %swap3A_719 = arith.constant 48 : index
    %swap3A_720 = tpu.vector_load %arg10[%swap3A_718, %swap3A_719] {strides = array<i32>} : memref<128x64xf32, #tpu.memory_space<vmem>>, vector<16xf32>,
    tpu.vector_store %arg10[%swap3A_718, %swap3A_719], %get3A_17 {strides = array<i32>} : memref<128x64xf32, #tpu.memory_space<vmem>>, vector<16xf32>,
    %swap3A_721 = arith.constant 45 : i32
    %swap3A_722 = arith.index_cast %swap3A_721 : i32 to index
    %swap3A_723 = arith.constant 0 : index
    %swap3A_724 = tpu.vector_load %arg10[%swap3A_722, %swap3A_723] {strides = array<i32>} : memref<128x64xf32, #tpu.memory_space<vmem>>, vector<16xf32>,
    tpu.vector_store %arg10[%swap3A_722, %swap3A_723], %get3A_5 {strides = array<i32>} : memref<128x64xf32, #tpu.memory_space<vmem>>, vector<16xf32>,
    %swap3A_725 = arith.constant 45 : i32
    %swap3A_726 = arith.index_cast %swap3A_725 : i32 to index
    %swap3A_727 = arith.constant 16 : index
    %swap3A_728 = tpu.vector_load %arg10[%swap3A_726, %swap3A_727] {strides = array<i32>} : memref<128x64xf32, #tpu.memory_space<vmem>>, vector<16xf32>,
    tpu.vector_store %arg10[%swap3A_726, %swap3A_727], %get3A_9 {strides = array<i32>} : memref<128x64xf32, #tpu.memory_space<vmem>>, vector<16xf32>,
    %swap3A_729 = arith.constant 45 : i32
    %swap3A_730 = arith.index_cast %swap3A_729 : i32 to index
    %swap3A_731 = arith.constant 32 : index
    %swap3A_732 = tpu.vector_load %arg10[%swap3A_730, %swap3A_731] {strides = array<i32>} : memref<128x64xf32, #tpu.memory_space<vmem>>, vector<16xf32>,
    tpu.vector_store %arg10[%swap3A_730, %swap3A_731], %get3A_13 {strides = array<i32>} : memref<128x64xf32, #tpu.memory_space<vmem>>, vector<16xf32>,
    %swap3A_733 = arith.constant 45 : i32
    %swap3A_734 = arith.index_cast %swap3A_733 : i32 to index
    %swap3A_735 = arith.constant 48 : index
    %swap3A_736 = tpu.vector_load %arg10[%swap3A_734, %swap3A_735] {strides = array<i32>} : memref<128x64xf32, #tpu.memory_space<vmem>>, vector<16xf32>,
    tpu.vector_store %arg10[%swap3A_734, %swap3A_735], %get3A_17 {strides = array<i32>} : memref<128x64xf32, #tpu.memory_space<vmem>>, vector<16xf32>,
    %swap3A_737 = arith.constant 46 : i32
    %swap3A_738 = arith.index_cast %swap3A_737 : i32 to index
    %swap3A_739 = arith.constant 0 : index
    %swap3A_740 = tpu.vector_load %arg10[%swap3A_738, %swap3A_739] {strides = array<i32>} : memref<128x64xf32, #tpu.memory_space<vmem>>, vector<16xf32>,
    tpu.vector_store %arg10[%swap3A_738, %swap3A_739], %get3A_5 {strides = array<i32>} : memref<128x64xf32, #tpu.memory_space<vmem>>, vector<16xf32>,
    %swap3A_741 = arith.constant 46 : i32
    %swap3A_742 = arith.index_cast %swap3A_741 : i32 to index
    %swap3A_743 = arith.constant 16 : index
    %swap3A_744 = tpu.vector_load %arg10[%swap3A_742, %swap3A_743] {strides = array<i32>} : memref<128x64xf32, #tpu.memory_space<vmem>>, vector<16xf32>,
    tpu.vector_store %arg10[%swap3A_742, %swap3A_743], %get3A_9 {strides = array<i32>} : memref<128x64xf32, #tpu.memory_space<vmem>>, vector<16xf32>,
    %swap3A_745 = arith.constant 46 : i32
    %swap3A_746 = arith.index_cast %swap3A_745 : i32 to index
    %swap3A_747 = arith.constant 32 : index
    %swap3A_748 = tpu.vector_load %arg10[%swap3A_746, %swap3A_747] {strides = array<i32>} : memref<128x64xf32, #tpu.memory_space<vmem>>, vector<16xf32>,
    tpu.vector_store %arg10[%swap3A_746, %swap3A_747], %get3A_13 {strides = array<i32>} : memref<128x64xf32, #tpu.memory_space<vmem>>, vector<16xf32>,
    %swap3A_749 = arith.constant 46 : i32
    %swap3A_750 = arith.index_cast %swap3A_749 : i32 to index
    %swap3A_751 = arith.constant 48 : index
    %swap3A_752 = tpu.vector_load %arg10[%swap3A_750, %swap3A_751] {strides = array<i32>} : memref<128x64xf32, #tpu.memory_space<vmem>>, vector<16xf32>,
    tpu.vector_store %arg10[%swap3A_750, %swap3A_751], %get3A_17 {strides = array<i32>} : memref<128x64xf32, #tpu.memory_space<vmem>>, vector<16xf32>,
    %swap3A_753 = arith.constant 47 : i32
    %swap3A_754 = arith.index_cast %swap3A_753 : i32 to index
    %swap3A_755 = arith.constant 0 : index
    %swap3A_756 = tpu.vector_load %arg10[%swap3A_754, %swap3A_755] {strides = array<i32>} : memref<128x64xf32, #tpu.memory_space<vmem>>, vector<16xf32>,
    tpu.vector_store %arg10[%swap3A_754, %swap3A_755], %get3A_5 {strides = array<i32>} : memref<128x64xf32, #tpu.memory_space<vmem>>, vector<16xf32>,
    %swap3A_757 = arith.constant 47 : i32
    %swap3A_758 = arith.index_cast %swap3A_757 : i32 to index
    %swap3A_759 = arith.constant 16 : index
    %swap3A_760 = tpu.vector_load %arg10[%swap3A_758, %swap3A_759] {strides = array<i32>} : memref<128x64xf32, #tpu.memory_space<vmem>>, vector<16xf32>,
    tpu.vector_store %arg10[%swap3A_758, %swap3A_759], %get3A_9 {strides = array<i32>} : memref<128x64xf32, #tpu.memory_space<vmem>>, vector<16xf32>,
    %swap3A_761 = arith.constant 47 : i32
    %swap3A_762 = arith.index_cast %swap3A_761 : i32 to index
    %swap3A_763 = arith.constant 32 : index
    %swap3A_764 = tpu.vector_load %arg10[%swap3A_762, %swap3A_763] {strides = array<i32>} : memref<128x64xf32, #tpu.memory_space<vmem>>, vector<16xf32>,
    tpu.vector_store %arg10[%swap3A_762, %swap3A_763], %get3A_13 {strides = array<i32>} : memref<128x64xf32, #tpu.memory_space<vmem>>, vector<16xf32>,
    %swap3A_765 = arith.constant 47 : i32
    %swap3A_766 = arith.index_cast %swap3A_765 : i32 to index
    %swap3A_767 = arith.constant 48 : index
    %swap3A_768 = tpu.vector_load %arg10[%swap3A_766, %swap3A_767] {strides = array<i32>} : memref<128x64xf32, #tpu.memory_space<vmem>>, vector<16xf32>,
    tpu.vector_store %arg10[%swap3A_766, %swap3A_767], %get3A_17 {strides = array<i32>} : memref<128x64xf32, #tpu.memory_space<vmem>>, vector<16xf32>,
    %swap3A_769 = arith.constant 48 : i32
    %swap3A_770 = arith.index_cast %swap3A_769 : i32 to index
    %swap3A_771 = arith.constant 0 : index
    %swap3A_772 = tpu.vector_load %arg10[%swap3A_770, %swap3A_771] {strides = array<i32>} : memref<128x64xf32, #tpu.memory_space<vmem>>, vector<16xf32>,
    tpu.vector_store %arg10[%swap3A_770, %swap3A_771], %get3A_5 {strides = array<i32>} : memref<128x64xf32, #tpu.memory_space<vmem>>, vector<16xf32>,
    %swap3A_773 = arith.constant 48 : i32
    %swap3A_774 = arith.index_cast %swap3A_773 : i32 to index
    %swap3A_775 = arith.constant 16 : index
    %swap3A_776 = tpu.vector_load %arg10[%swap3A_774, %swap3A_775] {strides = array<i32>} : memref<128x64xf32, #tpu.memory_space<vmem>>, vector<16xf32>,
    tpu.vector_store %arg10[%swap3A_774, %swap3A_775], %get3A_9 {strides = array<i32>} : memref<128x64xf32, #tpu.memory_space<vmem>>, vector<16xf32>,
    %swap3A_777 = arith.constant 48 : i32
    %swap3A_778 = arith.index_cast %swap3A_777 : i32 to index
    %swap3A_779 = arith.constant 32 : index
    %swap3A_780 = tpu.vector_load %arg10[%swap3A_778, %swap3A_779] {strides = array<i32>} : memref<128x64xf32, #tpu.memory_space<vmem>>, vector<16xf32>,
    tpu.vector_store %arg10[%swap3A_778, %swap3A_779], %get3A_13 {strides = array<i32>} : memref<128x64xf32, #tpu.memory_space<vmem>>, vector<16xf32>,
    %swap3A_781 = arith.constant 48 : i32
    %swap3A_782 = arith.index_cast %swap3A_781 : i32 to index
    %swap3A_783 = arith.constant 48 : index
    %swap3A_784 = tpu.vector_load %arg10[%swap3A_782, %swap3A_783] {strides = array<i32>} : memref<128x64xf32, #tpu.memory_space<vmem>>, vector<16xf32>,
    tpu.vector_store %arg10[%swap3A_782, %swap3A_783], %get3A_17 {strides = array<i32>} : memref<128x64xf32, #tpu.memory_space<vmem>>, vector<16xf32>,
    %swap3A_785 = arith.constant 49 : i32
    %swap3A_786 = arith.index_cast %swap3A_785 : i32 to index
    %swap3A_787 = arith.constant 0 : index
    %swap3A_788 = tpu.vector_load %arg10[%swap3A_786, %swap3A_787] {strides = array<i32>} : memref<128x64xf32, #tpu.memory_space<vmem>>, vector<16xf32>,
    tpu.vector_store %arg10[%swap3A_786, %swap3A_787], %get3A_5 {strides = array<i32>} : memref<128x64xf32, #tpu.memory_space<vmem>>, vector<16xf32>,
    %swap3A_789 = arith.constant 49 : i32
    %swap3A_790 = arith.index_cast %swap3A_789 : i32 to index
    %swap3A_791 = arith.constant 16 : index
    %swap3A_792 = tpu.vector_load %arg10[%swap3A_790, %swap3A_791] {strides = array<i32>} : memref<128x64xf32, #tpu.memory_space<vmem>>, vector<16xf32>,
    tpu.vector_store %arg10[%swap3A_790, %swap3A_791], %get3A_9 {strides = array<i32>} : memref<128x64xf32, #tpu.memory_space<vmem>>, vector<16xf32>,
    %swap3A_793 = arith.constant 49 : i32
    %swap3A_794 = arith.index_cast %swap3A_793 : i32 to index
    %swap3A_795 = arith.constant 32 : index
    %swap3A_796 = tpu.vector_load %arg10[%swap3A_794, %swap3A_795] {strides = array<i32>} : memref<128x64xf32, #tpu.memory_space<vmem>>, vector<16xf32>,
    tpu.vector_store %arg10[%swap3A_794, %swap3A_795], %get3A_13 {strides = array<i32>} : memref<128x64xf32, #tpu.memory_space<vmem>>, vector<16xf32>,
    %swap3A_797 = arith.constant 49 : i32
    %swap3A_798 = arith.index_cast %swap3A_797 : i32 to index
    %swap3A_799 = arith.constant 48 : index
    %swap3A_800 = tpu.vector_load %arg10[%swap3A_798, %swap3A_799] {strides = array<i32>} : memref<128x64xf32, #tpu.memory_space<vmem>>, vector<16xf32>,
    tpu.vector_store %arg10[%swap3A_798, %swap3A_799], %get3A_17 {strides = array<i32>} : memref<128x64xf32, #tpu.memory_space<vmem>>, vector<16xf32>,
    %swap3A_801 = arith.constant 50 : i32
    %swap3A_802 = arith.index_cast %swap3A_801 : i32 to index
    %swap3A_803 = arith.constant 0 : index
    %swap3A_804 = tpu.vector_load %arg10[%swap3A_802, %swap3A_803] {strides = array<i32>} : memref<128x64xf32, #tpu.memory_space<vmem>>, vector<16xf32>,
    tpu.vector_store %arg10[%swap3A_802, %swap3A_803], %get3A_5 {strides = array<i32>} : memref<128x64xf32, #tpu.memory_space<vmem>>, vector<16xf32>,
    %swap3A_805 = arith.constant 50 : i32
    %swap3A_806 = arith.index_cast %swap3A_805 : i32 to index
    %swap3A_807 = arith.constant 16 : index
    %swap3A_808 = tpu.vector_load %arg10[%swap3A_806, %swap3A_807] {strides = array<i32>} : memref<128x64xf32, #tpu.memory_space<vmem>>, vector<16xf32>,
    tpu.vector_store %arg10[%swap3A_806, %swap3A_807], %get3A_9 {strides = array<i32>} : memref<128x64xf32, #tpu.memory_space<vmem>>, vector<16xf32>,
    %swap3A_809 = arith.constant 50 : i32
    %swap3A_810 = arith.index_cast %swap3A_809 : i32 to index
    %swap3A_811 = arith.constant 32 : index
    %swap3A_812 = tpu.vector_load %arg10[%swap3A_810, %swap3A_811] {strides = array<i32>} : memref<128x64xf32, #tpu.memory_space<vmem>>, vector<16xf32>,
    tpu.vector_store %arg10[%swap3A_810, %swap3A_811], %get3A_13 {strides = array<i32>} : memref<128x64xf32, #tpu.memory_space<vmem>>, vector<16xf32>,
    %swap3A_813 = arith.constant 50 : i32
    %swap3A_814 = arith.index_cast %swap3A_813 : i32 to index
    %swap3A_815 = arith.constant 48 : index
    %swap3A_816 = tpu.vector_load %arg10[%swap3A_814, %swap3A_815] {strides = array<i32>} : memref<128x64xf32, #tpu.memory_space<vmem>>, vector<16xf32>,
    tpu.vector_store %arg10[%swap3A_814, %swap3A_815], %get3A_17 {strides = array<i32>} : memref<128x64xf32, #tpu.memory_space<vmem>>, vector<16xf32>,
    %swap3A_817 = arith.constant 51 : i32
    %swap3A_818 = arith.index_cast %swap3A_817 : i32 to index
    %swap3A_819 = arith.constant 0 : index
    %swap3A_820 = tpu.vector_load %arg10[%swap3A_818, %swap3A_819] {strides = array<i32>} : memref<128x64xf32, #tpu.memory_space<vmem>>, vector<16xf32>,
    tpu.vector_store %arg10[%swap3A_818, %swap3A_819], %get3A_5 {strides = array<i32>} : memref<128x64xf32, #tpu.memory_space<vmem>>, vector<16xf32>,
    %swap3A_821 = arith.constant 51 : i32
    %swap3A_822 = arith.index_cast %swap3A_821 : i32 to index
    %swap3A_823 = arith.constant 16 : index
    %swap3A_824 = tpu.vector_load %arg10[%swap3A_822, %swap3A_823] {strides = array<i32>} : memref<128x64xf32, #tpu.memory_space<vmem>>, vector<16xf32>,
    tpu.vector_store %arg10[%swap3A_822, %swap3A_823], %get3A_9 {strides = array<i32>} : memref<128x64xf32, #tpu.memory_space<vmem>>, vector<16xf32>,
    %swap3A_825 = arith.constant 51 : i32
    %swap3A_826 = arith.index_cast %swap3A_825 : i32 to index
    %swap3A_827 = arith.constant 32 : index
    %swap3A_828 = tpu.vector_load %arg10[%swap3A_826, %swap3A_827] {strides = array<i32>} : memref<128x64xf32, #tpu.memory_space<vmem>>, vector<16xf32>,
    tpu.vector_store %arg10[%swap3A_826, %swap3A_827], %get3A_13 {strides = array<i32>} : memref<128x64xf32, #tpu.memory_space<vmem>>, vector<16xf32>,
    %swap3A_829 = arith.constant 51 : i32
    %swap3A_830 = arith.index_cast %swap3A_829 : i32 to index
    %swap3A_831 = arith.constant 48 : index
    %swap3A_832 = tpu.vector_load %arg10[%swap3A_830, %swap3A_831] {strides = array<i32>} : memref<128x64xf32, #tpu.memory_space<vmem>>, vector<16xf32>,
    tpu.vector_store %arg10[%swap3A_830, %swap3A_831], %get3A_17 {strides = array<i32>} : memref<128x64xf32, #tpu.memory_space<vmem>>, vector<16xf32>,
    %swap3A_833 = arith.constant 52 : i32
    %swap3A_834 = arith.index_cast %swap3A_833 : i32 to index
    %swap3A_835 = arith.constant 0 : index
    %swap3A_836 = tpu.vector_load %arg10[%swap3A_834, %swap3A_835] {strides = array<i32>} : memref<128x64xf32, #tpu.memory_space<vmem>>, vector<16xf32>,
    tpu.vector_store %arg10[%swap3A_834, %swap3A_835], %get3A_5 {strides = array<i32>} : memref<128x64xf32, #tpu.memory_space<vmem>>, vector<16xf32>,
    %swap3A_837 = arith.constant 52 : i32
    %swap3A_838 = arith.index_cast %swap3A_837 : i32 to index
    %swap3A_839 = arith.constant 16 : index
    %swap3A_840 = tpu.vector_load %arg10[%swap3A_838, %swap3A_839] {strides = array<i32>} : memref<128x64xf32, #tpu.memory_space<vmem>>, vector<16xf32>,
    tpu.vector_store %arg10[%swap3A_838, %swap3A_839], %get3A_9 {strides = array<i32>} : memref<128x64xf32, #tpu.memory_space<vmem>>, vector<16xf32>,
    %swap3A_841 = arith.constant 52 : i32
    %swap3A_842 = arith.index_cast %swap3A_841 : i32 to index
    %swap3A_843 = arith.constant 32 : index
    %swap3A_844 = tpu.vector_load %arg10[%swap3A_842, %swap3A_843] {strides = array<i32>} : memref<128x64xf32, #tpu.memory_space<vmem>>, vector<16xf32>,
    tpu.vector_store %arg10[%swap3A_842, %swap3A_843], %get3A_13 {strides = array<i32>} : memref<128x64xf32, #tpu.memory_space<vmem>>, vector<16xf32>,
    %swap3A_845 = arith.constant 52 : i32
    %swap3A_846 = arith.index_cast %swap3A_845 : i32 to index
    %swap3A_847 = arith.constant 48 : index
    %swap3A_848 = tpu.vector_load %arg10[%swap3A_846, %swap3A_847] {strides = array<i32>} : memref<128x64xf32, #tpu.memory_space<vmem>>, vector<16xf32>,
    tpu.vector_store %arg10[%swap3A_846, %swap3A_847], %get3A_17 {strides = array<i32>} : memref<128x64xf32, #tpu.memory_space<vmem>>, vector<16xf32>,
    %swap3A_849 = arith.constant 53 : i32
    %swap3A_850 = arith.index_cast %swap3A_849 : i32 to index
    %swap3A_851 = arith.constant 0 : index
    %swap3A_852 = tpu.vector_load %arg10[%swap3A_850, %swap3A_851] {strides = array<i32>} : memref<128x64xf32, #tpu.memory_space<vmem>>, vector<16xf32>,
    tpu.vector_store %arg10[%swap3A_850, %swap3A_851], %get3A_5 {strides = array<i32>} : memref<128x64xf32, #tpu.memory_space<vmem>>, vector<16xf32>,
    %swap3A_853 = arith.constant 53 : i32
    %swap3A_854 = arith.index_cast %swap3A_853 : i32 to index
    %swap3A_855 = arith.constant 16 : index
    %swap3A_856 = tpu.vector_load %arg10[%swap3A_854, %swap3A_855] {strides = array<i32>} : memref<128x64xf32, #tpu.memory_space<vmem>>, vector<16xf32>,
    tpu.vector_store %arg10[%swap3A_854, %swap3A_855], %get3A_9 {strides = array<i32>} : memref<128x64xf32, #tpu.memory_space<vmem>>, vector<16xf32>,
    %swap3A_857 = arith.constant 53 : i32
    %swap3A_858 = arith.index_cast %swap3A_857 : i32 to index
    %swap3A_859 = arith.constant 32 : index
    %swap3A_860 = tpu.vector_load %arg10[%swap3A_858, %swap3A_859] {strides = array<i32>} : memref<128x64xf32, #tpu.memory_space<vmem>>, vector<16xf32>,
    tpu.vector_store %arg10[%swap3A_858, %swap3A_859], %get3A_13 {strides = array<i32>} : memref<128x64xf32, #tpu.memory_space<vmem>>, vector<16xf32>,
    %swap3A_861 = arith.constant 53 : i32
    %swap3A_862 = arith.index_cast %swap3A_861 : i32 to index
    %swap3A_863 = arith.constant 48 : index
    %swap3A_864 = tpu.vector_load %arg10[%swap3A_862, %swap3A_863] {strides = array<i32>} : memref<128x64xf32, #tpu.memory_space<vmem>>, vector<16xf32>,
    tpu.vector_store %arg10[%swap3A_862, %swap3A_863], %get3A_17 {strides = array<i32>} : memref<128x64xf32, #tpu.memory_space<vmem>>, vector<16xf32>,
    %swap3A_865 = arith.constant 54 : i32
    %swap3A_866 = arith.index_cast %swap3A_865 : i32 to index
    %swap3A_867 = arith.constant 0 : index
    %swap3A_868 = tpu.vector_load %arg10[%swap3A_866, %swap3A_867] {strides = array<i32>} : memref<128x64xf32, #tpu.memory_space<vmem>>, vector<16xf32>,
    tpu.vector_store %arg10[%swap3A_866, %swap3A_867], %get3A_5 {strides = array<i32>} : memref<128x64xf32, #tpu.memory_space<vmem>>, vector<16xf32>,
    %swap3A_869 = arith.constant 54 : i32
    %swap3A_870 = arith.index_cast %swap3A_869 : i32 to index
    %swap3A_871 = arith.constant 16 : index
    %swap3A_872 = tpu.vector_load %arg10[%swap3A_870, %swap3A_871] {strides = array<i32>} : memref<128x64xf32, #tpu.memory_space<vmem>>, vector<16xf32>,
    tpu.vector_store %arg10[%swap3A_870, %swap3A_871], %get3A_9 {strides = array<i32>} : memref<128x64xf32, #tpu.memory_space<vmem>>, vector<16xf32>,
    %swap3A_873 = arith.constant 54 : i32
    %swap3A_874 = arith.index_cast %swap3A_873 : i32 to index
    %swap3A_875 = arith.constant 32 : index
    %swap3A_876 = tpu.vector_load %arg10[%swap3A_874, %swap3A_875] {strides = array<i32>} : memref<128x64xf32, #tpu.memory_space<vmem>>, vector<16xf32>,
    tpu.vector_store %arg10[%swap3A_874, %swap3A_875], %get3A_13 {strides = array<i32>} : memref<128x64xf32, #tpu.memory_space<vmem>>, vector<16xf32>,
    %swap3A_877 = arith.constant 54 : i32
    %swap3A_878 = arith.index_cast %swap3A_877 : i32 to index
    %swap3A_879 = arith.constant 48 : index
    %swap3A_880 = tpu.vector_load %arg10[%swap3A_878, %swap3A_879] {strides = array<i32>} : memref<128x64xf32, #tpu.memory_space<vmem>>, vector<16xf32>,
    tpu.vector_store %arg10[%swap3A_878, %swap3A_879], %get3A_17 {strides = array<i32>} : memref<128x64xf32, #tpu.memory_space<vmem>>, vector<16xf32>,
    %swap3A_881 = arith.constant 55 : i32
    %swap3A_882 = arith.index_cast %swap3A_881 : i32 to index
    %swap3A_883 = arith.constant 0 : index
    %swap3A_884 = tpu.vector_load %arg10[%swap3A_882, %swap3A_883] {strides = array<i32>} : memref<128x64xf32, #tpu.memory_space<vmem>>, vector<16xf32>,
    tpu.vector_store %arg10[%swap3A_882, %swap3A_883], %get3A_5 {strides = array<i32>} : memref<128x64xf32, #tpu.memory_space<vmem>>, vector<16xf32>,
    %swap3A_885 = arith.constant 55 : i32
    %swap3A_886 = arith.index_cast %swap3A_885 : i32 to index
    %swap3A_887 = arith.constant 16 : index
    %swap3A_888 = tpu.vector_load %arg10[%swap3A_886, %swap3A_887] {strides = array<i32>} : memref<128x64xf32, #tpu.memory_space<vmem>>, vector<16xf32>,
    tpu.vector_store %arg10[%swap3A_886, %swap3A_887], %get3A_9 {strides = array<i32>} : memref<128x64xf32, #tpu.memory_space<vmem>>, vector<16xf32>,
    %swap3A_889 = arith.constant 55 : i32
    %swap3A_890 = arith.index_cast %swap3A_889 : i32 to index
    %swap3A_891 = arith.constant 32 : index
    %swap3A_892 = tpu.vector_load %arg10[%swap3A_890, %swap3A_891] {strides = array<i32>} : memref<128x64xf32, #tpu.memory_space<vmem>>, vector<16xf32>,
    tpu.vector_store %arg10[%swap3A_890, %swap3A_891], %get3A_13 {strides = array<i32>} : memref<128x64xf32, #tpu.memory_space<vmem>>, vector<16xf32>,
    %swap3A_893 = arith.constant 55 : i32
    %swap3A_894 = arith.index_cast %swap3A_893 : i32 to index
    %swap3A_895 = arith.constant 48 : index
    %swap3A_896 = tpu.vector_load %arg10[%swap3A_894, %swap3A_895] {strides = array<i32>} : memref<128x64xf32, #tpu.memory_space<vmem>>, vector<16xf32>,
    tpu.vector_store %arg10[%swap3A_894, %swap3A_895], %get3A_17 {strides = array<i32>} : memref<128x64xf32, #tpu.memory_space<vmem>>, vector<16xf32>,
    %swap3A_897 = arith.constant 56 : i32
    %swap3A_898 = arith.index_cast %swap3A_897 : i32 to index
    %swap3A_899 = arith.constant 0 : index
    %swap3A_900 = tpu.vector_load %arg10[%swap3A_898, %swap3A_899] {strides = array<i32>} : memref<128x64xf32, #tpu.memory_space<vmem>>, vector<16xf32>,
    tpu.vector_store %arg10[%swap3A_898, %swap3A_899], %get3A_5 {strides = array<i32>} : memref<128x64xf32, #tpu.memory_space<vmem>>, vector<16xf32>,
    %swap3A_901 = arith.constant 56 : i32
    %swap3A_902 = arith.index_cast %swap3A_901 : i32 to index
    %swap3A_903 = arith.constant 16 : index
    %swap3A_904 = tpu.vector_load %arg10[%swap3A_902, %swap3A_903] {strides = array<i32>} : memref<128x64xf32, #tpu.memory_space<vmem>>, vector<16xf32>,
    tpu.vector_store %arg10[%swap3A_902, %swap3A_903], %get3A_9 {strides = array<i32>} : memref<128x64xf32, #tpu.memory_space<vmem>>, vector<16xf32>,
    %swap3A_905 = arith.constant 56 : i32
    %swap3A_906 = arith.index_cast %swap3A_905 : i32 to index
    %swap3A_907 = arith.constant 32 : index
    %swap3A_908 = tpu.vector_load %arg10[%swap3A_906, %swap3A_907] {strides = array<i32>} : memref<128x64xf32, #tpu.memory_space<vmem>>, vector<16xf32>,
    tpu.vector_store %arg10[%swap3A_906, %swap3A_907], %get3A_13 {strides = array<i32>} : memref<128x64xf32, #tpu.memory_space<vmem>>, vector<16xf32>,
    %swap3A_909 = arith.constant 56 : i32
    %swap3A_910 = arith.index_cast %swap3A_909 : i32 to index
    %swap3A_911 = arith.constant 48 : index
    %swap3A_912 = tpu.vector_load %arg10[%swap3A_910, %swap3A_911] {strides = array<i32>} : memref<128x64xf32, #tpu.memory_space<vmem>>, vector<16xf32>,
    tpu.vector_store %arg10[%swap3A_910, %swap3A_911], %get3A_17 {strides = array<i32>} : memref<128x64xf32, #tpu.memory_space<vmem>>, vector<16xf32>,
    %swap3A_913 = arith.constant 57 : i32
    %swap3A_914 = arith.index_cast %swap3A_913 : i32 to index
    %swap3A_915 = arith.constant 0 : index
    %swap3A_916 = tpu.vector_load %arg10[%swap3A_914, %swap3A_915] {strides = array<i32>} : memref<128x64xf32, #tpu.memory_space<vmem>>, vector<16xf32>,
    tpu.vector_store %arg10[%swap3A_914, %swap3A_915], %get3A_5 {strides = array<i32>} : memref<128x64xf32, #tpu.memory_space<vmem>>, vector<16xf32>,
    %swap3A_917 = arith.constant 57 : i32
    %swap3A_918 = arith.index_cast %swap3A_917 : i32 to index
    %swap3A_919 = arith.constant 16 : index
    %swap3A_920 = tpu.vector_load %arg10[%swap3A_918, %swap3A_919] {strides = array<i32>} : memref<128x64xf32, #tpu.memory_space<vmem>>, vector<16xf32>,
    tpu.vector_store %arg10[%swap3A_918, %swap3A_919], %get3A_9 {strides = array<i32>} : memref<128x64xf32, #tpu.memory_space<vmem>>, vector<16xf32>,
    %swap3A_921 = arith.constant 57 : i32
    %swap3A_922 = arith.index_cast %swap3A_921 : i32 to index
    %swap3A_923 = arith.constant 32 : index
    %swap3A_924 = tpu.vector_load %arg10[%swap3A_922, %swap3A_923] {strides = array<i32>} : memref<128x64xf32, #tpu.memory_space<vmem>>, vector<16xf32>,
    tpu.vector_store %arg10[%swap3A_922, %swap3A_923], %get3A_13 {strides = array<i32>} : memref<128x64xf32, #tpu.memory_space<vmem>>, vector<16xf32>,
    %swap3A_925 = arith.constant 57 : i32
    %swap3A_926 = arith.index_cast %swap3A_925 : i32 to index
    %swap3A_927 = arith.constant 48 : index
    %swap3A_928 = tpu.vector_load %arg10[%swap3A_926, %swap3A_927] {strides = array<i32>} : memref<128x64xf32, #tpu.memory_space<vmem>>, vector<16xf32>,
    tpu.vector_store %arg10[%swap3A_926, %swap3A_927], %get3A_17 {strides = array<i32>} : memref<128x64xf32, #tpu.memory_space<vmem>>, vector<16xf32>,
    %swap3A_929 = arith.constant 58 : i32
    %swap3A_930 = arith.index_cast %swap3A_929 : i32 to index
    %swap3A_931 = arith.constant 0 : index
    %swap3A_932 = tpu.vector_load %arg10[%swap3A_930, %swap3A_931] {strides = array<i32>} : memref<128x64xf32, #tpu.memory_space<vmem>>, vector<16xf32>,
    tpu.vector_store %arg10[%swap3A_930, %swap3A_931], %get3A_5 {strides = array<i32>} : memref<128x64xf32, #tpu.memory_space<vmem>>, vector<16xf32>,
    %swap3A_933 = arith.constant 58 : i32
    %swap3A_934 = arith.index_cast %swap3A_933 : i32 to index
    %swap3A_935 = arith.constant 16 : index
    %swap3A_936 = tpu.vector_load %arg10[%swap3A_934, %swap3A_935] {strides = array<i32>} : memref<128x64xf32, #tpu.memory_space<vmem>>, vector<16xf32>,
    tpu.vector_store %arg10[%swap3A_934, %swap3A_935], %get3A_9 {strides = array<i32>} : memref<128x64xf32, #tpu.memory_space<vmem>>, vector<16xf32>,
    %swap3A_937 = arith.constant 58 : i32
    %swap3A_938 = arith.index_cast %swap3A_937 : i32 to index
    %swap3A_939 = arith.constant 32 : index
    %swap3A_940 = tpu.vector_load %arg10[%swap3A_938, %swap3A_939] {strides = array<i32>} : memref<128x64xf32, #tpu.memory_space<vmem>>, vector<16xf32>,
    tpu.vector_store %arg10[%swap3A_938, %swap3A_939], %get3A_13 {strides = array<i32>} : memref<128x64xf32, #tpu.memory_space<vmem>>, vector<16xf32>,
    %swap3A_941 = arith.constant 58 : i32
    %swap3A_942 = arith.index_cast %swap3A_941 : i32 to index
    %swap3A_943 = arith.constant 48 : index
    %swap3A_944 = tpu.vector_load %arg10[%swap3A_942, %swap3A_943] {strides = array<i32>} : memref<128x64xf32, #tpu.memory_space<vmem>>, vector<16xf32>,
    tpu.vector_store %arg10[%swap3A_942, %swap3A_943], %get3A_17 {strides = array<i32>} : memref<128x64xf32, #tpu.memory_space<vmem>>, vector<16xf32>,
    %swap3A_945 = arith.constant 59 : i32
    %swap3A_946 = arith.index_cast %swap3A_945 : i32 to index
    %swap3A_947 = arith.constant 0 : index
    %swap3A_948 = tpu.vector_load %arg10[%swap3A_946, %swap3A_947] {strides = array<i32>} : memref<128x64xf32, #tpu.memory_space<vmem>>, vector<16xf32>,
    tpu.vector_store %arg10[%swap3A_946, %swap3A_947], %get3A_5 {strides = array<i32>} : memref<128x64xf32, #tpu.memory_space<vmem>>, vector<16xf32>,
    %swap3A_949 = arith.constant 59 : i32
    %swap3A_950 = arith.index_cast %swap3A_949 : i32 to index
    %swap3A_951 = arith.constant 16 : index
    %swap3A_952 = tpu.vector_load %arg10[%swap3A_950, %swap3A_951] {strides = array<i32>} : memref<128x64xf32, #tpu.memory_space<vmem>>, vector<16xf32>,
    tpu.vector_store %arg10[%swap3A_950, %swap3A_951], %get3A_9 {strides = array<i32>} : memref<128x64xf32, #tpu.memory_space<vmem>>, vector<16xf32>,
    %swap3A_953 = arith.constant 59 : i32
    %swap3A_954 = arith.index_cast %swap3A_953 : i32 to index
    %swap3A_955 = arith.constant 32 : index
    %swap3A_956 = tpu.vector_load %arg10[%swap3A_954, %swap3A_955] {strides = array<i32>} : memref<128x64xf32, #tpu.memory_space<vmem>>, vector<16xf32>,
    tpu.vector_store %arg10[%swap3A_954, %swap3A_955], %get3A_13 {strides = array<i32>} : memref<128x64xf32, #tpu.memory_space<vmem>>, vector<16xf32>,
    %swap3A_957 = arith.constant 59 : i32
    %swap3A_958 = arith.index_cast %swap3A_957 : i32 to index
    %swap3A_959 = arith.constant 48 : index
    %swap3A_960 = tpu.vector_load %arg10[%swap3A_958, %swap3A_959] {strides = array<i32>} : memref<128x64xf32, #tpu.memory_space<vmem>>, vector<16xf32>,
    tpu.vector_store %arg10[%swap3A_958, %swap3A_959], %get3A_17 {strides = array<i32>} : memref<128x64xf32, #tpu.memory_space<vmem>>, vector<16xf32>,
    %swap3A_961 = arith.constant 60 : i32
    %swap3A_962 = arith.index_cast %swap3A_961 : i32 to index
    %swap3A_963 = arith.constant 0 : index
    %swap3A_964 = tpu.vector_load %arg10[%swap3A_962, %swap3A_963] {strides = array<i32>} : memref<128x64xf32, #tpu.memory_space<vmem>>, vector<16xf32>,
    tpu.vector_store %arg10[%swap3A_962, %swap3A_963], %get3A_5 {strides = array<i32>} : memref<128x64xf32, #tpu.memory_space<vmem>>, vector<16xf32>,
    %swap3A_965 = arith.constant 60 : i32
    %swap3A_966 = arith.index_cast %swap3A_965 : i32 to index
    %swap3A_967 = arith.constant 16 : index
    %swap3A_968 = tpu.vector_load %arg10[%swap3A_966, %swap3A_967] {strides = array<i32>} : memref<128x64xf32, #tpu.memory_space<vmem>>, vector<16xf32>,
    tpu.vector_store %arg10[%swap3A_966, %swap3A_967], %get3A_9 {strides = array<i32>} : memref<128x64xf32, #tpu.memory_space<vmem>>, vector<16xf32>,
    %swap3A_969 = arith.constant 60 : i32
    %swap3A_970 = arith.index_cast %swap3A_969 : i32 to index
    %swap3A_971 = arith.constant 32 : index
    %swap3A_972 = tpu.vector_load %arg10[%swap3A_970, %swap3A_971] {strides = array<i32>} : memref<128x64xf32, #tpu.memory_space<vmem>>, vector<16xf32>,
    tpu.vector_store %arg10[%swap3A_970, %swap3A_971], %get3A_13 {strides = array<i32>} : memref<128x64xf32, #tpu.memory_space<vmem>>, vector<16xf32>,
    %swap3A_973 = arith.constant 60 : i32
    %swap3A_974 = arith.index_cast %swap3A_973 : i32 to index
    %swap3A_975 = arith.constant 48 : index
    %swap3A_976 = tpu.vector_load %arg10[%swap3A_974, %swap3A_975] {strides = array<i32>} : memref<128x64xf32, #tpu.memory_space<vmem>>, vector<16xf32>,
    tpu.vector_store %arg10[%swap3A_974, %swap3A_975], %get3A_17 {strides = array<i32>} : memref<128x64xf32, #tpu.memory_space<vmem>>, vector<16xf32>,
    %swap3A_977 = arith.constant 61 : i32
    %swap3A_978 = arith.index_cast %swap3A_977 : i32 to index
    %swap3A_979 = arith.constant 0 : index
    %swap3A_980 = tpu.vector_load %arg10[%swap3A_978, %swap3A_979] {strides = array<i32>} : memref<128x64xf32, #tpu.memory_space<vmem>>, vector<16xf32>,
    tpu.vector_store %arg10[%swap3A_978, %swap3A_979], %get3A_5 {strides = array<i32>} : memref<128x64xf32, #tpu.memory_space<vmem>>, vector<16xf32>,
    %swap3A_981 = arith.constant 61 : i32
    %swap3A_982 = arith.index_cast %swap3A_981 : i32 to index
    %swap3A_983 = arith.constant 16 : index
    %swap3A_984 = tpu.vector_load %arg10[%swap3A_982, %swap3A_983] {strides = array<i32>} : memref<128x64xf32, #tpu.memory_space<vmem>>, vector<16xf32>,
    tpu.vector_store %arg10[%swap3A_982, %swap3A_983], %get3A_9 {strides = array<i32>} : memref<128x64xf32, #tpu.memory_space<vmem>>, vector<16xf32>,
    %swap3A_985 = arith.constant 61 : i32
    %swap3A_986 = arith.index_cast %swap3A_985 : i32 to index
    %swap3A_987 = arith.constant 32 : index
    %swap3A_988 = tpu.vector_load %arg10[%swap3A_986, %swap3A_987] {strides = array<i32>} : memref<128x64xf32, #tpu.memory_space<vmem>>, vector<16xf32>,
    tpu.vector_store %arg10[%swap3A_986, %swap3A_987], %get3A_13 {strides = array<i32>} : memref<128x64xf32, #tpu.memory_space<vmem>>, vector<16xf32>,
    %swap3A_989 = arith.constant 61 : i32
    %swap3A_990 = arith.index_cast %swap3A_989 : i32 to index
    %swap3A_991 = arith.constant 48 : index
    %swap3A_992 = tpu.vector_load %arg10[%swap3A_990, %swap3A_991] {strides = array<i32>} : memref<128x64xf32, #tpu.memory_space<vmem>>, vector<16xf32>,
    tpu.vector_store %arg10[%swap3A_990, %swap3A_991], %get3A_17 {strides = array<i32>} : memref<128x64xf32, #tpu.memory_space<vmem>>, vector<16xf32>,
    %swap3A_993 = arith.constant 62 : i32
    %swap3A_994 = arith.index_cast %swap3A_993 : i32 to index
    %swap3A_995 = arith.constant 0 : index
    %swap3A_996 = tpu.vector_load %arg10[%swap3A_994, %swap3A_995] {strides = array<i32>} : memref<128x64xf32, #tpu.memory_space<vmem>>, vector<16xf32>,
    tpu.vector_store %arg10[%swap3A_994, %swap3A_995], %get3A_5 {strides = array<i32>} : memref<128x64xf32, #tpu.memory_space<vmem>>, vector<16xf32>,
    %swap3A_997 = arith.constant 62 : i32
    %swap3A_998 = arith.index_cast %swap3A_997 : i32 to index
    %swap3A_999 = arith.constant 16 : index
    %swap3A_1000 = tpu.vector_load %arg10[%swap3A_998, %swap3A_999] {strides = array<i32>} : memref<128x64xf32, #tpu.memory_space<vmem>>, vector<16xf32>,
    tpu.vector_store %arg10[%swap3A_998, %swap3A_999], %get3A_9 {strides = array<i32>} : memref<128x64xf32, #tpu.memory_space<vmem>>, vector<16xf32>,
    %swap3A_1001 = arith.constant 62 : i32
    %swap3A_1002 = arith.index_cast %swap3A_1001 : i32 to index
    %swap3A_1003 = arith.constant 32 : index
    %swap3A_1004 = tpu.vector_load %arg10[%swap3A_1002, %swap3A_1003] {strides = array<i32>} : memref<128x64xf32, #tpu.memory_space<vmem>>, vector<16xf32>,
    tpu.vector_store %arg10[%swap3A_1002, %swap3A_1003], %get3A_13 {strides = array<i32>} : memref<128x64xf32, #tpu.memory_space<vmem>>, vector<16xf32>,
    %swap3A_1005 = arith.constant 62 : i32
    %swap3A_1006 = arith.index_cast %swap3A_1005 : i32 to index
    %swap3A_1007 = arith.constant 48 : index
    %swap3A_1008 = tpu.vector_load %arg10[%swap3A_1006, %swap3A_1007] {strides = array<i32>} : memref<128x64xf32, #tpu.memory_space<vmem>>, vector<16xf32>,
    tpu.vector_store %arg10[%swap3A_1006, %swap3A_1007], %get3A_17 {strides = array<i32>} : memref<128x64xf32, #tpu.memory_space<vmem>>, vector<16xf32>,
    %swap3A_1009 = arith.constant 63 : i32
    %swap3A_1010 = arith.index_cast %swap3A_1009 : i32 to index
    %swap3A_1011 = arith.constant 0 : index
    %swap3A_1012 = tpu.vector_load %arg10[%swap3A_1010, %swap3A_1011] {strides = array<i32>} : memref<128x64xf32, #tpu.memory_space<vmem>>, vector<16xf32>,
    tpu.vector_store %arg10[%swap3A_1010, %swap3A_1011], %get3A_5 {strides = array<i32>} : memref<128x64xf32, #tpu.memory_space<vmem>>, vector<16xf32>,
    %swap3A_1013 = arith.constant 63 : i32
    %swap3A_1014 = arith.index_cast %swap3A_1013 : i32 to index
    %swap3A_1015 = arith.constant 16 : index
    %swap3A_1016 = tpu.vector_load %arg10[%swap3A_1014, %swap3A_1015] {strides = array<i32>} : memref<128x64xf32, #tpu.memory_space<vmem>>, vector<16xf32>,
    tpu.vector_store %arg10[%swap3A_1014, %swap3A_1015], %get3A_9 {strides = array<i32>} : memref<128x64xf32, #tpu.memory_space<vmem>>, vector<16xf32>,
    %swap3A_1017 = arith.constant 63 : i32
    %swap3A_1018 = arith.index_cast %swap3A_1017 : i32 to index
    %swap3A_1019 = arith.constant 32 : index
    %swap3A_1020 = tpu.vector_load %arg10[%swap3A_1018, %swap3A_1019] {strides = array<i32>} : memref<128x64xf32, #tpu.memory_space<vmem>>, vector<16xf32>,
    tpu.vector_store %arg10[%swap3A_1018, %swap3A_1019], %get3A_13 {strides = array<i32>} : memref<128x64xf32, #tpu.memory_space<vmem>>, vector<16xf32>,
    %swap3A_1021 = arith.constant 63 : i32
    %swap3A_1022 = arith.index_cast %swap3A_1021 : i32 to index
    %swap3A_1023 = arith.constant 48 : index
    %swap3A_1024 = tpu.vector_load %arg10[%swap3A_1022, %swap3A_1023] {strides = array<i32>} : memref<128x64xf32, #tpu.memory_space<vmem>>, vector<16xf32>,
    tpu.vector_store %arg10[%swap3A_1022, %swap3A_1023], %get3A_17 {strides = array<i32>} : memref<128x64xf32, #tpu.memory_space<vmem>>, vector<16xf32>,
    %swap3A_1025 = arith.constant 64 : i32
    %swap3A_1026 = arith.index_cast %swap3A_1025 : i32 to index
    %swap3A_1027 = arith.constant 0 : index
    %swap3A_1028 = tpu.vector_load %arg10[%swap3A_1026, %swap3A_1027] {strides = array<i32>} : memref<128x64xf32, #tpu.memory_space<vmem>>, vector<16xf32>,
    tpu.vector_store %arg10[%swap3A_1026, %swap3A_1027], %get3A_5 {strides = array<i32>} : memref<128x64xf32, #tpu.memory_space<vmem>>, vector<16xf32>,
    %swap3A_1029 = arith.constant 64 : i32
    %swap3A_1030 = arith.index_cast %swap3A_1029 : i32 to index
    %swap3A_1031 = arith.constant 16 : index
    %swap3A_1032 = tpu.vector_load %arg10[%swap3A_1030, %swap3A_1031] {strides = array<i32>} : memref<128x64xf32, #tpu.memory_space<vmem>>, vector<16xf32>,
    tpu.vector_store %arg10[%swap3A_1030, %swap3A_1031], %get3A_9 {strides = array<i32>} : memref<128x64xf32, #tpu.memory_space<vmem>>, vector<16xf32>,
    %swap3A_1033 = arith.constant 64 : i32
    %swap3A_1034 = arith.index_cast %swap3A_1033 : i32 to index
    %swap3A_1035 = arith.constant 32 : index
    %swap3A_1036 = tpu.vector_load %arg10[%swap3A_1034, %swap3A_1035] {strides = array<i32>} : memref<128x64xf32, #tpu.memory_space<vmem>>, vector<16xf32>,
    tpu.vector_store %arg10[%swap3A_1034, %swap3A_1035], %get3A_13 {strides = array<i32>} : memref<128x64xf32, #tpu.memory_space<vmem>>, vector<16xf32>,
    %swap3A_1037 = arith.constant 64 : i32
    %swap3A_1038 = arith.index_cast %swap3A_1037 : i32 to index
    %swap3A_1039 = arith.constant 48 : index
    %swap3A_1040 = tpu.vector_load %arg10[%swap3A_1038, %swap3A_1039] {strides = array<i32>} : memref<128x64xf32, #tpu.memory_space<vmem>>, vector<16xf32>,
    tpu.vector_store %arg10[%swap3A_1038, %swap3A_1039], %get3A_17 {strides = array<i32>} : memref<128x64xf32, #tpu.memory_space<vmem>>, vector<16xf32>,
    %swap3A_1041 = arith.constant 65 : i32
    %swap3A_1042 = arith.index_cast %swap3A_1041 : i32 to index
    %swap3A_1043 = arith.constant 0 : index
    %swap3A_1044 = tpu.vector_load %arg10[%swap3A_1042, %swap3A_1043] {strides = array<i32>} : memref<128x64xf32, #tpu.memory_space<vmem>>, vector<16xf32>,
    tpu.vector_store %arg10[%swap3A_1042, %swap3A_1043], %get3A_5 {strides = array<i32>} : memref<128x64xf32, #tpu.memory_space<vmem>>, vector<16xf32>,
    %swap3A_1045 = arith.constant 65 : i32
    %swap3A_1046 = arith.index_cast %swap3A_1045 : i32 to index
    %swap3A_1047 = arith.constant 16 : index
    %swap3A_1048 = tpu.vector_load %arg10[%swap3A_1046, %swap3A_1047] {strides = array<i32>} : memref<128x64xf32, #tpu.memory_space<vmem>>, vector<16xf32>,
    tpu.vector_store %arg10[%swap3A_1046, %swap3A_1047], %get3A_9 {strides = array<i32>} : memref<128x64xf32, #tpu.memory_space<vmem>>, vector<16xf32>,
    %swap3A_1049 = arith.constant 65 : i32
    %swap3A_1050 = arith.index_cast %swap3A_1049 : i32 to index
    %swap3A_1051 = arith.constant 32 : index
    %swap3A_1052 = tpu.vector_load %arg10[%swap3A_1050, %swap3A_1051] {strides = array<i32>} : memref<128x64xf32, #tpu.memory_space<vmem>>, vector<16xf32>,
    tpu.vector_store %arg10[%swap3A_1050, %swap3A_1051], %get3A_13 {strides = array<i32>} : memref<128x64xf32, #tpu.memory_space<vmem>>, vector<16xf32>,
    %swap3A_1053 = arith.constant 65 : i32
    %swap3A_1054 = arith.index_cast %swap3A_1053 : i32 to index
    %swap3A_1055 = arith.constant 48 : index
    %swap3A_1056 = tpu.vector_load %arg10[%swap3A_1054, %swap3A_1055] {strides = array<i32>} : memref<128x64xf32, #tpu.memory_space<vmem>>, vector<16xf32>,
    tpu.vector_store %arg10[%swap3A_1054, %swap3A_1055], %get3A_17 {strides = array<i32>} : memref<128x64xf32, #tpu.memory_space<vmem>>, vector<16xf32>,
    %swap3A_1057 = arith.constant 66 : i32
    %swap3A_1058 = arith.index_cast %swap3A_1057 : i32 to index
    %swap3A_1059 = arith.constant 0 : index
    %swap3A_1060 = tpu.vector_load %arg10[%swap3A_1058, %swap3A_1059] {strides = array<i32>} : memref<128x64xf32, #tpu.memory_space<vmem>>, vector<16xf32>,
    tpu.vector_store %arg10[%swap3A_1058, %swap3A_1059], %get3A_5 {strides = array<i32>} : memref<128x64xf32, #tpu.memory_space<vmem>>, vector<16xf32>,
    %swap3A_1061 = arith.constant 66 : i32
    %swap3A_1062 = arith.index_cast %swap3A_1061 : i32 to index
    %swap3A_1063 = arith.constant 16 : index
    %swap3A_1064 = tpu.vector_load %arg10[%swap3A_1062, %swap3A_1063] {strides = array<i32>} : memref<128x64xf32, #tpu.memory_space<vmem>>, vector<16xf32>,
    tpu.vector_store %arg10[%swap3A_1062, %swap3A_1063], %get3A_9 {strides = array<i32>} : memref<128x64xf32, #tpu.memory_space<vmem>>, vector<16xf32>,
    %swap3A_1065 = arith.constant 66 : i32
    %swap3A_1066 = arith.index_cast %swap3A_1065 : i32 to index
    %swap3A_1067 = arith.constant 32 : index
    %swap3A_1068 = tpu.vector_load %arg10[%swap3A_1066, %swap3A_1067] {strides = array<i32>} : memref<128x64xf32, #tpu.memory_space<vmem>>, vector<16xf32>,
    tpu.vector_store %arg10[%swap3A_1066, %swap3A_1067], %get3A_13 {strides = array<i32>} : memref<128x64xf32, #tpu.memory_space<vmem>>, vector<16xf32>,
    %swap3A_1069 = arith.constant 66 : i32
    %swap3A_1070 = arith.index_cast %swap3A_1069 : i32 to index
    %swap3A_1071 = arith.constant 48 : index
    %swap3A_1072 = tpu.vector_load %arg10[%swap3A_1070, %swap3A_1071] {strides = array<i32>} : memref<128x64xf32, #tpu.memory_space<vmem>>, vector<16xf32>,
    tpu.vector_store %arg10[%swap3A_1070, %swap3A_1071], %get3A_17 {strides = array<i32>} : memref<128x64xf32, #tpu.memory_space<vmem>>, vector<16xf32>,
    %swap3A_1073 = arith.constant 67 : i32
    %swap3A_1074 = arith.index_cast %swap3A_1073 : i32 to index
    %swap3A_1075 = arith.constant 0 : index
    %swap3A_1076 = tpu.vector_load %arg10[%swap3A_1074, %swap3A_1075] {strides = array<i32>} : memref<128x64xf32, #tpu.memory_space<vmem>>, vector<16xf32>,
    tpu.vector_store %arg10[%swap3A_1074, %swap3A_1075], %get3A_5 {strides = array<i32>} : memref<128x64xf32, #tpu.memory_space<vmem>>, vector<16xf32>,
    %swap3A_1077 = arith.constant 67 : i32
    %swap3A_1078 = arith.index_cast %swap3A_1077 : i32 to index
    %swap3A_1079 = arith.constant 16 : index
    %swap3A_1080 = tpu.vector_load %arg10[%swap3A_1078, %swap3A_1079] {strides = array<i32>} : memref<128x64xf32, #tpu.memory_space<vmem>>, vector<16xf32>,
    tpu.vector_store %arg10[%swap3A_1078, %swap3A_1079], %get3A_9 {strides = array<i32>} : memref<128x64xf32, #tpu.memory_space<vmem>>, vector<16xf32>,
    %swap3A_1081 = arith.constant 67 : i32
    %swap3A_1082 = arith.index_cast %swap3A_1081 : i32 to index
    %swap3A_1083 = arith.constant 32 : index
    %swap3A_1084 = tpu.vector_load %arg10[%swap3A_1082, %swap3A_1083] {strides = array<i32>} : memref<128x64xf32, #tpu.memory_space<vmem>>, vector<16xf32>,
    tpu.vector_store %arg10[%swap3A_1082, %swap3A_1083], %get3A_13 {strides = array<i32>} : memref<128x64xf32, #tpu.memory_space<vmem>>, vector<16xf32>,
    %swap3A_1085 = arith.constant 67 : i32
    %swap3A_1086 = arith.index_cast %swap3A_1085 : i32 to index
    %swap3A_1087 = arith.constant 48 : index
    %swap3A_1088 = tpu.vector_load %arg10[%swap3A_1086, %swap3A_1087] {strides = array<i32>} : memref<128x64xf32, #tpu.memory_space<vmem>>, vector<16xf32>,
    tpu.vector_store %arg10[%swap3A_1086, %swap3A_1087], %get3A_17 {strides = array<i32>} : memref<128x64xf32, #tpu.memory_space<vmem>>, vector<16xf32>,
    %swap3A_1089 = arith.constant 68 : i32
    %swap3A_1090 = arith.index_cast %swap3A_1089 : i32 to index
    %swap3A_1091 = arith.constant 0 : index
    %swap3A_1092 = tpu.vector_load %arg10[%swap3A_1090, %swap3A_1091] {strides = array<i32>} : memref<128x64xf32, #tpu.memory_space<vmem>>, vector<16xf32>,
    tpu.vector_store %arg10[%swap3A_1090, %swap3A_1091], %get3A_5 {strides = array<i32>} : memref<128x64xf32, #tpu.memory_space<vmem>>, vector<16xf32>,
    %swap3A_1093 = arith.constant 68 : i32
    %swap3A_1094 = arith.index_cast %swap3A_1093 : i32 to index
    %swap3A_1095 = arith.constant 16 : index
    %swap3A_1096 = tpu.vector_load %arg10[%swap3A_1094, %swap3A_1095] {strides = array<i32>} : memref<128x64xf32, #tpu.memory_space<vmem>>, vector<16xf32>,
    tpu.vector_store %arg10[%swap3A_1094, %swap3A_1095], %get3A_9 {strides = array<i32>} : memref<128x64xf32, #tpu.memory_space<vmem>>, vector<16xf32>,
    %swap3A_1097 = arith.constant 68 : i32
    %swap3A_1098 = arith.index_cast %swap3A_1097 : i32 to index
    %swap3A_1099 = arith.constant 32 : index
    %swap3A_1100 = tpu.vector_load %arg10[%swap3A_1098, %swap3A_1099] {strides = array<i32>} : memref<128x64xf32, #tpu.memory_space<vmem>>, vector<16xf32>,
    tpu.vector_store %arg10[%swap3A_1098, %swap3A_1099], %get3A_13 {strides = array<i32>} : memref<128x64xf32, #tpu.memory_space<vmem>>, vector<16xf32>,
    %swap3A_1101 = arith.constant 68 : i32
    %swap3A_1102 = arith.index_cast %swap3A_1101 : i32 to index
    %swap3A_1103 = arith.constant 48 : index
    %swap3A_1104 = tpu.vector_load %arg10[%swap3A_1102, %swap3A_1103] {strides = array<i32>} : memref<128x64xf32, #tpu.memory_space<vmem>>, vector<16xf32>,
    tpu.vector_store %arg10[%swap3A_1102, %swap3A_1103], %get3A_17 {strides = array<i32>} : memref<128x64xf32, #tpu.memory_space<vmem>>, vector<16xf32>,
    %swap3A_1105 = arith.constant 69 : i32
    %swap3A_1106 = arith.index_cast %swap3A_1105 : i32 to index
    %swap3A_1107 = arith.constant 0 : index
    %swap3A_1108 = tpu.vector_load %arg10[%swap3A_1106, %swap3A_1107] {strides = array<i32>} : memref<128x64xf32, #tpu.memory_space<vmem>>, vector<16xf32>,
    tpu.vector_store %arg10[%swap3A_1106, %swap3A_1107], %get3A_5 {strides = array<i32>} : memref<128x64xf32, #tpu.memory_space<vmem>>, vector<16xf32>,
    %swap3A_1109 = arith.constant 69 : i32
    %swap3A_1110 = arith.index_cast %swap3A_1109 : i32 to index
    %swap3A_1111 = arith.constant 16 : index
    %swap3A_1112 = tpu.vector_load %arg10[%swap3A_1110, %swap3A_1111] {strides = array<i32>} : memref<128x64xf32, #tpu.memory_space<vmem>>, vector<16xf32>,
    tpu.vector_store %arg10[%swap3A_1110, %swap3A_1111], %get3A_9 {strides = array<i32>} : memref<128x64xf32, #tpu.memory_space<vmem>>, vector<16xf32>,
    %swap3A_1113 = arith.constant 69 : i32
    %swap3A_1114 = arith.index_cast %swap3A_1113 : i32 to index
    %swap3A_1115 = arith.constant 32 : index
    %swap3A_1116 = tpu.vector_load %arg10[%swap3A_1114, %swap3A_1115] {strides = array<i32>} : memref<128x64xf32, #tpu.memory_space<vmem>>, vector<16xf32>,
    tpu.vector_store %arg10[%swap3A_1114, %swap3A_1115], %get3A_13 {strides = array<i32>} : memref<128x64xf32, #tpu.memory_space<vmem>>, vector<16xf32>,
    %swap3A_1117 = arith.constant 69 : i32
    %swap3A_1118 = arith.index_cast %swap3A_1117 : i32 to index
    %swap3A_1119 = arith.constant 48 : index
    %swap3A_1120 = tpu.vector_load %arg10[%swap3A_1118, %swap3A_1119] {strides = array<i32>} : memref<128x64xf32, #tpu.memory_space<vmem>>, vector<16xf32>,
    tpu.vector_store %arg10[%swap3A_1118, %swap3A_1119], %get3A_17 {strides = array<i32>} : memref<128x64xf32, #tpu.memory_space<vmem>>, vector<16xf32>,
    %swap3A_1121 = arith.constant 70 : i32
    %swap3A_1122 = arith.index_cast %swap3A_1121 : i32 to index
    %swap3A_1123 = arith.constant 0 : index
    %swap3A_1124 = tpu.vector_load %arg10[%swap3A_1122, %swap3A_1123] {strides = array<i32>} : memref<128x64xf32, #tpu.memory_space<vmem>>, vector<16xf32>,
    tpu.vector_store %arg10[%swap3A_1122, %swap3A_1123], %get3A_5 {strides = array<i32>} : memref<128x64xf32, #tpu.memory_space<vmem>>, vector<16xf32>,
    %swap3A_1125 = arith.constant 70 : i32
    %swap3A_1126 = arith.index_cast %swap3A_1125 : i32 to index
    %swap3A_1127 = arith.constant 16 : index
    %swap3A_1128 = tpu.vector_load %arg10[%swap3A_1126, %swap3A_1127] {strides = array<i32>} : memref<128x64xf32, #tpu.memory_space<vmem>>, vector<16xf32>,
    tpu.vector_store %arg10[%swap3A_1126, %swap3A_1127], %get3A_9 {strides = array<i32>} : memref<128x64xf32, #tpu.memory_space<vmem>>, vector<16xf32>,
    %swap3A_1129 = arith.constant 70 : i32
    %swap3A_1130 = arith.index_cast %swap3A_1129 : i32 to index
    %swap3A_1131 = arith.constant 32 : index
    %swap3A_1132 = tpu.vector_load %arg10[%swap3A_1130, %swap3A_1131] {strides = array<i32>} : memref<128x64xf32, #tpu.memory_space<vmem>>, vector<16xf32>,
    tpu.vector_store %arg10[%swap3A_1130, %swap3A_1131], %get3A_13 {strides = array<i32>} : memref<128x64xf32, #tpu.memory_space<vmem>>, vector<16xf32>,
    %swap3A_1133 = arith.constant 70 : i32
    %swap3A_1134 = arith.index_cast %swap3A_1133 : i32 to index
    %swap3A_1135 = arith.constant 48 : index
    %swap3A_1136 = tpu.vector_load %arg10[%swap3A_1134, %swap3A_1135] {strides = array<i32>} : memref<128x64xf32, #tpu.memory_space<vmem>>, vector<16xf32>,
    tpu.vector_store %arg10[%swap3A_1134, %swap3A_1135], %get3A_17 {strides = array<i32>} : memref<128x64xf32, #tpu.memory_space<vmem>>, vector<16xf32>,
    %swap3A_1137 = arith.constant 71 : i32
    %swap3A_1138 = arith.index_cast %swap3A_1137 : i32 to index
    %swap3A_1139 = arith.constant 0 : index
    %swap3A_1140 = tpu.vector_load %arg10[%swap3A_1138, %swap3A_1139] {strides = array<i32>} : memref<128x64xf32, #tpu.memory_space<vmem>>, vector<16xf32>,
    tpu.vector_store %arg10[%swap3A_1138, %swap3A_1139], %get3A_5 {strides = array<i32>} : memref<128x64xf32, #tpu.memory_space<vmem>>, vector<16xf32>,
    %swap3A_1141 = arith.constant 71 : i32
    %swap3A_1142 = arith.index_cast %swap3A_1141 : i32 to index
    %swap3A_1143 = arith.constant 16 : index
    %swap3A_1144 = tpu.vector_load %arg10[%swap3A_1142, %swap3A_1143] {strides = array<i32>} : memref<128x64xf32, #tpu.memory_space<vmem>>, vector<16xf32>,
    tpu.vector_store %arg10[%swap3A_1142, %swap3A_1143], %get3A_9 {strides = array<i32>} : memref<128x64xf32, #tpu.memory_space<vmem>>, vector<16xf32>,
    %swap3A_1145 = arith.constant 71 : i32
    %swap3A_1146 = arith.index_cast %swap3A_1145 : i32 to index
    %swap3A_1147 = arith.constant 32 : index
    %swap3A_1148 = tpu.vector_load %arg10[%swap3A_1146, %swap3A_1147] {strides = array<i32>} : memref<128x64xf32, #tpu.memory_space<vmem>>, vector<16xf32>,
    tpu.vector_store %arg10[%swap3A_1146, %swap3A_1147], %get3A_13 {strides = array<i32>} : memref<128x64xf32, #tpu.memory_space<vmem>>, vector<16xf32>,
    %swap3A_1149 = arith.constant 71 : i32
    %swap3A_1150 = arith.index_cast %swap3A_1149 : i32 to index
    %swap3A_1151 = arith.constant 48 : index
    %swap3A_1152 = tpu.vector_load %arg10[%swap3A_1150, %swap3A_1151] {strides = array<i32>} : memref<128x64xf32, #tpu.memory_space<vmem>>, vector<16xf32>,
    tpu.vector_store %arg10[%swap3A_1150, %swap3A_1151], %get3A_17 {strides = array<i32>} : memref<128x64xf32, #tpu.memory_space<vmem>>, vector<16xf32>,
    %swap3A_1153 = arith.constant 72 : i32
    %swap3A_1154 = arith.index_cast %swap3A_1153 : i32 to index
    %swap3A_1155 = arith.constant 0 : index
    %swap3A_1156 = tpu.vector_load %arg10[%swap3A_1154, %swap3A_1155] {strides = array<i32>} : memref<128x64xf32, #tpu.memory_space<vmem>>, vector<16xf32>,
    tpu.vector_store %arg10[%swap3A_1154, %swap3A_1155], %get3A_5 {strides = array<i32>} : memref<128x64xf32, #tpu.memory_space<vmem>>, vector<16xf32>,
    %swap3A_1157 = arith.constant 72 : i32
    %swap3A_1158 = arith.index_cast %swap3A_1157 : i32 to index
    %swap3A_1159 = arith.constant 16 : index
    %swap3A_1160 = tpu.vector_load %arg10[%swap3A_1158, %swap3A_1159] {strides = array<i32>} : memref<128x64xf32, #tpu.memory_space<vmem>>, vector<16xf32>,
    tpu.vector_store %arg10[%swap3A_1158, %swap3A_1159], %get3A_9 {strides = array<i32>} : memref<128x64xf32, #tpu.memory_space<vmem>>, vector<16xf32>,
    %swap3A_1161 = arith.constant 72 : i32
    %swap3A_1162 = arith.index_cast %swap3A_1161 : i32 to index
    %swap3A_1163 = arith.constant 32 : index
    %swap3A_1164 = tpu.vector_load %arg10[%swap3A_1162, %swap3A_1163] {strides = array<i32>} : memref<128x64xf32, #tpu.memory_space<vmem>>, vector<16xf32>,
    tpu.vector_store %arg10[%swap3A_1162, %swap3A_1163], %get3A_13 {strides = array<i32>} : memref<128x64xf32, #tpu.memory_space<vmem>>, vector<16xf32>,
    %swap3A_1165 = arith.constant 72 : i32
    %swap3A_1166 = arith.index_cast %swap3A_1165 : i32 to index
    %swap3A_1167 = arith.constant 48 : index
    %swap3A_1168 = tpu.vector_load %arg10[%swap3A_1166, %swap3A_1167] {strides = array<i32>} : memref<128x64xf32, #tpu.memory_space<vmem>>, vector<16xf32>,
    tpu.vector_store %arg10[%swap3A_1166, %swap3A_1167], %get3A_17 {strides = array<i32>} : memref<128x64xf32, #tpu.memory_space<vmem>>, vector<16xf32>,
    %swap3A_1169 = arith.constant 73 : i32
    %swap3A_1170 = arith.index_cast %swap3A_1169 : i32 to index
    %swap3A_1171 = arith.constant 0 : index
    %swap3A_1172 = tpu.vector_load %arg10[%swap3A_1170, %swap3A_1171] {strides = array<i32>} : memref<128x64xf32, #tpu.memory_space<vmem>>, vector<16xf32>,
    tpu.vector_store %arg10[%swap3A_1170, %swap3A_1171], %get3A_5 {strides = array<i32>} : memref<128x64xf32, #tpu.memory_space<vmem>>, vector<16xf32>,
    %swap3A_1173 = arith.constant 73 : i32
    %swap3A_1174 = arith.index_cast %swap3A_1173 : i32 to index
    %swap3A_1175 = arith.constant 16 : index
    %swap3A_1176 = tpu.vector_load %arg10[%swap3A_1174, %swap3A_1175] {strides = array<i32>} : memref<128x64xf32, #tpu.memory_space<vmem>>, vector<16xf32>,
    tpu.vector_store %arg10[%swap3A_1174, %swap3A_1175], %get3A_9 {strides = array<i32>} : memref<128x64xf32, #tpu.memory_space<vmem>>, vector<16xf32>,
    %swap3A_1177 = arith.constant 73 : i32
    %swap3A_1178 = arith.index_cast %swap3A_1177 : i32 to index
    %swap3A_1179 = arith.constant 32 : index
    %swap3A_1180 = tpu.vector_load %arg10[%swap3A_1178, %swap3A_1179] {strides = array<i32>} : memref<128x64xf32, #tpu.memory_space<vmem>>, vector<16xf32>,
    tpu.vector_store %arg10[%swap3A_1178, %swap3A_1179], %get3A_13 {strides = array<i32>} : memref<128x64xf32, #tpu.memory_space<vmem>>, vector<16xf32>,
    %swap3A_1181 = arith.constant 73 : i32
    %swap3A_1182 = arith.index_cast %swap3A_1181 : i32 to index
    %swap3A_1183 = arith.constant 48 : index
    %swap3A_1184 = tpu.vector_load %arg10[%swap3A_1182, %swap3A_1183] {strides = array<i32>} : memref<128x64xf32, #tpu.memory_space<vmem>>, vector<16xf32>,
    tpu.vector_store %arg10[%swap3A_1182, %swap3A_1183], %get3A_17 {strides = array<i32>} : memref<128x64xf32, #tpu.memory_space<vmem>>, vector<16xf32>,
    %swap3A_1185 = arith.constant 74 : i32
    %swap3A_1186 = arith.index_cast %swap3A_1185 : i32 to index
    %swap3A_1187 = arith.constant 0 : index
    %swap3A_1188 = tpu.vector_load %arg10[%swap3A_1186, %swap3A_1187] {strides = array<i32>} : memref<128x64xf32, #tpu.memory_space<vmem>>, vector<16xf32>,
    tpu.vector_store %arg10[%swap3A_1186, %swap3A_1187], %get3A_5 {strides = array<i32>} : memref<128x64xf32, #tpu.memory_space<vmem>>, vector<16xf32>,
    %swap3A_1189 = arith.constant 74 : i32
    %swap3A_1190 = arith.index_cast %swap3A_1189 : i32 to index
    %swap3A_1191 = arith.constant 16 : index
    %swap3A_1192 = tpu.vector_load %arg10[%swap3A_1190, %swap3A_1191] {strides = array<i32>} : memref<128x64xf32, #tpu.memory_space<vmem>>, vector<16xf32>,
    tpu.vector_store %arg10[%swap3A_1190, %swap3A_1191], %get3A_9 {strides = array<i32>} : memref<128x64xf32, #tpu.memory_space<vmem>>, vector<16xf32>,
    %swap3A_1193 = arith.constant 74 : i32
    %swap3A_1194 = arith.index_cast %swap3A_1193 : i32 to index
    %swap3A_1195 = arith.constant 32 : index
    %swap3A_1196 = tpu.vector_load %arg10[%swap3A_1194, %swap3A_1195] {strides = array<i32>} : memref<128x64xf32, #tpu.memory_space<vmem>>, vector<16xf32>,
    tpu.vector_store %arg10[%swap3A_1194, %swap3A_1195], %get3A_13 {strides = array<i32>} : memref<128x64xf32, #tpu.memory_space<vmem>>, vector<16xf32>,
    %swap3A_1197 = arith.constant 74 : i32
    %swap3A_1198 = arith.index_cast %swap3A_1197 : i32 to index
    %swap3A_1199 = arith.constant 48 : index
    %swap3A_1200 = tpu.vector_load %arg10[%swap3A_1198, %swap3A_1199] {strides = array<i32>} : memref<128x64xf32, #tpu.memory_space<vmem>>, vector<16xf32>,
    tpu.vector_store %arg10[%swap3A_1198, %swap3A_1199], %get3A_17 {strides = array<i32>} : memref<128x64xf32, #tpu.memory_space<vmem>>, vector<16xf32>,
    %swap3A_1201 = arith.constant 75 : i32
    %swap3A_1202 = arith.index_cast %swap3A_1201 : i32 to index
    %swap3A_1203 = arith.constant 0 : index
    %swap3A_1204 = tpu.vector_load %arg10[%swap3A_1202, %swap3A_1203] {strides = array<i32>} : memref<128x64xf32, #tpu.memory_space<vmem>>, vector<16xf32>,
    tpu.vector_store %arg10[%swap3A_1202, %swap3A_1203], %get3A_5 {strides = array<i32>} : memref<128x64xf32, #tpu.memory_space<vmem>>, vector<16xf32>,
    %swap3A_1205 = arith.constant 75 : i32
    %swap3A_1206 = arith.index_cast %swap3A_1205 : i32 to index
    %swap3A_1207 = arith.constant 16 : index
    %swap3A_1208 = tpu.vector_load %arg10[%swap3A_1206, %swap3A_1207] {strides = array<i32>} : memref<128x64xf32, #tpu.memory_space<vmem>>, vector<16xf32>,
    tpu.vector_store %arg10[%swap3A_1206, %swap3A_1207], %get3A_9 {strides = array<i32>} : memref<128x64xf32, #tpu.memory_space<vmem>>, vector<16xf32>,
    %swap3A_1209 = arith.constant 75 : i32
    %swap3A_1210 = arith.index_cast %swap3A_1209 : i32 to index
    %swap3A_1211 = arith.constant 32 : index
    %swap3A_1212 = tpu.vector_load %arg10[%swap3A_1210, %swap3A_1211] {strides = array<i32>} : memref<128x64xf32, #tpu.memory_space<vmem>>, vector<16xf32>,
    tpu.vector_store %arg10[%swap3A_1210, %swap3A_1211], %get3A_13 {strides = array<i32>} : memref<128x64xf32, #tpu.memory_space<vmem>>, vector<16xf32>,
    %swap3A_1213 = arith.constant 75 : i32
    %swap3A_1214 = arith.index_cast %swap3A_1213 : i32 to index
    %swap3A_1215 = arith.constant 48 : index
    %swap3A_1216 = tpu.vector_load %arg10[%swap3A_1214, %swap3A_1215] {strides = array<i32>} : memref<128x64xf32, #tpu.memory_space<vmem>>, vector<16xf32>,
    tpu.vector_store %arg10[%swap3A_1214, %swap3A_1215], %get3A_17 {strides = array<i32>} : memref<128x64xf32, #tpu.memory_space<vmem>>, vector<16xf32>,
    %swap3A_1217 = arith.constant 76 : i32
    %swap3A_1218 = arith.index_cast %swap3A_1217 : i32 to index
    %swap3A_1219 = arith.constant 0 : index
    %swap3A_1220 = tpu.vector_load %arg10[%swap3A_1218, %swap3A_1219] {strides = array<i32>} : memref<128x64xf32, #tpu.memory_space<vmem>>, vector<16xf32>,
    tpu.vector_store %arg10[%swap3A_1218, %swap3A_1219], %get3A_5 {strides = array<i32>} : memref<128x64xf32, #tpu.memory_space<vmem>>, vector<16xf32>,
    %swap3A_1221 = arith.constant 76 : i32
    %swap3A_1222 = arith.index_cast %swap3A_1221 : i32 to index
    %swap3A_1223 = arith.constant 16 : index
    %swap3A_1224 = tpu.vector_load %arg10[%swap3A_1222, %swap3A_1223] {strides = array<i32>} : memref<128x64xf32, #tpu.memory_space<vmem>>, vector<16xf32>,
    tpu.vector_store %arg10[%swap3A_1222, %swap3A_1223], %get3A_9 {strides = array<i32>} : memref<128x64xf32, #tpu.memory_space<vmem>>, vector<16xf32>,
    %swap3A_1225 = arith.constant 76 : i32
    %swap3A_1226 = arith.index_cast %swap3A_1225 : i32 to index
    %swap3A_1227 = arith.constant 32 : index
    %swap3A_1228 = tpu.vector_load %arg10[%swap3A_1226, %swap3A_1227] {strides = array<i32>} : memref<128x64xf32, #tpu.memory_space<vmem>>, vector<16xf32>,
    tpu.vector_store %arg10[%swap3A_1226, %swap3A_1227], %get3A_13 {strides = array<i32>} : memref<128x64xf32, #tpu.memory_space<vmem>>, vector<16xf32>,
    %swap3A_1229 = arith.constant 76 : i32
    %swap3A_1230 = arith.index_cast %swap3A_1229 : i32 to index
    %swap3A_1231 = arith.constant 48 : index
    %swap3A_1232 = tpu.vector_load %arg10[%swap3A_1230, %swap3A_1231] {strides = array<i32>} : memref<128x64xf32, #tpu.memory_space<vmem>>, vector<16xf32>,
    tpu.vector_store %arg10[%swap3A_1230, %swap3A_1231], %get3A_17 {strides = array<i32>} : memref<128x64xf32, #tpu.memory_space<vmem>>, vector<16xf32>,
    %swap3A_1233 = arith.constant 77 : i32
    %swap3A_1234 = arith.index_cast %swap3A_1233 : i32 to index
    %swap3A_1235 = arith.constant 0 : index
    %swap3A_1236 = tpu.vector_load %arg10[%swap3A_1234, %swap3A_1235] {strides = array<i32>} : memref<128x64xf32, #tpu.memory_space<vmem>>, vector<16xf32>,
    tpu.vector_store %arg10[%swap3A_1234, %swap3A_1235], %get3A_5 {strides = array<i32>} : memref<128x64xf32, #tpu.memory_space<vmem>>, vector<16xf32>,
    %swap3A_1237 = arith.constant 77 : i32
    %swap3A_1238 = arith.index_cast %swap3A_1237 : i32 to index
    %swap3A_1239 = arith.constant 16 : index
    %swap3A_1240 = tpu.vector_load %arg10[%swap3A_1238, %swap3A_1239] {strides = array<i32>} : memref<128x64xf32, #tpu.memory_space<vmem>>, vector<16xf32>,
    tpu.vector_store %arg10[%swap3A_1238, %swap3A_1239], %get3A_9 {strides = array<i32>} : memref<128x64xf32, #tpu.memory_space<vmem>>, vector<16xf32>,
    %swap3A_1241 = arith.constant 77 : i32
    %swap3A_1242 = arith.index_cast %swap3A_1241 : i32 to index
    %swap3A_1243 = arith.constant 32 : index
    %swap3A_1244 = tpu.vector_load %arg10[%swap3A_1242, %swap3A_1243] {strides = array<i32>} : memref<128x64xf32, #tpu.memory_space<vmem>>, vector<16xf32>,
    tpu.vector_store %arg10[%swap3A_1242, %swap3A_1243], %get3A_13 {strides = array<i32>} : memref<128x64xf32, #tpu.memory_space<vmem>>, vector<16xf32>,
    %swap3A_1245 = arith.constant 77 : i32
    %swap3A_1246 = arith.index_cast %swap3A_1245 : i32 to index
    %swap3A_1247 = arith.constant 48 : index
    %swap3A_1248 = tpu.vector_load %arg10[%swap3A_1246, %swap3A_1247] {strides = array<i32>} : memref<128x64xf32, #tpu.memory_space<vmem>>, vector<16xf32>,
    tpu.vector_store %arg10[%swap3A_1246, %swap3A_1247], %get3A_17 {strides = array<i32>} : memref<128x64xf32, #tpu.memory_space<vmem>>, vector<16xf32>,
    %swap3A_1249 = arith.constant 78 : i32
    %swap3A_1250 = arith.index_cast %swap3A_1249 : i32 to index
    %swap3A_1251 = arith.constant 0 : index
    %swap3A_1252 = tpu.vector_load %arg10[%swap3A_1250, %swap3A_1251] {strides = array<i32>} : memref<128x64xf32, #tpu.memory_space<vmem>>, vector<16xf32>,
    tpu.vector_store %arg10[%swap3A_1250, %swap3A_1251], %get3A_5 {strides = array<i32>} : memref<128x64xf32, #tpu.memory_space<vmem>>, vector<16xf32>,
    %swap3A_1253 = arith.constant 78 : i32
    %swap3A_1254 = arith.index_cast %swap3A_1253 : i32 to index
    %swap3A_1255 = arith.constant 16 : index
    %swap3A_1256 = tpu.vector_load %arg10[%swap3A_1254, %swap3A_1255] {strides = array<i32>} : memref<128x64xf32, #tpu.memory_space<vmem>>, vector<16xf32>,
    tpu.vector_store %arg10[%swap3A_1254, %swap3A_1255], %get3A_9 {strides = array<i32>} : memref<128x64xf32, #tpu.memory_space<vmem>>, vector<16xf32>,
    %swap3A_1257 = arith.constant 78 : i32
    %swap3A_1258 = arith.index_cast %swap3A_1257 : i32 to index
    %swap3A_1259 = arith.constant 32 : index
    %swap3A_1260 = tpu.vector_load %arg10[%swap3A_1258, %swap3A_1259] {strides = array<i32>} : memref<128x64xf32, #tpu.memory_space<vmem>>, vector<16xf32>,
    tpu.vector_store %arg10[%swap3A_1258, %swap3A_1259], %get3A_13 {strides = array<i32>} : memref<128x64xf32, #tpu.memory_space<vmem>>, vector<16xf32>,
    %swap3A_1261 = arith.constant 78 : i32
    %swap3A_1262 = arith.index_cast %swap3A_1261 : i32 to index
    %swap3A_1263 = arith.constant 48 : index
    %swap3A_1264 = tpu.vector_load %arg10[%swap3A_1262, %swap3A_1263] {strides = array<i32>} : memref<128x64xf32, #tpu.memory_space<vmem>>, vector<16xf32>,
    tpu.vector_store %arg10[%swap3A_1262, %swap3A_1263], %get3A_17 {strides = array<i32>} : memref<128x64xf32, #tpu.memory_space<vmem>>, vector<16xf32>,
    %swap3A_1265 = arith.constant 79 : i32
    %swap3A_1266 = arith.index_cast %swap3A_1265 : i32 to index
    %swap3A_1267 = arith.constant 0 : index
    %swap3A_1268 = tpu.vector_load %arg10[%swap3A_1266, %swap3A_1267] {strides = array<i32>} : memref<128x64xf32, #tpu.memory_space<vmem>>, vector<16xf32>,
    tpu.vector_store %arg10[%swap3A_1266, %swap3A_1267], %get3A_5 {strides = array<i32>} : memref<128x64xf32, #tpu.memory_space<vmem>>, vector<16xf32>,
    %swap3A_1269 = arith.constant 79 : i32
    %swap3A_1270 = arith.index_cast %swap3A_1269 : i32 to index
    %swap3A_1271 = arith.constant 16 : index
    %swap3A_1272 = tpu.vector_load %arg10[%swap3A_1270, %swap3A_1271] {strides = array<i32>} : memref<128x64xf32, #tpu.memory_space<vmem>>, vector<16xf32>,
    tpu.vector_store %arg10[%swap3A_1270, %swap3A_1271], %get3A_9 {strides = array<i32>} : memref<128x64xf32, #tpu.memory_space<vmem>>, vector<16xf32>,
    %swap3A_1273 = arith.constant 79 : i32
    %swap3A_1274 = arith.index_cast %swap3A_1273 : i32 to index
    %swap3A_1275 = arith.constant 32 : index
    %swap3A_1276 = tpu.vector_load %arg10[%swap3A_1274, %swap3A_1275] {strides = array<i32>} : memref<128x64xf32, #tpu.memory_space<vmem>>, vector<16xf32>,
    tpu.vector_store %arg10[%swap3A_1274, %swap3A_1275], %get3A_13 {strides = array<i32>} : memref<128x64xf32, #tpu.memory_space<vmem>>, vector<16xf32>,
    %swap3A_1277 = arith.constant 79 : i32
    %swap3A_1278 = arith.index_cast %swap3A_1277 : i32 to index
    %swap3A_1279 = arith.constant 48 : index
    %swap3A_1280 = tpu.vector_load %arg10[%swap3A_1278, %swap3A_1279] {strides = array<i32>} : memref<128x64xf32, #tpu.memory_space<vmem>>, vector<16xf32>,
    tpu.vector_store %arg10[%swap3A_1278, %swap3A_1279], %get3A_17 {strides = array<i32>} : memref<128x64xf32, #tpu.memory_space<vmem>>, vector<16xf32>,
    %swap3A_1281 = arith.constant 80 : i32
    %swap3A_1282 = arith.index_cast %swap3A_1281 : i32 to index
    %swap3A_1283 = arith.constant 0 : index
    %swap3A_1284 = tpu.vector_load %arg10[%swap3A_1282, %swap3A_1283] {strides = array<i32>} : memref<128x64xf32, #tpu.memory_space<vmem>>, vector<16xf32>,
    tpu.vector_store %arg10[%swap3A_1282, %swap3A_1283], %get3A_5 {strides = array<i32>} : memref<128x64xf32, #tpu.memory_space<vmem>>, vector<16xf32>,
    %swap3A_1285 = arith.constant 80 : i32
    %swap3A_1286 = arith.index_cast %swap3A_1285 : i32 to index
    %swap3A_1287 = arith.constant 16 : index
    %swap3A_1288 = tpu.vector_load %arg10[%swap3A_1286, %swap3A_1287] {strides = array<i32>} : memref<128x64xf32, #tpu.memory_space<vmem>>, vector<16xf32>,
    tpu.vector_store %arg10[%swap3A_1286, %swap3A_1287], %get3A_9 {strides = array<i32>} : memref<128x64xf32, #tpu.memory_space<vmem>>, vector<16xf32>,
    %swap3A_1289 = arith.constant 80 : i32
    %swap3A_1290 = arith.index_cast %swap3A_1289 : i32 to index
    %swap3A_1291 = arith.constant 32 : index
    %swap3A_1292 = tpu.vector_load %arg10[%swap3A_1290, %swap3A_1291] {strides = array<i32>} : memref<128x64xf32, #tpu.memory_space<vmem>>, vector<16xf32>,
    tpu.vector_store %arg10[%swap3A_1290, %swap3A_1291], %get3A_13 {strides = array<i32>} : memref<128x64xf32, #tpu.memory_space<vmem>>, vector<16xf32>,
    %swap3A_1293 = arith.constant 80 : i32
    %swap3A_1294 = arith.index_cast %swap3A_1293 : i32 to index
    %swap3A_1295 = arith.constant 48 : index
    %swap3A_1296 = tpu.vector_load %arg10[%swap3A_1294, %swap3A_1295] {strides = array<i32>} : memref<128x64xf32, #tpu.memory_space<vmem>>, vector<16xf32>,
    tpu.vector_store %arg10[%swap3A_1294, %swap3A_1295], %get3A_17 {strides = array<i32>} : memref<128x64xf32, #tpu.memory_space<vmem>>, vector<16xf32>,
    %swap3A_1297 = arith.constant 81 : i32
    %swap3A_1298 = arith.index_cast %swap3A_1297 : i32 to index
    %swap3A_1299 = arith.constant 0 : index
    %swap3A_1300 = tpu.vector_load %arg10[%swap3A_1298, %swap3A_1299] {strides = array<i32>} : memref<128x64xf32, #tpu.memory_space<vmem>>, vector<16xf32>,
    tpu.vector_store %arg10[%swap3A_1298, %swap3A_1299], %get3A_5 {strides = array<i32>} : memref<128x64xf32, #tpu.memory_space<vmem>>, vector<16xf32>,
    %swap3A_1301 = arith.constant 81 : i32
    %swap3A_1302 = arith.index_cast %swap3A_1301 : i32 to index
    %swap3A_1303 = arith.constant 16 : index
    %swap3A_1304 = tpu.vector_load %arg10[%swap3A_1302, %swap3A_1303] {strides = array<i32>} : memref<128x64xf32, #tpu.memory_space<vmem>>, vector<16xf32>,
    tpu.vector_store %arg10[%swap3A_1302, %swap3A_1303], %get3A_9 {strides = array<i32>} : memref<128x64xf32, #tpu.memory_space<vmem>>, vector<16xf32>,
    %swap3A_1305 = arith.constant 81 : i32
    %swap3A_1306 = arith.index_cast %swap3A_1305 : i32 to index
    %swap3A_1307 = arith.constant 32 : index
    %swap3A_1308 = tpu.vector_load %arg10[%swap3A_1306, %swap3A_1307] {strides = array<i32>} : memref<128x64xf32, #tpu.memory_space<vmem>>, vector<16xf32>,
    tpu.vector_store %arg10[%swap3A_1306, %swap3A_1307], %get3A_13 {strides = array<i32>} : memref<128x64xf32, #tpu.memory_space<vmem>>, vector<16xf32>,
    %swap3A_1309 = arith.constant 81 : i32
    %swap3A_1310 = arith.index_cast %swap3A_1309 : i32 to index
    %swap3A_1311 = arith.constant 48 : index
    %swap3A_1312 = tpu.vector_load %arg10[%swap3A_1310, %swap3A_1311] {strides = array<i32>} : memref<128x64xf32, #tpu.memory_space<vmem>>, vector<16xf32>,
    tpu.vector_store %arg10[%swap3A_1310, %swap3A_1311], %get3A_17 {strides = array<i32>} : memref<128x64xf32, #tpu.memory_space<vmem>>, vector<16xf32>,
    %swap3A_1313 = arith.constant 82 : i32
    %swap3A_1314 = arith.index_cast %swap3A_1313 : i32 to index
    %swap3A_1315 = arith.constant 0 : index
    %swap3A_1316 = tpu.vector_load %arg10[%swap3A_1314, %swap3A_1315] {strides = array<i32>} : memref<128x64xf32, #tpu.memory_space<vmem>>, vector<16xf32>,
    tpu.vector_store %arg10[%swap3A_1314, %swap3A_1315], %get3A_5 {strides = array<i32>} : memref<128x64xf32, #tpu.memory_space<vmem>>, vector<16xf32>,
    %swap3A_1317 = arith.constant 82 : i32
    %swap3A_1318 = arith.index_cast %swap3A_1317 : i32 to index
    %swap3A_1319 = arith.constant 16 : index
    %swap3A_1320 = tpu.vector_load %arg10[%swap3A_1318, %swap3A_1319] {strides = array<i32>} : memref<128x64xf32, #tpu.memory_space<vmem>>, vector<16xf32>,
    tpu.vector_store %arg10[%swap3A_1318, %swap3A_1319], %get3A_9 {strides = array<i32>} : memref<128x64xf32, #tpu.memory_space<vmem>>, vector<16xf32>,
    %swap3A_1321 = arith.constant 82 : i32
    %swap3A_1322 = arith.index_cast %swap3A_1321 : i32 to index
    %swap3A_1323 = arith.constant 32 : index
    %swap3A_1324 = tpu.vector_load %arg10[%swap3A_1322, %swap3A_1323] {strides = array<i32>} : memref<128x64xf32, #tpu.memory_space<vmem>>, vector<16xf32>,
    tpu.vector_store %arg10[%swap3A_1322, %swap3A_1323], %get3A_13 {strides = array<i32>} : memref<128x64xf32, #tpu.memory_space<vmem>>, vector<16xf32>,
    %swap3A_1325 = arith.constant 82 : i32
    %swap3A_1326 = arith.index_cast %swap3A_1325 : i32 to index
    %swap3A_1327 = arith.constant 48 : index
    %swap3A_1328 = tpu.vector_load %arg10[%swap3A_1326, %swap3A_1327] {strides = array<i32>} : memref<128x64xf32, #tpu.memory_space<vmem>>, vector<16xf32>,
    tpu.vector_store %arg10[%swap3A_1326, %swap3A_1327], %get3A_17 {strides = array<i32>} : memref<128x64xf32, #tpu.memory_space<vmem>>, vector<16xf32>,
    %swap3A_1329 = arith.constant 83 : i32
    %swap3A_1330 = arith.index_cast %swap3A_1329 : i32 to index
    %swap3A_1331 = arith.constant 0 : index
    %swap3A_1332 = tpu.vector_load %arg10[%swap3A_1330, %swap3A_1331] {strides = array<i32>} : memref<128x64xf32, #tpu.memory_space<vmem>>, vector<16xf32>,
    tpu.vector_store %arg10[%swap3A_1330, %swap3A_1331], %get3A_5 {strides = array<i32>} : memref<128x64xf32, #tpu.memory_space<vmem>>, vector<16xf32>,
    %swap3A_1333 = arith.constant 83 : i32
    %swap3A_1334 = arith.index_cast %swap3A_1333 : i32 to index
    %swap3A_1335 = arith.constant 16 : index
    %swap3A_1336 = tpu.vector_load %arg10[%swap3A_1334, %swap3A_1335] {strides = array<i32>} : memref<128x64xf32, #tpu.memory_space<vmem>>, vector<16xf32>,
    tpu.vector_store %arg10[%swap3A_1334, %swap3A_1335], %get3A_9 {strides = array<i32>} : memref<128x64xf32, #tpu.memory_space<vmem>>, vector<16xf32>,
    %swap3A_1337 = arith.constant 83 : i32
    %swap3A_1338 = arith.index_cast %swap3A_1337 : i32 to index
    %swap3A_1339 = arith.constant 32 : index
    %swap3A_1340 = tpu.vector_load %arg10[%swap3A_1338, %swap3A_1339] {strides = array<i32>} : memref<128x64xf32, #tpu.memory_space<vmem>>, vector<16xf32>,
    tpu.vector_store %arg10[%swap3A_1338, %swap3A_1339], %get3A_13 {strides = array<i32>} : memref<128x64xf32, #tpu.memory_space<vmem>>, vector<16xf32>,
    %swap3A_1341 = arith.constant 83 : i32
    %swap3A_1342 = arith.index_cast %swap3A_1341 : i32 to index
    %swap3A_1343 = arith.constant 48 : index
    %swap3A_1344 = tpu.vector_load %arg10[%swap3A_1342, %swap3A_1343] {strides = array<i32>} : memref<128x64xf32, #tpu.memory_space<vmem>>, vector<16xf32>,
    tpu.vector_store %arg10[%swap3A_1342, %swap3A_1343], %get3A_17 {strides = array<i32>} : memref<128x64xf32, #tpu.memory_space<vmem>>, vector<16xf32>,
    %swap3A_1345 = arith.constant 84 : i32
    %swap3A_1346 = arith.index_cast %swap3A_1345 : i32 to index
    %swap3A_1347 = arith.constant 0 : index
    %swap3A_1348 = tpu.vector_load %arg10[%swap3A_1346, %swap3A_1347] {strides = array<i32>} : memref<128x64xf32, #tpu.memory_space<vmem>>, vector<16xf32>,
    tpu.vector_store %arg10[%swap3A_1346, %swap3A_1347], %get3A_5 {strides = array<i32>} : memref<128x64xf32, #tpu.memory_space<vmem>>, vector<16xf32>,
    %swap3A_1349 = arith.constant 84 : i32
    %swap3A_1350 = arith.index_cast %swap3A_1349 : i32 to index
    %swap3A_1351 = arith.constant 16 : index
    %swap3A_1352 = tpu.vector_load %arg10[%swap3A_1350, %swap3A_1351] {strides = array<i32>} : memref<128x64xf32, #tpu.memory_space<vmem>>, vector<16xf32>,
    tpu.vector_store %arg10[%swap3A_1350, %swap3A_1351], %get3A_9 {strides = array<i32>} : memref<128x64xf32, #tpu.memory_space<vmem>>, vector<16xf32>,
    %swap3A_1353 = arith.constant 84 : i32
    %swap3A_1354 = arith.index_cast %swap3A_1353 : i32 to index
    %swap3A_1355 = arith.constant 32 : index
    %swap3A_1356 = tpu.vector_load %arg10[%swap3A_1354, %swap3A_1355] {strides = array<i32>} : memref<128x64xf32, #tpu.memory_space<vmem>>, vector<16xf32>,
    tpu.vector_store %arg10[%swap3A_1354, %swap3A_1355], %get3A_13 {strides = array<i32>} : memref<128x64xf32, #tpu.memory_space<vmem>>, vector<16xf32>,
    %swap3A_1357 = arith.constant 84 : i32
    %swap3A_1358 = arith.index_cast %swap3A_1357 : i32 to index
    %swap3A_1359 = arith.constant 48 : index
    %swap3A_1360 = tpu.vector_load %arg10[%swap3A_1358, %swap3A_1359] {strides = array<i32>} : memref<128x64xf32, #tpu.memory_space<vmem>>, vector<16xf32>,
    tpu.vector_store %arg10[%swap3A_1358, %swap3A_1359], %get3A_17 {strides = array<i32>} : memref<128x64xf32, #tpu.memory_space<vmem>>, vector<16xf32>,
    %swap3A_1361 = arith.constant 85 : i32
    %swap3A_1362 = arith.index_cast %swap3A_1361 : i32 to index
    %swap3A_1363 = arith.constant 0 : index
    %swap3A_1364 = tpu.vector_load %arg10[%swap3A_1362, %swap3A_1363] {strides = array<i32>} : memref<128x64xf32, #tpu.memory_space<vmem>>, vector<16xf32>,
    tpu.vector_store %arg10[%swap3A_1362, %swap3A_1363], %get3A_5 {strides = array<i32>} : memref<128x64xf32, #tpu.memory_space<vmem>>, vector<16xf32>,
    %swap3A_1365 = arith.constant 85 : i32
    %swap3A_1366 = arith.index_cast %swap3A_1365 : i32 to index
    %swap3A_1367 = arith.constant 16 : index
    %swap3A_1368 = tpu.vector_load %arg10[%swap3A_1366, %swap3A_1367] {strides = array<i32>} : memref<128x64xf32, #tpu.memory_space<vmem>>, vector<16xf32>,
    tpu.vector_store %arg10[%swap3A_1366, %swap3A_1367], %get3A_9 {strides = array<i32>} : memref<128x64xf32, #tpu.memory_space<vmem>>, vector<16xf32>,
    %swap3A_1369 = arith.constant 85 : i32
    %swap3A_1370 = arith.index_cast %swap3A_1369 : i32 to index
    %swap3A_1371 = arith.constant 32 : index
    %swap3A_1372 = tpu.vector_load %arg10[%swap3A_1370, %swap3A_1371] {strides = array<i32>} : memref<128x64xf32, #tpu.memory_space<vmem>>, vector<16xf32>,
    tpu.vector_store %arg10[%swap3A_1370, %swap3A_1371], %get3A_13 {strides = array<i32>} : memref<128x64xf32, #tpu.memory_space<vmem>>, vector<16xf32>,
    %swap3A_1373 = arith.constant 85 : i32
    %swap3A_1374 = arith.index_cast %swap3A_1373 : i32 to index
    %swap3A_1375 = arith.constant 48 : index
    %swap3A_1376 = tpu.vector_load %arg10[%swap3A_1374, %swap3A_1375] {strides = array<i32>} : memref<128x64xf32, #tpu.memory_space<vmem>>, vector<16xf32>,
    tpu.vector_store %arg10[%swap3A_1374, %swap3A_1375], %get3A_17 {strides = array<i32>} : memref<128x64xf32, #tpu.memory_space<vmem>>, vector<16xf32>,
    %swap3A_1377 = arith.constant 86 : i32
    %swap3A_1378 = arith.index_cast %swap3A_1377 : i32 to index
    %swap3A_1379 = arith.constant 0 : index
    %swap3A_1380 = tpu.vector_load %arg10[%swap3A_1378, %swap3A_1379] {strides = array<i32>} : memref<128x64xf32, #tpu.memory_space<vmem>>, vector<16xf32>,
    tpu.vector_store %arg10[%swap3A_1378, %swap3A_1379], %get3A_5 {strides = array<i32>} : memref<128x64xf32, #tpu.memory_space<vmem>>, vector<16xf32>,
    %swap3A_1381 = arith.constant 86 : i32
    %swap3A_1382 = arith.index_cast %swap3A_1381 : i32 to index
    %swap3A_1383 = arith.constant 16 : index
    %swap3A_1384 = tpu.vector_load %arg10[%swap3A_1382, %swap3A_1383] {strides = array<i32>} : memref<128x64xf32, #tpu.memory_space<vmem>>, vector<16xf32>,
    tpu.vector_store %arg10[%swap3A_1382, %swap3A_1383], %get3A_9 {strides = array<i32>} : memref<128x64xf32, #tpu.memory_space<vmem>>, vector<16xf32>,
    %swap3A_1385 = arith.constant 86 : i32
    %swap3A_1386 = arith.index_cast %swap3A_1385 : i32 to index
    %swap3A_1387 = arith.constant 32 : index
    %swap3A_1388 = tpu.vector_load %arg10[%swap3A_1386, %swap3A_1387] {strides = array<i32>} : memref<128x64xf32, #tpu.memory_space<vmem>>, vector<16xf32>,
    tpu.vector_store %arg10[%swap3A_1386, %swap3A_1387], %get3A_13 {strides = array<i32>} : memref<128x64xf32, #tpu.memory_space<vmem>>, vector<16xf32>,
    %swap3A_1389 = arith.constant 86 : i32
    %swap3A_1390 = arith.index_cast %swap3A_1389 : i32 to index
    %swap3A_1391 = arith.constant 48 : index
    %swap3A_1392 = tpu.vector_load %arg10[%swap3A_1390, %swap3A_1391] {strides = array<i32>} : memref<128x64xf32, #tpu.memory_space<vmem>>, vector<16xf32>,
    tpu.vector_store %arg10[%swap3A_1390, %swap3A_1391], %get3A_17 {strides = array<i32>} : memref<128x64xf32, #tpu.memory_space<vmem>>, vector<16xf32>,
    %swap3A_1393 = arith.constant 87 : i32
    %swap3A_1394 = arith.index_cast %swap3A_1393 : i32 to index
    %swap3A_1395 = arith.constant 0 : index
    %swap3A_1396 = tpu.vector_load %arg10[%swap3A_1394, %swap3A_1395] {strides = array<i32>} : memref<128x64xf32, #tpu.memory_space<vmem>>, vector<16xf32>,
    tpu.vector_store %arg10[%swap3A_1394, %swap3A_1395], %get3A_5 {strides = array<i32>} : memref<128x64xf32, #tpu.memory_space<vmem>>, vector<16xf32>,
    %swap3A_1397 = arith.constant 87 : i32
    %swap3A_1398 = arith.index_cast %swap3A_1397 : i32 to index
    %swap3A_1399 = arith.constant 16 : index
    %swap3A_1400 = tpu.vector_load %arg10[%swap3A_1398, %swap3A_1399] {strides = array<i32>} : memref<128x64xf32, #tpu.memory_space<vmem>>, vector<16xf32>,
    tpu.vector_store %arg10[%swap3A_1398, %swap3A_1399], %get3A_9 {strides = array<i32>} : memref<128x64xf32, #tpu.memory_space<vmem>>, vector<16xf32>,
    %swap3A_1401 = arith.constant 87 : i32
    %swap3A_1402 = arith.index_cast %swap3A_1401 : i32 to index
    %swap3A_1403 = arith.constant 32 : index
    %swap3A_1404 = tpu.vector_load %arg10[%swap3A_1402, %swap3A_1403] {strides = array<i32>} : memref<128x64xf32, #tpu.memory_space<vmem>>, vector<16xf32>,
    tpu.vector_store %arg10[%swap3A_1402, %swap3A_1403], %get3A_13 {strides = array<i32>} : memref<128x64xf32, #tpu.memory_space<vmem>>, vector<16xf32>,
    %swap3A_1405 = arith.constant 87 : i32
    %swap3A_1406 = arith.index_cast %swap3A_1405 : i32 to index
    %swap3A_1407 = arith.constant 48 : index
    %swap3A_1408 = tpu.vector_load %arg10[%swap3A_1406, %swap3A_1407] {strides = array<i32>} : memref<128x64xf32, #tpu.memory_space<vmem>>, vector<16xf32>,
    tpu.vector_store %arg10[%swap3A_1406, %swap3A_1407], %get3A_17 {strides = array<i32>} : memref<128x64xf32, #tpu.memory_space<vmem>>, vector<16xf32>,
    %swap3A_1409 = arith.constant 88 : i32
    %swap3A_1410 = arith.index_cast %swap3A_1409 : i32 to index
    %swap3A_1411 = arith.constant 0 : index
    %swap3A_1412 = tpu.vector_load %arg10[%swap3A_1410, %swap3A_1411] {strides = array<i32>} : memref<128x64xf32, #tpu.memory_space<vmem>>, vector<16xf32>,
    tpu.vector_store %arg10[%swap3A_1410, %swap3A_1411], %get3A_5 {strides = array<i32>} : memref<128x64xf32, #tpu.memory_space<vmem>>, vector<16xf32>,
    %swap3A_1413 = arith.constant 88 : i32
    %swap3A_1414 = arith.index_cast %swap3A_1413 : i32 to index
    %swap3A_1415 = arith.constant 16 : index
    %swap3A_1416 = tpu.vector_load %arg10[%swap3A_1414, %swap3A_1415] {strides = array<i32>} : memref<128x64xf32, #tpu.memory_space<vmem>>, vector<16xf32>,
    tpu.vector_store %arg10[%swap3A_1414, %swap3A_1415], %get3A_9 {strides = array<i32>} : memref<128x64xf32, #tpu.memory_space<vmem>>, vector<16xf32>,
    %swap3A_1417 = arith.constant 88 : i32
    %swap3A_1418 = arith.index_cast %swap3A_1417 : i32 to index
    %swap3A_1419 = arith.constant 32 : index
    %swap3A_1420 = tpu.vector_load %arg10[%swap3A_1418, %swap3A_1419] {strides = array<i32>} : memref<128x64xf32, #tpu.memory_space<vmem>>, vector<16xf32>,
    tpu.vector_store %arg10[%swap3A_1418, %swap3A_1419], %get3A_13 {strides = array<i32>} : memref<128x64xf32, #tpu.memory_space<vmem>>, vector<16xf32>,
    %swap3A_1421 = arith.constant 88 : i32
    %swap3A_1422 = arith.index_cast %swap3A_1421 : i32 to index
    %swap3A_1423 = arith.constant 48 : index
    %swap3A_1424 = tpu.vector_load %arg10[%swap3A_1422, %swap3A_1423] {strides = array<i32>} : memref<128x64xf32, #tpu.memory_space<vmem>>, vector<16xf32>,
    tpu.vector_store %arg10[%swap3A_1422, %swap3A_1423], %get3A_17 {strides = array<i32>} : memref<128x64xf32, #tpu.memory_space<vmem>>, vector<16xf32>,
    %swap3A_1425 = arith.constant 89 : i32
    %swap3A_1426 = arith.index_cast %swap3A_1425 : i32 to index
    %swap3A_1427 = arith.constant 0 : index
    %swap3A_1428 = tpu.vector_load %arg10[%swap3A_1426, %swap3A_1427] {strides = array<i32>} : memref<128x64xf32, #tpu.memory_space<vmem>>, vector<16xf32>,
    tpu.vector_store %arg10[%swap3A_1426, %swap3A_1427], %get3A_5 {strides = array<i32>} : memref<128x64xf32, #tpu.memory_space<vmem>>, vector<16xf32>,
    %swap3A_1429 = arith.constant 89 : i32
    %swap3A_1430 = arith.index_cast %swap3A_1429 : i32 to index
    %swap3A_1431 = arith.constant 16 : index
    %swap3A_1432 = tpu.vector_load %arg10[%swap3A_1430, %swap3A_1431] {strides = array<i32>} : memref<128x64xf32, #tpu.memory_space<vmem>>, vector<16xf32>,
    tpu.vector_store %arg10[%swap3A_1430, %swap3A_1431], %get3A_9 {strides = array<i32>} : memref<128x64xf32, #tpu.memory_space<vmem>>, vector<16xf32>,
    %swap3A_1433 = arith.constant 89 : i32
    %swap3A_1434 = arith.index_cast %swap3A_1433 : i32 to index
    %swap3A_1435 = arith.constant 32 : index
    %swap3A_1436 = tpu.vector_load %arg10[%swap3A_1434, %swap3A_1435] {strides = array<i32>} : memref<128x64xf32, #tpu.memory_space<vmem>>, vector<16xf32>,
    tpu.vector_store %arg10[%swap3A_1434, %swap3A_1435], %get3A_13 {strides = array<i32>} : memref<128x64xf32, #tpu.memory_space<vmem>>, vector<16xf32>,
    %swap3A_1437 = arith.constant 89 : i32
    %swap3A_1438 = arith.index_cast %swap3A_1437 : i32 to index
    %swap3A_1439 = arith.constant 48 : index
    %swap3A_1440 = tpu.vector_load %arg10[%swap3A_1438, %swap3A_1439] {strides = array<i32>} : memref<128x64xf32, #tpu.memory_space<vmem>>, vector<16xf32>,
    tpu.vector_store %arg10[%swap3A_1438, %swap3A_1439], %get3A_17 {strides = array<i32>} : memref<128x64xf32, #tpu.memory_space<vmem>>, vector<16xf32>,
    %swap3A_1441 = arith.constant 90 : i32
    %swap3A_1442 = arith.index_cast %swap3A_1441 : i32 to index
    %swap3A_1443 = arith.constant 0 : index
    %swap3A_1444 = tpu.vector_load %arg10[%swap3A_1442, %swap3A_1443] {strides = array<i32>} : memref<128x64xf32, #tpu.memory_space<vmem>>, vector<16xf32>,
    tpu.vector_store %arg10[%swap3A_1442, %swap3A_1443], %get3A_5 {strides = array<i32>} : memref<128x64xf32, #tpu.memory_space<vmem>>, vector<16xf32>,
    %swap3A_1445 = arith.constant 90 : i32
    %swap3A_1446 = arith.index_cast %swap3A_1445 : i32 to index
    %swap3A_1447 = arith.constant 16 : index
    %swap3A_1448 = tpu.vector_load %arg10[%swap3A_1446, %swap3A_1447] {strides = array<i32>} : memref<128x64xf32, #tpu.memory_space<vmem>>, vector<16xf32>,
    tpu.vector_store %arg10[%swap3A_1446, %swap3A_1447], %get3A_9 {strides = array<i32>} : memref<128x64xf32, #tpu.memory_space<vmem>>, vector<16xf32>,
    %swap3A_1449 = arith.constant 90 : i32
    %swap3A_1450 = arith.index_cast %swap3A_1449 : i32 to index
    %swap3A_1451 = arith.constant 32 : index
    %swap3A_1452 = tpu.vector_load %arg10[%swap3A_1450, %swap3A_1451] {strides = array<i32>} : memref<128x64xf32, #tpu.memory_space<vmem>>, vector<16xf32>,
    tpu.vector_store %arg10[%swap3A_1450, %swap3A_1451], %get3A_13 {strides = array<i32>} : memref<128x64xf32, #tpu.memory_space<vmem>>, vector<16xf32>,
    %swap3A_1453 = arith.constant 90 : i32
    %swap3A_1454 = arith.index_cast %swap3A_1453 : i32 to index
    %swap3A_1455 = arith.constant 48 : index
    %swap3A_1456 = tpu.vector_load %arg10[%swap3A_1454, %swap3A_1455] {strides = array<i32>} : memref<128x64xf32, #tpu.memory_space<vmem>>, vector<16xf32>,
    tpu.vector_store %arg10[%swap3A_1454, %swap3A_1455], %get3A_17 {strides = array<i32>} : memref<128x64xf32, #tpu.memory_space<vmem>>, vector<16xf32>,
    %swap3A_1457 = arith.constant 91 : i32
    %swap3A_1458 = arith.index_cast %swap3A_1457 : i32 to index
    %swap3A_1459 = arith.constant 0 : index
    %swap3A_1460 = tpu.vector_load %arg10[%swap3A_1458, %swap3A_1459] {strides = array<i32>} : memref<128x64xf32, #tpu.memory_space<vmem>>, vector<16xf32>,
    tpu.vector_store %arg10[%swap3A_1458, %swap3A_1459], %get3A_5 {strides = array<i32>} : memref<128x64xf32, #tpu.memory_space<vmem>>, vector<16xf32>,
    %swap3A_1461 = arith.constant 91 : i32
    %swap3A_1462 = arith.index_cast %swap3A_1461 : i32 to index
    %swap3A_1463 = arith.constant 16 : index
    %swap3A_1464 = tpu.vector_load %arg10[%swap3A_1462, %swap3A_1463] {strides = array<i32>} : memref<128x64xf32, #tpu.memory_space<vmem>>, vector<16xf32>,
    tpu.vector_store %arg10[%swap3A_1462, %swap3A_1463], %get3A_9 {strides = array<i32>} : memref<128x64xf32, #tpu.memory_space<vmem>>, vector<16xf32>,
    %swap3A_1465 = arith.constant 91 : i32
    %swap3A_1466 = arith.index_cast %swap3A_1465 : i32 to index
    %swap3A_1467 = arith.constant 32 : index
    %swap3A_1468 = tpu.vector_load %arg10[%swap3A_1466, %swap3A_1467] {strides = array<i32>} : memref<128x64xf32, #tpu.memory_space<vmem>>, vector<16xf32>,
    tpu.vector_store %arg10[%swap3A_1466, %swap3A_1467], %get3A_13 {strides = array<i32>} : memref<128x64xf32, #tpu.memory_space<vmem>>, vector<16xf32>,
    %swap3A_1469 = arith.constant 91 : i32
    %swap3A_1470 = arith.index_cast %swap3A_1469 : i32 to index
    %swap3A_1471 = arith.constant 48 : index
    %swap3A_1472 = tpu.vector_load %arg10[%swap3A_1470, %swap3A_1471] {strides = array<i32>} : memref<128x64xf32, #tpu.memory_space<vmem>>, vector<16xf32>,
    tpu.vector_store %arg10[%swap3A_1470, %swap3A_1471], %get3A_17 {strides = array<i32>} : memref<128x64xf32, #tpu.memory_space<vmem>>, vector<16xf32>,
    %swap3A_1473 = arith.constant 92 : i32
    %swap3A_1474 = arith.index_cast %swap3A_1473 : i32 to index
    %swap3A_1475 = arith.constant 0 : index
    %swap3A_1476 = tpu.vector_load %arg10[%swap3A_1474, %swap3A_1475] {strides = array<i32>} : memref<128x64xf32, #tpu.memory_space<vmem>>, vector<16xf32>,
    tpu.vector_store %arg10[%swap3A_1474, %swap3A_1475], %get3A_5 {strides = array<i32>} : memref<128x64xf32, #tpu.memory_space<vmem>>, vector<16xf32>,
    %swap3A_1477 = arith.constant 92 : i32
    %swap3A_1478 = arith.index_cast %swap3A_1477 : i32 to index
    %swap3A_1479 = arith.constant 16 : index
    %swap3A_1480 = tpu.vector_load %arg10[%swap3A_1478, %swap3A_1479] {strides = array<i32>} : memref<128x64xf32, #tpu.memory_space<vmem>>, vector<16xf32>,
    tpu.vector_store %arg10[%swap3A_1478, %swap3A_1479], %get3A_9 {strides = array<i32>} : memref<128x64xf32, #tpu.memory_space<vmem>>, vector<16xf32>,
    %swap3A_1481 = arith.constant 92 : i32
    %swap3A_1482 = arith.index_cast %swap3A_1481 : i32 to index
    %swap3A_1483 = arith.constant 32 : index
    %swap3A_1484 = tpu.vector_load %arg10[%swap3A_1482, %swap3A_1483] {strides = array<i32>} : memref<128x64xf32, #tpu.memory_space<vmem>>, vector<16xf32>,
    tpu.vector_store %arg10[%swap3A_1482, %swap3A_1483], %get3A_13 {strides = array<i32>} : memref<128x64xf32, #tpu.memory_space<vmem>>, vector<16xf32>,
    %swap3A_1485 = arith.constant 92 : i32
    %swap3A_1486 = arith.index_cast %swap3A_1485 : i32 to index
    %swap3A_1487 = arith.constant 48 : index
    %swap3A_1488 = tpu.vector_load %arg10[%swap3A_1486, %swap3A_1487] {strides = array<i32>} : memref<128x64xf32, #tpu.memory_space<vmem>>, vector<16xf32>,
    tpu.vector_store %arg10[%swap3A_1486, %swap3A_1487], %get3A_17 {strides = array<i32>} : memref<128x64xf32, #tpu.memory_space<vmem>>, vector<16xf32>,
    %swap3A_1489 = arith.constant 93 : i32
    %swap3A_1490 = arith.index_cast %swap3A_1489 : i32 to index
    %swap3A_1491 = arith.constant 0 : index
    %swap3A_1492 = tpu.vector_load %arg10[%swap3A_1490, %swap3A_1491] {strides = array<i32>} : memref<128x64xf32, #tpu.memory_space<vmem>>, vector<16xf32>,
    tpu.vector_store %arg10[%swap3A_1490, %swap3A_1491], %get3A_5 {strides = array<i32>} : memref<128x64xf32, #tpu.memory_space<vmem>>, vector<16xf32>,
    %swap3A_1493 = arith.constant 93 : i32
    %swap3A_1494 = arith.index_cast %swap3A_1493 : i32 to index
    %swap3A_1495 = arith.constant 16 : index
    %swap3A_1496 = tpu.vector_load %arg10[%swap3A_1494, %swap3A_1495] {strides = array<i32>} : memref<128x64xf32, #tpu.memory_space<vmem>>, vector<16xf32>,
    tpu.vector_store %arg10[%swap3A_1494, %swap3A_1495], %get3A_9 {strides = array<i32>} : memref<128x64xf32, #tpu.memory_space<vmem>>, vector<16xf32>,
    %swap3A_1497 = arith.constant 93 : i32
    %swap3A_1498 = arith.index_cast %swap3A_1497 : i32 to index
    %swap3A_1499 = arith.constant 32 : index
    %swap3A_1500 = tpu.vector_load %arg10[%swap3A_1498, %swap3A_1499] {strides = array<i32>} : memref<128x64xf32, #tpu.memory_space<vmem>>, vector<16xf32>,
    tpu.vector_store %arg10[%swap3A_1498, %swap3A_1499], %get3A_13 {strides = array<i32>} : memref<128x64xf32, #tpu.memory_space<vmem>>, vector<16xf32>,
    %swap3A_1501 = arith.constant 93 : i32
    %swap3A_1502 = arith.index_cast %swap3A_1501 : i32 to index
    %swap3A_1503 = arith.constant 48 : index
    %swap3A_1504 = tpu.vector_load %arg10[%swap3A_1502, %swap3A_1503] {strides = array<i32>} : memref<128x64xf32, #tpu.memory_space<vmem>>, vector<16xf32>,
    tpu.vector_store %arg10[%swap3A_1502, %swap3A_1503], %get3A_17 {strides = array<i32>} : memref<128x64xf32, #tpu.memory_space<vmem>>, vector<16xf32>,
    %swap3A_1505 = arith.constant 94 : i32
    %swap3A_1506 = arith.index_cast %swap3A_1505 : i32 to index
    %swap3A_1507 = arith.constant 0 : index
    %swap3A_1508 = tpu.vector_load %arg10[%swap3A_1506, %swap3A_1507] {strides = array<i32>} : memref<128x64xf32, #tpu.memory_space<vmem>>, vector<16xf32>,
    tpu.vector_store %arg10[%swap3A_1506, %swap3A_1507], %get3A_5 {strides = array<i32>} : memref<128x64xf32, #tpu.memory_space<vmem>>, vector<16xf32>,
    %swap3A_1509 = arith.constant 94 : i32
    %swap3A_1510 = arith.index_cast %swap3A_1509 : i32 to index
    %swap3A_1511 = arith.constant 16 : index
    %swap3A_1512 = tpu.vector_load %arg10[%swap3A_1510, %swap3A_1511] {strides = array<i32>} : memref<128x64xf32, #tpu.memory_space<vmem>>, vector<16xf32>,
    tpu.vector_store %arg10[%swap3A_1510, %swap3A_1511], %get3A_9 {strides = array<i32>} : memref<128x64xf32, #tpu.memory_space<vmem>>, vector<16xf32>,
    %swap3A_1513 = arith.constant 94 : i32
    %swap3A_1514 = arith.index_cast %swap3A_1513 : i32 to index
    %swap3A_1515 = arith.constant 32 : index
    %swap3A_1516 = tpu.vector_load %arg10[%swap3A_1514, %swap3A_1515] {strides = array<i32>} : memref<128x64xf32, #tpu.memory_space<vmem>>, vector<16xf32>,
    tpu.vector_store %arg10[%swap3A_1514, %swap3A_1515], %get3A_13 {strides = array<i32>} : memref<128x64xf32, #tpu.memory_space<vmem>>, vector<16xf32>,
    %swap3A_1517 = arith.constant 94 : i32
    %swap3A_1518 = arith.index_cast %swap3A_1517 : i32 to index
    %swap3A_1519 = arith.constant 48 : index
    %swap3A_1520 = tpu.vector_load %arg10[%swap3A_1518, %swap3A_1519] {strides = array<i32>} : memref<128x64xf32, #tpu.memory_space<vmem>>, vector<16xf32>,
    tpu.vector_store %arg10[%swap3A_1518, %swap3A_1519], %get3A_17 {strides = array<i32>} : memref<128x64xf32, #tpu.memory_space<vmem>>, vector<16xf32>,
    %swap3A_1521 = arith.constant 95 : i32
    %swap3A_1522 = arith.index_cast %swap3A_1521 : i32 to index
    %swap3A_1523 = arith.constant 0 : index
    %swap3A_1524 = tpu.vector_load %arg10[%swap3A_1522, %swap3A_1523] {strides = array<i32>} : memref<128x64xf32, #tpu.memory_space<vmem>>, vector<16xf32>,
    tpu.vector_store %arg10[%swap3A_1522, %swap3A_1523], %get3A_5 {strides = array<i32>} : memref<128x64xf32, #tpu.memory_space<vmem>>, vector<16xf32>,
    %swap3A_1525 = arith.constant 95 : i32
    %swap3A_1526 = arith.index_cast %swap3A_1525 : i32 to index
    %swap3A_1527 = arith.constant 16 : index
    %swap3A_1528 = tpu.vector_load %arg10[%swap3A_1526, %swap3A_1527] {strides = array<i32>} : memref<128x64xf32, #tpu.memory_space<vmem>>, vector<16xf32>,
    tpu.vector_store %arg10[%swap3A_1526, %swap3A_1527], %get3A_9 {strides = array<i32>} : memref<128x64xf32, #tpu.memory_space<vmem>>, vector<16xf32>,
    %swap3A_1529 = arith.constant 95 : i32
    %swap3A_1530 = arith.index_cast %swap3A_1529 : i32 to index
    %swap3A_1531 = arith.constant 32 : index
    %swap3A_1532 = tpu.vector_load %arg10[%swap3A_1530, %swap3A_1531] {strides = array<i32>} : memref<128x64xf32, #tpu.memory_space<vmem>>, vector<16xf32>,
    tpu.vector_store %arg10[%swap3A_1530, %swap3A_1531], %get3A_13 {strides = array<i32>} : memref<128x64xf32, #tpu.memory_space<vmem>>, vector<16xf32>,
    %swap3A_1533 = arith.constant 95 : i32
    %swap3A_1534 = arith.index_cast %swap3A_1533 : i32 to index
    %swap3A_1535 = arith.constant 48 : index
    %swap3A_1536 = tpu.vector_load %arg10[%swap3A_1534, %swap3A_1535] {strides = array<i32>} : memref<128x64xf32, #tpu.memory_space<vmem>>, vector<16xf32>,
    tpu.vector_store %arg10[%swap3A_1534, %swap3A_1535], %get3A_17 {strides = array<i32>} : memref<128x64xf32, #tpu.memory_space<vmem>>, vector<16xf32>,
    %swap3A_1537 = arith.constant 96 : i32
    %swap3A_1538 = arith.index_cast %swap3A_1537 : i32 to index
    %swap3A_1539 = arith.constant 0 : index
    %swap3A_1540 = tpu.vector_load %arg10[%swap3A_1538, %swap3A_1539] {strides = array<i32>} : memref<128x64xf32, #tpu.memory_space<vmem>>, vector<16xf32>,
    tpu.vector_store %arg10[%swap3A_1538, %swap3A_1539], %get3A_5 {strides = array<i32>} : memref<128x64xf32, #tpu.memory_space<vmem>>, vector<16xf32>,
    %swap3A_1541 = arith.constant 96 : i32
    %swap3A_1542 = arith.index_cast %swap3A_1541 : i32 to index
    %swap3A_1543 = arith.constant 16 : index
    %swap3A_1544 = tpu.vector_load %arg10[%swap3A_1542, %swap3A_1543] {strides = array<i32>} : memref<128x64xf32, #tpu.memory_space<vmem>>, vector<16xf32>,
    tpu.vector_store %arg10[%swap3A_1542, %swap3A_1543], %get3A_9 {strides = array<i32>} : memref<128x64xf32, #tpu.memory_space<vmem>>, vector<16xf32>,
    %swap3A_1545 = arith.constant 96 : i32
    %swap3A_1546 = arith.index_cast %swap3A_1545 : i32 to index
    %swap3A_1547 = arith.constant 32 : index
    %swap3A_1548 = tpu.vector_load %arg10[%swap3A_1546, %swap3A_1547] {strides = array<i32>} : memref<128x64xf32, #tpu.memory_space<vmem>>, vector<16xf32>,
    tpu.vector_store %arg10[%swap3A_1546, %swap3A_1547], %get3A_13 {strides = array<i32>} : memref<128x64xf32, #tpu.memory_space<vmem>>, vector<16xf32>,
    %swap3A_1549 = arith.constant 96 : i32
    %swap3A_1550 = arith.index_cast %swap3A_1549 : i32 to index
    %swap3A_1551 = arith.constant 48 : index
    %swap3A_1552 = tpu.vector_load %arg10[%swap3A_1550, %swap3A_1551] {strides = array<i32>} : memref<128x64xf32, #tpu.memory_space<vmem>>, vector<16xf32>,
    tpu.vector_store %arg10[%swap3A_1550, %swap3A_1551], %get3A_17 {strides = array<i32>} : memref<128x64xf32, #tpu.memory_space<vmem>>, vector<16xf32>,
    %swap3A_1553 = arith.constant 97 : i32
    %swap3A_1554 = arith.index_cast %swap3A_1553 : i32 to index
    %swap3A_1555 = arith.constant 0 : index
    %swap3A_1556 = tpu.vector_load %arg10[%swap3A_1554, %swap3A_1555] {strides = array<i32>} : memref<128x64xf32, #tpu.memory_space<vmem>>, vector<16xf32>,
    tpu.vector_store %arg10[%swap3A_1554, %swap3A_1555], %get3A_5 {strides = array<i32>} : memref<128x64xf32, #tpu.memory_space<vmem>>, vector<16xf32>,
    %swap3A_1557 = arith.constant 97 : i32
    %swap3A_1558 = arith.index_cast %swap3A_1557 : i32 to index
    %swap3A_1559 = arith.constant 16 : index
    %swap3A_1560 = tpu.vector_load %arg10[%swap3A_1558, %swap3A_1559] {strides = array<i32>} : memref<128x64xf32, #tpu.memory_space<vmem>>, vector<16xf32>,
    tpu.vector_store %arg10[%swap3A_1558, %swap3A_1559], %get3A_9 {strides = array<i32>} : memref<128x64xf32, #tpu.memory_space<vmem>>, vector<16xf32>,
    %swap3A_1561 = arith.constant 97 : i32
    %swap3A_1562 = arith.index_cast %swap3A_1561 : i32 to index
    %swap3A_1563 = arith.constant 32 : index
    %swap3A_1564 = tpu.vector_load %arg10[%swap3A_1562, %swap3A_1563] {strides = array<i32>} : memref<128x64xf32, #tpu.memory_space<vmem>>, vector<16xf32>,
    tpu.vector_store %arg10[%swap3A_1562, %swap3A_1563], %get3A_13 {strides = array<i32>} : memref<128x64xf32, #tpu.memory_space<vmem>>, vector<16xf32>,
    %swap3A_1565 = arith.constant 97 : i32
    %swap3A_1566 = arith.index_cast %swap3A_1565 : i32 to index
    %swap3A_1567 = arith.constant 48 : index
    %swap3A_1568 = tpu.vector_load %arg10[%swap3A_1566, %swap3A_1567] {strides = array<i32>} : memref<128x64xf32, #tpu.memory_space<vmem>>, vector<16xf32>,
    tpu.vector_store %arg10[%swap3A_1566, %swap3A_1567], %get3A_17 {strides = array<i32>} : memref<128x64xf32, #tpu.memory_space<vmem>>, vector<16xf32>,
    %swap3A_1569 = arith.constant 98 : i32
    %swap3A_1570 = arith.index_cast %swap3A_1569 : i32 to index
    %swap3A_1571 = arith.constant 0 : index
    %swap3A_1572 = tpu.vector_load %arg10[%swap3A_1570, %swap3A_1571] {strides = array<i32>} : memref<128x64xf32, #tpu.memory_space<vmem>>, vector<16xf32>,
    tpu.vector_store %arg10[%swap3A_1570, %swap3A_1571], %get3A_5 {strides = array<i32>} : memref<128x64xf32, #tpu.memory_space<vmem>>, vector<16xf32>,
    %swap3A_1573 = arith.constant 98 : i32
    %swap3A_1574 = arith.index_cast %swap3A_1573 : i32 to index
    %swap3A_1575 = arith.constant 16 : index
    %swap3A_1576 = tpu.vector_load %arg10[%swap3A_1574, %swap3A_1575] {strides = array<i32>} : memref<128x64xf32, #tpu.memory_space<vmem>>, vector<16xf32>,
    tpu.vector_store %arg10[%swap3A_1574, %swap3A_1575], %get3A_9 {strides = array<i32>} : memref<128x64xf32, #tpu.memory_space<vmem>>, vector<16xf32>,
    %swap3A_1577 = arith.constant 98 : i32
    %swap3A_1578 = arith.index_cast %swap3A_1577 : i32 to index
    %swap3A_1579 = arith.constant 32 : index
    %swap3A_1580 = tpu.vector_load %arg10[%swap3A_1578, %swap3A_1579] {strides = array<i32>} : memref<128x64xf32, #tpu.memory_space<vmem>>, vector<16xf32>,
    tpu.vector_store %arg10[%swap3A_1578, %swap3A_1579], %get3A_13 {strides = array<i32>} : memref<128x64xf32, #tpu.memory_space<vmem>>, vector<16xf32>,
    %swap3A_1581 = arith.constant 98 : i32
    %swap3A_1582 = arith.index_cast %swap3A_1581 : i32 to index
    %swap3A_1583 = arith.constant 48 : index
    %swap3A_1584 = tpu.vector_load %arg10[%swap3A_1582, %swap3A_1583] {strides = array<i32>} : memref<128x64xf32, #tpu.memory_space<vmem>>, vector<16xf32>,
    tpu.vector_store %arg10[%swap3A_1582, %swap3A_1583], %get3A_17 {strides = array<i32>} : memref<128x64xf32, #tpu.memory_space<vmem>>, vector<16xf32>,
    %swap3A_1585 = arith.constant 99 : i32
    %swap3A_1586 = arith.index_cast %swap3A_1585 : i32 to index
    %swap3A_1587 = arith.constant 0 : index
    %swap3A_1588 = tpu.vector_load %arg10[%swap3A_1586, %swap3A_1587] {strides = array<i32>} : memref<128x64xf32, #tpu.memory_space<vmem>>, vector<16xf32>,
    tpu.vector_store %arg10[%swap3A_1586, %swap3A_1587], %get3A_5 {strides = array<i32>} : memref<128x64xf32, #tpu.memory_space<vmem>>, vector<16xf32>,
    %swap3A_1589 = arith.constant 99 : i32
    %swap3A_1590 = arith.index_cast %swap3A_1589 : i32 to index
    %swap3A_1591 = arith.constant 16 : index
    %swap3A_1592 = tpu.vector_load %arg10[%swap3A_1590, %swap3A_1591] {strides = array<i32>} : memref<128x64xf32, #tpu.memory_space<vmem>>, vector<16xf32>,
    tpu.vector_store %arg10[%swap3A_1590, %swap3A_1591], %get3A_9 {strides = array<i32>} : memref<128x64xf32, #tpu.memory_space<vmem>>, vector<16xf32>,
    %swap3A_1593 = arith.constant 99 : i32
    %swap3A_1594 = arith.index_cast %swap3A_1593 : i32 to index
    %swap3A_1595 = arith.constant 32 : index
    %swap3A_1596 = tpu.vector_load %arg10[%swap3A_1594, %swap3A_1595] {strides = array<i32>} : memref<128x64xf32, #tpu.memory_space<vmem>>, vector<16xf32>,
    tpu.vector_store %arg10[%swap3A_1594, %swap3A_1595], %get3A_13 {strides = array<i32>} : memref<128x64xf32, #tpu.memory_space<vmem>>, vector<16xf32>,
    %swap3A_1597 = arith.constant 99 : i32
    %swap3A_1598 = arith.index_cast %swap3A_1597 : i32 to index
    %swap3A_1599 = arith.constant 48 : index
    %swap3A_1600 = tpu.vector_load %arg10[%swap3A_1598, %swap3A_1599] {strides = array<i32>} : memref<128x64xf32, #tpu.memory_space<vmem>>, vector<16xf32>,
    tpu.vector_store %arg10[%swap3A_1598, %swap3A_1599], %get3A_17 {strides = array<i32>} : memref<128x64xf32, #tpu.memory_space<vmem>>, vector<16xf32>,
    %swap3A_1601 = arith.constant 100 : i32
    %swap3A_1602 = arith.index_cast %swap3A_1601 : i32 to index
    %swap3A_1603 = arith.constant 0 : index
    %swap3A_1604 = tpu.vector_load %arg10[%swap3A_1602, %swap3A_1603] {strides = array<i32>} : memref<128x64xf32, #tpu.memory_space<vmem>>, vector<16xf32>,
    tpu.vector_store %arg10[%swap3A_1602, %swap3A_1603], %get3A_5 {strides = array<i32>} : memref<128x64xf32, #tpu.memory_space<vmem>>, vector<16xf32>,
    %swap3A_1605 = arith.constant 100 : i32
    %swap3A_1606 = arith.index_cast %swap3A_1605 : i32 to index
    %swap3A_1607 = arith.constant 16 : index
    %swap3A_1608 = tpu.vector_load %arg10[%swap3A_1606, %swap3A_1607] {strides = array<i32>} : memref<128x64xf32, #tpu.memory_space<vmem>>, vector<16xf32>,
    tpu.vector_store %arg10[%swap3A_1606, %swap3A_1607], %get3A_9 {strides = array<i32>} : memref<128x64xf32, #tpu.memory_space<vmem>>, vector<16xf32>,
    %swap3A_1609 = arith.constant 100 : i32
    %swap3A_1610 = arith.index_cast %swap3A_1609 : i32 to index
    %swap3A_1611 = arith.constant 32 : index
    %swap3A_1612 = tpu.vector_load %arg10[%swap3A_1610, %swap3A_1611] {strides = array<i32>} : memref<128x64xf32, #tpu.memory_space<vmem>>, vector<16xf32>,
    tpu.vector_store %arg10[%swap3A_1610, %swap3A_1611], %get3A_13 {strides = array<i32>} : memref<128x64xf32, #tpu.memory_space<vmem>>, vector<16xf32>,
    %swap3A_1613 = arith.constant 100 : i32
    %swap3A_1614 = arith.index_cast %swap3A_1613 : i32 to index
    %swap3A_1615 = arith.constant 48 : index
    %swap3A_1616 = tpu.vector_load %arg10[%swap3A_1614, %swap3A_1615] {strides = array<i32>} : memref<128x64xf32, #tpu.memory_space<vmem>>, vector<16xf32>,
    tpu.vector_store %arg10[%swap3A_1614, %swap3A_1615], %get3A_17 {strides = array<i32>} : memref<128x64xf32, #tpu.memory_space<vmem>>, vector<16xf32>,
    %swap3A_1617 = arith.constant 101 : i32
    %swap3A_1618 = arith.index_cast %swap3A_1617 : i32 to index
    %swap3A_1619 = arith.constant 0 : index
    %swap3A_1620 = tpu.vector_load %arg10[%swap3A_1618, %swap3A_1619] {strides = array<i32>} : memref<128x64xf32, #tpu.memory_space<vmem>>, vector<16xf32>,
    tpu.vector_store %arg10[%swap3A_1618, %swap3A_1619], %get3A_5 {strides = array<i32>} : memref<128x64xf32, #tpu.memory_space<vmem>>, vector<16xf32>,
    %swap3A_1621 = arith.constant 101 : i32
    %swap3A_1622 = arith.index_cast %swap3A_1621 : i32 to index
    %swap3A_1623 = arith.constant 16 : index
    %swap3A_1624 = tpu.vector_load %arg10[%swap3A_1622, %swap3A_1623] {strides = array<i32>} : memref<128x64xf32, #tpu.memory_space<vmem>>, vector<16xf32>,
    tpu.vector_store %arg10[%swap3A_1622, %swap3A_1623], %get3A_9 {strides = array<i32>} : memref<128x64xf32, #tpu.memory_space<vmem>>, vector<16xf32>,
    %swap3A_1625 = arith.constant 101 : i32
    %swap3A_1626 = arith.index_cast %swap3A_1625 : i32 to index
    %swap3A_1627 = arith.constant 32 : index
    %swap3A_1628 = tpu.vector_load %arg10[%swap3A_1626, %swap3A_1627] {strides = array<i32>} : memref<128x64xf32, #tpu.memory_space<vmem>>, vector<16xf32>,
    tpu.vector_store %arg10[%swap3A_1626, %swap3A_1627], %get3A_13 {strides = array<i32>} : memref<128x64xf32, #tpu.memory_space<vmem>>, vector<16xf32>,
    %swap3A_1629 = arith.constant 101 : i32
    %swap3A_1630 = arith.index_cast %swap3A_1629 : i32 to index
    %swap3A_1631 = arith.constant 48 : index
    %swap3A_1632 = tpu.vector_load %arg10[%swap3A_1630, %swap3A_1631] {strides = array<i32>} : memref<128x64xf32, #tpu.memory_space<vmem>>, vector<16xf32>,
    tpu.vector_store %arg10[%swap3A_1630, %swap3A_1631], %get3A_17 {strides = array<i32>} : memref<128x64xf32, #tpu.memory_space<vmem>>, vector<16xf32>,
    %swap3A_1633 = arith.constant 102 : i32
    %swap3A_1634 = arith.index_cast %swap3A_1633 : i32 to index
    %swap3A_1635 = arith.constant 0 : index
    %swap3A_1636 = tpu.vector_load %arg10[%swap3A_1634, %swap3A_1635] {strides = array<i32>} : memref<128x64xf32, #tpu.memory_space<vmem>>, vector<16xf32>,
    tpu.vector_store %arg10[%swap3A_1634, %swap3A_1635], %get3A_5 {strides = array<i32>} : memref<128x64xf32, #tpu.memory_space<vmem>>, vector<16xf32>,
    %swap3A_1637 = arith.constant 102 : i32
    %swap3A_1638 = arith.index_cast %swap3A_1637 : i32 to index
    %swap3A_1639 = arith.constant 16 : index
    %swap3A_1640 = tpu.vector_load %arg10[%swap3A_1638, %swap3A_1639] {strides = array<i32>} : memref<128x64xf32, #tpu.memory_space<vmem>>, vector<16xf32>,
    tpu.vector_store %arg10[%swap3A_1638, %swap3A_1639], %get3A_9 {strides = array<i32>} : memref<128x64xf32, #tpu.memory_space<vmem>>, vector<16xf32>,
    %swap3A_1641 = arith.constant 102 : i32
    %swap3A_1642 = arith.index_cast %swap3A_1641 : i32 to index
    %swap3A_1643 = arith.constant 32 : index
    %swap3A_1644 = tpu.vector_load %arg10[%swap3A_1642, %swap3A_1643] {strides = array<i32>} : memref<128x64xf32, #tpu.memory_space<vmem>>, vector<16xf32>,
    tpu.vector_store %arg10[%swap3A_1642, %swap3A_1643], %get3A_13 {strides = array<i32>} : memref<128x64xf32, #tpu.memory_space<vmem>>, vector<16xf32>,
    %swap3A_1645 = arith.constant 102 : i32
    %swap3A_1646 = arith.index_cast %swap3A_1645 : i32 to index
    %swap3A_1647 = arith.constant 48 : index
    %swap3A_1648 = tpu.vector_load %arg10[%swap3A_1646, %swap3A_1647] {strides = array<i32>} : memref<128x64xf32, #tpu.memory_space<vmem>>, vector<16xf32>,
    tpu.vector_store %arg10[%swap3A_1646, %swap3A_1647], %get3A_17 {strides = array<i32>} : memref<128x64xf32, #tpu.memory_space<vmem>>, vector<16xf32>,
    %swap3A_1649 = arith.constant 103 : i32
    %swap3A_1650 = arith.index_cast %swap3A_1649 : i32 to index
    %swap3A_1651 = arith.constant 0 : index
    %swap3A_1652 = tpu.vector_load %arg10[%swap3A_1650, %swap3A_1651] {strides = array<i32>} : memref<128x64xf32, #tpu.memory_space<vmem>>, vector<16xf32>,
    tpu.vector_store %arg10[%swap3A_1650, %swap3A_1651], %get3A_5 {strides = array<i32>} : memref<128x64xf32, #tpu.memory_space<vmem>>, vector<16xf32>,
    %swap3A_1653 = arith.constant 103 : i32
    %swap3A_1654 = arith.index_cast %swap3A_1653 : i32 to index
    %swap3A_1655 = arith.constant 16 : index
    %swap3A_1656 = tpu.vector_load %arg10[%swap3A_1654, %swap3A_1655] {strides = array<i32>} : memref<128x64xf32, #tpu.memory_space<vmem>>, vector<16xf32>,
    tpu.vector_store %arg10[%swap3A_1654, %swap3A_1655], %get3A_9 {strides = array<i32>} : memref<128x64xf32, #tpu.memory_space<vmem>>, vector<16xf32>,
    %swap3A_1657 = arith.constant 103 : i32
    %swap3A_1658 = arith.index_cast %swap3A_1657 : i32 to index
    %swap3A_1659 = arith.constant 32 : index
    %swap3A_1660 = tpu.vector_load %arg10[%swap3A_1658, %swap3A_1659] {strides = array<i32>} : memref<128x64xf32, #tpu.memory_space<vmem>>, vector<16xf32>,
    tpu.vector_store %arg10[%swap3A_1658, %swap3A_1659], %get3A_13 {strides = array<i32>} : memref<128x64xf32, #tpu.memory_space<vmem>>, vector<16xf32>,
    %swap3A_1661 = arith.constant 103 : i32
    %swap3A_1662 = arith.index_cast %swap3A_1661 : i32 to index
    %swap3A_1663 = arith.constant 48 : index
    %swap3A_1664 = tpu.vector_load %arg10[%swap3A_1662, %swap3A_1663] {strides = array<i32>} : memref<128x64xf32, #tpu.memory_space<vmem>>, vector<16xf32>,
    tpu.vector_store %arg10[%swap3A_1662, %swap3A_1663], %get3A_17 {strides = array<i32>} : memref<128x64xf32, #tpu.memory_space<vmem>>, vector<16xf32>,
    %swap3A_1665 = arith.constant 104 : i32
    %swap3A_1666 = arith.index_cast %swap3A_1665 : i32 to index
    %swap3A_1667 = arith.constant 0 : index
    %swap3A_1668 = tpu.vector_load %arg10[%swap3A_1666, %swap3A_1667] {strides = array<i32>} : memref<128x64xf32, #tpu.memory_space<vmem>>, vector<16xf32>,
    tpu.vector_store %arg10[%swap3A_1666, %swap3A_1667], %get3A_5 {strides = array<i32>} : memref<128x64xf32, #tpu.memory_space<vmem>>, vector<16xf32>,
    %swap3A_1669 = arith.constant 104 : i32
    %swap3A_1670 = arith.index_cast %swap3A_1669 : i32 to index
    %swap3A_1671 = arith.constant 16 : index
    %swap3A_1672 = tpu.vector_load %arg10[%swap3A_1670, %swap3A_1671] {strides = array<i32>} : memref<128x64xf32, #tpu.memory_space<vmem>>, vector<16xf32>,
    tpu.vector_store %arg10[%swap3A_1670, %swap3A_1671], %get3A_9 {strides = array<i32>} : memref<128x64xf32, #tpu.memory_space<vmem>>, vector<16xf32>,
    %swap3A_1673 = arith.constant 104 : i32
    %swap3A_1674 = arith.index_cast %swap3A_1673 : i32 to index
    %swap3A_1675 = arith.constant 32 : index
    %swap3A_1676 = tpu.vector_load %arg10[%swap3A_1674, %swap3A_1675] {strides = array<i32>} : memref<128x64xf32, #tpu.memory_space<vmem>>, vector<16xf32>,
    tpu.vector_store %arg10[%swap3A_1674, %swap3A_1675], %get3A_13 {strides = array<i32>} : memref<128x64xf32, #tpu.memory_space<vmem>>, vector<16xf32>,
    %swap3A_1677 = arith.constant 104 : i32
    %swap3A_1678 = arith.index_cast %swap3A_1677 : i32 to index
    %swap3A_1679 = arith.constant 48 : index
    %swap3A_1680 = tpu.vector_load %arg10[%swap3A_1678, %swap3A_1679] {strides = array<i32>} : memref<128x64xf32, #tpu.memory_space<vmem>>, vector<16xf32>,
    tpu.vector_store %arg10[%swap3A_1678, %swap3A_1679], %get3A_17 {strides = array<i32>} : memref<128x64xf32, #tpu.memory_space<vmem>>, vector<16xf32>,
    %swap3A_1681 = arith.constant 105 : i32
    %swap3A_1682 = arith.index_cast %swap3A_1681 : i32 to index
    %swap3A_1683 = arith.constant 0 : index
    %swap3A_1684 = tpu.vector_load %arg10[%swap3A_1682, %swap3A_1683] {strides = array<i32>} : memref<128x64xf32, #tpu.memory_space<vmem>>, vector<16xf32>,
    tpu.vector_store %arg10[%swap3A_1682, %swap3A_1683], %get3A_5 {strides = array<i32>} : memref<128x64xf32, #tpu.memory_space<vmem>>, vector<16xf32>,
    %swap3A_1685 = arith.constant 105 : i32
    %swap3A_1686 = arith.index_cast %swap3A_1685 : i32 to index
    %swap3A_1687 = arith.constant 16 : index
    %swap3A_1688 = tpu.vector_load %arg10[%swap3A_1686, %swap3A_1687] {strides = array<i32>} : memref<128x64xf32, #tpu.memory_space<vmem>>, vector<16xf32>,
    tpu.vector_store %arg10[%swap3A_1686, %swap3A_1687], %get3A_9 {strides = array<i32>} : memref<128x64xf32, #tpu.memory_space<vmem>>, vector<16xf32>,
    %swap3A_1689 = arith.constant 105 : i32
    %swap3A_1690 = arith.index_cast %swap3A_1689 : i32 to index
    %swap3A_1691 = arith.constant 32 : index
    %swap3A_1692 = tpu.vector_load %arg10[%swap3A_1690, %swap3A_1691] {strides = array<i32>} : memref<128x64xf32, #tpu.memory_space<vmem>>, vector<16xf32>,
    tpu.vector_store %arg10[%swap3A_1690, %swap3A_1691], %get3A_13 {strides = array<i32>} : memref<128x64xf32, #tpu.memory_space<vmem>>, vector<16xf32>,
    %swap3A_1693 = arith.constant 105 : i32
    %swap3A_1694 = arith.index_cast %swap3A_1693 : i32 to index
    %swap3A_1695 = arith.constant 48 : index
    %swap3A_1696 = tpu.vector_load %arg10[%swap3A_1694, %swap3A_1695] {strides = array<i32>} : memref<128x64xf32, #tpu.memory_space<vmem>>, vector<16xf32>,
    tpu.vector_store %arg10[%swap3A_1694, %swap3A_1695], %get3A_17 {strides = array<i32>} : memref<128x64xf32, #tpu.memory_space<vmem>>, vector<16xf32>,
    %swap3A_1697 = arith.constant 106 : i32
    %swap3A_1698 = arith.index_cast %swap3A_1697 : i32 to index
    %swap3A_1699 = arith.constant 0 : index
    %swap3A_1700 = tpu.vector_load %arg10[%swap3A_1698, %swap3A_1699] {strides = array<i32>} : memref<128x64xf32, #tpu.memory_space<vmem>>, vector<16xf32>,
    tpu.vector_store %arg10[%swap3A_1698, %swap3A_1699], %get3A_5 {strides = array<i32>} : memref<128x64xf32, #tpu.memory_space<vmem>>, vector<16xf32>,
    %swap3A_1701 = arith.constant 106 : i32
    %swap3A_1702 = arith.index_cast %swap3A_1701 : i32 to index
    %swap3A_1703 = arith.constant 16 : index
    %swap3A_1704 = tpu.vector_load %arg10[%swap3A_1702, %swap3A_1703] {strides = array<i32>} : memref<128x64xf32, #tpu.memory_space<vmem>>, vector<16xf32>,
    tpu.vector_store %arg10[%swap3A_1702, %swap3A_1703], %get3A_9 {strides = array<i32>} : memref<128x64xf32, #tpu.memory_space<vmem>>, vector<16xf32>,
    %swap3A_1705 = arith.constant 106 : i32
    %swap3A_1706 = arith.index_cast %swap3A_1705 : i32 to index
    %swap3A_1707 = arith.constant 32 : index
    %swap3A_1708 = tpu.vector_load %arg10[%swap3A_1706, %swap3A_1707] {strides = array<i32>} : memref<128x64xf32, #tpu.memory_space<vmem>>, vector<16xf32>,
    tpu.vector_store %arg10[%swap3A_1706, %swap3A_1707], %get3A_13 {strides = array<i32>} : memref<128x64xf32, #tpu.memory_space<vmem>>, vector<16xf32>,
    %swap3A_1709 = arith.constant 106 : i32
    %swap3A_1710 = arith.index_cast %swap3A_1709 : i32 to index
    %swap3A_1711 = arith.constant 48 : index
    %swap3A_1712 = tpu.vector_load %arg10[%swap3A_1710, %swap3A_1711] {strides = array<i32>} : memref<128x64xf32, #tpu.memory_space<vmem>>, vector<16xf32>,
    tpu.vector_store %arg10[%swap3A_1710, %swap3A_1711], %get3A_17 {strides = array<i32>} : memref<128x64xf32, #tpu.memory_space<vmem>>, vector<16xf32>,
    %swap3A_1713 = arith.constant 107 : i32
    %swap3A_1714 = arith.index_cast %swap3A_1713 : i32 to index
    %swap3A_1715 = arith.constant 0 : index
    %swap3A_1716 = tpu.vector_load %arg10[%swap3A_1714, %swap3A_1715] {strides = array<i32>} : memref<128x64xf32, #tpu.memory_space<vmem>>, vector<16xf32>,
    tpu.vector_store %arg10[%swap3A_1714, %swap3A_1715], %get3A_5 {strides = array<i32>} : memref<128x64xf32, #tpu.memory_space<vmem>>, vector<16xf32>,
    %swap3A_1717 = arith.constant 107 : i32
    %swap3A_1718 = arith.index_cast %swap3A_1717 : i32 to index
    %swap3A_1719 = arith.constant 16 : index
    %swap3A_1720 = tpu.vector_load %arg10[%swap3A_1718, %swap3A_1719] {strides = array<i32>} : memref<128x64xf32, #tpu.memory_space<vmem>>, vector<16xf32>,
    tpu.vector_store %arg10[%swap3A_1718, %swap3A_1719], %get3A_9 {strides = array<i32>} : memref<128x64xf32, #tpu.memory_space<vmem>>, vector<16xf32>,
    %swap3A_1721 = arith.constant 107 : i32
    %swap3A_1722 = arith.index_cast %swap3A_1721 : i32 to index
    %swap3A_1723 = arith.constant 32 : index
    %swap3A_1724 = tpu.vector_load %arg10[%swap3A_1722, %swap3A_1723] {strides = array<i32>} : memref<128x64xf32, #tpu.memory_space<vmem>>, vector<16xf32>,
    tpu.vector_store %arg10[%swap3A_1722, %swap3A_1723], %get3A_13 {strides = array<i32>} : memref<128x64xf32, #tpu.memory_space<vmem>>, vector<16xf32>,
    %swap3A_1725 = arith.constant 107 : i32
    %swap3A_1726 = arith.index_cast %swap3A_1725 : i32 to index
    %swap3A_1727 = arith.constant 48 : index
    %swap3A_1728 = tpu.vector_load %arg10[%swap3A_1726, %swap3A_1727] {strides = array<i32>} : memref<128x64xf32, #tpu.memory_space<vmem>>, vector<16xf32>,
    tpu.vector_store %arg10[%swap3A_1726, %swap3A_1727], %get3A_17 {strides = array<i32>} : memref<128x64xf32, #tpu.memory_space<vmem>>, vector<16xf32>,
    %swap3A_1729 = arith.constant 108 : i32
    %swap3A_1730 = arith.index_cast %swap3A_1729 : i32 to index
    %swap3A_1731 = arith.constant 0 : index
    %swap3A_1732 = tpu.vector_load %arg10[%swap3A_1730, %swap3A_1731] {strides = array<i32>} : memref<128x64xf32, #tpu.memory_space<vmem>>, vector<16xf32>,
    tpu.vector_store %arg10[%swap3A_1730, %swap3A_1731], %get3A_5 {strides = array<i32>} : memref<128x64xf32, #tpu.memory_space<vmem>>, vector<16xf32>,
    %swap3A_1733 = arith.constant 108 : i32
    %swap3A_1734 = arith.index_cast %swap3A_1733 : i32 to index
    %swap3A_1735 = arith.constant 16 : index
    %swap3A_1736 = tpu.vector_load %arg10[%swap3A_1734, %swap3A_1735] {strides = array<i32>} : memref<128x64xf32, #tpu.memory_space<vmem>>, vector<16xf32>,
    tpu.vector_store %arg10[%swap3A_1734, %swap3A_1735], %get3A_9 {strides = array<i32>} : memref<128x64xf32, #tpu.memory_space<vmem>>, vector<16xf32>,
    %swap3A_1737 = arith.constant 108 : i32
    %swap3A_1738 = arith.index_cast %swap3A_1737 : i32 to index
    %swap3A_1739 = arith.constant 32 : index
    %swap3A_1740 = tpu.vector_load %arg10[%swap3A_1738, %swap3A_1739] {strides = array<i32>} : memref<128x64xf32, #tpu.memory_space<vmem>>, vector<16xf32>,
    tpu.vector_store %arg10[%swap3A_1738, %swap3A_1739], %get3A_13 {strides = array<i32>} : memref<128x64xf32, #tpu.memory_space<vmem>>, vector<16xf32>,
    %swap3A_1741 = arith.constant 108 : i32
    %swap3A_1742 = arith.index_cast %swap3A_1741 : i32 to index
    %swap3A_1743 = arith.constant 48 : index
    %swap3A_1744 = tpu.vector_load %arg10[%swap3A_1742, %swap3A_1743] {strides = array<i32>} : memref<128x64xf32, #tpu.memory_space<vmem>>, vector<16xf32>,
    tpu.vector_store %arg10[%swap3A_1742, %swap3A_1743], %get3A_17 {strides = array<i32>} : memref<128x64xf32, #tpu.memory_space<vmem>>, vector<16xf32>,
    %swap3A_1745 = arith.constant 109 : i32
    %swap3A_1746 = arith.index_cast %swap3A_1745 : i32 to index
    %swap3A_1747 = arith.constant 0 : index
    %swap3A_1748 = tpu.vector_load %arg10[%swap3A_1746, %swap3A_1747] {strides = array<i32>} : memref<128x64xf32, #tpu.memory_space<vmem>>, vector<16xf32>,
    tpu.vector_store %arg10[%swap3A_1746, %swap3A_1747], %get3A_5 {strides = array<i32>} : memref<128x64xf32, #tpu.memory_space<vmem>>, vector<16xf32>,
    %swap3A_1749 = arith.constant 109 : i32
    %swap3A_1750 = arith.index_cast %swap3A_1749 : i32 to index
    %swap3A_1751 = arith.constant 16 : index
    %swap3A_1752 = tpu.vector_load %arg10[%swap3A_1750, %swap3A_1751] {strides = array<i32>} : memref<128x64xf32, #tpu.memory_space<vmem>>, vector<16xf32>,
    tpu.vector_store %arg10[%swap3A_1750, %swap3A_1751], %get3A_9 {strides = array<i32>} : memref<128x64xf32, #tpu.memory_space<vmem>>, vector<16xf32>,
    %swap3A_1753 = arith.constant 109 : i32
    %swap3A_1754 = arith.index_cast %swap3A_1753 : i32 to index
    %swap3A_1755 = arith.constant 32 : index
    %swap3A_1756 = tpu.vector_load %arg10[%swap3A_1754, %swap3A_1755] {strides = array<i32>} : memref<128x64xf32, #tpu.memory_space<vmem>>, vector<16xf32>,
    tpu.vector_store %arg10[%swap3A_1754, %swap3A_1755], %get3A_13 {strides = array<i32>} : memref<128x64xf32, #tpu.memory_space<vmem>>, vector<16xf32>,
    %swap3A_1757 = arith.constant 109 : i32
    %swap3A_1758 = arith.index_cast %swap3A_1757 : i32 to index
    %swap3A_1759 = arith.constant 48 : index
    %swap3A_1760 = tpu.vector_load %arg10[%swap3A_1758, %swap3A_1759] {strides = array<i32>} : memref<128x64xf32, #tpu.memory_space<vmem>>, vector<16xf32>,
    tpu.vector_store %arg10[%swap3A_1758, %swap3A_1759], %get3A_17 {strides = array<i32>} : memref<128x64xf32, #tpu.memory_space<vmem>>, vector<16xf32>,
    %swap3A_1761 = arith.constant 110 : i32
    %swap3A_1762 = arith.index_cast %swap3A_1761 : i32 to index
    %swap3A_1763 = arith.constant 0 : index
    %swap3A_1764 = tpu.vector_load %arg10[%swap3A_1762, %swap3A_1763] {strides = array<i32>} : memref<128x64xf32, #tpu.memory_space<vmem>>, vector<16xf32>,
    tpu.vector_store %arg10[%swap3A_1762, %swap3A_1763], %get3A_5 {strides = array<i32>} : memref<128x64xf32, #tpu.memory_space<vmem>>, vector<16xf32>,
    %swap3A_1765 = arith.constant 110 : i32
    %swap3A_1766 = arith.index_cast %swap3A_1765 : i32 to index
    %swap3A_1767 = arith.constant 16 : index
    %swap3A_1768 = tpu.vector_load %arg10[%swap3A_1766, %swap3A_1767] {strides = array<i32>} : memref<128x64xf32, #tpu.memory_space<vmem>>, vector<16xf32>,
    tpu.vector_store %arg10[%swap3A_1766, %swap3A_1767], %get3A_9 {strides = array<i32>} : memref<128x64xf32, #tpu.memory_space<vmem>>, vector<16xf32>,
    %swap3A_1769 = arith.constant 110 : i32
    %swap3A_1770 = arith.index_cast %swap3A_1769 : i32 to index
    %swap3A_1771 = arith.constant 32 : index
    %swap3A_1772 = tpu.vector_load %arg10[%swap3A_1770, %swap3A_1771] {strides = array<i32>} : memref<128x64xf32, #tpu.memory_space<vmem>>, vector<16xf32>,
    tpu.vector_store %arg10[%swap3A_1770, %swap3A_1771], %get3A_13 {strides = array<i32>} : memref<128x64xf32, #tpu.memory_space<vmem>>, vector<16xf32>,
    %swap3A_1773 = arith.constant 110 : i32
    %swap3A_1774 = arith.index_cast %swap3A_1773 : i32 to index
    %swap3A_1775 = arith.constant 48 : index
    %swap3A_1776 = tpu.vector_load %arg10[%swap3A_1774, %swap3A_1775] {strides = array<i32>} : memref<128x64xf32, #tpu.memory_space<vmem>>, vector<16xf32>,
    tpu.vector_store %arg10[%swap3A_1774, %swap3A_1775], %get3A_17 {strides = array<i32>} : memref<128x64xf32, #tpu.memory_space<vmem>>, vector<16xf32>,
    %swap3A_1777 = arith.constant 111 : i32
    %swap3A_1778 = arith.index_cast %swap3A_1777 : i32 to index
    %swap3A_1779 = arith.constant 0 : index
    %swap3A_1780 = tpu.vector_load %arg10[%swap3A_1778, %swap3A_1779] {strides = array<i32>} : memref<128x64xf32, #tpu.memory_space<vmem>>, vector<16xf32>,
    tpu.vector_store %arg10[%swap3A_1778, %swap3A_1779], %get3A_5 {strides = array<i32>} : memref<128x64xf32, #tpu.memory_space<vmem>>, vector<16xf32>,
    %swap3A_1781 = arith.constant 111 : i32
    %swap3A_1782 = arith.index_cast %swap3A_1781 : i32 to index
    %swap3A_1783 = arith.constant 16 : index
    %swap3A_1784 = tpu.vector_load %arg10[%swap3A_1782, %swap3A_1783] {strides = array<i32>} : memref<128x64xf32, #tpu.memory_space<vmem>>, vector<16xf32>,
    tpu.vector_store %arg10[%swap3A_1782, %swap3A_1783], %get3A_9 {strides = array<i32>} : memref<128x64xf32, #tpu.memory_space<vmem>>, vector<16xf32>,
    %swap3A_1785 = arith.constant 111 : i32
    %swap3A_1786 = arith.index_cast %swap3A_1785 : i32 to index
    %swap3A_1787 = arith.constant 32 : index
    %swap3A_1788 = tpu.vector_load %arg10[%swap3A_1786, %swap3A_1787] {strides = array<i32>} : memref<128x64xf32, #tpu.memory_space<vmem>>, vector<16xf32>,
    tpu.vector_store %arg10[%swap3A_1786, %swap3A_1787], %get3A_13 {strides = array<i32>} : memref<128x64xf32, #tpu.memory_space<vmem>>, vector<16xf32>,
    %swap3A_1789 = arith.constant 111 : i32
    %swap3A_1790 = arith.index_cast %swap3A_1789 : i32 to index
    %swap3A_1791 = arith.constant 48 : index
    %swap3A_1792 = tpu.vector_load %arg10[%swap3A_1790, %swap3A_1791] {strides = array<i32>} : memref<128x64xf32, #tpu.memory_space<vmem>>, vector<16xf32>,
    tpu.vector_store %arg10[%swap3A_1790, %swap3A_1791], %get3A_17 {strides = array<i32>} : memref<128x64xf32, #tpu.memory_space<vmem>>, vector<16xf32>,
    %swap3A_1793 = arith.constant 112 : i32
    %swap3A_1794 = arith.index_cast %swap3A_1793 : i32 to index
    %swap3A_1795 = arith.constant 0 : index
    %swap3A_1796 = tpu.vector_load %arg10[%swap3A_1794, %swap3A_1795] {strides = array<i32>} : memref<128x64xf32, #tpu.memory_space<vmem>>, vector<16xf32>,
    tpu.vector_store %arg10[%swap3A_1794, %swap3A_1795], %get3A_5 {strides = array<i32>} : memref<128x64xf32, #tpu.memory_space<vmem>>, vector<16xf32>,
    %swap3A_1797 = arith.constant 112 : i32
    %swap3A_1798 = arith.index_cast %swap3A_1797 : i32 to index
    %swap3A_1799 = arith.constant 16 : index
    %swap3A_1800 = tpu.vector_load %arg10[%swap3A_1798, %swap3A_1799] {strides = array<i32>} : memref<128x64xf32, #tpu.memory_space<vmem>>, vector<16xf32>,
    tpu.vector_store %arg10[%swap3A_1798, %swap3A_1799], %get3A_9 {strides = array<i32>} : memref<128x64xf32, #tpu.memory_space<vmem>>, vector<16xf32>,
    %swap3A_1801 = arith.constant 112 : i32
    %swap3A_1802 = arith.index_cast %swap3A_1801 : i32 to index
    %swap3A_1803 = arith.constant 32 : index
    %swap3A_1804 = tpu.vector_load %arg10[%swap3A_1802, %swap3A_1803] {strides = array<i32>} : memref<128x64xf32, #tpu.memory_space<vmem>>, vector<16xf32>,
    tpu.vector_store %arg10[%swap3A_1802, %swap3A_1803], %get3A_13 {strides = array<i32>} : memref<128x64xf32, #tpu.memory_space<vmem>>, vector<16xf32>,
    %swap3A_1805 = arith.constant 112 : i32
    %swap3A_1806 = arith.index_cast %swap3A_1805 : i32 to index
    %swap3A_1807 = arith.constant 48 : index
    %swap3A_1808 = tpu.vector_load %arg10[%swap3A_1806, %swap3A_1807] {strides = array<i32>} : memref<128x64xf32, #tpu.memory_space<vmem>>, vector<16xf32>,
    tpu.vector_store %arg10[%swap3A_1806, %swap3A_1807], %get3A_17 {strides = array<i32>} : memref<128x64xf32, #tpu.memory_space<vmem>>, vector<16xf32>,
    %swap3A_1809 = arith.constant 113 : i32
    %swap3A_1810 = arith.index_cast %swap3A_1809 : i32 to index
    %swap3A_1811 = arith.constant 0 : index
    %swap3A_1812 = tpu.vector_load %arg10[%swap3A_1810, %swap3A_1811] {strides = array<i32>} : memref<128x64xf32, #tpu.memory_space<vmem>>, vector<16xf32>,
    tpu.vector_store %arg10[%swap3A_1810, %swap3A_1811], %get3A_5 {strides = array<i32>} : memref<128x64xf32, #tpu.memory_space<vmem>>, vector<16xf32>,
    %swap3A_1813 = arith.constant 113 : i32
    %swap3A_1814 = arith.index_cast %swap3A_1813 : i32 to index
    %swap3A_1815 = arith.constant 16 : index
    %swap3A_1816 = tpu.vector_load %arg10[%swap3A_1814, %swap3A_1815] {strides = array<i32>} : memref<128x64xf32, #tpu.memory_space<vmem>>, vector<16xf32>,
    tpu.vector_store %arg10[%swap3A_1814, %swap3A_1815], %get3A_9 {strides = array<i32>} : memref<128x64xf32, #tpu.memory_space<vmem>>, vector<16xf32>,
    %swap3A_1817 = arith.constant 113 : i32
    %swap3A_1818 = arith.index_cast %swap3A_1817 : i32 to index
    %swap3A_1819 = arith.constant 32 : index
    %swap3A_1820 = tpu.vector_load %arg10[%swap3A_1818, %swap3A_1819] {strides = array<i32>} : memref<128x64xf32, #tpu.memory_space<vmem>>, vector<16xf32>,
    tpu.vector_store %arg10[%swap3A_1818, %swap3A_1819], %get3A_13 {strides = array<i32>} : memref<128x64xf32, #tpu.memory_space<vmem>>, vector<16xf32>,
    %swap3A_1821 = arith.constant 113 : i32
    %swap3A_1822 = arith.index_cast %swap3A_1821 : i32 to index
    %swap3A_1823 = arith.constant 48 : index
    %swap3A_1824 = tpu.vector_load %arg10[%swap3A_1822, %swap3A_1823] {strides = array<i32>} : memref<128x64xf32, #tpu.memory_space<vmem>>, vector<16xf32>,
    tpu.vector_store %arg10[%swap3A_1822, %swap3A_1823], %get3A_17 {strides = array<i32>} : memref<128x64xf32, #tpu.memory_space<vmem>>, vector<16xf32>,
    %swap3A_1825 = arith.constant 114 : i32
    %swap3A_1826 = arith.index_cast %swap3A_1825 : i32 to index
    %swap3A_1827 = arith.constant 0 : index
    %swap3A_1828 = tpu.vector_load %arg10[%swap3A_1826, %swap3A_1827] {strides = array<i32>} : memref<128x64xf32, #tpu.memory_space<vmem>>, vector<16xf32>,
    tpu.vector_store %arg10[%swap3A_1826, %swap3A_1827], %get3A_5 {strides = array<i32>} : memref<128x64xf32, #tpu.memory_space<vmem>>, vector<16xf32>,
    %swap3A_1829 = arith.constant 114 : i32
    %swap3A_1830 = arith.index_cast %swap3A_1829 : i32 to index
    %swap3A_1831 = arith.constant 16 : index
    %swap3A_1832 = tpu.vector_load %arg10[%swap3A_1830, %swap3A_1831] {strides = array<i32>} : memref<128x64xf32, #tpu.memory_space<vmem>>, vector<16xf32>,
    tpu.vector_store %arg10[%swap3A_1830, %swap3A_1831], %get3A_9 {strides = array<i32>} : memref<128x64xf32, #tpu.memory_space<vmem>>, vector<16xf32>,
    %swap3A_1833 = arith.constant 114 : i32
    %swap3A_1834 = arith.index_cast %swap3A_1833 : i32 to index
    %swap3A_1835 = arith.constant 32 : index
    %swap3A_1836 = tpu.vector_load %arg10[%swap3A_1834, %swap3A_1835] {strides = array<i32>} : memref<128x64xf32, #tpu.memory_space<vmem>>, vector<16xf32>,
    tpu.vector_store %arg10[%swap3A_1834, %swap3A_1835], %get3A_13 {strides = array<i32>} : memref<128x64xf32, #tpu.memory_space<vmem>>, vector<16xf32>,
    %swap3A_1837 = arith.constant 114 : i32
    %swap3A_1838 = arith.index_cast %swap3A_1837 : i32 to index
    %swap3A_1839 = arith.constant 48 : index
    %swap3A_1840 = tpu.vector_load %arg10[%swap3A_1838, %swap3A_1839] {strides = array<i32>} : memref<128x64xf32, #tpu.memory_space<vmem>>, vector<16xf32>,
    tpu.vector_store %arg10[%swap3A_1838, %swap3A_1839], %get3A_17 {strides = array<i32>} : memref<128x64xf32, #tpu.memory_space<vmem>>, vector<16xf32>,
    %swap3A_1841 = arith.constant 115 : i32
    %swap3A_1842 = arith.index_cast %swap3A_1841 : i32 to index
    %swap3A_1843 = arith.constant 0 : index
    %swap3A_1844 = tpu.vector_load %arg10[%swap3A_1842, %swap3A_1843] {strides = array<i32>} : memref<128x64xf32, #tpu.memory_space<vmem>>, vector<16xf32>,
    tpu.vector_store %arg10[%swap3A_1842, %swap3A_1843], %get3A_5 {strides = array<i32>} : memref<128x64xf32, #tpu.memory_space<vmem>>, vector<16xf32>,
    %swap3A_1845 = arith.constant 115 : i32
    %swap3A_1846 = arith.index_cast %swap3A_1845 : i32 to index
    %swap3A_1847 = arith.constant 16 : index
    %swap3A_1848 = tpu.vector_load %arg10[%swap3A_1846, %swap3A_1847] {strides = array<i32>} : memref<128x64xf32, #tpu.memory_space<vmem>>, vector<16xf32>,
    tpu.vector_store %arg10[%swap3A_1846, %swap3A_1847], %get3A_9 {strides = array<i32>} : memref<128x64xf32, #tpu.memory_space<vmem>>, vector<16xf32>,
    %swap3A_1849 = arith.constant 115 : i32
    %swap3A_1850 = arith.index_cast %swap3A_1849 : i32 to index
    %swap3A_1851 = arith.constant 32 : index
    %swap3A_1852 = tpu.vector_load %arg10[%swap3A_1850, %swap3A_1851] {strides = array<i32>} : memref<128x64xf32, #tpu.memory_space<vmem>>, vector<16xf32>,
    tpu.vector_store %arg10[%swap3A_1850, %swap3A_1851], %get3A_13 {strides = array<i32>} : memref<128x64xf32, #tpu.memory_space<vmem>>, vector<16xf32>,
    %swap3A_1853 = arith.constant 115 : i32
    %swap3A_1854 = arith.index_cast %swap3A_1853 : i32 to index
    %swap3A_1855 = arith.constant 48 : index
    %swap3A_1856 = tpu.vector_load %arg10[%swap3A_1854, %swap3A_1855] {strides = array<i32>} : memref<128x64xf32, #tpu.memory_space<vmem>>, vector<16xf32>,
    tpu.vector_store %arg10[%swap3A_1854, %swap3A_1855], %get3A_17 {strides = array<i32>} : memref<128x64xf32, #tpu.memory_space<vmem>>, vector<16xf32>,
    %swap3A_1857 = arith.constant 116 : i32
    %swap3A_1858 = arith.index_cast %swap3A_1857 : i32 to index
    %swap3A_1859 = arith.constant 0 : index
    %swap3A_1860 = tpu.vector_load %arg10[%swap3A_1858, %swap3A_1859] {strides = array<i32>} : memref<128x64xf32, #tpu.memory_space<vmem>>, vector<16xf32>,
    tpu.vector_store %arg10[%swap3A_1858, %swap3A_1859], %get3A_5 {strides = array<i32>} : memref<128x64xf32, #tpu.memory_space<vmem>>, vector<16xf32>,
    %swap3A_1861 = arith.constant 116 : i32
    %swap3A_1862 = arith.index_cast %swap3A_1861 : i32 to index
    %swap3A_1863 = arith.constant 16 : index
    %swap3A_1864 = tpu.vector_load %arg10[%swap3A_1862, %swap3A_1863] {strides = array<i32>} : memref<128x64xf32, #tpu.memory_space<vmem>>, vector<16xf32>,
    tpu.vector_store %arg10[%swap3A_1862, %swap3A_1863], %get3A_9 {strides = array<i32>} : memref<128x64xf32, #tpu.memory_space<vmem>>, vector<16xf32>,
    %swap3A_1865 = arith.constant 116 : i32
    %swap3A_1866 = arith.index_cast %swap3A_1865 : i32 to index
    %swap3A_1867 = arith.constant 32 : index
    %swap3A_1868 = tpu.vector_load %arg10[%swap3A_1866, %swap3A_1867] {strides = array<i32>} : memref<128x64xf32, #tpu.memory_space<vmem>>, vector<16xf32>,
    tpu.vector_store %arg10[%swap3A_1866, %swap3A_1867], %get3A_13 {strides = array<i32>} : memref<128x64xf32, #tpu.memory_space<vmem>>, vector<16xf32>,
    %swap3A_1869 = arith.constant 116 : i32
    %swap3A_1870 = arith.index_cast %swap3A_1869 : i32 to index
    %swap3A_1871 = arith.constant 48 : index
    %swap3A_1872 = tpu.vector_load %arg10[%swap3A_1870, %swap3A_1871] {strides = array<i32>} : memref<128x64xf32, #tpu.memory_space<vmem>>, vector<16xf32>,
    tpu.vector_store %arg10[%swap3A_1870, %swap3A_1871], %get3A_17 {strides = array<i32>} : memref<128x64xf32, #tpu.memory_space<vmem>>, vector<16xf32>,
    %swap3A_1873 = arith.constant 117 : i32
    %swap3A_1874 = arith.index_cast %swap3A_1873 : i32 to index
    %swap3A_1875 = arith.constant 0 : index
    %swap3A_1876 = tpu.vector_load %arg10[%swap3A_1874, %swap3A_1875] {strides = array<i32>} : memref<128x64xf32, #tpu.memory_space<vmem>>, vector<16xf32>,
    tpu.vector_store %arg10[%swap3A_1874, %swap3A_1875], %get3A_5 {strides = array<i32>} : memref<128x64xf32, #tpu.memory_space<vmem>>, vector<16xf32>,
    %swap3A_1877 = arith.constant 117 : i32
    %swap3A_1878 = arith.index_cast %swap3A_1877 : i32 to index
    %swap3A_1879 = arith.constant 16 : index
    %swap3A_1880 = tpu.vector_load %arg10[%swap3A_1878, %swap3A_1879] {strides = array<i32>} : memref<128x64xf32, #tpu.memory_space<vmem>>, vector<16xf32>,
    tpu.vector_store %arg10[%swap3A_1878, %swap3A_1879], %get3A_9 {strides = array<i32>} : memref<128x64xf32, #tpu.memory_space<vmem>>, vector<16xf32>,
    %swap3A_1881 = arith.constant 117 : i32
    %swap3A_1882 = arith.index_cast %swap3A_1881 : i32 to index
    %swap3A_1883 = arith.constant 32 : index
    %swap3A_1884 = tpu.vector_load %arg10[%swap3A_1882, %swap3A_1883] {strides = array<i32>} : memref<128x64xf32, #tpu.memory_space<vmem>>, vector<16xf32>,
    tpu.vector_store %arg10[%swap3A_1882, %swap3A_1883], %get3A_13 {strides = array<i32>} : memref<128x64xf32, #tpu.memory_space<vmem>>, vector<16xf32>,
    %swap3A_1885 = arith.constant 117 : i32
    %swap3A_1886 = arith.index_cast %swap3A_1885 : i32 to index
    %swap3A_1887 = arith.constant 48 : index
    %swap3A_1888 = tpu.vector_load %arg10[%swap3A_1886, %swap3A_1887] {strides = array<i32>} : memref<128x64xf32, #tpu.memory_space<vmem>>, vector<16xf32>,
    tpu.vector_store %arg10[%swap3A_1886, %swap3A_1887], %get3A_17 {strides = array<i32>} : memref<128x64xf32, #tpu.memory_space<vmem>>, vector<16xf32>,
    %swap3A_1889 = arith.constant 118 : i32
    %swap3A_1890 = arith.index_cast %swap3A_1889 : i32 to index
    %swap3A_1891 = arith.constant 0 : index
    %swap3A_1892 = tpu.vector_load %arg10[%swap3A_1890, %swap3A_1891] {strides = array<i32>} : memref<128x64xf32, #tpu.memory_space<vmem>>, vector<16xf32>,
    tpu.vector_store %arg10[%swap3A_1890, %swap3A_1891], %get3A_5 {strides = array<i32>} : memref<128x64xf32, #tpu.memory_space<vmem>>, vector<16xf32>,
    %swap3A_1893 = arith.constant 118 : i32
    %swap3A_1894 = arith.index_cast %swap3A_1893 : i32 to index
    %swap3A_1895 = arith.constant 16 : index
    %swap3A_1896 = tpu.vector_load %arg10[%swap3A_1894, %swap3A_1895] {strides = array<i32>} : memref<128x64xf32, #tpu.memory_space<vmem>>, vector<16xf32>,
    tpu.vector_store %arg10[%swap3A_1894, %swap3A_1895], %get3A_9 {strides = array<i32>} : memref<128x64xf32, #tpu.memory_space<vmem>>, vector<16xf32>,
    %swap3A_1897 = arith.constant 118 : i32
    %swap3A_1898 = arith.index_cast %swap3A_1897 : i32 to index
    %swap3A_1899 = arith.constant 32 : index
    %swap3A_1900 = tpu.vector_load %arg10[%swap3A_1898, %swap3A_1899] {strides = array<i32>} : memref<128x64xf32, #tpu.memory_space<vmem>>, vector<16xf32>,
    tpu.vector_store %arg10[%swap3A_1898, %swap3A_1899], %get3A_13 {strides = array<i32>} : memref<128x64xf32, #tpu.memory_space<vmem>>, vector<16xf32>,
    %swap3A_1901 = arith.constant 118 : i32
    %swap3A_1902 = arith.index_cast %swap3A_1901 : i32 to index
    %swap3A_1903 = arith.constant 48 : index
    %swap3A_1904 = tpu.vector_load %arg10[%swap3A_1902, %swap3A_1903] {strides = array<i32>} : memref<128x64xf32, #tpu.memory_space<vmem>>, vector<16xf32>,
    tpu.vector_store %arg10[%swap3A_1902, %swap3A_1903], %get3A_17 {strides = array<i32>} : memref<128x64xf32, #tpu.memory_space<vmem>>, vector<16xf32>,
    %swap3A_1905 = arith.constant 119 : i32
    %swap3A_1906 = arith.index_cast %swap3A_1905 : i32 to index
    %swap3A_1907 = arith.constant 0 : index
    %swap3A_1908 = tpu.vector_load %arg10[%swap3A_1906, %swap3A_1907] {strides = array<i32>} : memref<128x64xf32, #tpu.memory_space<vmem>>, vector<16xf32>,
    tpu.vector_store %arg10[%swap3A_1906, %swap3A_1907], %get3A_5 {strides = array<i32>} : memref<128x64xf32, #tpu.memory_space<vmem>>, vector<16xf32>,
    %swap3A_1909 = arith.constant 119 : i32
    %swap3A_1910 = arith.index_cast %swap3A_1909 : i32 to index
    %swap3A_1911 = arith.constant 16 : index
    %swap3A_1912 = tpu.vector_load %arg10[%swap3A_1910, %swap3A_1911] {strides = array<i32>} : memref<128x64xf32, #tpu.memory_space<vmem>>, vector<16xf32>,
    tpu.vector_store %arg10[%swap3A_1910, %swap3A_1911], %get3A_9 {strides = array<i32>} : memref<128x64xf32, #tpu.memory_space<vmem>>, vector<16xf32>,
    %swap3A_1913 = arith.constant 119 : i32
    %swap3A_1914 = arith.index_cast %swap3A_1913 : i32 to index
    %swap3A_1915 = arith.constant 32 : index
    %swap3A_1916 = tpu.vector_load %arg10[%swap3A_1914, %swap3A_1915] {strides = array<i32>} : memref<128x64xf32, #tpu.memory_space<vmem>>, vector<16xf32>,
    tpu.vector_store %arg10[%swap3A_1914, %swap3A_1915], %get3A_13 {strides = array<i32>} : memref<128x64xf32, #tpu.memory_space<vmem>>, vector<16xf32>,
    %swap3A_1917 = arith.constant 119 : i32
    %swap3A_1918 = arith.index_cast %swap3A_1917 : i32 to index
    %swap3A_1919 = arith.constant 48 : index
    %swap3A_1920 = tpu.vector_load %arg10[%swap3A_1918, %swap3A_1919] {strides = array<i32>} : memref<128x64xf32, #tpu.memory_space<vmem>>, vector<16xf32>,
    tpu.vector_store %arg10[%swap3A_1918, %swap3A_1919], %get3A_17 {strides = array<i32>} : memref<128x64xf32, #tpu.memory_space<vmem>>, vector<16xf32>,
    %swap3A_1921 = arith.constant 120 : i32
    %swap3A_1922 = arith.index_cast %swap3A_1921 : i32 to index
    %swap3A_1923 = arith.constant 0 : index
    %swap3A_1924 = tpu.vector_load %arg10[%swap3A_1922, %swap3A_1923] {strides = array<i32>} : memref<128x64xf32, #tpu.memory_space<vmem>>, vector<16xf32>,
    tpu.vector_store %arg10[%swap3A_1922, %swap3A_1923], %get3A_5 {strides = array<i32>} : memref<128x64xf32, #tpu.memory_space<vmem>>, vector<16xf32>,
    %swap3A_1925 = arith.constant 120 : i32
    %swap3A_1926 = arith.index_cast %swap3A_1925 : i32 to index
    %swap3A_1927 = arith.constant 16 : index
    %swap3A_1928 = tpu.vector_load %arg10[%swap3A_1926, %swap3A_1927] {strides = array<i32>} : memref<128x64xf32, #tpu.memory_space<vmem>>, vector<16xf32>,
    tpu.vector_store %arg10[%swap3A_1926, %swap3A_1927], %get3A_9 {strides = array<i32>} : memref<128x64xf32, #tpu.memory_space<vmem>>, vector<16xf32>,
    %swap3A_1929 = arith.constant 120 : i32
    %swap3A_1930 = arith.index_cast %swap3A_1929 : i32 to index
    %swap3A_1931 = arith.constant 32 : index
    %swap3A_1932 = tpu.vector_load %arg10[%swap3A_1930, %swap3A_1931] {strides = array<i32>} : memref<128x64xf32, #tpu.memory_space<vmem>>, vector<16xf32>,
    tpu.vector_store %arg10[%swap3A_1930, %swap3A_1931], %get3A_13 {strides = array<i32>} : memref<128x64xf32, #tpu.memory_space<vmem>>, vector<16xf32>,
    %swap3A_1933 = arith.constant 120 : i32
    %swap3A_1934 = arith.index_cast %swap3A_1933 : i32 to index
    %swap3A_1935 = arith.constant 48 : index
    %swap3A_1936 = tpu.vector_load %arg10[%swap3A_1934, %swap3A_1935] {strides = array<i32>} : memref<128x64xf32, #tpu.memory_space<vmem>>, vector<16xf32>,
    tpu.vector_store %arg10[%swap3A_1934, %swap3A_1935], %get3A_17 {strides = array<i32>} : memref<128x64xf32, #tpu.memory_space<vmem>>, vector<16xf32>,
    %swap3A_1937 = arith.constant 121 : i32
    %swap3A_1938 = arith.index_cast %swap3A_1937 : i32 to index
    %swap3A_1939 = arith.constant 0 : index
    %swap3A_1940 = tpu.vector_load %arg10[%swap3A_1938, %swap3A_1939] {strides = array<i32>} : memref<128x64xf32, #tpu.memory_space<vmem>>, vector<16xf32>,
    tpu.vector_store %arg10[%swap3A_1938, %swap3A_1939], %get3A_5 {strides = array<i32>} : memref<128x64xf32, #tpu.memory_space<vmem>>, vector<16xf32>,
    %swap3A_1941 = arith.constant 121 : i32
    %swap3A_1942 = arith.index_cast %swap3A_1941 : i32 to index
    %swap3A_1943 = arith.constant 16 : index
    %swap3A_1944 = tpu.vector_load %arg10[%swap3A_1942, %swap3A_1943] {strides = array<i32>} : memref<128x64xf32, #tpu.memory_space<vmem>>, vector<16xf32>,
    tpu.vector_store %arg10[%swap3A_1942, %swap3A_1943], %get3A_9 {strides = array<i32>} : memref<128x64xf32, #tpu.memory_space<vmem>>, vector<16xf32>,
    %swap3A_1945 = arith.constant 121 : i32
    %swap3A_1946 = arith.index_cast %swap3A_1945 : i32 to index
    %swap3A_1947 = arith.constant 32 : index
    %swap3A_1948 = tpu.vector_load %arg10[%swap3A_1946, %swap3A_1947] {strides = array<i32>} : memref<128x64xf32, #tpu.memory_space<vmem>>, vector<16xf32>,
    tpu.vector_store %arg10[%swap3A_1946, %swap3A_1947], %get3A_13 {strides = array<i32>} : memref<128x64xf32, #tpu.memory_space<vmem>>, vector<16xf32>,
    %swap3A_1949 = arith.constant 121 : i32
    %swap3A_1950 = arith.index_cast %swap3A_1949 : i32 to index
    %swap3A_1951 = arith.constant 48 : index
    %swap3A_1952 = tpu.vector_load %arg10[%swap3A_1950, %swap3A_1951] {strides = array<i32>} : memref<128x64xf32, #tpu.memory_space<vmem>>, vector<16xf32>,
    tpu.vector_store %arg10[%swap3A_1950, %swap3A_1951], %get3A_17 {strides = array<i32>} : memref<128x64xf32, #tpu.memory_space<vmem>>, vector<16xf32>,
    %swap3A_1953 = arith.constant 122 : i32
    %swap3A_1954 = arith.index_cast %swap3A_1953 : i32 to index
    %swap3A_1955 = arith.constant 0 : index
    %swap3A_1956 = tpu.vector_load %arg10[%swap3A_1954, %swap3A_1955] {strides = array<i32>} : memref<128x64xf32, #tpu.memory_space<vmem>>, vector<16xf32>,
    tpu.vector_store %arg10[%swap3A_1954, %swap3A_1955], %get3A_5 {strides = array<i32>} : memref<128x64xf32, #tpu.memory_space<vmem>>, vector<16xf32>,
    %swap3A_1957 = arith.constant 122 : i32
    %swap3A_1958 = arith.index_cast %swap3A_1957 : i32 to index
    %swap3A_1959 = arith.constant 16 : index
    %swap3A_1960 = tpu.vector_load %arg10[%swap3A_1958, %swap3A_1959] {strides = array<i32>} : memref<128x64xf32, #tpu.memory_space<vmem>>, vector<16xf32>,
    tpu.vector_store %arg10[%swap3A_1958, %swap3A_1959], %get3A_9 {strides = array<i32>} : memref<128x64xf32, #tpu.memory_space<vmem>>, vector<16xf32>,
    %swap3A_1961 = arith.constant 122 : i32
    %swap3A_1962 = arith.index_cast %swap3A_1961 : i32 to index
    %swap3A_1963 = arith.constant 32 : index
    %swap3A_1964 = tpu.vector_load %arg10[%swap3A_1962, %swap3A_1963] {strides = array<i32>} : memref<128x64xf32, #tpu.memory_space<vmem>>, vector<16xf32>,
    tpu.vector_store %arg10[%swap3A_1962, %swap3A_1963], %get3A_13 {strides = array<i32>} : memref<128x64xf32, #tpu.memory_space<vmem>>, vector<16xf32>,
    %swap3A_1965 = arith.constant 122 : i32
    %swap3A_1966 = arith.index_cast %swap3A_1965 : i32 to index
    %swap3A_1967 = arith.constant 48 : index
    %swap3A_1968 = tpu.vector_load %arg10[%swap3A_1966, %swap3A_1967] {strides = array<i32>} : memref<128x64xf32, #tpu.memory_space<vmem>>, vector<16xf32>,
    tpu.vector_store %arg10[%swap3A_1966, %swap3A_1967], %get3A_17 {strides = array<i32>} : memref<128x64xf32, #tpu.memory_space<vmem>>, vector<16xf32>,
    %swap3A_1969 = arith.constant 123 : i32
    %swap3A_1970 = arith.index_cast %swap3A_1969 : i32 to index
    %swap3A_1971 = arith.constant 0 : index
    %swap3A_1972 = tpu.vector_load %arg10[%swap3A_1970, %swap3A_1971] {strides = array<i32>} : memref<128x64xf32, #tpu.memory_space<vmem>>, vector<16xf32>,
    tpu.vector_store %arg10[%swap3A_1970, %swap3A_1971], %get3A_5 {strides = array<i32>} : memref<128x64xf32, #tpu.memory_space<vmem>>, vector<16xf32>,
    %swap3A_1973 = arith.constant 123 : i32
    %swap3A_1974 = arith.index_cast %swap3A_1973 : i32 to index
    %swap3A_1975 = arith.constant 16 : index
    %swap3A_1976 = tpu.vector_load %arg10[%swap3A_1974, %swap3A_1975] {strides = array<i32>} : memref<128x64xf32, #tpu.memory_space<vmem>>, vector<16xf32>,
    tpu.vector_store %arg10[%swap3A_1974, %swap3A_1975], %get3A_9 {strides = array<i32>} : memref<128x64xf32, #tpu.memory_space<vmem>>, vector<16xf32>,
    %swap3A_1977 = arith.constant 123 : i32
    %swap3A_1978 = arith.index_cast %swap3A_1977 : i32 to index
    %swap3A_1979 = arith.constant 32 : index
    %swap3A_1980 = tpu.vector_load %arg10[%swap3A_1978, %swap3A_1979] {strides = array<i32>} : memref<128x64xf32, #tpu.memory_space<vmem>>, vector<16xf32>,
    tpu.vector_store %arg10[%swap3A_1978, %swap3A_1979], %get3A_13 {strides = array<i32>} : memref<128x64xf32, #tpu.memory_space<vmem>>, vector<16xf32>,
    %swap3A_1981 = arith.constant 123 : i32
    %swap3A_1982 = arith.index_cast %swap3A_1981 : i32 to index
    %swap3A_1983 = arith.constant 48 : index
    %swap3A_1984 = tpu.vector_load %arg10[%swap3A_1982, %swap3A_1983] {strides = array<i32>} : memref<128x64xf32, #tpu.memory_space<vmem>>, vector<16xf32>,
    tpu.vector_store %arg10[%swap3A_1982, %swap3A_1983], %get3A_17 {strides = array<i32>} : memref<128x64xf32, #tpu.memory_space<vmem>>, vector<16xf32>,
    %swap3A_1985 = arith.constant 124 : i32
    %swap3A_1986 = arith.index_cast %swap3A_1985 : i32 to index
    %swap3A_1987 = arith.constant 0 : index
    %swap3A_1988 = tpu.vector_load %arg10[%swap3A_1986, %swap3A_1987] {strides = array<i32>} : memref<128x64xf32, #tpu.memory_space<vmem>>, vector<16xf32>,
    tpu.vector_store %arg10[%swap3A_1986, %swap3A_1987], %get3A_5 {strides = array<i32>} : memref<128x64xf32, #tpu.memory_space<vmem>>, vector<16xf32>,
    %swap3A_1989 = arith.constant 124 : i32
    %swap3A_1990 = arith.index_cast %swap3A_1989 : i32 to index
    %swap3A_1991 = arith.constant 16 : index
    %swap3A_1992 = tpu.vector_load %arg10[%swap3A_1990, %swap3A_1991] {strides = array<i32>} : memref<128x64xf32, #tpu.memory_space<vmem>>, vector<16xf32>,
    tpu.vector_store %arg10[%swap3A_1990, %swap3A_1991], %get3A_9 {strides = array<i32>} : memref<128x64xf32, #tpu.memory_space<vmem>>, vector<16xf32>,
    %swap3A_1993 = arith.constant 124 : i32
    %swap3A_1994 = arith.index_cast %swap3A_1993 : i32 to index
    %swap3A_1995 = arith.constant 32 : index
    %swap3A_1996 = tpu.vector_load %arg10[%swap3A_1994, %swap3A_1995] {strides = array<i32>} : memref<128x64xf32, #tpu.memory_space<vmem>>, vector<16xf32>,
    tpu.vector_store %arg10[%swap3A_1994, %swap3A_1995], %get3A_13 {strides = array<i32>} : memref<128x64xf32, #tpu.memory_space<vmem>>, vector<16xf32>,
    %swap3A_1997 = arith.constant 124 : i32
    %swap3A_1998 = arith.index_cast %swap3A_1997 : i32 to index
    %swap3A_1999 = arith.constant 48 : index
    %swap3A_2000 = tpu.vector_load %arg10[%swap3A_1998, %swap3A_1999] {strides = array<i32>} : memref<128x64xf32, #tpu.memory_space<vmem>>, vector<16xf32>,
    tpu.vector_store %arg10[%swap3A_1998, %swap3A_1999], %get3A_17 {strides = array<i32>} : memref<128x64xf32, #tpu.memory_space<vmem>>, vector<16xf32>,
    %swap3A_2001 = arith.constant 125 : i32
    %swap3A_2002 = arith.index_cast %swap3A_2001 : i32 to index
    %swap3A_2003 = arith.constant 0 : index
    %swap3A_2004 = tpu.vector_load %arg10[%swap3A_2002, %swap3A_2003] {strides = array<i32>} : memref<128x64xf32, #tpu.memory_space<vmem>>, vector<16xf32>,
    tpu.vector_store %arg10[%swap3A_2002, %swap3A_2003], %get3A_5 {strides = array<i32>} : memref<128x64xf32, #tpu.memory_space<vmem>>, vector<16xf32>,
    %swap3A_2005 = arith.constant 125 : i32
    %swap3A_2006 = arith.index_cast %swap3A_2005 : i32 to index
    %swap3A_2007 = arith.constant 16 : index
    %swap3A_2008 = tpu.vector_load %arg10[%swap3A_2006, %swap3A_2007] {strides = array<i32>} : memref<128x64xf32, #tpu.memory_space<vmem>>, vector<16xf32>,
    tpu.vector_store %arg10[%swap3A_2006, %swap3A_2007], %get3A_9 {strides = array<i32>} : memref<128x64xf32, #tpu.memory_space<vmem>>, vector<16xf32>,
    %swap3A_2009 = arith.constant 125 : i32
    %swap3A_2010 = arith.index_cast %swap3A_2009 : i32 to index
    %swap3A_2011 = arith.constant 32 : index
    %swap3A_2012 = tpu.vector_load %arg10[%swap3A_2010, %swap3A_2011] {strides = array<i32>} : memref<128x64xf32, #tpu.memory_space<vmem>>, vector<16xf32>,
    tpu.vector_store %arg10[%swap3A_2010, %swap3A_2011], %get3A_13 {strides = array<i32>} : memref<128x64xf32, #tpu.memory_space<vmem>>, vector<16xf32>,
    %swap3A_2013 = arith.constant 125 : i32
    %swap3A_2014 = arith.index_cast %swap3A_2013 : i32 to index
    %swap3A_2015 = arith.constant 48 : index
    %swap3A_2016 = tpu.vector_load %arg10[%swap3A_2014, %swap3A_2015] {strides = array<i32>} : memref<128x64xf32, #tpu.memory_space<vmem>>, vector<16xf32>,
    tpu.vector_store %arg10[%swap3A_2014, %swap3A_2015], %get3A_17 {strides = array<i32>} : memref<128x64xf32, #tpu.memory_space<vmem>>, vector<16xf32>,
    %swap3A_2017 = arith.constant 126 : i32
    %swap3A_2018 = arith.index_cast %swap3A_2017 : i32 to index
    %swap3A_2019 = arith.constant 0 : index
    %swap3A_2020 = tpu.vector_load %arg10[%swap3A_2018, %swap3A_2019] {strides = array<i32>} : memref<128x64xf32, #tpu.memory_space<vmem>>, vector<16xf32>,
    tpu.vector_store %arg10[%swap3A_2018, %swap3A_2019], %get3A_5 {strides = array<i32>} : memref<128x64xf32, #tpu.memory_space<vmem>>, vector<16xf32>,
    %swap3A_2021 = arith.constant 126 : i32
    %swap3A_2022 = arith.index_cast %swap3A_2021 : i32 to index
    %swap3A_2023 = arith.constant 16 : index
    %swap3A_2024 = tpu.vector_load %arg10[%swap3A_2022, %swap3A_2023] {strides = array<i32>} : memref<128x64xf32, #tpu.memory_space<vmem>>, vector<16xf32>,
    tpu.vector_store %arg10[%swap3A_2022, %swap3A_2023], %get3A_9 {strides = array<i32>} : memref<128x64xf32, #tpu.memory_space<vmem>>, vector<16xf32>,
    %swap3A_2025 = arith.constant 126 : i32
    %swap3A_2026 = arith.index_cast %swap3A_2025 : i32 to index
    %swap3A_2027 = arith.constant 32 : index
    %swap3A_2028 = tpu.vector_load %arg10[%swap3A_2026, %swap3A_2027] {strides = array<i32>} : memref<128x64xf32, #tpu.memory_space<vmem>>, vector<16xf32>,
    tpu.vector_store %arg10[%swap3A_2026, %swap3A_2027], %get3A_13 {strides = array<i32>} : memref<128x64xf32, #tpu.memory_space<vmem>>, vector<16xf32>,
    %swap3A_2029 = arith.constant 126 : i32
    %swap3A_2030 = arith.index_cast %swap3A_2029 : i32 to index
    %swap3A_2031 = arith.constant 48 : index
    %swap3A_2032 = tpu.vector_load %arg10[%swap3A_2030, %swap3A_2031] {strides = array<i32>} : memref<128x64xf32, #tpu.memory_space<vmem>>, vector<16xf32>,
    tpu.vector_store %arg10[%swap3A_2030, %swap3A_2031], %get3A_17 {strides = array<i32>} : memref<128x64xf32, #tpu.memory_space<vmem>>, vector<16xf32>,
    %swap3A_2033 = arith.constant 127 : i32
    %swap3A_2034 = arith.index_cast %swap3A_2033 : i32 to index
    %swap3A_2035 = arith.constant 0 : index
    %swap3A_2036 = tpu.vector_load %arg10[%swap3A_2034, %swap3A_2035] {strides = array<i32>} : memref<128x64xf32, #tpu.memory_space<vmem>>, vector<16xf32>,
    tpu.vector_store %arg10[%swap3A_2034, %swap3A_2035], %get3A_5 {strides = array<i32>} : memref<128x64xf32, #tpu.memory_space<vmem>>, vector<16xf32>,
    %swap3A_2037 = arith.constant 127 : i32
    %swap3A_2038 = arith.index_cast %swap3A_2037 : i32 to index
    %swap3A_2039 = arith.constant 16 : index
    %swap3A_2040 = tpu.vector_load %arg10[%swap3A_2038, %swap3A_2039] {strides = array<i32>} : memref<128x64xf32, #tpu.memory_space<vmem>>, vector<16xf32>,
    tpu.vector_store %arg10[%swap3A_2038, %swap3A_2039], %get3A_9 {strides = array<i32>} : memref<128x64xf32, #tpu.memory_space<vmem>>, vector<16xf32>,
    %swap3A_2041 = arith.constant 127 : i32
    %swap3A_2042 = arith.index_cast %swap3A_2041 : i32 to index
    %swap3A_2043 = arith.constant 32 : index
    %swap3A_2044 = tpu.vector_load %arg10[%swap3A_2042, %swap3A_2043] {strides = array<i32>} : memref<128x64xf32, #tpu.memory_space<vmem>>, vector<16xf32>,
    tpu.vector_store %arg10[%swap3A_2042, %swap3A_2043], %get3A_13 {strides = array<i32>} : memref<128x64xf32, #tpu.memory_space<vmem>>, vector<16xf32>,
    %swap3A_2045 = arith.constant 127 : i32
    %swap3A_2046 = arith.index_cast %swap3A_2045 : i32 to index
    %swap3A_2047 = arith.constant 48 : index
    %swap3A_2048 = tpu.vector_load %arg10[%swap3A_2046, %swap3A_2047] {strides = array<i32>} : memref<128x64xf32, #tpu.memory_space<vmem>>, vector<16xf32>,
    tpu.vector_store %arg10[%swap3A_2046, %swap3A_2047], %get3A_17 {strides = array<i32>} : memref<128x64xf32, #tpu.memory_space<vmem>>, vector<16xf32>,
    %add3A_2049 = arith.constant 0 : i32
    %add3A_2050 = arith.addi %mul3A_2, %add3A_2049 : i32
    "tpu.region"() ({
      %run_scoped3A = tpu.sem_alloc : memref<!tpu.dma_semaphore, #tpu.memory_space<semaphore_mem>>
      %dma_start3A = arith.constant 0 : i32
      %dma_start3A_2198 = tpu.memref_slice %arg5[%add3A_2050, %dma_start3A] : memref<16384x64xf32, #tpu.memory_space<hbm>> -> memref<128x64xf32, #tpu.memory_space<hbm>>
      %dma_start3A_2199 = arith.constant 0 : i32
      %dma_start3A_2200 = tpu.memref_slice %arg5[%add3A_2050, %dma_start3A_2199] : memref<16384x64xf32, #tpu.memory_space<hbm>> -> memref<128x64xf32, #tpu.memory_space<hbm>>
      tpu.enqueue_dma source(%arg10 : memref<128x64xf32, #tpu.memory_space<vmem>>) target(%dma_start3A_2200 : memref<128x64xf32, #tpu.memory_space<hbm>>) target_semaphore(%run_scoped3A : memref<!tpu.dma_semaphore, #tpu.memory_space<semaphore_mem>>)
      %dma_wait3A_2201 = arith.constant 0 : i32
      %dma_wait3A_2202 = tpu.memref_slice %arg5[%add3A_2050, %dma_wait3A_2201] : memref<16384x64xf32, #tpu.memory_space<hbm>> -> memref<128x64xf32, #tpu.memory_space<hbm>>
      %dma_wait3A_2203 = arith.constant 0 : i32
      %dma_wait3A_2204 = tpu.memref_slice %arg5[%add3A_2050, %dma_wait3A_2203] : memref<16384x64xf32, #tpu.memory_space<hbm>> -> memref<128x64xf32, #tpu.memory_space<hbm>>
      tpu.wait_dma2 semaphore(%run_scoped3A : memref<!tpu.dma_semaphore, #tpu.memory_space<semaphore_mem>>) src(%arg10 : memref<128x64xf32, #tpu.memory_space<vmem>>) dst(%dma_wait3A_2204 : memref<128x64xf32, #tpu.memory_space<hbm>>)
      tpu.yield
    }) : () -> ()
    %add3A_2051 = arith.constant 128 : i32
    %add3A_2052 = arith.addi %mul3A_2, %add3A_2051 : i32
    "tpu.region"() ({
      %run_scoped3A = tpu.sem_alloc : memref<!tpu.dma_semaphore, #tpu.memory_space<semaphore_mem>>
      %dma_start3A = arith.constant 0 : i32
      %dma_start3A_2198 = tpu.memref_slice %arg5[%add3A_2052, %dma_start3A] : memref<16384x64xf32, #tpu.memory_space<hbm>> -> memref<128x64xf32, #tpu.memory_space<hbm>>
      %dma_start3A_2199 = arith.constant 0 : i32
      %dma_start3A_2200 = tpu.memref_slice %arg5[%add3A_2052, %dma_start3A_2199] : memref<16384x64xf32, #tpu.memory_space<hbm>> -> memref<128x64xf32, #tpu.memory_space<hbm>>
      tpu.enqueue_dma source(%arg10 : memref<128x64xf32, #tpu.memory_space<vmem>>) target(%dma_start3A_2200 : memref<128x64xf32, #tpu.memory_space<hbm>>) target_semaphore(%run_scoped3A : memref<!tpu.dma_semaphore, #tpu.memory_space<semaphore_mem>>)
      %dma_wait3A_2201 = arith.constant 0 : i32
      %dma_wait3A_2202 = tpu.memref_slice %arg5[%add3A_2052, %dma_wait3A_2201] : memref<16384x64xf32, #tpu.memory_space<hbm>> -> memref<128x64xf32, #tpu.memory_space<hbm>>
      %dma_wait3A_2203 = arith.constant 0 : i32
      %dma_wait3A_2204 = tpu.memref_slice %arg5[%add3A_2052, %dma_wait3A_2203] : memref<16384x64xf32, #tpu.memory_space<hbm>> -> memref<128x64xf32, #tpu.memory_space<hbm>>
      tpu.wait_dma2 semaphore(%run_scoped3A : memref<!tpu.dma_semaphore, #tpu.memory_space<semaphore_mem>>) src(%arg10 : memref<128x64xf32, #tpu.memory_space<vmem>>) dst(%dma_wait3A_2204 : memref<128x64xf32, #tpu.memory_space<hbm>>)
      tpu.yield
    }) : () -> ()
    %add3A_2053 = arith.constant 256 : i32
    %add3A_2054 = arith.addi %mul3A_2, %add3A_2053 : i32
    "tpu.region"() ({
      %run_scoped3A = tpu.sem_alloc : memref<!tpu.dma_semaphore, #tpu.memory_space<semaphore_mem>>
      %dma_start3A = arith.constant 0 : i32
      %dma_start3A_2198 = tpu.memref_slice %arg5[%add3A_2054, %dma_start3A] : memref<16384x64xf32, #tpu.memory_space<hbm>> -> memref<128x64xf32, #tpu.memory_space<hbm>>
      %dma_start3A_2199 = arith.constant 0 : i32
      %dma_start3A_2200 = tpu.memref_slice %arg5[%add3A_2054, %dma_start3A_2199] : memref<16384x64xf32, #tpu.memory_space<hbm>> -> memref<128x64xf32, #tpu.memory_space<hbm>>
      tpu.enqueue_dma source(%arg10 : memref<128x64xf32, #tpu.memory_space<vmem>>) target(%dma_start3A_2200 : memref<128x64xf32, #tpu.memory_space<hbm>>) target_semaphore(%run_scoped3A : memref<!tpu.dma_semaphore, #tpu.memory_space<semaphore_mem>>)
      %dma_wait3A_2201 = arith.constant 0 : i32
      %dma_wait3A_2202 = tpu.memref_slice %arg5[%add3A_2054, %dma_wait3A_2201] : memref<16384x64xf32, #tpu.memory_space<hbm>> -> memref<128x64xf32, #tpu.memory_space<hbm>>
      %dma_wait3A_2203 = arith.constant 0 : i32
      %dma_wait3A_2204 = tpu.memref_slice %arg5[%add3A_2054, %dma_wait3A_2203] : memref<16384x64xf32, #tpu.memory_space<hbm>> -> memref<128x64xf32, #tpu.memory_space<hbm>>
      tpu.wait_dma2 semaphore(%run_scoped3A : memref<!tpu.dma_semaphore, #tpu.memory_space<semaphore_mem>>) src(%arg10 : memref<128x64xf32, #tpu.memory_space<vmem>>) dst(%dma_wait3A_2204 : memref<128x64xf32, #tpu.memory_space<hbm>>)
      tpu.yield
    }) : () -> ()
    %add3A_2055 = arith.constant 384 : i32
    %add3A_2056 = arith.addi %mul3A_2, %add3A_2055 : i32
    "tpu.region"() ({
      %run_scoped3A = tpu.sem_alloc : memref<!tpu.dma_semaphore, #tpu.memory_space<semaphore_mem>>
      %dma_start3A = arith.constant 0 : i32
      %dma_start3A_2198 = tpu.memref_slice %arg5[%add3A_2056, %dma_start3A] : memref<16384x64xf32, #tpu.memory_space<hbm>> -> memref<128x64xf32, #tpu.memory_space<hbm>>
      %dma_start3A_2199 = arith.constant 0 : i32
      %dma_start3A_2200 = tpu.memref_slice %arg5[%add3A_2056, %dma_start3A_2199] : memref<16384x64xf32, #tpu.memory_space<hbm>> -> memref<128x64xf32, #tpu.memory_space<hbm>>
      tpu.enqueue_dma source(%arg10 : memref<128x64xf32, #tpu.memory_space<vmem>>) target(%dma_start3A_2200 : memref<128x64xf32, #tpu.memory_space<hbm>>) target_semaphore(%run_scoped3A : memref<!tpu.dma_semaphore, #tpu.memory_space<semaphore_mem>>)
      %dma_wait3A_2201 = arith.constant 0 : i32
      %dma_wait3A_2202 = tpu.memref_slice %arg5[%add3A_2056, %dma_wait3A_2201] : memref<16384x64xf32, #tpu.memory_space<hbm>> -> memref<128x64xf32, #tpu.memory_space<hbm>>
      %dma_wait3A_2203 = arith.constant 0 : i32
      %dma_wait3A_2204 = tpu.memref_slice %arg5[%add3A_2056, %dma_wait3A_2203] : memref<16384x64xf32, #tpu.memory_space<hbm>> -> memref<128x64xf32, #tpu.memory_space<hbm>>
      tpu.wait_dma2 semaphore(%run_scoped3A : memref<!tpu.dma_semaphore, #tpu.memory_space<semaphore_mem>>) src(%arg10 : memref<128x64xf32, #tpu.memory_space<vmem>>) dst(%dma_wait3A_2204 : memref<128x64xf32, #tpu.memory_space<hbm>>)
      tpu.yield
    }) : () -> ()
    %iota3A = tpu.iota {dimensions = array<i32: 0>} : vector<16xi32>
    %swap3A_2057 = arith.constant 0 : i32
    %swap3A_2058 = arith.constant 0 : i32
    %swap3A_2059 = arith.index_cast %swap3A_2058 : i32 to index
    %swap3A_2060 = memref.load %arg11[%swap3A_2059] : memref<2xi32, #tpu.memory_space<smem>>
    memref.store %swap3A_2057, %arg11[%swap3A_2059] : memref<2xi32, #tpu.memory_space<smem>>
    %swap3A_2061 = arith.constant 1073741824 : i32
    %swap3A_2062 = arith.constant 1 : i32
    %swap3A_2063 = arith.index_cast %swap3A_2062 : i32 to index
    %swap3A_2064 = memref.load %arg11[%swap3A_2063] : memref<2xi32, #tpu.memory_space<smem>>
    memref.store %swap3A_2061, %arg11[%swap3A_2063] : memref<2xi32, #tpu.memory_space<smem>>
    %scan3A = arith.constant 0 : i32
    %scan3A_2065 = arith.constant 0 : i32
    %scan3A_2066 = arith.constant 32 : i32
    %scan3A_2067 = arith.addi %scan3A_2065, %scan3A_2066 : i32
    %scan3A_2068 = arith.constant 1 : i32
    scf.for %scan3A_2198 = %scan3A_2065 to %scan3A_2067 step %scan3A_2068  : i32 {
      %mul3A_2199 = arith.constant 16 : i32
      %mul3A_2200 = arith.muli %scan3A_2198, %mul3A_2199 : i32
      %get3A_2201 = arith.index_cast %mul3A_2200 : i32 to index
      %get3A_2202 = tpu.vector_load %arg6[%get3A_2201] {strides = array<i32>} : memref<512xi32, #tpu.memory_space<vmem>>, vector<16xi32>,
      %get3A_2203 = arith.index_cast %mul3A_2200 : i32 to index
      %get3A_2204 = tpu.vector_load %arg7[%get3A_2203] {strides = array<i32>} : memref<512xi32, #tpu.memory_space<vmem>>, vector<16xi32>,
      %eq3A = arith.constant 0 : i32
      %eq3A_2205 = vector.broadcast %eq3A : i32 to vector<16xi32>
      %eq3A_2206 = arith.cmpi eq, %get3A_2204, %eq3A_2205 : vector<16xi32>
      %get3A_2207 = arith.constant 0 : i32
      %get3A_2208 = arith.index_cast %get3A_2207 : i32 to index
      %get3A_2209 = memref.load %arg11[%get3A_2208] : memref<2xi32, #tpu.memory_space<smem>>
      %convert_element_type3A = arith.extui %eq3A_2206 : vector<16xi1> to vector<16xi32>
      %broadcast_in_dim3A_2210 = arith.constant true
      %broadcast_in_dim3A_2211 = vector.broadcast %broadcast_in_dim3A_2210 : i1 to vector<16xi1>
      %masked_cumsum3A = tpu.scan <sum>, %convert_element_type3A masked %broadcast_in_dim3A_2211 : vector<16xi32>, vector<16xi1> -> vector<16xi32>
      %add3A_2212 = vector.broadcast %get3A_2209 : i32 to vector<16xi32>
      %add3A_2213 = arith.addi %add3A_2212, %masked_cumsum3A : vector<16xi32>
      %sub3A_2214 = arith.constant 1 : i32
      %sub3A_2215 = vector.broadcast %sub3A_2214 : i32 to vector<16xi32>
      %sub3A_2216 = arith.subi %add3A_2213, %sub3A_2215 : vector<16xi32>
      tpu.vector_store_idx %arg8[%sub3A_2216], %get3A_2202 masked %eq3A_2206 : memref<528xi32, #tpu.memory_space<vmem>>[vector<16xi32>], vector<16xi32>, vector<16xi1>
      %add3A_2217 = arith.addi %mul3A_2, %mul3A_2200 : i32
      %add3A_2218 = vector.broadcast %add3A_2217 : i32 to vector<16xi32>
      %add3A_2219 = arith.addi %add3A_2218, %iota3A : vector<16xi32>
      tpu.vector_store_idx %arg9[%sub3A_2216], %add3A_2219 masked %eq3A_2206 : memref<528xi32, #tpu.memory_space<vmem>>[vector<16xi32>], vector<16xi32>, vector<16xi1>
      %slice3A = vector.extract_strided_slice %masked_cumsum3A {offsets = [15], sizes = [1], strides = [1]} : vector<16xi32> to vector<1xi32>
      %squeeze3A = vector.extract %slice3A[0] : i32 from vector<1xi32>
      %add3A_2220 = arith.addi %get3A_2209, %squeeze3A : i32
      %swap3A_2221 = arith.constant 0 : i32
      %swap3A_2222 = arith.index_cast %swap3A_2221 : i32 to index
      %swap3A_2223 = memref.load %arg11[%swap3A_2222] : memref<2xi32, #tpu.memory_space<smem>>
      memref.store %add3A_2220, %arg11[%swap3A_2222] : memref<2xi32, #tpu.memory_space<smem>>
      %ne3A_2224 = arith.constant 0 : i32
      %ne3A_2225 = vector.broadcast %ne3A_2224 : i32 to vector<16xi32>
      %ne3A_2226 = arith.cmpi ne, %get3A_2204, %ne3A_2225 : vector<16xi32>
      %add3A_2227 = arith.addi %mul3A_2, %mul3A_2200 : i32
      %add3A_2228 = vector.broadcast %add3A_2227 : i32 to vector<16xi32>
      %add3A_2229 = arith.addi %add3A_2228, %iota3A : vector<16xi32>
      %broadcast_in_dim3A_2230 = arith.constant 1073741824 : i32
      %broadcast_in_dim3A_2231 = vector.broadcast %broadcast_in_dim3A_2230 : i32 to vector<16xi32>
      %select_n3A_2232 = arith.select %ne3A_2226, %add3A_2229, %broadcast_in_dim3A_2231 : vector<16xi1>, vector<16xi32>
      %neg3A = arith.constant 0 : i32
      %neg3A_2233 = vector.broadcast %neg3A : i32 to vector<16xi32>
      %neg3A_2234 = arith.subi %neg3A_2233, %select_n3A_2232 : vector<16xi32>
      %broadcast_in_dim3A_2235 = arith.constant true
      %broadcast_in_dim3A_2236 = vector.broadcast %broadcast_in_dim3A_2235 : i1 to vector<16xi1>
      %masked_cummax3A = arith.constant -2147483648 : i32
      %masked_cummax3A_2237 = vector.broadcast %masked_cummax3A : i32 to vector<16xi32>
      %masked_cummax3A_2238 = arith.xori %neg3A_2234, %masked_cummax3A_2237 : vector<16xi32>
      %masked_cummax3A_2239 = tpu.scan <max>, %masked_cummax3A_2238 masked %broadcast_in_dim3A_2236 : vector<16xi32>, vector<16xi1> -> vector<16xi32>
      %masked_cummax3A_2240 = arith.xori %masked_cummax3A_2239, %masked_cummax3A_2237 : vector<16xi32>
      %slice3A_2241 = vector.extract_strided_slice %masked_cummax3A_2240 {offsets = [15], sizes = [1], strides = [1]} : vector<16xi32> to vector<1xi32>
      %squeeze3A_2242 = vector.extract %slice3A_2241[0] : i32 from vector<1xi32>
      %neg3A_2243 = arith.constant 0 : i32
      %neg3A_2244 = arith.subi %neg3A_2243, %squeeze3A_2242 : i32
      %get3A_2245 = arith.constant 1 : i32
      %get3A_2246 = arith.index_cast %get3A_2245 : i32 to index
      %get3A_2247 = memref.load %arg11[%get3A_2246] : memref<2xi32, #tpu.memory_space<smem>>
      %le3A = arith.cmpi sle, %get3A_2247, %neg3A_2244 : i32
      %select_n3A_2248 = arith.select %le3A, %get3A_2247, %neg3A_2244 : i32
      %swap3A_2249 = arith.constant 1 : i32
      %swap3A_2250 = arith.index_cast %swap3A_2249 : i32 to index
      %swap3A_2251 = memref.load %arg11[%swap3A_2250] : memref<2xi32, #tpu.memory_space<smem>>
      memref.store %select_n3A_2248, %arg11[%swap3A_2250] : memref<2xi32, #tpu.memory_space<smem>>
    }
    %scan3A_2069 = arith.constant 32 : i32
    %get3A_2070 = arith.constant 0 : i32
    %get3A_2071 = arith.index_cast %get3A_2070 : i32 to index
    %get3A_2072 = memref.load %arg11[%get3A_2071] : memref<2xi32, #tpu.memory_space<smem>>
    %get3A_2073 = arith.constant 1 : i32
    %get3A_2074 = arith.index_cast %get3A_2073 : i32 to index
    %get3A_2075 = memref.load %arg11[%get3A_2074] : memref<2xi32, #tpu.memory_space<smem>>
    %add3A_2076 = arith.constant 16 : i32
    %add3A_2077 = arith.addi %get3A_2072, %add3A_2076 : i32
    %sub3A = arith.constant 1 : i32
    %sub3A_2078 = arith.subi %add3A_2077, %sub3A : i32
    %jit3A = arith.constant 16 : i32
    %div3A = arith.divsi %sub3A_2078, %jit3A : i32
    %sign3A = arith.constant 0 : i32
    %sign3A_2079 = arith.cmpi sgt, %sub3A_2078, %sign3A : i32
    %sign3A_2080 = arith.extui %sign3A_2079 : i1 to i32
    %sign3A_2081 = arith.constant 0 : i32
    %sign3A_2082 = arith.cmpi slt, %sub3A_2078, %sign3A_2081 : i32
    %sign3A_2083 = arith.extui %sign3A_2082 : i1 to i32
    %sign3A_2084 = arith.subi %sign3A_2080, %sign3A_2083 : i32
    %sign3A_2085 = arith.constant 0 : i32
    %sign3A_2086 = arith.cmpi sgt, %jit3A, %sign3A_2085 : i32
    %sign3A_2087 = arith.extui %sign3A_2086 : i1 to i32
    %sign3A_2088 = arith.constant 0 : i32
    %sign3A_2089 = arith.cmpi slt, %jit3A, %sign3A_2088 : i32
    %sign3A_2090 = arith.extui %sign3A_2089 : i1 to i32
    %sign3A_2091 = arith.subi %sign3A_2087, %sign3A_2090 : i32
    %ne3A = arith.cmpi ne, %sign3A_2084, %sign3A_2091 : i32
    %rem3A = arith.remsi %sub3A_2078, %jit3A : i32
    %ne3A_2092 = arith.constant 0 : i32
    %ne3A_2093 = arith.cmpi ne, %rem3A, %ne3A_2092 : i32
    %and3A = arith.andi %ne3A, %ne3A_2093 : i1
    %sub3A_2094 = arith.constant 1 : i32
    %sub3A_2095 = arith.subi %div3A, %sub3A_2094 : i32
    %select_n3A = arith.select %and3A, %sub3A_2095, %div3A : i32
    %max3A = arith.constant 1 : i32
    %max3A_2096 = arith.maxsi %max3A, %select_n3A : i32
    %mul3A_2097 = arith.constant 16 : i32
    %mul3A_2098 = arith.muli %max3A_2096, %mul3A_2097 : i32
    %sub3A_2099 = arith.subi %mul3A_2098, %get3A_2072 : i32
    %lt3A = vector.broadcast %sub3A_2099 : i32 to vector<16xi32>
    %lt3A_2100 = arith.cmpi slt, %iota3A, %lt3A : vector<16xi32>
    %add3A_2101 = vector.broadcast %get3A_2072 : i32 to vector<16xi32>
    %add3A_2102 = arith.addi %add3A_2101, %iota3A : vector<16xi32>
    %broadcast_in_dim3A = arith.constant 1000000 : i32
    %broadcast_in_dim3A_2103 = vector.broadcast %broadcast_in_dim3A : i32 to vector<16xi32>
    tpu.vector_store_idx %arg8[%add3A_2102], %broadcast_in_dim3A_2103 masked %lt3A_2100 : memref<528xi32, #tpu.memory_space<vmem>>[vector<16xi32>], vector<16xi32>, vector<16xi1>
    %add3A_2104 = vector.broadcast %get3A_2072 : i32 to vector<16xi32>
    %add3A_2105 = arith.addi %add3A_2104, %iota3A : vector<16xi32>
    %broadcast_in_dim3A_2106 = arith.constant 0 : i32
    %broadcast_in_dim3A_2107 = vector.broadcast %broadcast_in_dim3A_2106 : i32 to vector<16xi32>
    %add3A_2108 = vector.broadcast %get3A_2075 : i32 to vector<16xi32>
    %add3A_2109 = arith.addi %broadcast_in_dim3A_2107, %add3A_2108 : vector<16xi32>
    tpu.vector_store_idx %arg9[%add3A_2105], %add3A_2109 masked %lt3A_2100 : memref<528xi32, #tpu.memory_space<vmem>>[vector<16xi32>], vector<16xi32>, vector<16xi1>
    %while3A = arith.constant 0 : i32
    %while3A_2110 = arith.constant 0 : i32
    %while3A_2111 = arith.subi %max3A_2096, %while3A_2110 : i32
    %while3A_2112 = arith.addi %while3A_2110, %while3A_2111 : i32
    %while3A_2113 = arith.constant 1 : i32
    %while3A_2114 = arith.divsi %while3A_2111, %while3A_2113 : i32
    %while3A_2115 = arith.muli %while3A_2114, %while3A_2113 : i32
    %while3A_2116 = arith.addi %while3A_2110, %while3A_2115 : i32
    %while3A_2117 = arith.constant 1 : i32
    scf.for %while3A_2198 = %while3A_2110 to %while3A_2116 step %while3A_2117  : i32 {
      %mul3A_2199 = arith.constant 16 : i32
      %mul3A_2200 = arith.muli %while3A_2198, %mul3A_2199 : i32
      %get3A_2201 = arith.index_cast %mul3A_2200 : i32 to index
      %get3A_2202 = tpu.vector_load %arg8[%get3A_2201] {strides = array<i32>} : memref<528xi32, #tpu.memory_space<vmem>>, vector<16xi32>,
      %get3A_2203 = arith.index_cast %mul3A_2200 : i32 to index
      %get3A_2204 = tpu.vector_load %arg9[%get3A_2203] {strides = array<i32>} : memref<528xi32, #tpu.memory_space<vmem>>, vector<16xi32>,
      %slice3A = vector.extract_strided_slice %get3A_2202 {offsets = [0], sizes = [1], strides = [1]} : vector<16xi32> to vector<1xi32>
      %squeeze3A = vector.extract %slice3A[0] : i32 from vector<1xi32>
      %slice3A_2205 = vector.extract_strided_slice %get3A_2204 {offsets = [0], sizes = [1], strides = [1]} : vector<16xi32> to vector<1xi32>
      %squeeze3A_2206 = vector.extract %slice3A_2205[0] : i32 from vector<1xi32>
      %dma_start3A = arith.constant 0 : i32
      %dma_start3A_2207 = tpu.memref_slice %arg5[%squeeze3A_2206, %dma_start3A] : memref<16384x64xf32, #tpu.memory_space<hbm>> -> memref<1x64xf32, #tpu.memory_space<hbm>>
      %dma_start3A_2208 = arith.constant 0 : i32
      %dma_start3A_2209 = tpu.memref_slice %arg4[%squeeze3A, %dma_start3A_2208] : memref<1000001x64xf32, #tpu.memory_space<hbm>> -> memref<1x64xf32, #tpu.memory_space<hbm>>
      tpu.enqueue_dma source(%dma_start3A_2209 : memref<1x64xf32, #tpu.memory_space<hbm>>) target(%dma_start3A_2207 : memref<1x64xf32, #tpu.memory_space<hbm>>) target_semaphore(%arg12 : memref<!tpu.dma_semaphore, #tpu.memory_space<semaphore_mem>>)
      %slice3A_2210 = vector.extract_strided_slice %get3A_2202 {offsets = [1], sizes = [1], strides = [1]} : vector<16xi32> to vector<1xi32>
      %squeeze3A_2211 = vector.extract %slice3A_2210[0] : i32 from vector<1xi32>
      %slice3A_2212 = vector.extract_strided_slice %get3A_2204 {offsets = [1], sizes = [1], strides = [1]} : vector<16xi32> to vector<1xi32>
      %squeeze3A_2213 = vector.extract %slice3A_2212[0] : i32 from vector<1xi32>
      %dma_start3A_2214 = arith.constant 0 : i32
      %dma_start3A_2215 = tpu.memref_slice %arg5[%squeeze3A_2213, %dma_start3A_2214] : memref<16384x64xf32, #tpu.memory_space<hbm>> -> memref<1x64xf32, #tpu.memory_space<hbm>>
      %dma_start3A_2216 = arith.constant 0 : i32
      %dma_start3A_2217 = tpu.memref_slice %arg4[%squeeze3A_2211, %dma_start3A_2216] : memref<1000001x64xf32, #tpu.memory_space<hbm>> -> memref<1x64xf32, #tpu.memory_space<hbm>>
      tpu.enqueue_dma source(%dma_start3A_2217 : memref<1x64xf32, #tpu.memory_space<hbm>>) target(%dma_start3A_2215 : memref<1x64xf32, #tpu.memory_space<hbm>>) target_semaphore(%arg12 : memref<!tpu.dma_semaphore, #tpu.memory_space<semaphore_mem>>)
      %slice3A_2218 = vector.extract_strided_slice %get3A_2202 {offsets = [2], sizes = [1], strides = [1]} : vector<16xi32> to vector<1xi32>
      %squeeze3A_2219 = vector.extract %slice3A_2218[0] : i32 from vector<1xi32>
      %slice3A_2220 = vector.extract_strided_slice %get3A_2204 {offsets = [2], sizes = [1], strides = [1]} : vector<16xi32> to vector<1xi32>
      %squeeze3A_2221 = vector.extract %slice3A_2220[0] : i32 from vector<1xi32>
      %dma_start3A_2222 = arith.constant 0 : i32
      %dma_start3A_2223 = tpu.memref_slice %arg5[%squeeze3A_2221, %dma_start3A_2222] : memref<16384x64xf32, #tpu.memory_space<hbm>> -> memref<1x64xf32, #tpu.memory_space<hbm>>
      %dma_start3A_2224 = arith.constant 0 : i32
      %dma_start3A_2225 = tpu.memref_slice %arg4[%squeeze3A_2219, %dma_start3A_2224] : memref<1000001x64xf32, #tpu.memory_space<hbm>> -> memref<1x64xf32, #tpu.memory_space<hbm>>
      tpu.enqueue_dma source(%dma_start3A_2225 : memref<1x64xf32, #tpu.memory_space<hbm>>) target(%dma_start3A_2223 : memref<1x64xf32, #tpu.memory_space<hbm>>) target_semaphore(%arg12 : memref<!tpu.dma_semaphore, #tpu.memory_space<semaphore_mem>>)
      %slice3A_2226 = vector.extract_strided_slice %get3A_2202 {offsets = [3], sizes = [1], strides = [1]} : vector<16xi32> to vector<1xi32>
      %squeeze3A_2227 = vector.extract %slice3A_2226[0] : i32 from vector<1xi32>
      %slice3A_2228 = vector.extract_strided_slice %get3A_2204 {offsets = [3], sizes = [1], strides = [1]} : vector<16xi32> to vector<1xi32>
      %squeeze3A_2229 = vector.extract %slice3A_2228[0] : i32 from vector<1xi32>
      %dma_start3A_2230 = arith.constant 0 : i32
      %dma_start3A_2231 = tpu.memref_slice %arg5[%squeeze3A_2229, %dma_start3A_2230] : memref<16384x64xf32, #tpu.memory_space<hbm>> -> memref<1x64xf32, #tpu.memory_space<hbm>>
      %dma_start3A_2232 = arith.constant 0 : i32
      %dma_start3A_2233 = tpu.memref_slice %arg4[%squeeze3A_2227, %dma_start3A_2232] : memref<1000001x64xf32, #tpu.memory_space<hbm>> -> memref<1x64xf32, #tpu.memory_space<hbm>>
      tpu.enqueue_dma source(%dma_start3A_2233 : memref<1x64xf32, #tpu.memory_space<hbm>>) target(%dma_start3A_2231 : memref<1x64xf32, #tpu.memory_space<hbm>>) target_semaphore(%arg12 : memref<!tpu.dma_semaphore, #tpu.memory_space<semaphore_mem>>)
      %slice3A_2234 = vector.extract_strided_slice %get3A_2202 {offsets = [4], sizes = [1], strides = [1]} : vector<16xi32> to vector<1xi32>
      %squeeze3A_2235 = vector.extract %slice3A_2234[0] : i32 from vector<1xi32>
      %slice3A_2236 = vector.extract_strided_slice %get3A_2204 {offsets = [4], sizes = [1], strides = [1]} : vector<16xi32> to vector<1xi32>
      %squeeze3A_2237 = vector.extract %slice3A_2236[0] : i32 from vector<1xi32>
      %dma_start3A_2238 = arith.constant 0 : i32
      %dma_start3A_2239 = tpu.memref_slice %arg5[%squeeze3A_2237, %dma_start3A_2238] : memref<16384x64xf32, #tpu.memory_space<hbm>> -> memref<1x64xf32, #tpu.memory_space<hbm>>
      %dma_start3A_2240 = arith.constant 0 : i32
      %dma_start3A_2241 = tpu.memref_slice %arg4[%squeeze3A_2235, %dma_start3A_2240] : memref<1000001x64xf32, #tpu.memory_space<hbm>> -> memref<1x64xf32, #tpu.memory_space<hbm>>
      tpu.enqueue_dma source(%dma_start3A_2241 : memref<1x64xf32, #tpu.memory_space<hbm>>) target(%dma_start3A_2239 : memref<1x64xf32, #tpu.memory_space<hbm>>) target_semaphore(%arg12 : memref<!tpu.dma_semaphore, #tpu.memory_space<semaphore_mem>>)
      %slice3A_2242 = vector.extract_strided_slice %get3A_2202 {offsets = [5], sizes = [1], strides = [1]} : vector<16xi32> to vector<1xi32>
      %squeeze3A_2243 = vector.extract %slice3A_2242[0] : i32 from vector<1xi32>
      %slice3A_2244 = vector.extract_strided_slice %get3A_2204 {offsets = [5], sizes = [1], strides = [1]} : vector<16xi32> to vector<1xi32>
      %squeeze3A_2245 = vector.extract %slice3A_2244[0] : i32 from vector<1xi32>
      %dma_start3A_2246 = arith.constant 0 : i32
      %dma_start3A_2247 = tpu.memref_slice %arg5[%squeeze3A_2245, %dma_start3A_2246] : memref<16384x64xf32, #tpu.memory_space<hbm>> -> memref<1x64xf32, #tpu.memory_space<hbm>>
      %dma_start3A_2248 = arith.constant 0 : i32
      %dma_start3A_2249 = tpu.memref_slice %arg4[%squeeze3A_2243, %dma_start3A_2248] : memref<1000001x64xf32, #tpu.memory_space<hbm>> -> memref<1x64xf32, #tpu.memory_space<hbm>>
      tpu.enqueue_dma source(%dma_start3A_2249 : memref<1x64xf32, #tpu.memory_space<hbm>>) target(%dma_start3A_2247 : memref<1x64xf32, #tpu.memory_space<hbm>>) target_semaphore(%arg12 : memref<!tpu.dma_semaphore, #tpu.memory_space<semaphore_mem>>)
      %slice3A_2250 = vector.extract_strided_slice %get3A_2202 {offsets = [6], sizes = [1], strides = [1]} : vector<16xi32> to vector<1xi32>
      %squeeze3A_2251 = vector.extract %slice3A_2250[0] : i32 from vector<1xi32>
      %slice3A_2252 = vector.extract_strided_slice %get3A_2204 {offsets = [6], sizes = [1], strides = [1]} : vector<16xi32> to vector<1xi32>
      %squeeze3A_2253 = vector.extract %slice3A_2252[0] : i32 from vector<1xi32>
      %dma_start3A_2254 = arith.constant 0 : i32
      %dma_start3A_2255 = tpu.memref_slice %arg5[%squeeze3A_2253, %dma_start3A_2254] : memref<16384x64xf32, #tpu.memory_space<hbm>> -> memref<1x64xf32, #tpu.memory_space<hbm>>
      %dma_start3A_2256 = arith.constant 0 : i32
      %dma_start3A_2257 = tpu.memref_slice %arg4[%squeeze3A_2251, %dma_start3A_2256] : memref<1000001x64xf32, #tpu.memory_space<hbm>> -> memref<1x64xf32, #tpu.memory_space<hbm>>
      tpu.enqueue_dma source(%dma_start3A_2257 : memref<1x64xf32, #tpu.memory_space<hbm>>) target(%dma_start3A_2255 : memref<1x64xf32, #tpu.memory_space<hbm>>) target_semaphore(%arg12 : memref<!tpu.dma_semaphore, #tpu.memory_space<semaphore_mem>>)
      %slice3A_2258 = vector.extract_strided_slice %get3A_2202 {offsets = [7], sizes = [1], strides = [1]} : vector<16xi32> to vector<1xi32>
      %squeeze3A_2259 = vector.extract %slice3A_2258[0] : i32 from vector<1xi32>
      %slice3A_2260 = vector.extract_strided_slice %get3A_2204 {offsets = [7], sizes = [1], strides = [1]} : vector<16xi32> to vector<1xi32>
      %squeeze3A_2261 = vector.extract %slice3A_2260[0] : i32 from vector<1xi32>
      %dma_start3A_2262 = arith.constant 0 : i32
      %dma_start3A_2263 = tpu.memref_slice %arg5[%squeeze3A_2261, %dma_start3A_2262] : memref<16384x64xf32, #tpu.memory_space<hbm>> -> memref<1x64xf32, #tpu.memory_space<hbm>>
      %dma_start3A_2264 = arith.constant 0 : i32
      %dma_start3A_2265 = tpu.memref_slice %arg4[%squeeze3A_2259, %dma_start3A_2264] : memref<1000001x64xf32, #tpu.memory_space<hbm>> -> memref<1x64xf32, #tpu.memory_space<hbm>>
      tpu.enqueue_dma source(%dma_start3A_2265 : memref<1x64xf32, #tpu.memory_space<hbm>>) target(%dma_start3A_2263 : memref<1x64xf32, #tpu.memory_space<hbm>>) target_semaphore(%arg12 : memref<!tpu.dma_semaphore, #tpu.memory_space<semaphore_mem>>)
      %slice3A_2266 = vector.extract_strided_slice %get3A_2202 {offsets = [8], sizes = [1], strides = [1]} : vector<16xi32> to vector<1xi32>
      %squeeze3A_2267 = vector.extract %slice3A_2266[0] : i32 from vector<1xi32>
      %slice3A_2268 = vector.extract_strided_slice %get3A_2204 {offsets = [8], sizes = [1], strides = [1]} : vector<16xi32> to vector<1xi32>
      %squeeze3A_2269 = vector.extract %slice3A_2268[0] : i32 from vector<1xi32>
      %dma_start3A_2270 = arith.constant 0 : i32
      %dma_start3A_2271 = tpu.memref_slice %arg5[%squeeze3A_2269, %dma_start3A_2270] : memref<16384x64xf32, #tpu.memory_space<hbm>> -> memref<1x64xf32, #tpu.memory_space<hbm>>
      %dma_start3A_2272 = arith.constant 0 : i32
      %dma_start3A_2273 = tpu.memref_slice %arg4[%squeeze3A_2267, %dma_start3A_2272] : memref<1000001x64xf32, #tpu.memory_space<hbm>> -> memref<1x64xf32, #tpu.memory_space<hbm>>
      tpu.enqueue_dma source(%dma_start3A_2273 : memref<1x64xf32, #tpu.memory_space<hbm>>) target(%dma_start3A_2271 : memref<1x64xf32, #tpu.memory_space<hbm>>) target_semaphore(%arg12 : memref<!tpu.dma_semaphore, #tpu.memory_space<semaphore_mem>>)
      %slice3A_2274 = vector.extract_strided_slice %get3A_2202 {offsets = [9], sizes = [1], strides = [1]} : vector<16xi32> to vector<1xi32>
      %squeeze3A_2275 = vector.extract %slice3A_2274[0] : i32 from vector<1xi32>
      %slice3A_2276 = vector.extract_strided_slice %get3A_2204 {offsets = [9], sizes = [1], strides = [1]} : vector<16xi32> to vector<1xi32>
      %squeeze3A_2277 = vector.extract %slice3A_2276[0] : i32 from vector<1xi32>
      %dma_start3A_2278 = arith.constant 0 : i32
      %dma_start3A_2279 = tpu.memref_slice %arg5[%squeeze3A_2277, %dma_start3A_2278] : memref<16384x64xf32, #tpu.memory_space<hbm>> -> memref<1x64xf32, #tpu.memory_space<hbm>>
      %dma_start3A_2280 = arith.constant 0 : i32
      %dma_start3A_2281 = tpu.memref_slice %arg4[%squeeze3A_2275, %dma_start3A_2280] : memref<1000001x64xf32, #tpu.memory_space<hbm>> -> memref<1x64xf32, #tpu.memory_space<hbm>>
      tpu.enqueue_dma source(%dma_start3A_2281 : memref<1x64xf32, #tpu.memory_space<hbm>>) target(%dma_start3A_2279 : memref<1x64xf32, #tpu.memory_space<hbm>>) target_semaphore(%arg12 : memref<!tpu.dma_semaphore, #tpu.memory_space<semaphore_mem>>)
      %slice3A_2282 = vector.extract_strided_slice %get3A_2202 {offsets = [10], sizes = [1], strides = [1]} : vector<16xi32> to vector<1xi32>
      %squeeze3A_2283 = vector.extract %slice3A_2282[0] : i32 from vector<1xi32>
      %slice3A_2284 = vector.extract_strided_slice %get3A_2204 {offsets = [10], sizes = [1], strides = [1]} : vector<16xi32> to vector<1xi32>
      %squeeze3A_2285 = vector.extract %slice3A_2284[0] : i32 from vector<1xi32>
      %dma_start3A_2286 = arith.constant 0 : i32
      %dma_start3A_2287 = tpu.memref_slice %arg5[%squeeze3A_2285, %dma_start3A_2286] : memref<16384x64xf32, #tpu.memory_space<hbm>> -> memref<1x64xf32, #tpu.memory_space<hbm>>
      %dma_start3A_2288 = arith.constant 0 : i32
      %dma_start3A_2289 = tpu.memref_slice %arg4[%squeeze3A_2283, %dma_start3A_2288] : memref<1000001x64xf32, #tpu.memory_space<hbm>> -> memref<1x64xf32, #tpu.memory_space<hbm>>
      tpu.enqueue_dma source(%dma_start3A_2289 : memref<1x64xf32, #tpu.memory_space<hbm>>) target(%dma_start3A_2287 : memref<1x64xf32, #tpu.memory_space<hbm>>) target_semaphore(%arg12 : memref<!tpu.dma_semaphore, #tpu.memory_space<semaphore_mem>>)
      %slice3A_2290 = vector.extract_strided_slice %get3A_2202 {offsets = [11], sizes = [1], strides = [1]} : vector<16xi32> to vector<1xi32>
      %squeeze3A_2291 = vector.extract %slice3A_2290[0] : i32 from vector<1xi32>
      %slice3A_2292 = vector.extract_strided_slice %get3A_2204 {offsets = [11], sizes = [1], strides = [1]} : vector<16xi32> to vector<1xi32>
      %squeeze3A_2293 = vector.extract %slice3A_2292[0] : i32 from vector<1xi32>
      %dma_start3A_2294 = arith.constant 0 : i32
      %dma_start3A_2295 = tpu.memref_slice %arg5[%squeeze3A_2293, %dma_start3A_2294] : memref<16384x64xf32, #tpu.memory_space<hbm>> -> memref<1x64xf32, #tpu.memory_space<hbm>>
      %dma_start3A_2296 = arith.constant 0 : i32
      %dma_start3A_2297 = tpu.memref_slice %arg4[%squeeze3A_2291, %dma_start3A_2296] : memref<1000001x64xf32, #tpu.memory_space<hbm>> -> memref<1x64xf32, #tpu.memory_space<hbm>>
      tpu.enqueue_dma source(%dma_start3A_2297 : memref<1x64xf32, #tpu.memory_space<hbm>>) target(%dma_start3A_2295 : memref<1x64xf32, #tpu.memory_space<hbm>>) target_semaphore(%arg12 : memref<!tpu.dma_semaphore, #tpu.memory_space<semaphore_mem>>)
      %slice3A_2298 = vector.extract_strided_slice %get3A_2202 {offsets = [12], sizes = [1], strides = [1]} : vector<16xi32> to vector<1xi32>
      %squeeze3A_2299 = vector.extract %slice3A_2298[0] : i32 from vector<1xi32>
      %slice3A_2300 = vector.extract_strided_slice %get3A_2204 {offsets = [12], sizes = [1], strides = [1]} : vector<16xi32> to vector<1xi32>
      %squeeze3A_2301 = vector.extract %slice3A_2300[0] : i32 from vector<1xi32>
      %dma_start3A_2302 = arith.constant 0 : i32
      %dma_start3A_2303 = tpu.memref_slice %arg5[%squeeze3A_2301, %dma_start3A_2302] : memref<16384x64xf32, #tpu.memory_space<hbm>> -> memref<1x64xf32, #tpu.memory_space<hbm>>
      %dma_start3A_2304 = arith.constant 0 : i32
      %dma_start3A_2305 = tpu.memref_slice %arg4[%squeeze3A_2299, %dma_start3A_2304] : memref<1000001x64xf32, #tpu.memory_space<hbm>> -> memref<1x64xf32, #tpu.memory_space<hbm>>
      tpu.enqueue_dma source(%dma_start3A_2305 : memref<1x64xf32, #tpu.memory_space<hbm>>) target(%dma_start3A_2303 : memref<1x64xf32, #tpu.memory_space<hbm>>) target_semaphore(%arg12 : memref<!tpu.dma_semaphore, #tpu.memory_space<semaphore_mem>>)
      %slice3A_2306 = vector.extract_strided_slice %get3A_2202 {offsets = [13], sizes = [1], strides = [1]} : vector<16xi32> to vector<1xi32>
      %squeeze3A_2307 = vector.extract %slice3A_2306[0] : i32 from vector<1xi32>
      %slice3A_2308 = vector.extract_strided_slice %get3A_2204 {offsets = [13], sizes = [1], strides = [1]} : vector<16xi32> to vector<1xi32>
      %squeeze3A_2309 = vector.extract %slice3A_2308[0] : i32 from vector<1xi32>
      %dma_start3A_2310 = arith.constant 0 : i32
      %dma_start3A_2311 = tpu.memref_slice %arg5[%squeeze3A_2309, %dma_start3A_2310] : memref<16384x64xf32, #tpu.memory_space<hbm>> -> memref<1x64xf32, #tpu.memory_space<hbm>>
      %dma_start3A_2312 = arith.constant 0 : i32
      %dma_start3A_2313 = tpu.memref_slice %arg4[%squeeze3A_2307, %dma_start3A_2312] : memref<1000001x64xf32, #tpu.memory_space<hbm>> -> memref<1x64xf32, #tpu.memory_space<hbm>>
      tpu.enqueue_dma source(%dma_start3A_2313 : memref<1x64xf32, #tpu.memory_space<hbm>>) target(%dma_start3A_2311 : memref<1x64xf32, #tpu.memory_space<hbm>>) target_semaphore(%arg12 : memref<!tpu.dma_semaphore, #tpu.memory_space<semaphore_mem>>)
      %slice3A_2314 = vector.extract_strided_slice %get3A_2202 {offsets = [14], sizes = [1], strides = [1]} : vector<16xi32> to vector<1xi32>
      %squeeze3A_2315 = vector.extract %slice3A_2314[0] : i32 from vector<1xi32>
      %slice3A_2316 = vector.extract_strided_slice %get3A_2204 {offsets = [14], sizes = [1], strides = [1]} : vector<16xi32> to vector<1xi32>
      %squeeze3A_2317 = vector.extract %slice3A_2316[0] : i32 from vector<1xi32>
      %dma_start3A_2318 = arith.constant 0 : i32
      %dma_start3A_2319 = tpu.memref_slice %arg5[%squeeze3A_2317, %dma_start3A_2318] : memref<16384x64xf32, #tpu.memory_space<hbm>> -> memref<1x64xf32, #tpu.memory_space<hbm>>
      %dma_start3A_2320 = arith.constant 0 : i32
      %dma_start3A_2321 = tpu.memref_slice %arg4[%squeeze3A_2315, %dma_start3A_2320] : memref<1000001x64xf32, #tpu.memory_space<hbm>> -> memref<1x64xf32, #tpu.memory_space<hbm>>
      tpu.enqueue_dma source(%dma_start3A_2321 : memref<1x64xf32, #tpu.memory_space<hbm>>) target(%dma_start3A_2319 : memref<1x64xf32, #tpu.memory_space<hbm>>) target_semaphore(%arg12 : memref<!tpu.dma_semaphore, #tpu.memory_space<semaphore_mem>>)
      %slice3A_2322 = vector.extract_strided_slice %get3A_2202 {offsets = [15], sizes = [1], strides = [1]} : vector<16xi32> to vector<1xi32>
      %squeeze3A_2323 = vector.extract %slice3A_2322[0] : i32 from vector<1xi32>
      %slice3A_2324 = vector.extract_strided_slice %get3A_2204 {offsets = [15], sizes = [1], strides = [1]} : vector<16xi32> to vector<1xi32>
      %squeeze3A_2325 = vector.extract %slice3A_2324[0] : i32 from vector<1xi32>
      %dma_start3A_2326 = arith.constant 0 : i32
      %dma_start3A_2327 = tpu.memref_slice %arg5[%squeeze3A_2325, %dma_start3A_2326] : memref<16384x64xf32, #tpu.memory_space<hbm>> -> memref<1x64xf32, #tpu.memory_space<hbm>>
      %dma_start3A_2328 = arith.constant 0 : i32
      %dma_start3A_2329 = tpu.memref_slice %arg4[%squeeze3A_2323, %dma_start3A_2328] : memref<1000001x64xf32, #tpu.memory_space<hbm>> -> memref<1x64xf32, #tpu.memory_space<hbm>>
      tpu.enqueue_dma source(%dma_start3A_2329 : memref<1x64xf32, #tpu.memory_space<hbm>>) target(%dma_start3A_2327 : memref<1x64xf32, #tpu.memory_space<hbm>>) target_semaphore(%arg12 : memref<!tpu.dma_semaphore, #tpu.memory_space<semaphore_mem>>)
      %ge3A = arith.constant 1 : i32
      %ge3A_2330 = arith.cmpi sge, %while3A_2198, %ge3A : i32
      %convert_element_type3A = arith.extui %ge3A_2330 : i1 to i32
      %cond3A = arith.constant 0 : i32
      %cond3A_2331 = arith.cmpi ne, %convert_element_type3A, %cond3A : i32
      scf.if %cond3A_2331 {
        %dma_wait3A_2332 = arith.constant 0 : i32
        %dma_wait3A_2333 = tpu.memref_slice %arg5[%mul3A_2, %dma_wait3A_2332] : memref<16384x64xf32, #tpu.memory_space<hbm>> -> memref<1x64xf32, #tpu.memory_space<hbm>>
        %dma_wait3A_2334 = arith.constant 0 : i32
        %dma_wait3A_2335 = arith.constant 0 : i32
        %dma_wait3A_2336 = tpu.memref_slice %arg4[%dma_wait3A_2334, %dma_wait3A_2335] : memref<1000001x64xf32, #tpu.memory_space<hbm>> -> memref<1x64xf32, #tpu.memory_space<hbm>>
        tpu.wait_dma2 semaphore(%arg12 : memref<!tpu.dma_semaphore, #tpu.memory_space<semaphore_mem>>) src(%dma_wait3A_2336 : memref<1x64xf32, #tpu.memory_space<hbm>>) dst(%dma_wait3A_2333 : memref<1x64xf32, #tpu.memory_space<hbm>>)
        %dma_wait3A_2337 = arith.constant 0 : i32
        %dma_wait3A_2338 = tpu.memref_slice %arg5[%mul3A_2, %dma_wait3A_2337] : memref<16384x64xf32, #tpu.memory_space<hbm>> -> memref<1x64xf32, #tpu.memory_space<hbm>>
        %dma_wait3A_2339 = arith.constant 0 : i32
        %dma_wait3A_2340 = arith.constant 0 : i32
        %dma_wait3A_2341 = tpu.memref_slice %arg4[%dma_wait3A_2339, %dma_wait3A_2340] : memref<1000001x64xf32, #tpu.memory_space<hbm>> -> memref<1x64xf32, #tpu.memory_space<hbm>>
        tpu.wait_dma2 semaphore(%arg12 : memref<!tpu.dma_semaphore, #tpu.memory_space<semaphore_mem>>) src(%dma_wait3A_2341 : memref<1x64xf32, #tpu.memory_space<hbm>>) dst(%dma_wait3A_2338 : memref<1x64xf32, #tpu.memory_space<hbm>>)
        %dma_wait3A_2342 = arith.constant 0 : i32
        %dma_wait3A_2343 = tpu.memref_slice %arg5[%mul3A_2, %dma_wait3A_2342] : memref<16384x64xf32, #tpu.memory_space<hbm>> -> memref<1x64xf32, #tpu.memory_space<hbm>>
        %dma_wait3A_2344 = arith.constant 0 : i32
        %dma_wait3A_2345 = arith.constant 0 : i32
        %dma_wait3A_2346 = tpu.memref_slice %arg4[%dma_wait3A_2344, %dma_wait3A_2345] : memref<1000001x64xf32, #tpu.memory_space<hbm>> -> memref<1x64xf32, #tpu.memory_space<hbm>>
        tpu.wait_dma2 semaphore(%arg12 : memref<!tpu.dma_semaphore, #tpu.memory_space<semaphore_mem>>) src(%dma_wait3A_2346 : memref<1x64xf32, #tpu.memory_space<hbm>>) dst(%dma_wait3A_2343 : memref<1x64xf32, #tpu.memory_space<hbm>>)
        %dma_wait3A_2347 = arith.constant 0 : i32
        %dma_wait3A_2348 = tpu.memref_slice %arg5[%mul3A_2, %dma_wait3A_2347] : memref<16384x64xf32, #tpu.memory_space<hbm>> -> memref<1x64xf32, #tpu.memory_space<hbm>>
        %dma_wait3A_2349 = arith.constant 0 : i32
        %dma_wait3A_2350 = arith.constant 0 : i32
        %dma_wait3A_2351 = tpu.memref_slice %arg4[%dma_wait3A_2349, %dma_wait3A_2350] : memref<1000001x64xf32, #tpu.memory_space<hbm>> -> memref<1x64xf32, #tpu.memory_space<hbm>>
        tpu.wait_dma2 semaphore(%arg12 : memref<!tpu.dma_semaphore, #tpu.memory_space<semaphore_mem>>) src(%dma_wait3A_2351 : memref<1x64xf32, #tpu.memory_space<hbm>>) dst(%dma_wait3A_2348 : memref<1x64xf32, #tpu.memory_space<hbm>>)
        %dma_wait3A_2352 = arith.constant 0 : i32
        %dma_wait3A_2353 = tpu.memref_slice %arg5[%mul3A_2, %dma_wait3A_2352] : memref<16384x64xf32, #tpu.memory_space<hbm>> -> memref<1x64xf32, #tpu.memory_space<hbm>>
        %dma_wait3A_2354 = arith.constant 0 : i32
        %dma_wait3A_2355 = arith.constant 0 : i32
        %dma_wait3A_2356 = tpu.memref_slice %arg4[%dma_wait3A_2354, %dma_wait3A_2355] : memref<1000001x64xf32, #tpu.memory_space<hbm>> -> memref<1x64xf32, #tpu.memory_space<hbm>>
        tpu.wait_dma2 semaphore(%arg12 : memref<!tpu.dma_semaphore, #tpu.memory_space<semaphore_mem>>) src(%dma_wait3A_2356 : memref<1x64xf32, #tpu.memory_space<hbm>>) dst(%dma_wait3A_2353 : memref<1x64xf32, #tpu.memory_space<hbm>>)
        %dma_wait3A_2357 = arith.constant 0 : i32
        %dma_wait3A_2358 = tpu.memref_slice %arg5[%mul3A_2, %dma_wait3A_2357] : memref<16384x64xf32, #tpu.memory_space<hbm>> -> memref<1x64xf32, #tpu.memory_space<hbm>>
        %dma_wait3A_2359 = arith.constant 0 : i32
        %dma_wait3A_2360 = arith.constant 0 : i32
        %dma_wait3A_2361 = tpu.memref_slice %arg4[%dma_wait3A_2359, %dma_wait3A_2360] : memref<1000001x64xf32, #tpu.memory_space<hbm>> -> memref<1x64xf32, #tpu.memory_space<hbm>>
        tpu.wait_dma2 semaphore(%arg12 : memref<!tpu.dma_semaphore, #tpu.memory_space<semaphore_mem>>) src(%dma_wait3A_2361 : memref<1x64xf32, #tpu.memory_space<hbm>>) dst(%dma_wait3A_2358 : memref<1x64xf32, #tpu.memory_space<hbm>>)
        %dma_wait3A_2362 = arith.constant 0 : i32
        %dma_wait3A_2363 = tpu.memref_slice %arg5[%mul3A_2, %dma_wait3A_2362] : memref<16384x64xf32, #tpu.memory_space<hbm>> -> memref<1x64xf32, #tpu.memory_space<hbm>>
        %dma_wait3A_2364 = arith.constant 0 : i32
        %dma_wait3A_2365 = arith.constant 0 : i32
        %dma_wait3A_2366 = tpu.memref_slice %arg4[%dma_wait3A_2364, %dma_wait3A_2365] : memref<1000001x64xf32, #tpu.memory_space<hbm>> -> memref<1x64xf32, #tpu.memory_space<hbm>>
        tpu.wait_dma2 semaphore(%arg12 : memref<!tpu.dma_semaphore, #tpu.memory_space<semaphore_mem>>) src(%dma_wait3A_2366 : memref<1x64xf32, #tpu.memory_space<hbm>>) dst(%dma_wait3A_2363 : memref<1x64xf32, #tpu.memory_space<hbm>>)
        %dma_wait3A_2367 = arith.constant 0 : i32
        %dma_wait3A_2368 = tpu.memref_slice %arg5[%mul3A_2, %dma_wait3A_2367] : memref<16384x64xf32, #tpu.memory_space<hbm>> -> memref<1x64xf32, #tpu.memory_space<hbm>>
        %dma_wait3A_2369 = arith.constant 0 : i32
        %dma_wait3A_2370 = arith.constant 0 : i32
        %dma_wait3A_2371 = tpu.memref_slice %arg4[%dma_wait3A_2369, %dma_wait3A_2370] : memref<1000001x64xf32, #tpu.memory_space<hbm>> -> memref<1x64xf32, #tpu.memory_space<hbm>>
        tpu.wait_dma2 semaphore(%arg12 : memref<!tpu.dma_semaphore, #tpu.memory_space<semaphore_mem>>) src(%dma_wait3A_2371 : memref<1x64xf32, #tpu.memory_space<hbm>>) dst(%dma_wait3A_2368 : memref<1x64xf32, #tpu.memory_space<hbm>>)
        %dma_wait3A_2372 = arith.constant 0 : i32
        %dma_wait3A_2373 = tpu.memref_slice %arg5[%mul3A_2, %dma_wait3A_2372] : memref<16384x64xf32, #tpu.memory_space<hbm>> -> memref<1x64xf32, #tpu.memory_space<hbm>>
        %dma_wait3A_2374 = arith.constant 0 : i32
        %dma_wait3A_2375 = arith.constant 0 : i32
        %dma_wait3A_2376 = tpu.memref_slice %arg4[%dma_wait3A_2374, %dma_wait3A_2375] : memref<1000001x64xf32, #tpu.memory_space<hbm>> -> memref<1x64xf32, #tpu.memory_space<hbm>>
        tpu.wait_dma2 semaphore(%arg12 : memref<!tpu.dma_semaphore, #tpu.memory_space<semaphore_mem>>) src(%dma_wait3A_2376 : memref<1x64xf32, #tpu.memory_space<hbm>>) dst(%dma_wait3A_2373 : memref<1x64xf32, #tpu.memory_space<hbm>>)
        %dma_wait3A_2377 = arith.constant 0 : i32
        %dma_wait3A_2378 = tpu.memref_slice %arg5[%mul3A_2, %dma_wait3A_2377] : memref<16384x64xf32, #tpu.memory_space<hbm>> -> memref<1x64xf32, #tpu.memory_space<hbm>>
        %dma_wait3A_2379 = arith.constant 0 : i32
        %dma_wait3A_2380 = arith.constant 0 : i32
        %dma_wait3A_2381 = tpu.memref_slice %arg4[%dma_wait3A_2379, %dma_wait3A_2380] : memref<1000001x64xf32, #tpu.memory_space<hbm>> -> memref<1x64xf32, #tpu.memory_space<hbm>>
        tpu.wait_dma2 semaphore(%arg12 : memref<!tpu.dma_semaphore, #tpu.memory_space<semaphore_mem>>) src(%dma_wait3A_2381 : memref<1x64xf32, #tpu.memory_space<hbm>>) dst(%dma_wait3A_2378 : memref<1x64xf32, #tpu.memory_space<hbm>>)
        %dma_wait3A_2382 = arith.constant 0 : i32
        %dma_wait3A_2383 = tpu.memref_slice %arg5[%mul3A_2, %dma_wait3A_2382] : memref<16384x64xf32, #tpu.memory_space<hbm>> -> memref<1x64xf32, #tpu.memory_space<hbm>>
        %dma_wait3A_2384 = arith.constant 0 : i32
        %dma_wait3A_2385 = arith.constant 0 : i32
        %dma_wait3A_2386 = tpu.memref_slice %arg4[%dma_wait3A_2384, %dma_wait3A_2385] : memref<1000001x64xf32, #tpu.memory_space<hbm>> -> memref<1x64xf32, #tpu.memory_space<hbm>>
        tpu.wait_dma2 semaphore(%arg12 : memref<!tpu.dma_semaphore, #tpu.memory_space<semaphore_mem>>) src(%dma_wait3A_2386 : memref<1x64xf32, #tpu.memory_space<hbm>>) dst(%dma_wait3A_2383 : memref<1x64xf32, #tpu.memory_space<hbm>>)
        %dma_wait3A_2387 = arith.constant 0 : i32
        %dma_wait3A_2388 = tpu.memref_slice %arg5[%mul3A_2, %dma_wait3A_2387] : memref<16384x64xf32, #tpu.memory_space<hbm>> -> memref<1x64xf32, #tpu.memory_space<hbm>>
        %dma_wait3A_2389 = arith.constant 0 : i32
        %dma_wait3A_2390 = arith.constant 0 : i32
        %dma_wait3A_2391 = tpu.memref_slice %arg4[%dma_wait3A_2389, %dma_wait3A_2390] : memref<1000001x64xf32, #tpu.memory_space<hbm>> -> memref<1x64xf32, #tpu.memory_space<hbm>>
        tpu.wait_dma2 semaphore(%arg12 : memref<!tpu.dma_semaphore, #tpu.memory_space<semaphore_mem>>) src(%dma_wait3A_2391 : memref<1x64xf32, #tpu.memory_space<hbm>>) dst(%dma_wait3A_2388 : memref<1x64xf32, #tpu.memory_space<hbm>>)
        %dma_wait3A_2392 = arith.constant 0 : i32
        %dma_wait3A_2393 = tpu.memref_slice %arg5[%mul3A_2, %dma_wait3A_2392] : memref<16384x64xf32, #tpu.memory_space<hbm>> -> memref<1x64xf32, #tpu.memory_space<hbm>>
        %dma_wait3A_2394 = arith.constant 0 : i32
        %dma_wait3A_2395 = arith.constant 0 : i32
        %dma_wait3A_2396 = tpu.memref_slice %arg4[%dma_wait3A_2394, %dma_wait3A_2395] : memref<1000001x64xf32, #tpu.memory_space<hbm>> -> memref<1x64xf32, #tpu.memory_space<hbm>>
        tpu.wait_dma2 semaphore(%arg12 : memref<!tpu.dma_semaphore, #tpu.memory_space<semaphore_mem>>) src(%dma_wait3A_2396 : memref<1x64xf32, #tpu.memory_space<hbm>>) dst(%dma_wait3A_2393 : memref<1x64xf32, #tpu.memory_space<hbm>>)
        %dma_wait3A_2397 = arith.constant 0 : i32
        %dma_wait3A_2398 = tpu.memref_slice %arg5[%mul3A_2, %dma_wait3A_2397] : memref<16384x64xf32, #tpu.memory_space<hbm>> -> memref<1x64xf32, #tpu.memory_space<hbm>>
        %dma_wait3A_2399 = arith.constant 0 : i32
        %dma_wait3A_2400 = arith.constant 0 : i32
        %dma_wait3A_2401 = tpu.memref_slice %arg4[%dma_wait3A_2399, %dma_wait3A_2400] : memref<1000001x64xf32, #tpu.memory_space<hbm>> -> memref<1x64xf32, #tpu.memory_space<hbm>>
        tpu.wait_dma2 semaphore(%arg12 : memref<!tpu.dma_semaphore, #tpu.memory_space<semaphore_mem>>) src(%dma_wait3A_2401 : memref<1x64xf32, #tpu.memory_space<hbm>>) dst(%dma_wait3A_2398 : memref<1x64xf32, #tpu.memory_space<hbm>>)
        %dma_wait3A_2402 = arith.constant 0 : i32
        %dma_wait3A_2403 = tpu.memref_slice %arg5[%mul3A_2, %dma_wait3A_2402] : memref<16384x64xf32, #tpu.memory_space<hbm>> -> memref<1x64xf32, #tpu.memory_space<hbm>>
        %dma_wait3A_2404 = arith.constant 0 : i32
        %dma_wait3A_2405 = arith.constant 0 : i32
        %dma_wait3A_2406 = tpu.memref_slice %arg4[%dma_wait3A_2404, %dma_wait3A_2405] : memref<1000001x64xf32, #tpu.memory_space<hbm>> -> memref<1x64xf32, #tpu.memory_space<hbm>>
        tpu.wait_dma2 semaphore(%arg12 : memref<!tpu.dma_semaphore, #tpu.memory_space<semaphore_mem>>) src(%dma_wait3A_2406 : memref<1x64xf32, #tpu.memory_space<hbm>>) dst(%dma_wait3A_2403 : memref<1x64xf32, #tpu.memory_space<hbm>>)
        %dma_wait3A_2407 = arith.constant 0 : i32
        %dma_wait3A_2408 = tpu.memref_slice %arg5[%mul3A_2, %dma_wait3A_2407] : memref<16384x64xf32, #tpu.memory_space<hbm>> -> memref<1x64xf32, #tpu.memory_space<hbm>>
        %dma_wait3A_2409 = arith.constant 0 : i32
        %dma_wait3A_2410 = arith.constant 0 : i32
        %dma_wait3A_2411 = tpu.memref_slice %arg4[%dma_wait3A_2409, %dma_wait3A_2410] : memref<1000001x64xf32, #tpu.memory_space<hbm>> -> memref<1x64xf32, #tpu.memory_space<hbm>>
        tpu.wait_dma2 semaphore(%arg12 : memref<!tpu.dma_semaphore, #tpu.memory_space<semaphore_mem>>) src(%dma_wait3A_2411 : memref<1x64xf32, #tpu.memory_space<hbm>>) dst(%dma_wait3A_2408 : memref<1x64xf32, #tpu.memory_space<hbm>>)
      } else {
      }
    }
    %while3A_2118 = arith.constant 1 : i32
    scf.for %while3A_2198 = %while3A_2116 to %while3A_2112 step %while3A_2118  : i32 {
      %mul3A_2199 = arith.constant 16 : i32
      %mul3A_2200 = arith.muli %while3A_2198, %mul3A_2199 : i32
      %get3A_2201 = arith.index_cast %mul3A_2200 : i32 to index
      %get3A_2202 = tpu.vector_load %arg8[%get3A_2201] {strides = array<i32>} : memref<528xi32, #tpu.memory_space<vmem>>, vector<16xi32>,
      %get3A_2203 = arith.index_cast %mul3A_2200 : i32 to index
      %get3A_2204 = tpu.vector_load %arg9[%get3A_2203] {strides = array<i32>} : memref<528xi32, #tpu.memory_space<vmem>>, vector<16xi32>,
      %slice3A = vector.extract_strided_slice %get3A_2202 {offsets = [0], sizes = [1], strides = [1]} : vector<16xi32> to vector<1xi32>
      %squeeze3A = vector.extract %slice3A[0] : i32 from vector<1xi32>
      %slice3A_2205 = vector.extract_strided_slice %get3A_2204 {offsets = [0], sizes = [1], strides = [1]} : vector<16xi32> to vector<1xi32>
      %squeeze3A_2206 = vector.extract %slice3A_2205[0] : i32 from vector<1xi32>
      %dma_start3A = arith.constant 0 : i32
      %dma_start3A_2207 = tpu.memref_slice %arg5[%squeeze3A_2206, %dma_start3A] : memref<16384x64xf32, #tpu.memory_space<hbm>> -> memref<1x64xf32, #tpu.memory_space<hbm>>
      %dma_start3A_2208 = arith.constant 0 : i32
      %dma_start3A_2209 = tpu.memref_slice %arg4[%squeeze3A, %dma_start3A_2208] : memref<1000001x64xf32, #tpu.memory_space<hbm>> -> memref<1x64xf32, #tpu.memory_space<hbm>>
      tpu.enqueue_dma source(%dma_start3A_2209 : memref<1x64xf32, #tpu.memory_space<hbm>>) target(%dma_start3A_2207 : memref<1x64xf32, #tpu.memory_space<hbm>>) target_semaphore(%arg12 : memref<!tpu.dma_semaphore, #tpu.memory_space<semaphore_mem>>)
      %slice3A_2210 = vector.extract_strided_slice %get3A_2202 {offsets = [1], sizes = [1], strides = [1]} : vector<16xi32> to vector<1xi32>
      %squeeze3A_2211 = vector.extract %slice3A_2210[0] : i32 from vector<1xi32>
      %slice3A_2212 = vector.extract_strided_slice %get3A_2204 {offsets = [1], sizes = [1], strides = [1]} : vector<16xi32> to vector<1xi32>
      %squeeze3A_2213 = vector.extract %slice3A_2212[0] : i32 from vector<1xi32>
      %dma_start3A_2214 = arith.constant 0 : i32
      %dma_start3A_2215 = tpu.memref_slice %arg5[%squeeze3A_2213, %dma_start3A_2214] : memref<16384x64xf32, #tpu.memory_space<hbm>> -> memref<1x64xf32, #tpu.memory_space<hbm>>
      %dma_start3A_2216 = arith.constant 0 : i32
      %dma_start3A_2217 = tpu.memref_slice %arg4[%squeeze3A_2211, %dma_start3A_2216] : memref<1000001x64xf32, #tpu.memory_space<hbm>> -> memref<1x64xf32, #tpu.memory_space<hbm>>
      tpu.enqueue_dma source(%dma_start3A_2217 : memref<1x64xf32, #tpu.memory_space<hbm>>) target(%dma_start3A_2215 : memref<1x64xf32, #tpu.memory_space<hbm>>) target_semaphore(%arg12 : memref<!tpu.dma_semaphore, #tpu.memory_space<semaphore_mem>>)
      %slice3A_2218 = vector.extract_strided_slice %get3A_2202 {offsets = [2], sizes = [1], strides = [1]} : vector<16xi32> to vector<1xi32>
      %squeeze3A_2219 = vector.extract %slice3A_2218[0] : i32 from vector<1xi32>
      %slice3A_2220 = vector.extract_strided_slice %get3A_2204 {offsets = [2], sizes = [1], strides = [1]} : vector<16xi32> to vector<1xi32>
      %squeeze3A_2221 = vector.extract %slice3A_2220[0] : i32 from vector<1xi32>
      %dma_start3A_2222 = arith.constant 0 : i32
      %dma_start3A_2223 = tpu.memref_slice %arg5[%squeeze3A_2221, %dma_start3A_2222] : memref<16384x64xf32, #tpu.memory_space<hbm>> -> memref<1x64xf32, #tpu.memory_space<hbm>>
      %dma_start3A_2224 = arith.constant 0 : i32
      %dma_start3A_2225 = tpu.memref_slice %arg4[%squeeze3A_2219, %dma_start3A_2224] : memref<1000001x64xf32, #tpu.memory_space<hbm>> -> memref<1x64xf32, #tpu.memory_space<hbm>>
      tpu.enqueue_dma source(%dma_start3A_2225 : memref<1x64xf32, #tpu.memory_space<hbm>>) target(%dma_start3A_2223 : memref<1x64xf32, #tpu.memory_space<hbm>>) target_semaphore(%arg12 : memref<!tpu.dma_semaphore, #tpu.memory_space<semaphore_mem>>)
      %slice3A_2226 = vector.extract_strided_slice %get3A_2202 {offsets = [3], sizes = [1], strides = [1]} : vector<16xi32> to vector<1xi32>
      %squeeze3A_2227 = vector.extract %slice3A_2226[0] : i32 from vector<1xi32>
      %slice3A_2228 = vector.extract_strided_slice %get3A_2204 {offsets = [3], sizes = [1], strides = [1]} : vector<16xi32> to vector<1xi32>
      %squeeze3A_2229 = vector.extract %slice3A_2228[0] : i32 from vector<1xi32>
      %dma_start3A_2230 = arith.constant 0 : i32
      %dma_start3A_2231 = tpu.memref_slice %arg5[%squeeze3A_2229, %dma_start3A_2230] : memref<16384x64xf32, #tpu.memory_space<hbm>> -> memref<1x64xf32, #tpu.memory_space<hbm>>
      %dma_start3A_2232 = arith.constant 0 : i32
      %dma_start3A_2233 = tpu.memref_slice %arg4[%squeeze3A_2227, %dma_start3A_2232] : memref<1000001x64xf32, #tpu.memory_space<hbm>> -> memref<1x64xf32, #tpu.memory_space<hbm>>
      tpu.enqueue_dma source(%dma_start3A_2233 : memref<1x64xf32, #tpu.memory_space<hbm>>) target(%dma_start3A_2231 : memref<1x64xf32, #tpu.memory_space<hbm>>) target_semaphore(%arg12 : memref<!tpu.dma_semaphore, #tpu.memory_space<semaphore_mem>>)
      %slice3A_2234 = vector.extract_strided_slice %get3A_2202 {offsets = [4], sizes = [1], strides = [1]} : vector<16xi32> to vector<1xi32>
      %squeeze3A_2235 = vector.extract %slice3A_2234[0] : i32 from vector<1xi32>
      %slice3A_2236 = vector.extract_strided_slice %get3A_2204 {offsets = [4], sizes = [1], strides = [1]} : vector<16xi32> to vector<1xi32>
      %squeeze3A_2237 = vector.extract %slice3A_2236[0] : i32 from vector<1xi32>
      %dma_start3A_2238 = arith.constant 0 : i32
      %dma_start3A_2239 = tpu.memref_slice %arg5[%squeeze3A_2237, %dma_start3A_2238] : memref<16384x64xf32, #tpu.memory_space<hbm>> -> memref<1x64xf32, #tpu.memory_space<hbm>>
      %dma_start3A_2240 = arith.constant 0 : i32
      %dma_start3A_2241 = tpu.memref_slice %arg4[%squeeze3A_2235, %dma_start3A_2240] : memref<1000001x64xf32, #tpu.memory_space<hbm>> -> memref<1x64xf32, #tpu.memory_space<hbm>>
      tpu.enqueue_dma source(%dma_start3A_2241 : memref<1x64xf32, #tpu.memory_space<hbm>>) target(%dma_start3A_2239 : memref<1x64xf32, #tpu.memory_space<hbm>>) target_semaphore(%arg12 : memref<!tpu.dma_semaphore, #tpu.memory_space<semaphore_mem>>)
      %slice3A_2242 = vector.extract_strided_slice %get3A_2202 {offsets = [5], sizes = [1], strides = [1]} : vector<16xi32> to vector<1xi32>
      %squeeze3A_2243 = vector.extract %slice3A_2242[0] : i32 from vector<1xi32>
      %slice3A_2244 = vector.extract_strided_slice %get3A_2204 {offsets = [5], sizes = [1], strides = [1]} : vector<16xi32> to vector<1xi32>
      %squeeze3A_2245 = vector.extract %slice3A_2244[0] : i32 from vector<1xi32>
      %dma_start3A_2246 = arith.constant 0 : i32
      %dma_start3A_2247 = tpu.memref_slice %arg5[%squeeze3A_2245, %dma_start3A_2246] : memref<16384x64xf32, #tpu.memory_space<hbm>> -> memref<1x64xf32, #tpu.memory_space<hbm>>
      %dma_start3A_2248 = arith.constant 0 : i32
      %dma_start3A_2249 = tpu.memref_slice %arg4[%squeeze3A_2243, %dma_start3A_2248] : memref<1000001x64xf32, #tpu.memory_space<hbm>> -> memref<1x64xf32, #tpu.memory_space<hbm>>
      tpu.enqueue_dma source(%dma_start3A_2249 : memref<1x64xf32, #tpu.memory_space<hbm>>) target(%dma_start3A_2247 : memref<1x64xf32, #tpu.memory_space<hbm>>) target_semaphore(%arg12 : memref<!tpu.dma_semaphore, #tpu.memory_space<semaphore_mem>>)
      %slice3A_2250 = vector.extract_strided_slice %get3A_2202 {offsets = [6], sizes = [1], strides = [1]} : vector<16xi32> to vector<1xi32>
      %squeeze3A_2251 = vector.extract %slice3A_2250[0] : i32 from vector<1xi32>
      %slice3A_2252 = vector.extract_strided_slice %get3A_2204 {offsets = [6], sizes = [1], strides = [1]} : vector<16xi32> to vector<1xi32>
      %squeeze3A_2253 = vector.extract %slice3A_2252[0] : i32 from vector<1xi32>
      %dma_start3A_2254 = arith.constant 0 : i32
      %dma_start3A_2255 = tpu.memref_slice %arg5[%squeeze3A_2253, %dma_start3A_2254] : memref<16384x64xf32, #tpu.memory_space<hbm>> -> memref<1x64xf32, #tpu.memory_space<hbm>>
      %dma_start3A_2256 = arith.constant 0 : i32
      %dma_start3A_2257 = tpu.memref_slice %arg4[%squeeze3A_2251, %dma_start3A_2256] : memref<1000001x64xf32, #tpu.memory_space<hbm>> -> memref<1x64xf32, #tpu.memory_space<hbm>>
      tpu.enqueue_dma source(%dma_start3A_2257 : memref<1x64xf32, #tpu.memory_space<hbm>>) target(%dma_start3A_2255 : memref<1x64xf32, #tpu.memory_space<hbm>>) target_semaphore(%arg12 : memref<!tpu.dma_semaphore, #tpu.memory_space<semaphore_mem>>)
      %slice3A_2258 = vector.extract_strided_slice %get3A_2202 {offsets = [7], sizes = [1], strides = [1]} : vector<16xi32> to vector<1xi32>
      %squeeze3A_2259 = vector.extract %slice3A_2258[0] : i32 from vector<1xi32>
      %slice3A_2260 = vector.extract_strided_slice %get3A_2204 {offsets = [7], sizes = [1], strides = [1]} : vector<16xi32> to vector<1xi32>
      %squeeze3A_2261 = vector.extract %slice3A_2260[0] : i32 from vector<1xi32>
      %dma_start3A_2262 = arith.constant 0 : i32
      %dma_start3A_2263 = tpu.memref_slice %arg5[%squeeze3A_2261, %dma_start3A_2262] : memref<16384x64xf32, #tpu.memory_space<hbm>> -> memref<1x64xf32, #tpu.memory_space<hbm>>
      %dma_start3A_2264 = arith.constant 0 : i32
      %dma_start3A_2265 = tpu.memref_slice %arg4[%squeeze3A_2259, %dma_start3A_2264] : memref<1000001x64xf32, #tpu.memory_space<hbm>> -> memref<1x64xf32, #tpu.memory_space<hbm>>
      tpu.enqueue_dma source(%dma_start3A_2265 : memref<1x64xf32, #tpu.memory_space<hbm>>) target(%dma_start3A_2263 : memref<1x64xf32, #tpu.memory_space<hbm>>) target_semaphore(%arg12 : memref<!tpu.dma_semaphore, #tpu.memory_space<semaphore_mem>>)
      %slice3A_2266 = vector.extract_strided_slice %get3A_2202 {offsets = [8], sizes = [1], strides = [1]} : vector<16xi32> to vector<1xi32>
      %squeeze3A_2267 = vector.extract %slice3A_2266[0] : i32 from vector<1xi32>
      %slice3A_2268 = vector.extract_strided_slice %get3A_2204 {offsets = [8], sizes = [1], strides = [1]} : vector<16xi32> to vector<1xi32>
      %squeeze3A_2269 = vector.extract %slice3A_2268[0] : i32 from vector<1xi32>
      %dma_start3A_2270 = arith.constant 0 : i32
      %dma_start3A_2271 = tpu.memref_slice %arg5[%squeeze3A_2269, %dma_start3A_2270] : memref<16384x64xf32, #tpu.memory_space<hbm>> -> memref<1x64xf32, #tpu.memory_space<hbm>>
      %dma_start3A_2272 = arith.constant 0 : i32
      %dma_start3A_2273 = tpu.memref_slice %arg4[%squeeze3A_2267, %dma_start3A_2272] : memref<1000001x64xf32, #tpu.memory_space<hbm>> -> memref<1x64xf32, #tpu.memory_space<hbm>>
      tpu.enqueue_dma source(%dma_start3A_2273 : memref<1x64xf32, #tpu.memory_space<hbm>>) target(%dma_start3A_2271 : memref<1x64xf32, #tpu.memory_space<hbm>>) target_semaphore(%arg12 : memref<!tpu.dma_semaphore, #tpu.memory_space<semaphore_mem>>)
      %slice3A_2274 = vector.extract_strided_slice %get3A_2202 {offsets = [9], sizes = [1], strides = [1]} : vector<16xi32> to vector<1xi32>
      %squeeze3A_2275 = vector.extract %slice3A_2274[0] : i32 from vector<1xi32>
      %slice3A_2276 = vector.extract_strided_slice %get3A_2204 {offsets = [9], sizes = [1], strides = [1]} : vector<16xi32> to vector<1xi32>
      %squeeze3A_2277 = vector.extract %slice3A_2276[0] : i32 from vector<1xi32>
      %dma_start3A_2278 = arith.constant 0 : i32
      %dma_start3A_2279 = tpu.memref_slice %arg5[%squeeze3A_2277, %dma_start3A_2278] : memref<16384x64xf32, #tpu.memory_space<hbm>> -> memref<1x64xf32, #tpu.memory_space<hbm>>
      %dma_start3A_2280 = arith.constant 0 : i32
      %dma_start3A_2281 = tpu.memref_slice %arg4[%squeeze3A_2275, %dma_start3A_2280] : memref<1000001x64xf32, #tpu.memory_space<hbm>> -> memref<1x64xf32, #tpu.memory_space<hbm>>
      tpu.enqueue_dma source(%dma_start3A_2281 : memref<1x64xf32, #tpu.memory_space<hbm>>) target(%dma_start3A_2279 : memref<1x64xf32, #tpu.memory_space<hbm>>) target_semaphore(%arg12 : memref<!tpu.dma_semaphore, #tpu.memory_space<semaphore_mem>>)
      %slice3A_2282 = vector.extract_strided_slice %get3A_2202 {offsets = [10], sizes = [1], strides = [1]} : vector<16xi32> to vector<1xi32>
      %squeeze3A_2283 = vector.extract %slice3A_2282[0] : i32 from vector<1xi32>
      %slice3A_2284 = vector.extract_strided_slice %get3A_2204 {offsets = [10], sizes = [1], strides = [1]} : vector<16xi32> to vector<1xi32>
      %squeeze3A_2285 = vector.extract %slice3A_2284[0] : i32 from vector<1xi32>
      %dma_start3A_2286 = arith.constant 0 : i32
      %dma_start3A_2287 = tpu.memref_slice %arg5[%squeeze3A_2285, %dma_start3A_2286] : memref<16384x64xf32, #tpu.memory_space<hbm>> -> memref<1x64xf32, #tpu.memory_space<hbm>>
      %dma_start3A_2288 = arith.constant 0 : i32
      %dma_start3A_2289 = tpu.memref_slice %arg4[%squeeze3A_2283, %dma_start3A_2288] : memref<1000001x64xf32, #tpu.memory_space<hbm>> -> memref<1x64xf32, #tpu.memory_space<hbm>>
      tpu.enqueue_dma source(%dma_start3A_2289 : memref<1x64xf32, #tpu.memory_space<hbm>>) target(%dma_start3A_2287 : memref<1x64xf32, #tpu.memory_space<hbm>>) target_semaphore(%arg12 : memref<!tpu.dma_semaphore, #tpu.memory_space<semaphore_mem>>)
      %slice3A_2290 = vector.extract_strided_slice %get3A_2202 {offsets = [11], sizes = [1], strides = [1]} : vector<16xi32> to vector<1xi32>
      %squeeze3A_2291 = vector.extract %slice3A_2290[0] : i32 from vector<1xi32>
      %slice3A_2292 = vector.extract_strided_slice %get3A_2204 {offsets = [11], sizes = [1], strides = [1]} : vector<16xi32> to vector<1xi32>
      %squeeze3A_2293 = vector.extract %slice3A_2292[0] : i32 from vector<1xi32>
      %dma_start3A_2294 = arith.constant 0 : i32
      %dma_start3A_2295 = tpu.memref_slice %arg5[%squeeze3A_2293, %dma_start3A_2294] : memref<16384x64xf32, #tpu.memory_space<hbm>> -> memref<1x64xf32, #tpu.memory_space<hbm>>
      %dma_start3A_2296 = arith.constant 0 : i32
      %dma_start3A_2297 = tpu.memref_slice %arg4[%squeeze3A_2291, %dma_start3A_2296] : memref<1000001x64xf32, #tpu.memory_space<hbm>> -> memref<1x64xf32, #tpu.memory_space<hbm>>
      tpu.enqueue_dma source(%dma_start3A_2297 : memref<1x64xf32, #tpu.memory_space<hbm>>) target(%dma_start3A_2295 : memref<1x64xf32, #tpu.memory_space<hbm>>) target_semaphore(%arg12 : memref<!tpu.dma_semaphore, #tpu.memory_space<semaphore_mem>>)
      %slice3A_2298 = vector.extract_strided_slice %get3A_2202 {offsets = [12], sizes = [1], strides = [1]} : vector<16xi32> to vector<1xi32>
      %squeeze3A_2299 = vector.extract %slice3A_2298[0] : i32 from vector<1xi32>
      %slice3A_2300 = vector.extract_strided_slice %get3A_2204 {offsets = [12], sizes = [1], strides = [1]} : vector<16xi32> to vector<1xi32>
      %squeeze3A_2301 = vector.extract %slice3A_2300[0] : i32 from vector<1xi32>
      %dma_start3A_2302 = arith.constant 0 : i32
      %dma_start3A_2303 = tpu.memref_slice %arg5[%squeeze3A_2301, %dma_start3A_2302] : memref<16384x64xf32, #tpu.memory_space<hbm>> -> memref<1x64xf32, #tpu.memory_space<hbm>>
      %dma_start3A_2304 = arith.constant 0 : i32
      %dma_start3A_2305 = tpu.memref_slice %arg4[%squeeze3A_2299, %dma_start3A_2304] : memref<1000001x64xf32, #tpu.memory_space<hbm>> -> memref<1x64xf32, #tpu.memory_space<hbm>>
      tpu.enqueue_dma source(%dma_start3A_2305 : memref<1x64xf32, #tpu.memory_space<hbm>>) target(%dma_start3A_2303 : memref<1x64xf32, #tpu.memory_space<hbm>>) target_semaphore(%arg12 : memref<!tpu.dma_semaphore, #tpu.memory_space<semaphore_mem>>)
      %slice3A_2306 = vector.extract_strided_slice %get3A_2202 {offsets = [13], sizes = [1], strides = [1]} : vector<16xi32> to vector<1xi32>
      %squeeze3A_2307 = vector.extract %slice3A_2306[0] : i32 from vector<1xi32>
      %slice3A_2308 = vector.extract_strided_slice %get3A_2204 {offsets = [13], sizes = [1], strides = [1]} : vector<16xi32> to vector<1xi32>
      %squeeze3A_2309 = vector.extract %slice3A_2308[0] : i32 from vector<1xi32>
      %dma_start3A_2310 = arith.constant 0 : i32
      %dma_start3A_2311 = tpu.memref_slice %arg5[%squeeze3A_2309, %dma_start3A_2310] : memref<16384x64xf32, #tpu.memory_space<hbm>> -> memref<1x64xf32, #tpu.memory_space<hbm>>
      %dma_start3A_2312 = arith.constant 0 : i32
      %dma_start3A_2313 = tpu.memref_slice %arg4[%squeeze3A_2307, %dma_start3A_2312] : memref<1000001x64xf32, #tpu.memory_space<hbm>> -> memref<1x64xf32, #tpu.memory_space<hbm>>
      tpu.enqueue_dma source(%dma_start3A_2313 : memref<1x64xf32, #tpu.memory_space<hbm>>) target(%dma_start3A_2311 : memref<1x64xf32, #tpu.memory_space<hbm>>) target_semaphore(%arg12 : memref<!tpu.dma_semaphore, #tpu.memory_space<semaphore_mem>>)
      %slice3A_2314 = vector.extract_strided_slice %get3A_2202 {offsets = [14], sizes = [1], strides = [1]} : vector<16xi32> to vector<1xi32>
      %squeeze3A_2315 = vector.extract %slice3A_2314[0] : i32 from vector<1xi32>
      %slice3A_2316 = vector.extract_strided_slice %get3A_2204 {offsets = [14], sizes = [1], strides = [1]} : vector<16xi32> to vector<1xi32>
      %squeeze3A_2317 = vector.extract %slice3A_2316[0] : i32 from vector<1xi32>
      %dma_start3A_2318 = arith.constant 0 : i32
      %dma_start3A_2319 = tpu.memref_slice %arg5[%squeeze3A_2317, %dma_start3A_2318] : memref<16384x64xf32, #tpu.memory_space<hbm>> -> memref<1x64xf32, #tpu.memory_space<hbm>>
      %dma_start3A_2320 = arith.constant 0 : i32
      %dma_start3A_2321 = tpu.memref_slice %arg4[%squeeze3A_2315, %dma_start3A_2320] : memref<1000001x64xf32, #tpu.memory_space<hbm>> -> memref<1x64xf32, #tpu.memory_space<hbm>>
      tpu.enqueue_dma source(%dma_start3A_2321 : memref<1x64xf32, #tpu.memory_space<hbm>>) target(%dma_start3A_2319 : memref<1x64xf32, #tpu.memory_space<hbm>>) target_semaphore(%arg12 : memref<!tpu.dma_semaphore, #tpu.memory_space<semaphore_mem>>)
      %slice3A_2322 = vector.extract_strided_slice %get3A_2202 {offsets = [15], sizes = [1], strides = [1]} : vector<16xi32> to vector<1xi32>
      %squeeze3A_2323 = vector.extract %slice3A_2322[0] : i32 from vector<1xi32>
      %slice3A_2324 = vector.extract_strided_slice %get3A_2204 {offsets = [15], sizes = [1], strides = [1]} : vector<16xi32> to vector<1xi32>
      %squeeze3A_2325 = vector.extract %slice3A_2324[0] : i32 from vector<1xi32>
      %dma_start3A_2326 = arith.constant 0 : i32
      %dma_start3A_2327 = tpu.memref_slice %arg5[%squeeze3A_2325, %dma_start3A_2326] : memref<16384x64xf32, #tpu.memory_space<hbm>> -> memref<1x64xf32, #tpu.memory_space<hbm>>
      %dma_start3A_2328 = arith.constant 0 : i32
      %dma_start3A_2329 = tpu.memref_slice %arg4[%squeeze3A_2323, %dma_start3A_2328] : memref<1000001x64xf32, #tpu.memory_space<hbm>> -> memref<1x64xf32, #tpu.memory_space<hbm>>
      tpu.enqueue_dma source(%dma_start3A_2329 : memref<1x64xf32, #tpu.memory_space<hbm>>) target(%dma_start3A_2327 : memref<1x64xf32, #tpu.memory_space<hbm>>) target_semaphore(%arg12 : memref<!tpu.dma_semaphore, #tpu.memory_space<semaphore_mem>>)
      %ge3A = arith.constant 1 : i32
      %ge3A_2330 = arith.cmpi sge, %while3A_2198, %ge3A : i32
      %convert_element_type3A = arith.extui %ge3A_2330 : i1 to i32
      %cond3A = arith.constant 0 : i32
      %cond3A_2331 = arith.cmpi ne, %convert_element_type3A, %cond3A : i32
      scf.if %cond3A_2331 {
        %dma_wait3A_2332 = arith.constant 0 : i32
        %dma_wait3A_2333 = tpu.memref_slice %arg5[%mul3A_2, %dma_wait3A_2332] : memref<16384x64xf32, #tpu.memory_space<hbm>> -> memref<1x64xf32, #tpu.memory_space<hbm>>
        %dma_wait3A_2334 = arith.constant 0 : i32
        %dma_wait3A_2335 = arith.constant 0 : i32
        %dma_wait3A_2336 = tpu.memref_slice %arg4[%dma_wait3A_2334, %dma_wait3A_2335] : memref<1000001x64xf32, #tpu.memory_space<hbm>> -> memref<1x64xf32, #tpu.memory_space<hbm>>
        tpu.wait_dma2 semaphore(%arg12 : memref<!tpu.dma_semaphore, #tpu.memory_space<semaphore_mem>>) src(%dma_wait3A_2336 : memref<1x64xf32, #tpu.memory_space<hbm>>) dst(%dma_wait3A_2333 : memref<1x64xf32, #tpu.memory_space<hbm>>)
        %dma_wait3A_2337 = arith.constant 0 : i32
        %dma_wait3A_2338 = tpu.memref_slice %arg5[%mul3A_2, %dma_wait3A_2337] : memref<16384x64xf32, #tpu.memory_space<hbm>> -> memref<1x64xf32, #tpu.memory_space<hbm>>
        %dma_wait3A_2339 = arith.constant 0 : i32
        %dma_wait3A_2340 = arith.constant 0 : i32
        %dma_wait3A_2341 = tpu.memref_slice %arg4[%dma_wait3A_2339, %dma_wait3A_2340] : memref<1000001x64xf32, #tpu.memory_space<hbm>> -> memref<1x64xf32, #tpu.memory_space<hbm>>
        tpu.wait_dma2 semaphore(%arg12 : memref<!tpu.dma_semaphore, #tpu.memory_space<semaphore_mem>>) src(%dma_wait3A_2341 : memref<1x64xf32, #tpu.memory_space<hbm>>) dst(%dma_wait3A_2338 : memref<1x64xf32, #tpu.memory_space<hbm>>)
        %dma_wait3A_2342 = arith.constant 0 : i32
        %dma_wait3A_2343 = tpu.memref_slice %arg5[%mul3A_2, %dma_wait3A_2342] : memref<16384x64xf32, #tpu.memory_space<hbm>> -> memref<1x64xf32, #tpu.memory_space<hbm>>
        %dma_wait3A_2344 = arith.constant 0 : i32
        %dma_wait3A_2345 = arith.constant 0 : i32
        %dma_wait3A_2346 = tpu.memref_slice %arg4[%dma_wait3A_2344, %dma_wait3A_2345] : memref<1000001x64xf32, #tpu.memory_space<hbm>> -> memref<1x64xf32, #tpu.memory_space<hbm>>
        tpu.wait_dma2 semaphore(%arg12 : memref<!tpu.dma_semaphore, #tpu.memory_space<semaphore_mem>>) src(%dma_wait3A_2346 : memref<1x64xf32, #tpu.memory_space<hbm>>) dst(%dma_wait3A_2343 : memref<1x64xf32, #tpu.memory_space<hbm>>)
        %dma_wait3A_2347 = arith.constant 0 : i32
        %dma_wait3A_2348 = tpu.memref_slice %arg5[%mul3A_2, %dma_wait3A_2347] : memref<16384x64xf32, #tpu.memory_space<hbm>> -> memref<1x64xf32, #tpu.memory_space<hbm>>
        %dma_wait3A_2349 = arith.constant 0 : i32
        %dma_wait3A_2350 = arith.constant 0 : i32
        %dma_wait3A_2351 = tpu.memref_slice %arg4[%dma_wait3A_2349, %dma_wait3A_2350] : memref<1000001x64xf32, #tpu.memory_space<hbm>> -> memref<1x64xf32, #tpu.memory_space<hbm>>
        tpu.wait_dma2 semaphore(%arg12 : memref<!tpu.dma_semaphore, #tpu.memory_space<semaphore_mem>>) src(%dma_wait3A_2351 : memref<1x64xf32, #tpu.memory_space<hbm>>) dst(%dma_wait3A_2348 : memref<1x64xf32, #tpu.memory_space<hbm>>)
        %dma_wait3A_2352 = arith.constant 0 : i32
        %dma_wait3A_2353 = tpu.memref_slice %arg5[%mul3A_2, %dma_wait3A_2352] : memref<16384x64xf32, #tpu.memory_space<hbm>> -> memref<1x64xf32, #tpu.memory_space<hbm>>
        %dma_wait3A_2354 = arith.constant 0 : i32
        %dma_wait3A_2355 = arith.constant 0 : i32
        %dma_wait3A_2356 = tpu.memref_slice %arg4[%dma_wait3A_2354, %dma_wait3A_2355] : memref<1000001x64xf32, #tpu.memory_space<hbm>> -> memref<1x64xf32, #tpu.memory_space<hbm>>
        tpu.wait_dma2 semaphore(%arg12 : memref<!tpu.dma_semaphore, #tpu.memory_space<semaphore_mem>>) src(%dma_wait3A_2356 : memref<1x64xf32, #tpu.memory_space<hbm>>) dst(%dma_wait3A_2353 : memref<1x64xf32, #tpu.memory_space<hbm>>)
        %dma_wait3A_2357 = arith.constant 0 : i32
        %dma_wait3A_2358 = tpu.memref_slice %arg5[%mul3A_2, %dma_wait3A_2357] : memref<16384x64xf32, #tpu.memory_space<hbm>> -> memref<1x64xf32, #tpu.memory_space<hbm>>
        %dma_wait3A_2359 = arith.constant 0 : i32
        %dma_wait3A_2360 = arith.constant 0 : i32
        %dma_wait3A_2361 = tpu.memref_slice %arg4[%dma_wait3A_2359, %dma_wait3A_2360] : memref<1000001x64xf32, #tpu.memory_space<hbm>> -> memref<1x64xf32, #tpu.memory_space<hbm>>
        tpu.wait_dma2 semaphore(%arg12 : memref<!tpu.dma_semaphore, #tpu.memory_space<semaphore_mem>>) src(%dma_wait3A_2361 : memref<1x64xf32, #tpu.memory_space<hbm>>) dst(%dma_wait3A_2358 : memref<1x64xf32, #tpu.memory_space<hbm>>)
        %dma_wait3A_2362 = arith.constant 0 : i32
        %dma_wait3A_2363 = tpu.memref_slice %arg5[%mul3A_2, %dma_wait3A_2362] : memref<16384x64xf32, #tpu.memory_space<hbm>> -> memref<1x64xf32, #tpu.memory_space<hbm>>
        %dma_wait3A_2364 = arith.constant 0 : i32
        %dma_wait3A_2365 = arith.constant 0 : i32
        %dma_wait3A_2366 = tpu.memref_slice %arg4[%dma_wait3A_2364, %dma_wait3A_2365] : memref<1000001x64xf32, #tpu.memory_space<hbm>> -> memref<1x64xf32, #tpu.memory_space<hbm>>
        tpu.wait_dma2 semaphore(%arg12 : memref<!tpu.dma_semaphore, #tpu.memory_space<semaphore_mem>>) src(%dma_wait3A_2366 : memref<1x64xf32, #tpu.memory_space<hbm>>) dst(%dma_wait3A_2363 : memref<1x64xf32, #tpu.memory_space<hbm>>)
        %dma_wait3A_2367 = arith.constant 0 : i32
        %dma_wait3A_2368 = tpu.memref_slice %arg5[%mul3A_2, %dma_wait3A_2367] : memref<16384x64xf32, #tpu.memory_space<hbm>> -> memref<1x64xf32, #tpu.memory_space<hbm>>
        %dma_wait3A_2369 = arith.constant 0 : i32
        %dma_wait3A_2370 = arith.constant 0 : i32
        %dma_wait3A_2371 = tpu.memref_slice %arg4[%dma_wait3A_2369, %dma_wait3A_2370] : memref<1000001x64xf32, #tpu.memory_space<hbm>> -> memref<1x64xf32, #tpu.memory_space<hbm>>
        tpu.wait_dma2 semaphore(%arg12 : memref<!tpu.dma_semaphore, #tpu.memory_space<semaphore_mem>>) src(%dma_wait3A_2371 : memref<1x64xf32, #tpu.memory_space<hbm>>) dst(%dma_wait3A_2368 : memref<1x64xf32, #tpu.memory_space<hbm>>)
        %dma_wait3A_2372 = arith.constant 0 : i32
        %dma_wait3A_2373 = tpu.memref_slice %arg5[%mul3A_2, %dma_wait3A_2372] : memref<16384x64xf32, #tpu.memory_space<hbm>> -> memref<1x64xf32, #tpu.memory_space<hbm>>
        %dma_wait3A_2374 = arith.constant 0 : i32
        %dma_wait3A_2375 = arith.constant 0 : i32
        %dma_wait3A_2376 = tpu.memref_slice %arg4[%dma_wait3A_2374, %dma_wait3A_2375] : memref<1000001x64xf32, #tpu.memory_space<hbm>> -> memref<1x64xf32, #tpu.memory_space<hbm>>
        tpu.wait_dma2 semaphore(%arg12 : memref<!tpu.dma_semaphore, #tpu.memory_space<semaphore_mem>>) src(%dma_wait3A_2376 : memref<1x64xf32, #tpu.memory_space<hbm>>) dst(%dma_wait3A_2373 : memref<1x64xf32, #tpu.memory_space<hbm>>)
        %dma_wait3A_2377 = arith.constant 0 : i32
        %dma_wait3A_2378 = tpu.memref_slice %arg5[%mul3A_2, %dma_wait3A_2377] : memref<16384x64xf32, #tpu.memory_space<hbm>> -> memref<1x64xf32, #tpu.memory_space<hbm>>
        %dma_wait3A_2379 = arith.constant 0 : i32
        %dma_wait3A_2380 = arith.constant 0 : i32
        %dma_wait3A_2381 = tpu.memref_slice %arg4[%dma_wait3A_2379, %dma_wait3A_2380] : memref<1000001x64xf32, #tpu.memory_space<hbm>> -> memref<1x64xf32, #tpu.memory_space<hbm>>
        tpu.wait_dma2 semaphore(%arg12 : memref<!tpu.dma_semaphore, #tpu.memory_space<semaphore_mem>>) src(%dma_wait3A_2381 : memref<1x64xf32, #tpu.memory_space<hbm>>) dst(%dma_wait3A_2378 : memref<1x64xf32, #tpu.memory_space<hbm>>)
        %dma_wait3A_2382 = arith.constant 0 : i32
        %dma_wait3A_2383 = tpu.memref_slice %arg5[%mul3A_2, %dma_wait3A_2382] : memref<16384x64xf32, #tpu.memory_space<hbm>> -> memref<1x64xf32, #tpu.memory_space<hbm>>
        %dma_wait3A_2384 = arith.constant 0 : i32
        %dma_wait3A_2385 = arith.constant 0 : i32
        %dma_wait3A_2386 = tpu.memref_slice %arg4[%dma_wait3A_2384, %dma_wait3A_2385] : memref<1000001x64xf32, #tpu.memory_space<hbm>> -> memref<1x64xf32, #tpu.memory_space<hbm>>
        tpu.wait_dma2 semaphore(%arg12 : memref<!tpu.dma_semaphore, #tpu.memory_space<semaphore_mem>>) src(%dma_wait3A_2386 : memref<1x64xf32, #tpu.memory_space<hbm>>) dst(%dma_wait3A_2383 : memref<1x64xf32, #tpu.memory_space<hbm>>)
        %dma_wait3A_2387 = arith.constant 0 : i32
        %dma_wait3A_2388 = tpu.memref_slice %arg5[%mul3A_2, %dma_wait3A_2387] : memref<16384x64xf32, #tpu.memory_space<hbm>> -> memref<1x64xf32, #tpu.memory_space<hbm>>
        %dma_wait3A_2389 = arith.constant 0 : i32
        %dma_wait3A_2390 = arith.constant 0 : i32
        %dma_wait3A_2391 = tpu.memref_slice %arg4[%dma_wait3A_2389, %dma_wait3A_2390] : memref<1000001x64xf32, #tpu.memory_space<hbm>> -> memref<1x64xf32, #tpu.memory_space<hbm>>
        tpu.wait_dma2 semaphore(%arg12 : memref<!tpu.dma_semaphore, #tpu.memory_space<semaphore_mem>>) src(%dma_wait3A_2391 : memref<1x64xf32, #tpu.memory_space<hbm>>) dst(%dma_wait3A_2388 : memref<1x64xf32, #tpu.memory_space<hbm>>)
        %dma_wait3A_2392 = arith.constant 0 : i32
        %dma_wait3A_2393 = tpu.memref_slice %arg5[%mul3A_2, %dma_wait3A_2392] : memref<16384x64xf32, #tpu.memory_space<hbm>> -> memref<1x64xf32, #tpu.memory_space<hbm>>
        %dma_wait3A_2394 = arith.constant 0 : i32
        %dma_wait3A_2395 = arith.constant 0 : i32
        %dma_wait3A_2396 = tpu.memref_slice %arg4[%dma_wait3A_2394, %dma_wait3A_2395] : memref<1000001x64xf32, #tpu.memory_space<hbm>> -> memref<1x64xf32, #tpu.memory_space<hbm>>
        tpu.wait_dma2 semaphore(%arg12 : memref<!tpu.dma_semaphore, #tpu.memory_space<semaphore_mem>>) src(%dma_wait3A_2396 : memref<1x64xf32, #tpu.memory_space<hbm>>) dst(%dma_wait3A_2393 : memref<1x64xf32, #tpu.memory_space<hbm>>)
        %dma_wait3A_2397 = arith.constant 0 : i32
        %dma_wait3A_2398 = tpu.memref_slice %arg5[%mul3A_2, %dma_wait3A_2397] : memref<16384x64xf32, #tpu.memory_space<hbm>> -> memref<1x64xf32, #tpu.memory_space<hbm>>
        %dma_wait3A_2399 = arith.constant 0 : i32
        %dma_wait3A_2400 = arith.constant 0 : i32
        %dma_wait3A_2401 = tpu.memref_slice %arg4[%dma_wait3A_2399, %dma_wait3A_2400] : memref<1000001x64xf32, #tpu.memory_space<hbm>> -> memref<1x64xf32, #tpu.memory_space<hbm>>
        tpu.wait_dma2 semaphore(%arg12 : memref<!tpu.dma_semaphore, #tpu.memory_space<semaphore_mem>>) src(%dma_wait3A_2401 : memref<1x64xf32, #tpu.memory_space<hbm>>) dst(%dma_wait3A_2398 : memref<1x64xf32, #tpu.memory_space<hbm>>)
        %dma_wait3A_2402 = arith.constant 0 : i32
        %dma_wait3A_2403 = tpu.memref_slice %arg5[%mul3A_2, %dma_wait3A_2402] : memref<16384x64xf32, #tpu.memory_space<hbm>> -> memref<1x64xf32, #tpu.memory_space<hbm>>
        %dma_wait3A_2404 = arith.constant 0 : i32
        %dma_wait3A_2405 = arith.constant 0 : i32
        %dma_wait3A_2406 = tpu.memref_slice %arg4[%dma_wait3A_2404, %dma_wait3A_2405] : memref<1000001x64xf32, #tpu.memory_space<hbm>> -> memref<1x64xf32, #tpu.memory_space<hbm>>
        tpu.wait_dma2 semaphore(%arg12 : memref<!tpu.dma_semaphore, #tpu.memory_space<semaphore_mem>>) src(%dma_wait3A_2406 : memref<1x64xf32, #tpu.memory_space<hbm>>) dst(%dma_wait3A_2403 : memref<1x64xf32, #tpu.memory_space<hbm>>)
        %dma_wait3A_2407 = arith.constant 0 : i32
        %dma_wait3A_2408 = tpu.memref_slice %arg5[%mul3A_2, %dma_wait3A_2407] : memref<16384x64xf32, #tpu.memory_space<hbm>> -> memref<1x64xf32, #tpu.memory_space<hbm>>
        %dma_wait3A_2409 = arith.constant 0 : i32
        %dma_wait3A_2410 = arith.constant 0 : i32
        %dma_wait3A_2411 = tpu.memref_slice %arg4[%dma_wait3A_2409, %dma_wait3A_2410] : memref<1000001x64xf32, #tpu.memory_space<hbm>> -> memref<1x64xf32, #tpu.memory_space<hbm>>
        tpu.wait_dma2 semaphore(%arg12 : memref<!tpu.dma_semaphore, #tpu.memory_space<semaphore_mem>>) src(%dma_wait3A_2411 : memref<1x64xf32, #tpu.memory_space<hbm>>) dst(%dma_wait3A_2408 : memref<1x64xf32, #tpu.memory_space<hbm>>)
      } else {
      }
    }
    %dma_wait3A = arith.constant 0 : i32
    %dma_wait3A_2119 = tpu.memref_slice %arg5[%mul3A_2, %dma_wait3A] : memref<16384x64xf32, #tpu.memory_space<hbm>> -> memref<1x64xf32, #tpu.memory_space<hbm>>
    %dma_wait3A_2120 = arith.constant 0 : i32
    %dma_wait3A_2121 = arith.constant 0 : i32
    %dma_wait3A_2122 = tpu.memref_slice %arg4[%dma_wait3A_2120, %dma_wait3A_2121] : memref<1000001x64xf32, #tpu.memory_space<hbm>> -> memref<1x64xf32, #tpu.memory_space<hbm>>
    tpu.wait_dma2 semaphore(%arg12 : memref<!tpu.dma_semaphore, #tpu.memory_space<semaphore_mem>>) src(%dma_wait3A_2122 : memref<1x64xf32, #tpu.memory_space<hbm>>) dst(%dma_wait3A_2119 : memref<1x64xf32, #tpu.memory_space<hbm>>)
    %dma_wait3A_2123 = arith.constant 0 : i32
    %dma_wait3A_2124 = tpu.memref_slice %arg5[%mul3A_2, %dma_wait3A_2123] : memref<16384x64xf32, #tpu.memory_space<hbm>> -> memref<1x64xf32, #tpu.memory_space<hbm>>
    %dma_wait3A_2125 = arith.constant 0 : i32
    %dma_wait3A_2126 = arith.constant 0 : i32
    %dma_wait3A_2127 = tpu.memref_slice %arg4[%dma_wait3A_2125, %dma_wait3A_2126] : memref<1000001x64xf32, #tpu.memory_space<hbm>> -> memref<1x64xf32, #tpu.memory_space<hbm>>
    tpu.wait_dma2 semaphore(%arg12 : memref<!tpu.dma_semaphore, #tpu.memory_space<semaphore_mem>>) src(%dma_wait3A_2127 : memref<1x64xf32, #tpu.memory_space<hbm>>) dst(%dma_wait3A_2124 : memref<1x64xf32, #tpu.memory_space<hbm>>)
    %dma_wait3A_2128 = arith.constant 0 : i32
    %dma_wait3A_2129 = tpu.memref_slice %arg5[%mul3A_2, %dma_wait3A_2128] : memref<16384x64xf32, #tpu.memory_space<hbm>> -> memref<1x64xf32, #tpu.memory_space<hbm>>
    %dma_wait3A_2130 = arith.constant 0 : i32
    %dma_wait3A_2131 = arith.constant 0 : i32
    %dma_wait3A_2132 = tpu.memref_slice %arg4[%dma_wait3A_2130, %dma_wait3A_2131] : memref<1000001x64xf32, #tpu.memory_space<hbm>> -> memref<1x64xf32, #tpu.memory_space<hbm>>
    tpu.wait_dma2 semaphore(%arg12 : memref<!tpu.dma_semaphore, #tpu.memory_space<semaphore_mem>>) src(%dma_wait3A_2132 : memref<1x64xf32, #tpu.memory_space<hbm>>) dst(%dma_wait3A_2129 : memref<1x64xf32, #tpu.memory_space<hbm>>)
    %dma_wait3A_2133 = arith.constant 0 : i32
    %dma_wait3A_2134 = tpu.memref_slice %arg5[%mul3A_2, %dma_wait3A_2133] : memref<16384x64xf32, #tpu.memory_space<hbm>> -> memref<1x64xf32, #tpu.memory_space<hbm>>
    %dma_wait3A_2135 = arith.constant 0 : i32
    %dma_wait3A_2136 = arith.constant 0 : i32
    %dma_wait3A_2137 = tpu.memref_slice %arg4[%dma_wait3A_2135, %dma_wait3A_2136] : memref<1000001x64xf32, #tpu.memory_space<hbm>> -> memref<1x64xf32, #tpu.memory_space<hbm>>
    tpu.wait_dma2 semaphore(%arg12 : memref<!tpu.dma_semaphore, #tpu.memory_space<semaphore_mem>>) src(%dma_wait3A_2137 : memref<1x64xf32, #tpu.memory_space<hbm>>) dst(%dma_wait3A_2134 : memref<1x64xf32, #tpu.memory_space<hbm>>)
    %dma_wait3A_2138 = arith.constant 0 : i32
    %dma_wait3A_2139 = tpu.memref_slice %arg5[%mul3A_2, %dma_wait3A_2138] : memref<16384x64xf32, #tpu.memory_space<hbm>> -> memref<1x64xf32, #tpu.memory_space<hbm>>
    %dma_wait3A_2140 = arith.constant 0 : i32
    %dma_wait3A_2141 = arith.constant 0 : i32
    %dma_wait3A_2142 = tpu.memref_slice %arg4[%dma_wait3A_2140, %dma_wait3A_2141] : memref<1000001x64xf32, #tpu.memory_space<hbm>> -> memref<1x64xf32, #tpu.memory_space<hbm>>
    tpu.wait_dma2 semaphore(%arg12 : memref<!tpu.dma_semaphore, #tpu.memory_space<semaphore_mem>>) src(%dma_wait3A_2142 : memref<1x64xf32, #tpu.memory_space<hbm>>) dst(%dma_wait3A_2139 : memref<1x64xf32, #tpu.memory_space<hbm>>)
    %dma_wait3A_2143 = arith.constant 0 : i32
    %dma_wait3A_2144 = tpu.memref_slice %arg5[%mul3A_2, %dma_wait3A_2143] : memref<16384x64xf32, #tpu.memory_space<hbm>> -> memref<1x64xf32, #tpu.memory_space<hbm>>
    %dma_wait3A_2145 = arith.constant 0 : i32
    %dma_wait3A_2146 = arith.constant 0 : i32
    %dma_wait3A_2147 = tpu.memref_slice %arg4[%dma_wait3A_2145, %dma_wait3A_2146] : memref<1000001x64xf32, #tpu.memory_space<hbm>> -> memref<1x64xf32, #tpu.memory_space<hbm>>
    tpu.wait_dma2 semaphore(%arg12 : memref<!tpu.dma_semaphore, #tpu.memory_space<semaphore_mem>>) src(%dma_wait3A_2147 : memref<1x64xf32, #tpu.memory_space<hbm>>) dst(%dma_wait3A_2144 : memref<1x64xf32, #tpu.memory_space<hbm>>)
    %dma_wait3A_2148 = arith.constant 0 : i32
    %dma_wait3A_2149 = tpu.memref_slice %arg5[%mul3A_2, %dma_wait3A_2148] : memref<16384x64xf32, #tpu.memory_space<hbm>> -> memref<1x64xf32, #tpu.memory_space<hbm>>
    %dma_wait3A_2150 = arith.constant 0 : i32
    %dma_wait3A_2151 = arith.constant 0 : i32
    %dma_wait3A_2152 = tpu.memref_slice %arg4[%dma_wait3A_2150, %dma_wait3A_2151] : memref<1000001x64xf32, #tpu.memory_space<hbm>> -> memref<1x64xf32, #tpu.memory_space<hbm>>
    tpu.wait_dma2 semaphore(%arg12 : memref<!tpu.dma_semaphore, #tpu.memory_space<semaphore_mem>>) src(%dma_wait3A_2152 : memref<1x64xf32, #tpu.memory_space<hbm>>) dst(%dma_wait3A_2149 : memref<1x64xf32, #tpu.memory_space<hbm>>)
    %dma_wait3A_2153 = arith.constant 0 : i32
    %dma_wait3A_2154 = tpu.memref_slice %arg5[%mul3A_2, %dma_wait3A_2153] : memref<16384x64xf32, #tpu.memory_space<hbm>> -> memref<1x64xf32, #tpu.memory_space<hbm>>
    %dma_wait3A_2155 = arith.constant 0 : i32
    %dma_wait3A_2156 = arith.constant 0 : i32
    %dma_wait3A_2157 = tpu.memref_slice %arg4[%dma_wait3A_2155, %dma_wait3A_2156] : memref<1000001x64xf32, #tpu.memory_space<hbm>> -> memref<1x64xf32, #tpu.memory_space<hbm>>
    tpu.wait_dma2 semaphore(%arg12 : memref<!tpu.dma_semaphore, #tpu.memory_space<semaphore_mem>>) src(%dma_wait3A_2157 : memref<1x64xf32, #tpu.memory_space<hbm>>) dst(%dma_wait3A_2154 : memref<1x64xf32, #tpu.memory_space<hbm>>)
    %dma_wait3A_2158 = arith.constant 0 : i32
    %dma_wait3A_2159 = tpu.memref_slice %arg5[%mul3A_2, %dma_wait3A_2158] : memref<16384x64xf32, #tpu.memory_space<hbm>> -> memref<1x64xf32, #tpu.memory_space<hbm>>
    %dma_wait3A_2160 = arith.constant 0 : i32
    %dma_wait3A_2161 = arith.constant 0 : i32
    %dma_wait3A_2162 = tpu.memref_slice %arg4[%dma_wait3A_2160, %dma_wait3A_2161] : memref<1000001x64xf32, #tpu.memory_space<hbm>> -> memref<1x64xf32, #tpu.memory_space<hbm>>
    tpu.wait_dma2 semaphore(%arg12 : memref<!tpu.dma_semaphore, #tpu.memory_space<semaphore_mem>>) src(%dma_wait3A_2162 : memref<1x64xf32, #tpu.memory_space<hbm>>) dst(%dma_wait3A_2159 : memref<1x64xf32, #tpu.memory_space<hbm>>)
    %dma_wait3A_2163 = arith.constant 0 : i32
    %dma_wait3A_2164 = tpu.memref_slice %arg5[%mul3A_2, %dma_wait3A_2163] : memref<16384x64xf32, #tpu.memory_space<hbm>> -> memref<1x64xf32, #tpu.memory_space<hbm>>
    %dma_wait3A_2165 = arith.constant 0 : i32
    %dma_wait3A_2166 = arith.constant 0 : i32
    %dma_wait3A_2167 = tpu.memref_slice %arg4[%dma_wait3A_2165, %dma_wait3A_2166] : memref<1000001x64xf32, #tpu.memory_space<hbm>> -> memref<1x64xf32, #tpu.memory_space<hbm>>
    tpu.wait_dma2 semaphore(%arg12 : memref<!tpu.dma_semaphore, #tpu.memory_space<semaphore_mem>>) src(%dma_wait3A_2167 : memref<1x64xf32, #tpu.memory_space<hbm>>) dst(%dma_wait3A_2164 : memref<1x64xf32, #tpu.memory_space<hbm>>)
    %dma_wait3A_2168 = arith.constant 0 : i32
    %dma_wait3A_2169 = tpu.memref_slice %arg5[%mul3A_2, %dma_wait3A_2168] : memref<16384x64xf32, #tpu.memory_space<hbm>> -> memref<1x64xf32, #tpu.memory_space<hbm>>
    %dma_wait3A_2170 = arith.constant 0 : i32
    %dma_wait3A_2171 = arith.constant 0 : i32
    %dma_wait3A_2172 = tpu.memref_slice %arg4[%dma_wait3A_2170, %dma_wait3A_2171] : memref<1000001x64xf32, #tpu.memory_space<hbm>> -> memref<1x64xf32, #tpu.memory_space<hbm>>
    tpu.wait_dma2 semaphore(%arg12 : memref<!tpu.dma_semaphore, #tpu.memory_space<semaphore_mem>>) src(%dma_wait3A_2172 : memref<1x64xf32, #tpu.memory_space<hbm>>) dst(%dma_wait3A_2169 : memref<1x64xf32, #tpu.memory_space<hbm>>)
    %dma_wait3A_2173 = arith.constant 0 : i32
    %dma_wait3A_2174 = tpu.memref_slice %arg5[%mul3A_2, %dma_wait3A_2173] : memref<16384x64xf32, #tpu.memory_space<hbm>> -> memref<1x64xf32, #tpu.memory_space<hbm>>
    %dma_wait3A_2175 = arith.constant 0 : i32
    %dma_wait3A_2176 = arith.constant 0 : i32
    %dma_wait3A_2177 = tpu.memref_slice %arg4[%dma_wait3A_2175, %dma_wait3A_2176] : memref<1000001x64xf32, #tpu.memory_space<hbm>> -> memref<1x64xf32, #tpu.memory_space<hbm>>
    tpu.wait_dma2 semaphore(%arg12 : memref<!tpu.dma_semaphore, #tpu.memory_space<semaphore_mem>>) src(%dma_wait3A_2177 : memref<1x64xf32, #tpu.memory_space<hbm>>) dst(%dma_wait3A_2174 : memref<1x64xf32, #tpu.memory_space<hbm>>)
    %dma_wait3A_2178 = arith.constant 0 : i32
    %dma_wait3A_2179 = tpu.memref_slice %arg5[%mul3A_2, %dma_wait3A_2178] : memref<16384x64xf32, #tpu.memory_space<hbm>> -> memref<1x64xf32, #tpu.memory_space<hbm>>
    %dma_wait3A_2180 = arith.constant 0 : i32
    %dma_wait3A_2181 = arith.constant 0 : i32
    %dma_wait3A_2182 = tpu.memref_slice %arg4[%dma_wait3A_2180, %dma_wait3A_2181] : memref<1000001x64xf32, #tpu.memory_space<hbm>> -> memref<1x64xf32, #tpu.memory_space<hbm>>
    tpu.wait_dma2 semaphore(%arg12 : memref<!tpu.dma_semaphore, #tpu.memory_space<semaphore_mem>>) src(%dma_wait3A_2182 : memref<1x64xf32, #tpu.memory_space<hbm>>) dst(%dma_wait3A_2179 : memref<1x64xf32, #tpu.memory_space<hbm>>)
    %dma_wait3A_2183 = arith.constant 0 : i32
    %dma_wait3A_2184 = tpu.memref_slice %arg5[%mul3A_2, %dma_wait3A_2183] : memref<16384x64xf32, #tpu.memory_space<hbm>> -> memref<1x64xf32, #tpu.memory_space<hbm>>
    %dma_wait3A_2185 = arith.constant 0 : i32
    %dma_wait3A_2186 = arith.constant 0 : i32
    %dma_wait3A_2187 = tpu.memref_slice %arg4[%dma_wait3A_2185, %dma_wait3A_2186] : memref<1000001x64xf32, #tpu.memory_space<hbm>> -> memref<1x64xf32, #tpu.memory_space<hbm>>
    tpu.wait_dma2 semaphore(%arg12 : memref<!tpu.dma_semaphore, #tpu.memory_space<semaphore_mem>>) src(%dma_wait3A_2187 : memref<1x64xf32, #tpu.memory_space<hbm>>) dst(%dma_wait3A_2184 : memref<1x64xf32, #tpu.memory_space<hbm>>)
    %dma_wait3A_2188 = arith.constant 0 : i32
    %dma_wait3A_2189 = tpu.memref_slice %arg5[%mul3A_2, %dma_wait3A_2188] : memref<16384x64xf32, #tpu.memory_space<hbm>> -> memref<1x64xf32, #tpu.memory_space<hbm>>
    %dma_wait3A_2190 = arith.constant 0 : i32
    %dma_wait3A_2191 = arith.constant 0 : i32
    %dma_wait3A_2192 = tpu.memref_slice %arg4[%dma_wait3A_2190, %dma_wait3A_2191] : memref<1000001x64xf32, #tpu.memory_space<hbm>> -> memref<1x64xf32, #tpu.memory_space<hbm>>
    tpu.wait_dma2 semaphore(%arg12 : memref<!tpu.dma_semaphore, #tpu.memory_space<semaphore_mem>>) src(%dma_wait3A_2192 : memref<1x64xf32, #tpu.memory_space<hbm>>) dst(%dma_wait3A_2189 : memref<1x64xf32, #tpu.memory_space<hbm>>)
    %dma_wait3A_2193 = arith.constant 0 : i32
    %dma_wait3A_2194 = tpu.memref_slice %arg5[%mul3A_2, %dma_wait3A_2193] : memref<16384x64xf32, #tpu.memory_space<hbm>> -> memref<1x64xf32, #tpu.memory_space<hbm>>
    %dma_wait3A_2195 = arith.constant 0 : i32
    %dma_wait3A_2196 = arith.constant 0 : i32
    %dma_wait3A_2197 = tpu.memref_slice %arg4[%dma_wait3A_2195, %dma_wait3A_2196] : memref<1000001x64xf32, #tpu.memory_space<hbm>> -> memref<1x64xf32, #tpu.memory_space<hbm>>
    tpu.wait_dma2 semaphore(%arg12 : memref<!tpu.dma_semaphore, #tpu.memory_space<semaphore_mem>>) src(%dma_wait3A_2197 : memref<1x64xf32, #tpu.memory_space<hbm>>) dst(%dma_wait3A_2194 : memref<1x64xf32, #tpu.memory_space<hbm>>)
    return
  }
}

</mosaic_0001>

<sc_bundles>
// kernel: kernel.3.cloned.1.call-start
scs
__scs_entry_jumppad:
0x0: {  	(pc) =	sbr.rel $0x88, $3  }
0x1: {  	(tag) =	ssettag $0x0;
	lr =	simm.s32 $0x1  }
0x2: {  	[smem:$0x3F9E] =	sst lr;
	_ =	strace $0xD0000000  }
0x3: {  	_ = 	snop  }
0x4: {  	_ = 	snop  }
0x5: {  	_ = 	snop  }
0x6: {  	_ = 	snop  }
0x7: {  	_ = 	snop  }
__scs_overlays_trampoline_lowered:
0x8: {  	[smem:$0x3FAD] =	sst s0  }
0x9: {  	[smem:$0x3FAE] =	sst s1  }
0xa: {  	[smem:$0x3FAF] =	sst s2  }
0xb: {  	[smem:$0x3FB0] =	sst s3  }
0xc: {  	[smem:$0x3FB1] =	sst s4  }
0xd: {  	[smem:$0x3FB2] =	sst s5  }
0xe: {  	[smem:$0x3FB3] =	sst s6  }
0xf: {  	[smem:$0x3FB4] =	sst s7  }
0x10: {  	[smem:$0x3FB5] =	sst s8  }
0x11: {  	[smem:$0x3FB6] =	sst s9;
	s0 =	simm.s32 @!p0 $0x0  }
0x12: {  	s1 =	sld [smem:$0x3F9C];
	s0 =	simm.s32 @p0 $0x1  }
0x13: {  	[smem:$0x3FB7] =	sst s0;
	s0 =	simm.s32 @!p1 $0x0  }
0x14: {  	s2 =	sld [smem:$0x3F9B];
	s0 =	simm.s32 @p1 $0x1  }
0x15: {  	[smem:$0x3FB8] =	sst s0;
	s0 =	simm.s32 @!p2 $0x0  }
0x16: {  	s3 =	sld [smem:$0x3FDB];
	s0 =	simm.s32 @p2 $0x1  }
0x17: {  	s4 =	simm.s32 $0x1BF5;
	[smem:$0x3FBA] =	sst s0  }
0x18: {  	s0 =	sld [smem:$0x3F9D];
	_ =	swait.ge [sflag:s4], $0x0  }
0x19: {  	s7 =	sld [smem:$0x3F9E]  }
0x1a: {  	s8 =	sadd.s32 $0xFFFFE003, lr  }
0x1b: {  	s9 =	sadd.s32 $0xFFFFFEF7, lr;
	s5 =	simm.s32 $0xFFFFFFFF;
	p2 =	slt.u32 s8, $0xFFFFF086  }
0x1c: {  	p1 =	slt.u32 s9, $0xF7A;
	s5 =	simm.s32 @!p2 $0x0  }
0x1d: {  	s5 =	simm.s32 @p1 $0x1;
	p0 =	seq.s32 s7, s2  }
0x1e: {  	s7 =	smul.u32 @!p0 $0xF7A, s2;
	p2 =	seq.s32 @!p0 s5, $0x0  }
0x1f: {  	s9 =	smul.u32 $0xF7A, s1;
	s8 =	simm.s32 @!p0 $0x1BF5;
	p2 =	por !p2, p0  }
0x20: {  	[sflag:s8] =	ssyncset.s32 @!p0 $0xFFFFF086;
	s6 =	sadd.s32 @!p0 s3, s7;
	s7 =	simm.s32 @!p0 $0x108  }
0x21: {  	s3 =	sadd.s32 s3, s9;
	s6 =	sadd.s32 @!p0 $0x88, s6;
	s7 =	simm.s32 @p2 $0x1082  }
0x22: {  	[simem:s7], [sflag:s8] =	dma.local @!p0 [hbm:s6], $0xF7A  }
0x23: {  	s9 =	sor.u32 $0xD0000000, s2;
	s6 =	simm.s32 $0x108;
	_ =	swait.ge @!p0 [sflag:s8], $0x0  }
0x24: {  	s3 =	sadd.s32 $0x88, s3;
	s6 =	simm.s32 @!p1 $0x1082;
	[sflag:s4] =	ssyncset.s32 $0xFFFFF086  }
0x25: {  	[simem:s6], [sflag:s4] =	dma.local [hbm:s3], $0xF7A  }
0x26: {  	[smem:$0x3F9E] =	sst s1;
	(tag) =	ssettag s2;
	_ =	strace s9  }
0x27: {  	s1 =	sld [smem:$0x3FAE]  }
0x28: {  	s2 =	sld [smem:$0x3FAF]  }
0x29: {  	s4 =	sld [smem:$0x3FB1]  }
0x2a: {  	p0 =	seq.s32 s5, $0x0;
	s5 =	sld [smem:$0x3FB2]  }
0x2b: {  	s6 =	sld [smem:$0x3FB3]  }
0x2c: {  	s7 =	sld [smem:$0x3FB4]  }
0x2d: {  	s3 =	simm.s32 $0x108;
	s8 =	sld [smem:$0x3FB5]  }
0x2e: {  	s3 =	simm.s32 @!p0 $0x1082;
	s9 =	sld [smem:$0x3FB6]  }
0x2f: {  	lr =	sadd.s32 s0, s3;
	s0 =	sld [smem:$0x3FAD]  }
0x30: {  	s3 =	sld [smem:$0x3FB0]  }
0x31: {  	[smem:$0x3FB9] =	sst s10  }
0x32: {  	s10 =	sld [smem:$0x3FB7];
	_ =	sdelay $0x3  }
0x33: {  	p0 =	seq.s32 s10, $0x1;
	s10 =	sld [smem:$0x3FB9];
	_ =	sdelay $0x3  }
0x34: {  	[smem:$0x3FB9] =	sst s10  }
0x35: {  	s10 =	sld [smem:$0x3FB8];
	_ =	sdelay $0x3  }
0x36: {  	p1 =	seq.s32 s10, $0x1;
	s10 =	sld [smem:$0x3FB9];
	_ =	sdelay $0x3  }
0x37: {  	[smem:$0x3FB9] =	sst s10  }
0x38: {  	s10 =	sld [smem:$0x3FBA]  }
0x39: {  	_ = 	snop;
	(pc) =	sbr.ind lr, $3  }
0x3a: {  	_ = 	snop  }
0x3b: {  	_ = 	snop  }
0x3c: {  	p2 =	seq.s32 s10, $0x1;
	s10 =	sld [smem:$0x3FB9]  }
0x3d: {  	_ =	shalt  }
0x3e: {  	_ =	shalt  }
0x3f: {  	_ =	shalt  }
0x40: {  	_ =	shalt  }
0x41: {  	_ =	shalt  }
0x42: {  	_ =	shalt  }
0x43: {  	_ =	shalt  }
0x44: {  	_ =	shalt  }
0x45: {  	_ =	shalt  }
0x46: {  	_ =	shalt  }
0x47: {  	_ =	shalt  }
0x48: {  	_ =	shalt  }
0x49: {  	_ =	shalt  }
0x4a: {  	_ =	shalt  }
0x4b: {  	_ =	shalt  }
0x4c: {  	_ =	shalt  }
0x4d: {  	_ =	shalt  }
0x4e: {  	_ =	shalt  }
0x4f: {  	_ =	shalt  }
0x50: {  	_ =	shalt  }
0x51: {  	_ =	shalt  }
0x52: {  	_ =	shalt  }
0x53: {  	_ =	shalt  }
0x54: {  	_ =	shalt  }
0x55: {  	_ =	shalt  }
0x56: {  	_ =	shalt  }
0x57: {  	_ =	shalt  }
0x58: {  	_ =	shalt  }
0x59: {  	_ =	shalt  }
0x5a: {  	_ =	shalt  }
0x5b: {  	_ =	shalt  }
0x5c: {  	_ =	shalt  }
0x5d: {  	_ =	shalt  }
0x5e: {  	_ =	shalt  }
0x5f: {  	_ =	shalt  }
0x60: {  	_ =	shalt  }
0x61: {  	_ =	shalt  }
0x62: {  	_ =	shalt  }
0x63: {  	_ =	shalt  }
0x64: {  	_ =	shalt  }
0x65: {  	_ =	shalt  }
0x66: {  	_ =	shalt  }
0x67: {  	_ =	shalt  }
0x68: {  	_ =	shalt  }
0x69: {  	_ =	shalt  }
0x6a: {  	_ =	shalt  }
0x6b: {  	_ =	shalt  }
0x6c: {  	_ =	shalt  }
0x6d: {  	_ =	shalt  }
0x6e: {  	_ =	shalt  }
0x6f: {  	_ =	shalt  }
0x70: {  	_ =	shalt  }
0x71: {  	_ =	shalt  }
0x72: {  	_ =	shalt  }
0x73: {  	_ =	shalt  }
0x74: {  	_ =	shalt  }
0x75: {  	_ =	shalt  }
0x76: {  	_ =	shalt  }
0x77: {  	_ =	shalt  }
0x78: {  	_ =	shalt  }
0x79: {  	_ =	shalt  }
0x7a: {  	_ =	shalt  }
0x7b: {  	_ =	shalt  }
0x7c: {  	_ =	shalt  }
0x7d: {  	_ =	shalt  }
0x7e: {  	_ =	shalt  }
0x7f: {  	_ =	shalt  }
0x80: {  	_ =	shalt  }
0x81: {  	_ =	shalt  }
0x82: {  	_ =	shalt  }
0x83: {  	_ =	shalt  }
0x84: {  	_ =	shalt  }
0x85: {  	_ =	shalt  }
0x86: {  	_ =	shalt  }
0x87: {  	_ =	shalt  }
.Lfunc_end0:
.L_simem_size_0:
called_computation_lowered:
.L_overlay_start_0:
0x88: {  	s2 =	sld [smem:$0x3FD9]  }
0x89: {  	s3 =	sld [smem:$0x3FFE];
	_ =	sdelay $0x1  }
0x8a: {  	s1 =	srdreg.scid  }
0x8b: {  	s0 =	sand.u32 $0x1, s1  }
0x8c: {  	s17 =	sshll.u32 s0, $0xA;
	s2 =	sadd.s32 s3, s2  }
0x8d: {  	s2 =	sadd.s32 s2, s17  }
0x8e: {  	[smem:$0x3FC5] =	sst s2  }
0x8f: {  	_ = 	snop  }
0x90: {  	s2 =	sld [smem:$0x3FC9]  }
0x91: {  	s18 =	sld [smem:$0x3FD0];
	(tm) =	ssettm $0x1  }
0x92: {  	s4 =	sld [smem:$0x3FFB];
	_ =	sdelay $0x3  }
0x93: {  	_ =	strace s4  }
0x94: {  	s4 =	sld [smem:$0x3FFC];
	_ =	sdelay $0x3  }
0x95: {  	_ =	strace s4  }
0x96: {  	s4 =	sld [smem:$0x3FFD];
	_ =	sdelay $0x3  }
0x97: {  	_ =	strace s4  }
0x98: {  	_ =	strace $0x8FFFFFFF  }
0x99: {  	s19 =	sld [smem:$0x3FDB];
	_ =	sdelay $0x1  }
0x9a: {  	s5 =	simm.s32 $_scs_section_size  }
0x9b: {  	s6 =	simm.s32 $_size__tile_overlayer_lowered;
	s7 =	simm.s32 $_tile_overlayer_lowered  }
0x9c: {  	s22 =	simm.s32 $0x1BFF;
	s21 =	sshll.u32 s7, $0x1;
	s4 =	sadd.s32 s5, s19  }
0x9d: {  	s8 =	simm.s32 $0x0;
	s20 =	sshll.u32 s6, $0x1;
	s6 =	sadd.s32 s21, s4  }
0x9e: {  	[timem:s8], [sflag:s22] =	dma.local [hbm:s6], s20  }
0x9f: {  	_ =	swait.ge [sflag:s22], s20  }
0xa0: {  	s5 =	ssub.s32 $0x0, s20;
	[sflag:s22] =	ssyncset.done $0x0  }
0xa1: {  	[sflag:s22] =	ssyncadd.s32 s5;
	_ =	sdelay $0x1  }
0xa2: {  	s23 =	simm.s32 $0x1B8B  }
0xa3: {  	_ =	swait.ge [sflag:s23], $0x1  }
0xa4: {  	[sflag:s23] =	ssyncset.done $0x0  }
0xa5: {  	s25 =	simm.s32 $0x1B8E;
	s24 =	sld [smem:$0x3FFE];
	[sflag:s23] =	ssyncadd.s32 $0xFFFFFFFF  }
0xa6: {  	s26 =	simm.s32 $execute0_lowered;
	[smem:$0x3FD2] =	sst s25  }
0xa7: {  	s6 =	sshll.u32 s26, $0x1;
	_ =	strace $0x80000046;
	[dreg:$0x1] =	wrdreg $0xFFFFFFFF  }
0xa8: {  	s28 =	simm.s32 $_size_execute0_lowered;
	s4 =	sadd.s32 s4, s6;
	[dreg:$0x0] =	wrdreg $0x0  }
0xa9: {  	s6 =	sshll.u32 s28, $0x1;
	[dreg:$0x2] =	wrdreg s4  }
0xaa: {  	[dreg:$0x3] =	wrdreg s6  }
0xab: {  	[dreg:$0x4] =	wrdreg $0xC0  }
0xac: {  	_ =	task [dreg:s8], $0x5FFFF  }
0xad: {  	[dreg:$0x1] =	wrdreg $0xFFFFFFFF  }
0xae: {  	[dreg:$0x0] =	wrdreg $0x60  }
0xaf: {  	[dreg:$0x2] =	wrdreg s2  }
0xb0: {  	[dreg:$0x3] =	wrdreg s18  }
0xb1: {  	[dreg:$0x4] =	wrdreg s24  }
0xb2: {  	[dreg:$0x5] =	wrdreg $0x9  }
0xb3: {  	_ =	task.clear_ibuf [dreg:s8], $0x6FFFF;
	_ =	strace $0x90000046  }
0xb4: {  	s29 =	simm.s32 $0x9;
	_ =	strace $0x80000048  }
0xb5: {  	_ =	swait.ge [sflag:s29], $0x1  }
0xb6: {  	[sflag:s29] =	ssyncadd.s32 $0xFFFFFFFF  }
0xb7: {  	_ =	strace $0x90000048  }
0xb8: {  	_ =	sfence  }
0xb9: {  	s30 =	sld [smem:$0x0];
	_ =	sdelay $0x2  }
0xba: {  	s31 =	sshll.u32 s1, $0xD;
	s1 =	sshrl.u32 s1, $0x2  }
0xbb: {  	s3 =	sand.u32 $0x4000, s31;
	s1 =	sadd.s32 s1, s30  }
0xbc: {  	s0 =	sor.u32 s3, s0;
	s1 =	sshll.u32 s1, $0x11  }
0xbd: {  	s0 =	sor.u32 s1, s0  }
0xbe: {  	s0 =	sadd.s32 $0x8F2B, s0  }
0xbf: {  	[sflag:s0] =	ssyncadd.remote.s32 $0x1  }
0xc0: {  	_ =	sfence.sel $0xFFFF  }
0xc1: {  	[dreg:$0x0] =	wrdreg $0xFFFFFFFF;
	(pc) =	sbr.abs _section_cstart, $3  }
0xc2: {  	[dreg:$0x1] =	wrdreg $0xFFFFFFFF  }
0xc3: {  	_ =	task.clear_ibuf [dreg:s8], $0x2FFFF;
	_ =	strace $0x9FFFFFFF  }
0xc4: {  	(tm) =	ssettm $0x7FFFFFFF  }
0xc5: {  	_ =	shalt  }
tec
execute0_lowered:
.L_overlay_start_1:
0x0: {  	(tag) =	ssettag $0x1  }
0x1: {  	s6 =	rddreg [dreg:$0x0]  }
0x2: {  	s7 =	rddreg [dreg:$0x1]  }
0x3: {  	s9 =	rddreg [dreg:$0x2]  }
0x4: {  	s0 =	rddreg [dreg:$0x3];
	s1 =	simm.s32 $0x0  }
0x5: {  	s4 =	srdreg.scid;
	s2 =	stileid.u32;
	s14 =	simm.s32 $0x2  }
0x6: {  	s15 =	simm.s32 $0x200;
	s16 =	simm.s32 $0x900;
	s17 =	simm.s32 $0x400  }
0x7: {  	s18 =	simm.s32 $0x680;
	s19 =	simm.s32 $0x1;
	s20 =	simm.s32 $0x0  }
0x8: {  	[smem:$0x7FF] =	sst s1;
	s3 =	sadd.s32 $0x400, s9;
	s4 =	sand.u32 $0x1, s4  }
0x9: {  	s5 =	sshll.u32 s2, $0xA;
	_ =	strace $0x80000047;
	s10 =	sshll.u32 s4, $0x9  }
0xa: {  	s8 =	ssub.s32 $0x2, s4;
	s4 =	sadd.s32 $0xF42A00, s9;
	s5 =	sor.u32 s10, s5  }
0xb: {  	v0 =	vlaneseq.u32;
	s9 =	sadd.s32 $0xF42800, s9;
	s11 =	sshrl.u32 s8, $0x1;
	s31 =	sshrl.u32 s5, $0x3  }
0xc: {  	v2 =	vmul.u32 $0xFFFFFFFF, v0;
	s13 =	ssub.s32 s8, s11;
	s10 =	sshll.u32 s5, $0x4;
	s6 =	sadd.s32 s6, s31  }
0xd: {  	s7 =	sadd.s32 s7, s31;
	s8 =	sadd.s32 s4, s10;
	s13 =	smax.u32 s13, $0x1  }
0xe: {  	v1 =	vimm.s32 $0x0;
	v3 =	vimm.s32 $0xF4240;
	v2 =	vadd.s32 $0x80000000, v2;
	s10 =	sadd.s32 $0x800, s8;
	s11 =	sadd.s32 $0x1000, s8;
	s12 =	sadd.s32 $0x1800, s8  }
.LBB2_1:
0xf: {  	[tilespmem:s1], [sflag:$0x2] =	stream.linear.gather [hbm4b:s6+s1], $0x200, $0x38;
	[tilespmem:$0x4900] =	vst v63  }
0x10: {  	_ =	swait.ge [sflag:s14], $0x200  }
0x11: {  	[sflag:s14] =	ssyncset.done $0x0  }
0x12: {  	[sflag:s14] =	ssyncadd.s32 $0xFFFFFE00  }
0x13: {  	[tilespmem:s15], [sflag:$0x2] =	stream.linear.gather [hbm4b:s7+s1], $0x200, $0x38;
	[tilespmem:$0x4900] =	vst v63  }
0x14: {  	_ =	swait.ge [sflag:s14], $0x200  }
0x15: {  	[sflag:s14] =	ssyncset.done $0x0  }
0x16: {  	[sflag:s14] =	ssyncadd.s32 $0xFFFFFE00  }
0x17: {  	[tilespmem:s16], [sflag:$0x2] =	stream.linear.gather [hbm4b:s9+s1], $0x80, $0x38;
	[tilespmem:$0x4900] =	vst v63  }
0x18: {  	_ =	swait.ge [sflag:s14], $0x80  }
0x19: {  	[sflag:s14] =	ssyncset.done $0x0  }
0x1a: {  	[sflag:s14] =	ssyncadd.s32 $0xFFFFFF80  }
0x1b: {  	v4 =	vld [tilespmem:$0x900]  }
0x1c: {  	v5 =	vld [tilespmem:$0x910]  }
0x1d: {  	v7 =	vld [tilespmem:$0x920]  }
0x1e: {  	v6 =	vld [tilespmem:$0x930];
	_ =	sdelay $0x1  }
0x1f: {  	[tilespmem:$0x980] =	vst v4  }
0x20: {  	[tilespmem:$0x990] =	vst v5  }
0x21: {  	[tilespmem:$0x9A0] =	vst v7  }
0x22: {  	[tilespmem:$0x9B0] =	vst v6  }
0x23: {  	[tilespmem:$0xA00] =	vst v4  }
0x24: {  	[tilespmem:$0xA10] =	vst v5  }
0x25: {  	[tilespmem:$0xA20] =	vst v7  }
0x26: {  	[tilespmem:$0xA30] =	vst v6  }
0x27: {  	[tilespmem:$0xA80] =	vst v4  }
0x28: {  	[tilespmem:$0xA90] =	vst v5  }
0x29: {  	[tilespmem:$0xAA0] =	vst v7  }
0x2a: {  	[tilespmem:$0xAB0] =	vst v6  }
0x2b: {  	[tilespmem:$0xB00] =	vst v4  }
0x2c: {  	[tilespmem:$0xB10] =	vst v5  }
0x2d: {  	[tilespmem:$0xB20] =	vst v7  }
0x2e: {  	[tilespmem:$0xB30] =	vst v6  }
0x2f: {  	[tilespmem:$0xB80] =	vst v4  }
0x30: {  	[tilespmem:$0xB90] =	vst v5  }
0x31: {  	[tilespmem:$0xBA0] =	vst v7  }
0x32: {  	[tilespmem:$0xBB0] =	vst v6  }
0x33: {  	[tilespmem:$0xC00] =	vst v4  }
0x34: {  	[tilespmem:$0xC10] =	vst v5  }
0x35: {  	[tilespmem:$0xC20] =	vst v7  }
0x36: {  	[tilespmem:$0xC30] =	vst v6  }
0x37: {  	[tilespmem:$0xC80] =	vst v4  }
0x38: {  	[tilespmem:$0xC90] =	vst v5  }
0x39: {  	[tilespmem:$0xCA0] =	vst v7  }
0x3a: {  	[tilespmem:$0xCB0] =	vst v6  }
0x3b: {  	[tilespmem:$0xD00] =	vst v4  }
0x3c: {  	[tilespmem:$0xD10] =	vst v5  }
0x3d: {  	[tilespmem:$0xD20] =	vst v7  }
0x3e: {  	[tilespmem:$0xD30] =	vst v6  }
0x3f: {  	[tilespmem:$0xD80] =	vst v4  }
0x40: {  	[tilespmem:$0xD90] =	vst v5  }
0x41: {  	[tilespmem:$0xDA0] =	vst v7  }
0x42: {  	[tilespmem:$0xDB0] =	vst v6  }
0x43: {  	[tilespmem:$0xE00] =	vst v4  }
0x44: {  	[tilespmem:$0xE10] =	vst v5  }
0x45: {  	[tilespmem:$0xE20] =	vst v7  }
0x46: {  	[tilespmem:$0xE30] =	vst v6  }
0x47: {  	[tilespmem:$0xE80] =	vst v4  }
0x48: {  	[tilespmem:$0xE90] =	vst v5  }
0x49: {  	[tilespmem:$0xEA0] =	vst v7  }
0x4a: {  	[tilespmem:$0xEB0] =	vst v6  }
0x4b: {  	[tilespmem:$0xF00] =	vst v4  }
0x4c: {  	[tilespmem:$0xF10] =	vst v5  }
0x4d: {  	[tilespmem:$0xF20] =	vst v7  }
0x4e: {  	[tilespmem:$0xF30] =	vst v6  }
0x4f: {  	[tilespmem:$0xF80] =	vst v4  }
0x50: {  	[tilespmem:$0xF90] =	vst v5  }
0x51: {  	[tilespmem:$0xFA0] =	vst v7  }
0x52: {  	[tilespmem:$0xFB0] =	vst v6  }
0x53: {  	[tilespmem:$0x1000] =	vst v4  }
0x54: {  	[tilespmem:$0x1010] =	vst v5  }
0x55: {  	[tilespmem:$0x1020] =	vst v7  }
0x56: {  	[tilespmem:$0x1030] =	vst v6  }
0x57: {  	[tilespmem:$0x1080] =	vst v4  }
0x58: {  	[tilespmem:$0x1090] =	vst v5  }
0x59: {  	[tilespmem:$0x10A0] =	vst v7  }
0x5a: {  	[tilespmem:$0x10B0] =	vst v6  }
0x5b: {  	[tilespmem:$0x1100] =	vst v4  }
0x5c: {  	[tilespmem:$0x1110] =	vst v5  }
0x5d: {  	[tilespmem:$0x1120] =	vst v7  }
0x5e: {  	[tilespmem:$0x1130] =	vst v6  }
0x5f: {  	[tilespmem:$0x1180] =	vst v4  }
0x60: {  	[tilespmem:$0x1190] =	vst v5  }
0x61: {  	[tilespmem:$0x11A0] =	vst v7  }
0x62: {  	[tilespmem:$0x11B0] =	vst v6  }
0x63: {  	[tilespmem:$0x1200] =	vst v4  }
0x64: {  	[tilespmem:$0x1210] =	vst v5  }
0x65: {  	[tilespmem:$0x1220] =	vst v7  }
0x66: {  	[tilespmem:$0x1230] =	vst v6  }
0x67: {  	[tilespmem:$0x1280] =	vst v4  }
0x68: {  	[tilespmem:$0x1290] =	vst v5  }
0x69: {  	[tilespmem:$0x12A0] =	vst v7  }
0x6a: {  	[tilespmem:$0x12B0] =	vst v6  }
0x6b: {  	[tilespmem:$0x1300] =	vst v4  }
0x6c: {  	[tilespmem:$0x1310] =	vst v5  }
0x6d: {  	[tilespmem:$0x1320] =	vst v7  }
0x6e: {  	[tilespmem:$0x1330] =	vst v6  }
0x6f: {  	[tilespmem:$0x1380] =	vst v4  }
0x70: {  	[tilespmem:$0x1390] =	vst v5  }
0x71: {  	[tilespmem:$0x13A0] =	vst v7  }
0x72: {  	[tilespmem:$0x13B0] =	vst v6  }
0x73: {  	[tilespmem:$0x1400] =	vst v4  }
0x74: {  	[tilespmem:$0x1410] =	vst v5  }
0x75: {  	[tilespmem:$0x1420] =	vst v7  }
0x76: {  	[tilespmem:$0x1430] =	vst v6  }
0x77: {  	[tilespmem:$0x1480] =	vst v4  }
0x78: {  	[tilespmem:$0x1490] =	vst v5  }
0x79: {  	[tilespmem:$0x14A0] =	vst v7  }
0x7a: {  	[tilespmem:$0x14B0] =	vst v6  }
0x7b: {  	[tilespmem:$0x1500] =	vst v4  }
0x7c: {  	[tilespmem:$0x1510] =	vst v5  }
0x7d: {  	[tilespmem:$0x1520] =	vst v7  }
0x7e: {  	[tilespmem:$0x1530] =	vst v6  }
0x7f: {  	[tilespmem:$0x1580] =	vst v4  }
0x80: {  	[tilespmem:$0x1590] =	vst v5  }
0x81: {  	[tilespmem:$0x15A0] =	vst v7  }
0x82: {  	[tilespmem:$0x15B0] =	vst v6  }
0x83: {  	[tilespmem:$0x1600] =	vst v4  }
0x84: {  	[tilespmem:$0x1610] =	vst v5  }
0x85: {  	[tilespmem:$0x1620] =	vst v7  }
0x86: {  	[tilespmem:$0x1630] =	vst v6  }
0x87: {  	[tilespmem:$0x1680] =	vst v4  }
0x88: {  	[tilespmem:$0x1690] =	vst v5  }
0x89: {  	[tilespmem:$0x16A0] =	vst v7  }
0x8a: {  	[tilespmem:$0x16B0] =	vst v6  }
0x8b: {  	[tilespmem:$0x1700] =	vst v4  }
0x8c: {  	[tilespmem:$0x1710] =	vst v5  }
0x8d: {  	[tilespmem:$0x1720] =	vst v7  }
0x8e: {  	[tilespmem:$0x1730] =	vst v6  }
0x8f: {  	[tilespmem:$0x1780] =	vst v4  }
0x90: {  	[tilespmem:$0x1790] =	vst v5  }
0x91: {  	[tilespmem:$0x17A0] =	vst v7  }
0x92: {  	[tilespmem:$0x17B0] =	vst v6  }
0x93: {  	[tilespmem:$0x1800] =	vst v4  }
0x94: {  	[tilespmem:$0x1810] =	vst v5  }
0x95: {  	[tilespmem:$0x1820] =	vst v7  }
0x96: {  	[tilespmem:$0x1830] =	vst v6  }
0x97: {  	[tilespmem:$0x1880] =	vst v4  }
0x98: {  	[tilespmem:$0x1890] =	vst v5  }
0x99: {  	[tilespmem:$0x18A0] =	vst v7  }
0x9a: {  	[tilespmem:$0x18B0] =	vst v6  }
0x9b: {  	[tilespmem:$0x1900] =	vst v4  }
0x9c: {  	[tilespmem:$0x1910] =	vst v5  }
0x9d: {  	[tilespmem:$0x1920] =	vst v7  }
0x9e: {  	[tilespmem:$0x1930] =	vst v6  }
0x9f: {  	[tilespmem:$0x1980] =	vst v4  }
0xa0: {  	[tilespmem:$0x1990] =	vst v5  }
0xa1: {  	[tilespmem:$0x19A0] =	vst v7  }
0xa2: {  	[tilespmem:$0x19B0] =	vst v6  }
0xa3: {  	[tilespmem:$0x1A00] =	vst v4  }
0xa4: {  	[tilespmem:$0x1A10] =	vst v5  }
0xa5: {  	[tilespmem:$0x1A20] =	vst v7  }
0xa6: {  	[tilespmem:$0x1A30] =	vst v6  }
0xa7: {  	[tilespmem:$0x1A80] =	vst v4  }
0xa8: {  	[tilespmem:$0x1A90] =	vst v5  }
0xa9: {  	[tilespmem:$0x1AA0] =	vst v7  }
0xaa: {  	[tilespmem:$0x1AB0] =	vst v6  }
0xab: {  	[tilespmem:$0x1B00] =	vst v4  }
0xac: {  	[tilespmem:$0x1B10] =	vst v5  }
0xad: {  	[tilespmem:$0x1B20] =	vst v7  }
0xae: {  	[tilespmem:$0x1B30] =	vst v6  }
0xaf: {  	[tilespmem:$0x1B80] =	vst v4  }
0xb0: {  	[tilespmem:$0x1B90] =	vst v5  }
0xb1: {  	[tilespmem:$0x1BA0] =	vst v7  }
0xb2: {  	[tilespmem:$0x1BB0] =	vst v6  }
0xb3: {  	[tilespmem:$0x1C00] =	vst v4  }
0xb4: {  	[tilespmem:$0x1C10] =	vst v5  }
0xb5: {  	[tilespmem:$0x1C20] =	vst v7  }
0xb6: {  	[tilespmem:$0x1C30] =	vst v6  }
0xb7: {  	[tilespmem:$0x1C80] =	vst v4  }
0xb8: {  	[tilespmem:$0x1C90] =	vst v5  }
0xb9: {  	[tilespmem:$0x1CA0] =	vst v7  }
0xba: {  	[tilespmem:$0x1CB0] =	vst v6  }
0xbb: {  	[tilespmem:$0x1D00] =	vst v4  }
0xbc: {  	[tilespmem:$0x1D10] =	vst v5  }
0xbd: {  	[tilespmem:$0x1D20] =	vst v7  }
0xbe: {  	[tilespmem:$0x1D30] =	vst v6  }
0xbf: {  	[tilespmem:$0x1D80] =	vst v4  }
0xc0: {  	[tilespmem:$0x1D90] =	vst v5  }
0xc1: {  	[tilespmem:$0x1DA0] =	vst v7  }
0xc2: {  	[tilespmem:$0x1DB0] =	vst v6  }
0xc3: {  	[tilespmem:$0x1E00] =	vst v4  }
0xc4: {  	[tilespmem:$0x1E10] =	vst v5  }
0xc5: {  	[tilespmem:$0x1E20] =	vst v7  }
0xc6: {  	[tilespmem:$0x1E30] =	vst v6  }
0xc7: {  	[tilespmem:$0x1E80] =	vst v4  }
0xc8: {  	[tilespmem:$0x1E90] =	vst v5  }
0xc9: {  	[tilespmem:$0x1EA0] =	vst v7  }
0xca: {  	[tilespmem:$0x1EB0] =	vst v6  }
0xcb: {  	[tilespmem:$0x1F00] =	vst v4  }
0xcc: {  	[tilespmem:$0x1F10] =	vst v5  }
0xcd: {  	[tilespmem:$0x1F20] =	vst v7  }
0xce: {  	[tilespmem:$0x1F30] =	vst v6  }
0xcf: {  	[tilespmem:$0x1F80] =	vst v4  }
0xd0: {  	[tilespmem:$0x1F90] =	vst v5  }
0xd1: {  	[tilespmem:$0x1FA0] =	vst v7  }
0xd2: {  	[tilespmem:$0x1FB0] =	vst v6  }
0xd3: {  	[tilespmem:$0x2000] =	vst v4  }
0xd4: {  	[tilespmem:$0x2010] =	vst v5  }
0xd5: {  	[tilespmem:$0x2020] =	vst v7  }
0xd6: {  	[tilespmem:$0x2030] =	vst v6  }
0xd7: {  	[tilespmem:$0x2080] =	vst v4  }
0xd8: {  	[tilespmem:$0x2090] =	vst v5  }
0xd9: {  	[tilespmem:$0x20A0] =	vst v7  }
0xda: {  	[tilespmem:$0x20B0] =	vst v6  }
0xdb: {  	[tilespmem:$0x2100] =	vst v4  }
0xdc: {  	[tilespmem:$0x2110] =	vst v5  }
0xdd: {  	[tilespmem:$0x2120] =	vst v7  }
0xde: {  	[tilespmem:$0x2130] =	vst v6  }
0xdf: {  	[tilespmem:$0x2180] =	vst v4  }
0xe0: {  	[tilespmem:$0x2190] =	vst v5  }
0xe1: {  	[tilespmem:$0x21A0] =	vst v7  }
0xe2: {  	[tilespmem:$0x21B0] =	vst v6  }
0xe3: {  	[tilespmem:$0x2200] =	vst v4  }
0xe4: {  	[tilespmem:$0x2210] =	vst v5  }
0xe5: {  	[tilespmem:$0x2220] =	vst v7  }
0xe6: {  	[tilespmem:$0x2230] =	vst v6  }
0xe7: {  	[tilespmem:$0x2280] =	vst v4  }
0xe8: {  	[tilespmem:$0x2290] =	vst v5  }
0xe9: {  	[tilespmem:$0x22A0] =	vst v7  }
0xea: {  	[tilespmem:$0x22B0] =	vst v6  }
0xeb: {  	[tilespmem:$0x2300] =	vst v4  }
0xec: {  	[tilespmem:$0x2310] =	vst v5  }
0xed: {  	[tilespmem:$0x2320] =	vst v7  }
0xee: {  	[tilespmem:$0x2330] =	vst v6  }
0xef: {  	[tilespmem:$0x2380] =	vst v4  }
0xf0: {  	[tilespmem:$0x2390] =	vst v5  }
0xf1: {  	[tilespmem:$0x23A0] =	vst v7  }
0xf2: {  	[tilespmem:$0x23B0] =	vst v6  }
0xf3: {  	[tilespmem:$0x2400] =	vst v4  }
0xf4: {  	[tilespmem:$0x2410] =	vst v5  }
0xf5: {  	[tilespmem:$0x2420] =	vst v7  }
0xf6: {  	[tilespmem:$0x2430] =	vst v6  }
0xf7: {  	[tilespmem:$0x2480] =	vst v4  }
0xf8: {  	[tilespmem:$0x2490] =	vst v5  }
0xf9: {  	[tilespmem:$0x24A0] =	vst v7  }
0xfa: {  	[tilespmem:$0x24B0] =	vst v6  }
0xfb: {  	[tilespmem:$0x2500] =	vst v4  }
0xfc: {  	[tilespmem:$0x2510] =	vst v5  }
0xfd: {  	[tilespmem:$0x2520] =	vst v7  }
0xfe: {  	[tilespmem:$0x2530] =	vst v6  }
0xff: {  	[tilespmem:$0x2580] =	vst v4  }
0x100: {  	[tilespmem:$0x2590] =	vst v5  }
0x101: {  	[tilespmem:$0x25A0] =	vst v7  }
0x102: {  	[tilespmem:$0x25B0] =	vst v6  }
0x103: {  	[tilespmem:$0x2600] =	vst v4  }
0x104: {  	[tilespmem:$0x2610] =	vst v5  }
0x105: {  	[tilespmem:$0x2620] =	vst v7  }
0x106: {  	[tilespmem:$0x2630] =	vst v6  }
0x107: {  	[tilespmem:$0x2680] =	vst v4  }
0x108: {  	[tilespmem:$0x2690] =	vst v5  }
0x109: {  	[tilespmem:$0x26A0] =	vst v7  }
0x10a: {  	[tilespmem:$0x26B0] =	vst v6  }
0x10b: {  	[tilespmem:$0x2700] =	vst v4  }
0x10c: {  	[tilespmem:$0x2710] =	vst v5  }
0x10d: {  	[tilespmem:$0x2720] =	vst v7  }
0x10e: {  	[tilespmem:$0x2730] =	vst v6  }
0x10f: {  	[tilespmem:$0x2780] =	vst v4  }
0x110: {  	[tilespmem:$0x2790] =	vst v5  }
0x111: {  	[tilespmem:$0x27A0] =	vst v7  }
0x112: {  	[tilespmem:$0x27B0] =	vst v6  }
0x113: {  	[tilespmem:$0x2800] =	vst v4  }
0x114: {  	[tilespmem:$0x2810] =	vst v5  }
0x115: {  	[tilespmem:$0x2820] =	vst v7  }
0x116: {  	[tilespmem:$0x2830] =	vst v6  }
0x117: {  	[tilespmem:$0x2880] =	vst v4  }
0x118: {  	[tilespmem:$0x2890] =	vst v5  }
0x119: {  	[tilespmem:$0x28A0] =	vst v7  }
0x11a: {  	[tilespmem:$0x28B0] =	vst v6  }
0x11b: {  	[tilespmem:$0x2900] =	vst v4  }
0x11c: {  	[tilespmem:$0x2910] =	vst v5  }
0x11d: {  	[tilespmem:$0x2920] =	vst v7  }
0x11e: {  	[tilespmem:$0x2930] =	vst v6  }
0x11f: {  	[tilespmem:$0x2980] =	vst v4  }
0x120: {  	[tilespmem:$0x2990] =	vst v5  }
0x121: {  	[tilespmem:$0x29A0] =	vst v7  }
0x122: {  	[tilespmem:$0x29B0] =	vst v6  }
0x123: {  	[tilespmem:$0x2A00] =	vst v4  }
0x124: {  	[tilespmem:$0x2A10] =	vst v5  }
0x125: {  	[tilespmem:$0x2A20] =	vst v7  }
0x126: {  	[tilespmem:$0x2A30] =	vst v6  }
0x127: {  	[tilespmem:$0x2A80] =	vst v4  }
0x128: {  	[tilespmem:$0x2A90] =	vst v5  }
0x129: {  	[tilespmem:$0x2AA0] =	vst v7  }
0x12a: {  	[tilespmem:$0x2AB0] =	vst v6  }
0x12b: {  	[tilespmem:$0x2B00] =	vst v4  }
0x12c: {  	[tilespmem:$0x2B10] =	vst v5  }
0x12d: {  	[tilespmem:$0x2B20] =	vst v7  }
0x12e: {  	[tilespmem:$0x2B30] =	vst v6  }
0x12f: {  	[tilespmem:$0x2B80] =	vst v4  }
0x130: {  	[tilespmem:$0x2B90] =	vst v5  }
0x131: {  	[tilespmem:$0x2BA0] =	vst v7  }
0x132: {  	[tilespmem:$0x2BB0] =	vst v6  }
0x133: {  	[tilespmem:$0x2C00] =	vst v4  }
0x134: {  	[tilespmem:$0x2C10] =	vst v5  }
0x135: {  	[tilespmem:$0x2C20] =	vst v7  }
0x136: {  	[tilespmem:$0x2C30] =	vst v6  }
0x137: {  	[tilespmem:$0x2C80] =	vst v4  }
0x138: {  	[tilespmem:$0x2C90] =	vst v5  }
0x139: {  	[tilespmem:$0x2CA0] =	vst v7  }
0x13a: {  	[tilespmem:$0x2CB0] =	vst v6  }
0x13b: {  	[tilespmem:$0x2D00] =	vst v4  }
0x13c: {  	[tilespmem:$0x2D10] =	vst v5  }
0x13d: {  	[tilespmem:$0x2D20] =	vst v7  }
0x13e: {  	[tilespmem:$0x2D30] =	vst v6  }
0x13f: {  	[tilespmem:$0x2D80] =	vst v4  }
0x140: {  	[tilespmem:$0x2D90] =	vst v5  }
0x141: {  	[tilespmem:$0x2DA0] =	vst v7  }
0x142: {  	[tilespmem:$0x2DB0] =	vst v6  }
0x143: {  	[tilespmem:$0x2E00] =	vst v4  }
0x144: {  	[tilespmem:$0x2E10] =	vst v5  }
0x145: {  	[tilespmem:$0x2E20] =	vst v7  }
0x146: {  	[tilespmem:$0x2E30] =	vst v6  }
0x147: {  	[tilespmem:$0x2E80] =	vst v4  }
0x148: {  	[tilespmem:$0x2E90] =	vst v5  }
0x149: {  	[tilespmem:$0x2EA0] =	vst v7  }
0x14a: {  	[tilespmem:$0x2EB0] =	vst v6  }
0x14b: {  	[tilespmem:$0x2F00] =	vst v4  }
0x14c: {  	[tilespmem:$0x2F10] =	vst v5  }
0x14d: {  	[tilespmem:$0x2F20] =	vst v7  }
0x14e: {  	[tilespmem:$0x2F30] =	vst v6  }
0x14f: {  	[tilespmem:$0x2F80] =	vst v4  }
0x150: {  	[tilespmem:$0x2F90] =	vst v5  }
0x151: {  	[tilespmem:$0x2FA0] =	vst v7  }
0x152: {  	[tilespmem:$0x2FB0] =	vst v6  }
0x153: {  	[tilespmem:$0x3000] =	vst v4  }
0x154: {  	[tilespmem:$0x3010] =	vst v5  }
0x155: {  	[tilespmem:$0x3020] =	vst v7  }
0x156: {  	[tilespmem:$0x3030] =	vst v6  }
0x157: {  	[tilespmem:$0x3080] =	vst v4  }
0x158: {  	[tilespmem:$0x3090] =	vst v5  }
0x159: {  	[tilespmem:$0x30A0] =	vst v7  }
0x15a: {  	[tilespmem:$0x30B0] =	vst v6  }
0x15b: {  	[tilespmem:$0x3100] =	vst v4  }
0x15c: {  	[tilespmem:$0x3110] =	vst v5  }
0x15d: {  	[tilespmem:$0x3120] =	vst v7  }
0x15e: {  	[tilespmem:$0x3130] =	vst v6  }
0x15f: {  	[tilespmem:$0x3180] =	vst v4  }
0x160: {  	[tilespmem:$0x3190] =	vst v5  }
0x161: {  	[tilespmem:$0x31A0] =	vst v7  }
0x162: {  	[tilespmem:$0x31B0] =	vst v6  }
0x163: {  	[tilespmem:$0x3200] =	vst v4  }
0x164: {  	[tilespmem:$0x3210] =	vst v5  }
0x165: {  	[tilespmem:$0x3220] =	vst v7  }
0x166: {  	[tilespmem:$0x3230] =	vst v6  }
0x167: {  	[tilespmem:$0x3280] =	vst v4  }
0x168: {  	[tilespmem:$0x3290] =	vst v5  }
0x169: {  	[tilespmem:$0x32A0] =	vst v7  }
0x16a: {  	[tilespmem:$0x32B0] =	vst v6  }
0x16b: {  	[tilespmem:$0x3300] =	vst v4  }
0x16c: {  	[tilespmem:$0x3310] =	vst v5  }
0x16d: {  	[tilespmem:$0x3320] =	vst v7  }
0x16e: {  	[tilespmem:$0x3330] =	vst v6  }
0x16f: {  	[tilespmem:$0x3380] =	vst v4  }
0x170: {  	[tilespmem:$0x3390] =	vst v5  }
0x171: {  	[tilespmem:$0x33A0] =	vst v7  }
0x172: {  	[tilespmem:$0x33B0] =	vst v6  }
0x173: {  	[tilespmem:$0x3400] =	vst v4  }
0x174: {  	[tilespmem:$0x3410] =	vst v5  }
0x175: {  	[tilespmem:$0x3420] =	vst v7  }
0x176: {  	[tilespmem:$0x3430] =	vst v6  }
0x177: {  	[tilespmem:$0x3480] =	vst v4  }
0x178: {  	[tilespmem:$0x3490] =	vst v5  }
0x179: {  	[tilespmem:$0x34A0] =	vst v7  }
0x17a: {  	[tilespmem:$0x34B0] =	vst v6  }
0x17b: {  	[tilespmem:$0x3500] =	vst v4  }
0x17c: {  	[tilespmem:$0x3510] =	vst v5  }
0x17d: {  	[tilespmem:$0x3520] =	vst v7  }
0x17e: {  	[tilespmem:$0x3530] =	vst v6  }
0x17f: {  	[tilespmem:$0x3580] =	vst v4  }
0x180: {  	[tilespmem:$0x3590] =	vst v5  }
0x181: {  	[tilespmem:$0x35A0] =	vst v7  }
0x182: {  	[tilespmem:$0x35B0] =	vst v6  }
0x183: {  	[tilespmem:$0x3600] =	vst v4  }
0x184: {  	[tilespmem:$0x3610] =	vst v5  }
0x185: {  	[tilespmem:$0x3620] =	vst v7  }
0x186: {  	[tilespmem:$0x3630] =	vst v6  }
0x187: {  	[tilespmem:$0x3680] =	vst v4  }
0x188: {  	[tilespmem:$0x3690] =	vst v5  }
0x189: {  	[tilespmem:$0x36A0] =	vst v7  }
0x18a: {  	[tilespmem:$0x36B0] =	vst v6  }
0x18b: {  	[tilespmem:$0x3700] =	vst v4  }
0x18c: {  	[tilespmem:$0x3710] =	vst v5  }
0x18d: {  	[tilespmem:$0x3720] =	vst v7  }
0x18e: {  	[tilespmem:$0x3730] =	vst v6  }
0x18f: {  	[tilespmem:$0x3780] =	vst v4  }
0x190: {  	[tilespmem:$0x3790] =	vst v5  }
0x191: {  	[tilespmem:$0x37A0] =	vst v7  }
0x192: {  	[tilespmem:$0x37B0] =	vst v6  }
0x193: {  	[tilespmem:$0x3800] =	vst v4  }
0x194: {  	[tilespmem:$0x3810] =	vst v5  }
0x195: {  	[tilespmem:$0x3820] =	vst v7  }
0x196: {  	[tilespmem:$0x3830] =	vst v6  }
0x197: {  	[tilespmem:$0x3880] =	vst v4  }
0x198: {  	[tilespmem:$0x3890] =	vst v5  }
0x199: {  	[tilespmem:$0x38A0] =	vst v7  }
0x19a: {  	[tilespmem:$0x38B0] =	vst v6  }
0x19b: {  	[tilespmem:$0x3900] =	vst v4  }
0x19c: {  	[tilespmem:$0x3910] =	vst v5  }
0x19d: {  	[tilespmem:$0x3920] =	vst v7  }
0x19e: {  	[tilespmem:$0x3930] =	vst v6  }
0x19f: {  	[tilespmem:$0x3980] =	vst v4  }
0x1a0: {  	[tilespmem:$0x3990] =	vst v5  }
0x1a1: {  	[tilespmem:$0x39A0] =	vst v7  }
0x1a2: {  	[tilespmem:$0x39B0] =	vst v6  }
0x1a3: {  	[tilespmem:$0x3A00] =	vst v4  }
0x1a4: {  	[tilespmem:$0x3A10] =	vst v5  }
0x1a5: {  	[tilespmem:$0x3A20] =	vst v7  }
0x1a6: {  	[tilespmem:$0x3A30] =	vst v6  }
0x1a7: {  	[tilespmem:$0x3A80] =	vst v4  }
0x1a8: {  	[tilespmem:$0x3A90] =	vst v5  }
0x1a9: {  	[tilespmem:$0x3AA0] =	vst v7  }
0x1aa: {  	[tilespmem:$0x3AB0] =	vst v6  }
0x1ab: {  	[tilespmem:$0x3B00] =	vst v4  }
0x1ac: {  	[tilespmem:$0x3B10] =	vst v5  }
0x1ad: {  	[tilespmem:$0x3B20] =	vst v7  }
0x1ae: {  	[tilespmem:$0x3B30] =	vst v6  }
0x1af: {  	[tilespmem:$0x3B80] =	vst v4  }
0x1b0: {  	[tilespmem:$0x3B90] =	vst v5  }
0x1b1: {  	[tilespmem:$0x3BA0] =	vst v7  }
0x1b2: {  	[tilespmem:$0x3BB0] =	vst v6  }
0x1b3: {  	[tilespmem:$0x3C00] =	vst v4  }
0x1b4: {  	[tilespmem:$0x3C10] =	vst v5  }
0x1b5: {  	[tilespmem:$0x3C20] =	vst v7  }
0x1b6: {  	[tilespmem:$0x3C30] =	vst v6  }
0x1b7: {  	[tilespmem:$0x3C80] =	vst v4  }
0x1b8: {  	[tilespmem:$0x3C90] =	vst v5  }
0x1b9: {  	[tilespmem:$0x3CA0] =	vst v7  }
0x1ba: {  	[tilespmem:$0x3CB0] =	vst v6  }
0x1bb: {  	[tilespmem:$0x3D00] =	vst v4  }
0x1bc: {  	[tilespmem:$0x3D10] =	vst v5  }
0x1bd: {  	[tilespmem:$0x3D20] =	vst v7  }
0x1be: {  	[tilespmem:$0x3D30] =	vst v6  }
0x1bf: {  	[tilespmem:$0x3D80] =	vst v4  }
0x1c0: {  	[tilespmem:$0x3D90] =	vst v5  }
0x1c1: {  	[tilespmem:$0x3DA0] =	vst v7  }
0x1c2: {  	[tilespmem:$0x3DB0] =	vst v6  }
0x1c3: {  	[tilespmem:$0x3E00] =	vst v4  }
0x1c4: {  	[tilespmem:$0x3E10] =	vst v5  }
0x1c5: {  	[tilespmem:$0x3E20] =	vst v7  }
0x1c6: {  	[tilespmem:$0x3E30] =	vst v6  }
0x1c7: {  	[tilespmem:$0x3E80] =	vst v4  }
0x1c8: {  	[tilespmem:$0x3E90] =	vst v5  }
0x1c9: {  	[tilespmem:$0x3EA0] =	vst v7  }
0x1ca: {  	[tilespmem:$0x3EB0] =	vst v6  }
0x1cb: {  	[tilespmem:$0x3F00] =	vst v4  }
0x1cc: {  	[tilespmem:$0x3F10] =	vst v5  }
0x1cd: {  	[tilespmem:$0x3F20] =	vst v7  }
0x1ce: {  	[tilespmem:$0x3F30] =	vst v6  }
0x1cf: {  	[tilespmem:$0x3F80] =	vst v4  }
0x1d0: {  	[tilespmem:$0x3F90] =	vst v5  }
0x1d1: {  	[tilespmem:$0x3FA0] =	vst v7  }
0x1d2: {  	[tilespmem:$0x3FB0] =	vst v6  }
0x1d3: {  	[tilespmem:$0x4000] =	vst v4  }
0x1d4: {  	[tilespmem:$0x4010] =	vst v5  }
0x1d5: {  	[tilespmem:$0x4020] =	vst v7  }
0x1d6: {  	[tilespmem:$0x4030] =	vst v6  }
0x1d7: {  	[tilespmem:$0x4080] =	vst v4  }
0x1d8: {  	[tilespmem:$0x4090] =	vst v5  }
0x1d9: {  	[tilespmem:$0x40A0] =	vst v7  }
0x1da: {  	[tilespmem:$0x40B0] =	vst v6  }
0x1db: {  	[tilespmem:$0x4100] =	vst v4  }
0x1dc: {  	[tilespmem:$0x4110] =	vst v5  }
0x1dd: {  	[tilespmem:$0x4120] =	vst v7  }
0x1de: {  	[tilespmem:$0x4130] =	vst v6  }
0x1df: {  	[tilespmem:$0x4180] =	vst v4  }
0x1e0: {  	[tilespmem:$0x4190] =	vst v5  }
0x1e1: {  	[tilespmem:$0x41A0] =	vst v7  }
0x1e2: {  	[tilespmem:$0x41B0] =	vst v6  }
0x1e3: {  	[tilespmem:$0x4200] =	vst v4  }
0x1e4: {  	[tilespmem:$0x4210] =	vst v5  }
0x1e5: {  	[tilespmem:$0x4220] =	vst v7  }
0x1e6: {  	[tilespmem:$0x4230] =	vst v6  }
0x1e7: {  	[tilespmem:$0x4280] =	vst v4  }
0x1e8: {  	[tilespmem:$0x4290] =	vst v5  }
0x1e9: {  	[tilespmem:$0x42A0] =	vst v7  }
0x1ea: {  	[tilespmem:$0x42B0] =	vst v6  }
0x1eb: {  	[tilespmem:$0x4300] =	vst v4  }
0x1ec: {  	[tilespmem:$0x4310] =	vst v5  }
0x1ed: {  	[tilespmem:$0x4320] =	vst v7  }
0x1ee: {  	[tilespmem:$0x4330] =	vst v6  }
0x1ef: {  	[tilespmem:$0x4380] =	vst v4  }
0x1f0: {  	[tilespmem:$0x4390] =	vst v5  }
0x1f1: {  	[tilespmem:$0x43A0] =	vst v7  }
0x1f2: {  	[tilespmem:$0x43B0] =	vst v6  }
0x1f3: {  	[tilespmem:$0x4400] =	vst v4  }
0x1f4: {  	[tilespmem:$0x4410] =	vst v5  }
0x1f5: {  	[tilespmem:$0x4420] =	vst v7  }
0x1f6: {  	[tilespmem:$0x4430] =	vst v6  }
0x1f7: {  	[tilespmem:$0x4480] =	vst v4  }
0x1f8: {  	[tilespmem:$0x4490] =	vst v5  }
0x1f9: {  	[tilespmem:$0x44A0] =	vst v7  }
0x1fa: {  	[tilespmem:$0x44B0] =	vst v6  }
0x1fb: {  	[tilespmem:$0x4500] =	vst v4  }
0x1fc: {  	[tilespmem:$0x4510] =	vst v5  }
0x1fd: {  	[tilespmem:$0x4520] =	vst v7  }
0x1fe: {  	[tilespmem:$0x4530] =	vst v6  }
0x1ff: {  	[tilespmem:$0x4580] =	vst v4  }
0x200: {  	[tilespmem:$0x4590] =	vst v5  }
0x201: {  	[tilespmem:$0x45A0] =	vst v7  }
0x202: {  	[tilespmem:$0x45B0] =	vst v6  }
0x203: {  	[tilespmem:$0x4600] =	vst v4  }
0x204: {  	[tilespmem:$0x4610] =	vst v5  }
0x205: {  	[tilespmem:$0x4620] =	vst v7  }
0x206: {  	[tilespmem:$0x4630] =	vst v6  }
0x207: {  	[tilespmem:$0x4680] =	vst v4  }
0x208: {  	[tilespmem:$0x4690] =	vst v5  }
0x209: {  	[tilespmem:$0x46A0] =	vst v7  }
0x20a: {  	[tilespmem:$0x46B0] =	vst v6  }
0x20b: {  	[tilespmem:$0x4700] =	vst v4  }
0x20c: {  	[tilespmem:$0x4710] =	vst v5  }
0x20d: {  	[tilespmem:$0x4720] =	vst v7  }
0x20e: {  	[tilespmem:$0x4730] =	vst v6  }
0x20f: {  	[tilespmem:$0x4780] =	vst v4  }
0x210: {  	[tilespmem:$0x4790] =	vst v5  }
0x211: {  	[tilespmem:$0x47A0] =	vst v7  }
0x212: {  	[tilespmem:$0x47B0] =	vst v6  }
0x213: {  	[tilespmem:$0x4800] =	vst v4  }
0x214: {  	[tilespmem:$0x4810] =	vst v5  }
0x215: {  	[tilespmem:$0x4820] =	vst v7  }
0x216: {  	[tilespmem:$0x4830] =	vst v6  }
0x217: {  	[tilespmem:$0x4880] =	vst v4  }
0x218: {  	[tilespmem:$0x4890] =	vst v5  }
0x219: {  	[tilespmem:$0x48A0] =	vst v7  }
0x21a: {  	[tilespmem:$0x48B0] =	vst v6  }
0x21b: {  	[hbm4b:s8+s1] =	stream.linear.scatter [tilespmem:s16], [sflag:$0x2], $0x4000, $0x38;
	[tilespmem:$0x4900] =	vst v63  }
0x21c: {  	_ =	swait.ge [sflag:s14], $0x4000  }
0x21d: {  	[sflag:s14] =	ssyncset.done $0x0  }
0x21e: {  	[sflag:s14] =	ssyncadd.s32 $0xFFFFC000  }
0x21f: {  	[hbm4b:s10+s1] =	stream.linear.scatter [tilespmem:s16], [sflag:$0x2], $0x4000, $0x38;
	[tilespmem:$0x4900] =	vst v63  }
0x220: {  	_ =	swait.ge [sflag:s14], $0x4000  }
0x221: {  	[sflag:s14] =	ssyncset.done $0x0  }
0x222: {  	[sflag:s14] =	ssyncadd.s32 $0xFFFFC000  }
0x223: {  	[hbm4b:s11+s1] =	stream.linear.scatter [tilespmem:s16], [sflag:$0x2], $0x4000, $0x38;
	[tilespmem:$0x4900] =	vst v63  }
0x224: {  	_ =	swait.ge [sflag:s14], $0x4000  }
0x225: {  	[sflag:s14] =	ssyncset.done $0x0  }
0x226: {  	[sflag:s14] =	ssyncadd.s32 $0xFFFFC000  }
0x227: {  	[hbm4b:s12+s1] =	stream.linear.scatter [tilespmem:s16], [sflag:$0x2], $0x4000, $0x38;
	[tilespmem:$0x4900] =	vst v63  }
0x228: {  	_ =	swait.ge [sflag:s14], $0x4000  }
0x229: {  	[sflag:s14] =	ssyncset.done $0x0  }
0x22a: {  	s21 =	simm.s32 $0x0;
	[sflag:s14] =	ssyncadd.s32 $0xFFFFC000  }
0x22b: {  	v4 =	vld [tilespmem:s21+$0x200];
	_ =	sdelay $0x4  }
0x22c: {  	v5 =	vmov s5;
	vm0 =	veq.s32 v4, $0x0  }
0x22d: {  	v4 =	vsub.s32 v2, v5;
	v5 =	vsel vm0, $0x1, v1  }
0x22e: {  	v4 =	vsel vm0, $0x40000000, v4;
	(xrf0) =	vadd.scan.msk.s32 $0xffff, v5  }
0x22f: {  	(xrf0) =	vmax.scan.msk.u32 $0xffff, v4;
	_ =	sdelay $0x2  }
0x230: {  	v5 =	vmov s1  }
0x231: {  	v5 =	vadd.s32 $0xFFFFFFFF, v5  }
0x232: {  	v5 =	vbroadcast v5, $0x0;
	v4, _, _ =	vpop (xrf0)  }
0x233: {  	(v2sf) =	vpush v4, $0xF;
	v6, _, _ =	vpop (xrf0)  }
0x234: {  	v4 =	vadd.s32 v4, v5;
	(v2sf) =	vpush v6, $0xF;
	v6 =	vld [tilespmem:s21+$0x0];
	_ =	sdelay $0x4  }
0x235: {  	v5 =	vor.u32 s5, v0;
	[tilespmem:v4+s17+$0x0] =	vst.idx.msk vm0, v6  }
0x236: {  	s23 =	simm.s32 $0x10;
	[tilespmem:v4+s18+$0x0] =	vst.idx.msk vm0, v5  }
0x237: {  	v4 =	vld [tilespmem:s23+$0x200];
	_ =	sdelay $0x3  }
0x238: {  	s21 =	sadd.s32 $0x10, s5  }
0x239: {  	v5 =	vmov s21;
	vm0 =	veq.s32 v4, $0x0  }
0x23a: {  	v4 =	vsub.s32 v2, v5;
	v5 =	vsel vm0, $0x1, v1  }
0x23b: {  	v4 =	vsel vm0, $0x40000000, v4;
	s22 =	spop (v2sf);
	(xrf0) =	vadd.scan.msk.s32 $0xffff, v5  }
0x23c: {  	s24 =	sadd.s32 $0x0, s22;
	s31 =	spop (v2sf);
	(xrf0) =	vmax.scan.msk.u32 $0xffff, v4  }
0x23d: {  	v6 =	vmov s24;
	s25 =	sxor.u32 $0x7FFFFFFF, s31  }
0x23e: {  	s22 =	simm.s32 $0x40000000;
	v5 =	vadd.s32 $0xFFFFFFFF, v6;
	s26 =	sadd.s32 $0x1, s25  }
0x23f: {  	[smem:$0x0] =	sst s24;
	s25 =	simm.s32 $0x80;
	v4 =	vbroadcast v5, $0x0;
	p1 =	sgt.s32 s26, $0x40000000  }
.LBB2_2:
0x240: {  	s28 =	smov.u32 s22;
	p0 =	sne.s32 s25, $0x7C0;
	s22 =	smov.u32 s26  }
0x241: {  	s26 =	smov.u32 s25;
	s25 =	sadd.s32 $0x40, s25;
	v5, _, _ =	vpop (xrf0);
	s22 =	smov.u32 @p1 s28  }
0x242: {  	v6 =	vld [tilespmem:s23+$0x0];
	v4 =	vadd.s32 v5, v4;
	(v2sf) =	vpush v5, $0xF;
	v5, _, _ =	vpop (xrf0);
	[smem:$0x1] =	sst s22  }
0x243: {  	(v2sf) =	vpush v5, $0xF;
	_ =	sdelay $0x3  }
0x244: {  	v5 =	vor.u32 s21, v0;
	[tilespmem:v4+s17+$0x0] =	vst.idx.msk vm0, v6  }
0x245: {  	s23 =	sshra.s32 s26, $0x2;
	[tilespmem:v4+s18+$0x0] =	vst.idx.msk vm0, v5  }
0x246: {  	v4 =	vld [tilespmem:s23+$0x200];
	_ =	sdelay $0x2  }
0x247: {  	s21 =	sadd.s32 $0x10, s21  }
0x248: {  	v5 =	vmov s21  }
0x249: {  	vm0 =	veq.s32 v4, $0x0;
	v4 =	vsub.s32 v2, v5  }
0x24a: {  	v5 =	vsel vm0, $0x1, v1;
	v4 =	vsel vm0, $0x40000000, v4  }
0x24b: {  	(xrf0) =	vadd.scan.msk.s32 $0xffff, v5  }
.Ltmp0:
0x24c: {  	(xrf0) =	vmax.scan.msk.u32 $0xffff, v4;
	s26 =	spop (v2sf);
	(pc) =	sbr.rel @p0 .LBB2_2-.Ltmp0, $4  }
0x24d: {  	s24 =	sadd.s32 s24, s26;
	s26 =	spop (v2sf)  }
0x24e: {  	v4 =	vmov s24;
	s26 =	sxor.u32 $0x7FFFFFFF, s26  }
0x24f: {  	v4 =	vadd.s32 $0xFFFFFFFF, v4;
	s26 =	sadd.s32 $0x1, s26  }
0x250: {  	v4 =	vbroadcast v4, $0x0;
	[smem:$0x0] =	sst s24;
	p1 =	slt.s32 s22, s26  }
0x251: {  	v5, _, _ =	vpop (xrf0)  }
0x252: {  	(v2sf) =	vpush v5, $0xF;
	_ =	sdelay $0xd  }
0x253: {  	v6, _, _ =	vpop (xrf0)  }
0x254: {  	(v2sf) =	vpush v6, $0xF;
	s25 =	spop (v2sf)  }
0x255: {  	s24 =	sadd.s32 s24, s25  }
0x256: {  	s25 =	sadd.s32 $0xF, s24  }
0x257: {  	s28 =	sand.u32 $0xF, s25  }
0x258: {  	s31 =	sshra.s32 s25, $0x1F;
	p2 =	slt.s32 s25, $0x1;
	p0 =	sne.s32 s28, $0x0  }
0x259: {  	s28 =	sshrl.u32 s31, $0x1C;
	p0 =	por !p2, !p0  }
0x25a: {  	s25 =	sadd.s32 s28, s25;
	s28 =	simm.s32 $0x1;
	p0 =	por !p0, !p0  }
0x25b: {  	s25 =	sshra.s32 s25, $0x4;
	s28 =	simm.s32 @!p0 $0x0  }
0x25c: {  	s25 =	ssub.s32 s25, s28  }
0x25d: {  	p0 =	sgt.s32 s25, $0x1  }
0x25e: {  	s25 =	simm.s32 @!p0 $0x1  }
0x25f: {  	s29 =	sshll.u32 s25, $0x4  }
0x260: {  	s28 =	ssub.s32 s29, s24  }
0x261: {  	v62 =	vld [tilespmem:s23+$0x0];
	v4 =	vadd.s32 v5, v4;
	v5 =	vmov s28  }
0x262: {  	vm1 =	vgt.s32 v5, v0  }
0x263: {  	s30 =	spop (v2sf);
	v5 =	vadd.s32 s24, v0  }
0x264: {  	s23 =	sxor.u32 $0x7FFFFFFF, s30  }
0x265: {  	s26 =	smov.u32 @p1 s22;
	s22 =	sadd.s32 $0x1, s23  }
0x266: {  	v63 =	vor.u32 s21, v0;
	[smem:$0x1] =	sst s26;
	[tilespmem:v4+s17+$0x0] =	vst.idx.msk vm0, v62;
	p0 =	slt.s32 s26, s22  }
0x267: {  	s21 =	simm.s32 $0x400;
	[tilespmem:v4+s18+$0x0] =	vst.idx.msk vm0, v63;
	[smem:$0x0] =	sst s24;
	s22 =	smov.u32 @p0 s26  }
0x268: {  	s31 =	ssub.s32 $0x0, s25;
	[smem:$0x1] =	sst s22;
	v4 =	vmov s22;
	s22 =	simm.s32 $0x680;
	[tilespmem:v5+s21+$0x0] =	vst.idx.msk vm1, v3  }
0x269: {  	s23 =	simm.s32 $0x0;
	[dreg:$0x4] =	wrdreg s31;
	[tilespmem:v5+s22+$0x0] =	vst.idx.msk vm1, v4  }
.LBB2_4:
0x26a: {  	v4 =	vld [tilespmem:s21+$0x0]  }
0x26b: {  	v5 =	vld [tilespmem:s22+$0x0];
	_ =	sdelay $0x3  }
0x26c: {  	v4 =	vshll.u32 v4, $0x4  }
0x26d: {  	v5 =	vshll.u32 v5, $0x4;
	(v2sf) =	vpush v4, $0x0  }
0x26e: {  	(v2sf) =	vpush v5, $0x0;
	_ =	sdelay $0xd  }
0x26f: {  	s24 =	spop (v2sf)  }
0x270: {  	s25 =	spop (v2sf)  }
0x271: {  	s26 =	sshll.u32 s2, $0x6;
	s24 =	sand.u32 $0x1FFFFFF0, s24;
	s25 =	sand.u32 $0x1FFFFFF0, s25  }
0x272: {  	s29 =	sor.u32 $0x1C01, s26;
	s28 =	sadd.s32 s3, s24;
	s25 =	sadd.s32 s4, s25  }
0x273: {  	[hbm:s25], [sflag:s29] =	dma.local [hbm:s28], $0x10  }
0x274: {  	(v2sf) =	vpush v4, $0x1  }
0x275: {  	(v2sf) =	vpush v5, $0x1;
	_ =	sdelay $0xd  }
0x276: {  	s25 =	spop (v2sf)  }
0x277: {  	s30 =	spop (v2sf)  }
0x278: {  	s25 =	sand.u32 $0x1FFFFFF0, s25;
	s26 =	sand.u32 $0x1FFFFFF0, s30  }
0x279: {  	s25 =	sadd.s32 s3, s25;
	s26 =	sadd.s32 s4, s26  }
0x27a: {  	[hbm:s26], [sflag:s29] =	dma.local [hbm:s25], $0x10  }
0x27b: {  	(v2sf) =	vpush v4, $0x2  }
0x27c: {  	(v2sf) =	vpush v5, $0x2;
	_ =	sdelay $0xd  }
0x27d: {  	s25 =	spop (v2sf)  }
0x27e: {  	s26 =	spop (v2sf)  }
0x27f: {  	s25 =	sand.u32 $0x1FFFFFF0, s25;
	s26 =	sand.u32 $0x1FFFFFF0, s26  }
0x280: {  	s25 =	sadd.s32 s3, s25;
	s26 =	sadd.s32 s4, s26  }
0x281: {  	[hbm:s26], [sflag:s29] =	dma.local [hbm:s25], $0x10  }
0x282: {  	(v2sf) =	vpush v4, $0x3  }
0x283: {  	(v2sf) =	vpush v5, $0x3;
	_ =	sdelay $0xd  }
0x284: {  	s25 =	spop (v2sf)  }
0x285: {  	s26 =	spop (v2sf)  }
0x286: {  	s25 =	sand.u32 $0x1FFFFFF0, s25;
	s26 =	sand.u32 $0x1FFFFFF0, s26  }
0x287: {  	s25 =	sadd.s32 s3, s25;
	s26 =	sadd.s32 s4, s26  }
0x288: {  	[hbm:s26], [sflag:s29] =	dma.local [hbm:s25], $0x10  }
0x289: {  	(v2sf) =	vpush v4, $0x4  }
0x28a: {  	(v2sf) =	vpush v5, $0x4;
	_ =	sdelay $0xd  }
0x28b: {  	s25 =	spop (v2sf)  }
0x28c: {  	s26 =	spop (v2sf)  }
0x28d: {  	s25 =	sand.u32 $0x1FFFFFF0, s25;
	s26 =	sand.u32 $0x1FFFFFF0, s26  }
0x28e: {  	s25 =	sadd.s32 s3, s25;
	s26 =	sadd.s32 s4, s26  }
0x28f: {  	[hbm:s26], [sflag:s29] =	dma.local [hbm:s25], $0x10  }
0x290: {  	(v2sf) =	vpush v4, $0x5  }
0x291: {  	(v2sf) =	vpush v5, $0x5;
	_ =	sdelay $0xd  }
0x292: {  	s25 =	spop (v2sf)  }
0x293: {  	s26 =	spop (v2sf)  }
0x294: {  	s25 =	sand.u32 $0x1FFFFFF0, s25;
	s26 =	sand.u32 $0x1FFFFFF0, s26  }
0x295: {  	s25 =	sadd.s32 s3, s25;
	s26 =	sadd.s32 s4, s26  }
0x296: {  	[hbm:s26], [sflag:s29] =	dma.local [hbm:s25], $0x10  }
0x297: {  	(v2sf) =	vpush v4, $0x6  }
0x298: {  	(v2sf) =	vpush v5, $0x6;
	_ =	sdelay $0xd  }
0x299: {  	s25 =	spop (v2sf)  }
0x29a: {  	s26 =	spop (v2sf)  }
0x29b: {  	s25 =	sand.u32 $0x1FFFFFF0, s25;
	s26 =	sand.u32 $0x1FFFFFF0, s26  }
0x29c: {  	s25 =	sadd.s32 s3, s25;
	s26 =	sadd.s32 s4, s26  }
0x29d: {  	[hbm:s26], [sflag:s29] =	dma.local [hbm:s25], $0x10  }
0x29e: {  	(v2sf) =	vpush v4, $0x7  }
0x29f: {  	(v2sf) =	vpush v5, $0x7;
	_ =	sdelay $0xd  }
0x2a0: {  	s25 =	spop (v2sf)  }
0x2a1: {  	s26 =	spop (v2sf)  }
0x2a2: {  	s25 =	sand.u32 $0x1FFFFFF0, s25;
	s26 =	sand.u32 $0x1FFFFFF0, s26  }
0x2a3: {  	s25 =	sadd.s32 s3, s25;
	s26 =	sadd.s32 s4, s26  }
0x2a4: {  	[hbm:s26], [sflag:s29] =	dma.local [hbm:s25], $0x10  }
0x2a5: {  	(v2sf) =	vpush v4, $0x8  }
0x2a6: {  	(v2sf) =	vpush v5, $0x8;
	_ =	sdelay $0xd  }
0x2a7: {  	s25 =	spop (v2sf)  }
0x2a8: {  	s26 =	spop (v2sf)  }
0x2a9: {  	s25 =	sand.u32 $0x1FFFFFF0, s25;
	s26 =	sand.u32 $0x1FFFFFF0, s26  }
0x2aa: {  	s25 =	sadd.s32 s3, s25;
	s26 =	sadd.s32 s4, s26  }
0x2ab: {  	[hbm:s26], [sflag:s29] =	dma.local [hbm:s25], $0x10  }
0x2ac: {  	(v2sf) =	vpush v4, $0x9  }
0x2ad: {  	(v2sf) =	vpush v5, $0x9;
	_ =	sdelay $0xd  }
0x2ae: {  	s25 =	spop (v2sf)  }
0x2af: {  	s26 =	spop (v2sf)  }
0x2b0: {  	s25 =	sand.u32 $0x1FFFFFF0, s25;
	s26 =	sand.u32 $0x1FFFFFF0, s26  }
0x2b1: {  	s25 =	sadd.s32 s3, s25;
	s26 =	sadd.s32 s4, s26  }
0x2b2: {  	[hbm:s26], [sflag:s29] =	dma.local [hbm:s25], $0x10  }
0x2b3: {  	(v2sf) =	vpush v4, $0xA  }
0x2b4: {  	(v2sf) =	vpush v5, $0xA;
	_ =	sdelay $0xd  }
0x2b5: {  	s25 =	spop (v2sf)  }
0x2b6: {  	s26 =	spop (v2sf)  }
0x2b7: {  	s25 =	sand.u32 $0x1FFFFFF0, s25;
	s26 =	sand.u32 $0x1FFFFFF0, s26  }
0x2b8: {  	s25 =	sadd.s32 s3, s25;
	s26 =	sadd.s32 s4, s26  }
0x2b9: {  	[hbm:s26], [sflag:s29] =	dma.local [hbm:s25], $0x10  }
0x2ba: {  	(v2sf) =	vpush v4, $0xB  }
0x2bb: {  	(v2sf) =	vpush v5, $0xB;
	_ =	sdelay $0xd  }
0x2bc: {  	s25 =	spop (v2sf)  }
0x2bd: {  	s26 =	spop (v2sf)  }
0x2be: {  	s25 =	sand.u32 $0x1FFFFFF0, s25;
	s26 =	sand.u32 $0x1FFFFFF0, s26  }
0x2bf: {  	s25 =	sadd.s32 s3, s25;
	s26 =	sadd.s32 s4, s26  }
0x2c0: {  	[hbm:s26], [sflag:s29] =	dma.local [hbm:s25], $0x10  }
0x2c1: {  	(v2sf) =	vpush v4, $0xC  }
0x2c2: {  	(v2sf) =	vpush v5, $0xC;
	_ =	sdelay $0xd  }
0x2c3: {  	s25 =	spop (v2sf)  }
0x2c4: {  	s26 =	spop (v2sf)  }
0x2c5: {  	s25 =	sand.u32 $0x1FFFFFF0, s25;
	s26 =	sand.u32 $0x1FFFFFF0, s26  }
0x2c6: {  	s25 =	sadd.s32 s3, s25;
	s26 =	sadd.s32 s4, s26  }
0x2c7: {  	[hbm:s26], [sflag:s29] =	dma.local [hbm:s25], $0x10  }
0x2c8: {  	(v2sf) =	vpush v4, $0xD  }
0x2c9: {  	(v2sf) =	vpush v5, $0xD;
	_ =	sdelay $0xd  }
0x2ca: {  	s25 =	spop (v2sf)  }
0x2cb: {  	s26 =	spop (v2sf)  }
0x2cc: {  	s25 =	sand.u32 $0x1FFFFFF0, s25;
	s26 =	sand.u32 $0x1FFFFFF0, s26  }
0x2cd: {  	s25 =	sadd.s32 s3, s25;
	s26 =	sadd.s32 s4, s26  }
0x2ce: {  	[hbm:s26], [sflag:s29] =	dma.local [hbm:s25], $0x10  }
0x2cf: {  	(v2sf) =	vpush v4, $0xE  }
0x2d0: {  	(v2sf) =	vpush v5, $0xE;
	_ =	sdelay $0xd  }
0x2d1: {  	s25 =	spop (v2sf)  }
0x2d2: {  	s26 =	spop (v2sf)  }
0x2d3: {  	s25 =	sand.u32 $0x1FFFFFF0, s25;
	s26 =	sand.u32 $0x1FFFFFF0, s26  }
0x2d4: {  	s25 =	sadd.s32 s3, s25;
	s26 =	sadd.s32 s4, s26  }
0x2d5: {  	[hbm:s26], [sflag:s29] =	dma.local [hbm:s25], $0x10  }
0x2d6: {  	(v2sf) =	vpush v4, $0xF  }
0x2d7: {  	(v2sf) =	vpush v5, $0xF;
	_ =	sdelay $0xd  }
0x2d8: {  	s25 =	spop (v2sf)  }
0x2d9: {  	s26 =	spop (v2sf)  }
0x2da: {  	p0 =	seq.s32 s23, $0x0;
	s25 =	sand.u32 $0x1FFFFFF0, s25;
	s26 =	sand.u32 $0x1FFFFFF0, s26  }
0x2db: {  	s24 =	simm.s32 @!p0 $0x1;
	s25 =	sadd.s32 s3, s25;
	s26 =	sadd.s32 s4, s26  }
0x2dc: {  	[hbm:s26], [sflag:s29] =	dma.local [hbm:s25], $0x10  }
0x2dd: {  	_ =	swait.ge @!p0 [sflag:s24], $0x10  }
0x2de: {  	[sflag:s24] =	ssyncset.done @!p0 $0x0  }
0x2df: {  	[sflag:s24] =	ssyncadd.s32 @!p0 $0xFFFFFFF0  }
0x2e0: {  	_ =	swait.ge @!p0 [sflag:s24], $0x10  }
0x2e1: {  	[sflag:s24] =	ssyncset.done @!p0 $0x0  }
0x2e2: {  	[sflag:s24] =	ssyncadd.s32 @!p0 $0xFFFFFFF0  }
0x2e3: {  	_ =	swait.ge @!p0 [sflag:s24], $0x10  }
0x2e4: {  	[sflag:s24] =	ssyncset.done @!p0 $0x0  }
0x2e5: {  	[sflag:s24] =	ssyncadd.s32 @!p0 $0xFFFFFFF0  }
0x2e6: {  	_ =	swait.ge @!p0 [sflag:s24], $0x10  }
0x2e7: {  	[sflag:s24] =	ssyncset.done @!p0 $0x0  }
0x2e8: {  	[sflag:s24] =	ssyncadd.s32 @!p0 $0xFFFFFFF0  }
0x2e9: {  	_ =	swait.ge @!p0 [sflag:s24], $0x10  }
0x2ea: {  	[sflag:s24] =	ssyncset.done @!p0 $0x0  }
0x2eb: {  	[sflag:s24] =	ssyncadd.s32 @!p0 $0xFFFFFFF0  }
0x2ec: {  	_ =	swait.ge @!p0 [sflag:s24], $0x10  }
0x2ed: {  	[sflag:s24] =	ssyncset.done @!p0 $0x0  }
0x2ee: {  	[sflag:s24] =	ssyncadd.s32 @!p0 $0xFFFFFFF0  }
0x2ef: {  	_ =	swait.ge @!p0 [sflag:s24], $0x10  }
0x2f0: {  	[sflag:s24] =	ssyncset.done @!p0 $0x0  }
0x2f1: {  	[sflag:s24] =	ssyncadd.s32 @!p0 $0xFFFFFFF0  }
0x2f2: {  	_ =	swait.ge @!p0 [sflag:s24], $0x10  }
0x2f3: {  	[sflag:s24] =	ssyncset.done @!p0 $0x0  }
0x2f4: {  	[sflag:s24] =	ssyncadd.s32 @!p0 $0xFFFFFFF0  }
0x2f5: {  	_ =	swait.ge @!p0 [sflag:s24], $0x10  }
0x2f6: {  	[sflag:s24] =	ssyncset.done @!p0 $0x0  }
0x2f7: {  	[sflag:s24] =	ssyncadd.s32 @!p0 $0xFFFFFFF0  }
0x2f8: {  	_ =	swait.ge @!p0 [sflag:s24], $0x10  }
0x2f9: {  	[sflag:s24] =	ssyncset.done @!p0 $0x0  }
0x2fa: {  	[sflag:s24] =	ssyncadd.s32 @!p0 $0xFFFFFFF0  }
0x2fb: {  	_ =	swait.ge @!p0 [sflag:s24], $0x10  }
0x2fc: {  	[sflag:s24] =	ssyncset.done @!p0 $0x0  }
0x2fd: {  	[sflag:s24] =	ssyncadd.s32 @!p0 $0xFFFFFFF0  }
0x2fe: {  	_ =	swait.ge @!p0 [sflag:s24], $0x10  }
0x2ff: {  	[sflag:s24] =	ssyncset.done @!p0 $0x0  }
0x300: {  	[sflag:s24] =	ssyncadd.s32 @!p0 $0xFFFFFFF0  }
0x301: {  	_ =	swait.ge @!p0 [sflag:s24], $0x10  }
0x302: {  	[sflag:s24] =	ssyncset.done @!p0 $0x0  }
0x303: {  	[sflag:s24] =	ssyncadd.s32 @!p0 $0xFFFFFFF0  }
0x304: {  	_ =	swait.ge @!p0 [sflag:s24], $0x10  }
0x305: {  	[sflag:s24] =	ssyncset.done @!p0 $0x0  }
0x306: {  	[sflag:s24] =	ssyncadd.s32 @!p0 $0xFFFFFFF0  }
0x307: {  	_ =	swait.ge @!p0 [sflag:s24], $0x10  }
0x308: {  	[sflag:s24] =	ssyncset.done @!p0 $0x0  }
0x309: {  	[sflag:s24] =	ssyncadd.s32 @!p0 $0xFFFFFFF0  }
0x30a: {  	_ =	swait.ge @!p0 [sflag:s24], $0x10  }
0x30b: {  	s23 =	sadd.s32 $0xFFFFFFFF, s23;
	s31 =	rddreg [dreg:$0x4]  }
0x30c: {  	p1 =	sne.s32 s31, s23  }
.Ltmp1:
0x30d: {  	_ = 	snop;
	(pc) =	sbr.rel @p1 .LBB2_4-.Ltmp1, $3  }
0x30e: {  	_ =	sdelay $0x1  }
0x30f: {  	[sflag:s24] =	ssyncset.done @!p0 $0x0  }
0x310: {  	s21 =	sadd.s32 $0x10, s21;
	s22 =	sadd.s32 $0x10, s22;
	[sflag:s24] =	ssyncadd.s32 @!p0 $0xFFFFFFF0  }
0x311: {  	_ =	swait.ge [sflag:s19], $0x10  }
0x312: {  	[sflag:s19] =	ssyncset.done $0x0  }
0x313: {  	[sflag:s19] =	ssyncadd.s32 $0xFFFFFFF0  }
0x314: {  	_ =	swait.ge [sflag:s19], $0x10  }
0x315: {  	[sflag:s19] =	ssyncset.done $0x0  }
0x316: {  	[sflag:s19] =	ssyncadd.s32 $0xFFFFFFF0  }
0x317: {  	_ =	swait.ge [sflag:s19], $0x10  }
0x318: {  	[sflag:s19] =	ssyncset.done $0x0  }
0x319: {  	[sflag:s19] =	ssyncadd.s32 $0xFFFFFFF0  }
0x31a: {  	_ =	swait.ge [sflag:s19], $0x10  }
0x31b: {  	[sflag:s19] =	ssyncset.done $0x0  }
0x31c: {  	[sflag:s19] =	ssyncadd.s32 $0xFFFFFFF0  }
0x31d: {  	_ =	swait.ge [sflag:s19], $0x10  }
0x31e: {  	[sflag:s19] =	ssyncset.done $0x0  }
0x31f: {  	[sflag:s19] =	ssyncadd.s32 $0xFFFFFFF0  }
0x320: {  	_ =	swait.ge [sflag:s19], $0x10  }
0x321: {  	[sflag:s19] =	ssyncset.done $0x0  }
0x322: {  	[sflag:s19] =	ssyncadd.s32 $0xFFFFFFF0  }
0x323: {  	_ =	swait.ge [sflag:s19], $0x10  }
0x324: {  	[sflag:s19] =	ssyncset.done $0x0  }
0x325: {  	[sflag:s19] =	ssyncadd.s32 $0xFFFFFFF0  }
0x326: {  	_ =	swait.ge [sflag:s19], $0x10  }
0x327: {  	[sflag:s19] =	ssyncset.done $0x0  }
0x328: {  	[sflag:s19] =	ssyncadd.s32 $0xFFFFFFF0  }
0x329: {  	_ =	swait.ge [sflag:s19], $0x10  }
0x32a: {  	[sflag:s19] =	ssyncset.done $0x0  }
0x32b: {  	[sflag:s19] =	ssyncadd.s32 $0xFFFFFFF0  }
0x32c: {  	_ =	swait.ge [sflag:s19], $0x10  }
0x32d: {  	[sflag:s19] =	ssyncset.done $0x0  }
0x32e: {  	[sflag:s19] =	ssyncadd.s32 $0xFFFFFFF0  }
0x32f: {  	_ =	swait.ge [sflag:s19], $0x10  }
0x330: {  	[sflag:s19] =	ssyncset.done $0x0  }
0x331: {  	[sflag:s19] =	ssyncadd.s32 $0xFFFFFFF0  }
0x332: {  	_ =	swait.ge [sflag:s19], $0x10  }
0x333: {  	[sflag:s19] =	ssyncset.done $0x0  }
0x334: {  	[sflag:s19] =	ssyncadd.s32 $0xFFFFFFF0  }
0x335: {  	_ =	swait.ge [sflag:s19], $0x10  }
0x336: {  	[sflag:s19] =	ssyncset.done $0x0  }
0x337: {  	[sflag:s19] =	ssyncadd.s32 $0xFFFFFFF0  }
0x338: {  	_ =	swait.ge [sflag:s19], $0x10  }
0x339: {  	[sflag:s19] =	ssyncset.done $0x0  }
0x33a: {  	s20 =	sadd.s32 $0x1, s20;
	[sflag:s19] =	ssyncadd.s32 $0xFFFFFFF0  }
0x33b: {  	p0 =	sne.s32 s20, s13;
	_ =	swait.ge [sflag:s19], $0x10  }
.Ltmp2:
0x33c: {  	[sflag:s19] =	ssyncset.done $0x0;
	(pc) =	sbr.rel @p0 .LBB2_1-.Ltmp2, $4  }
0x33d: {  	[sflag:s19] =	ssyncadd.s32 $0xFFFFFFF0  }
0x33e: {  	_ =	swait.ge [sflag:s19], $0x10  }
0x33f: {  	[sflag:s19] =	ssyncset.done $0x0  }
0x340: {  	[sflag:s19] =	ssyncadd.s32 $0xFFFFFFF0  }
0x341: {  	_ =	sfence.sel $0x180000  }
0x342: {  	[bflag:$0x0] =	sbarrier.arrive $0xFFFF  }
0x343: {  	p0 =	sne.s32 s2, $0x0;
	_ =	strace $0x90000047  }
0x344: {  	s0 =	sadd.s32 @!p0 $0x100000, s0;
	[bflag:$0x2] =	sbarrier.arrive $0xFFFF  }
0x345: {  	[sflag:s0] =	ssyncadd.tile.s32 @!p0 $0x1;
	_ =	shalt  }
.Lfunc_end2:
_tile_overlayer_lowered:
.L_overlay_start_2:
0x346: {  	(tag) =	ssettag $0x2  }
0x347: {  	s0 =	rddreg [dreg:$0x0];
	s2 =	stileid.u32  }
0x348: {  	s1 =	rddreg [dreg:$0x1];
	p0 =	sne.s32 s2, $0x0  }
0x349: {  	s3 =	rddreg [dreg:$0x2];
	[bflag:$0x3] =	sbarrier.arrive $0xFFFF;
	s2 =	simm.s32 @!p0 $0x1C02  }
0x34a: {  	[timem:s3], [sflag:s2] =	dma.local @!p0 [hbm:s0], s1  }
0x34b: {  	s0 =	simm.s32 @!p0 $0x2  }
0x34c: {  	_ =	swait.ge @!p0 [sflag:s0], s1  }
0x34d: {  	s1 =	ssub.s32 @!p0 $0x0, s1;
	[sflag:s0] =	ssyncset.done @!p0 $0x0  }
0x34e: {  	[sflag:s0] =	ssyncadd.s32 @!p0 s1  }
0x34f: {  	[bflag:$0x3] =	sbarrier.arrive $0xFFFF  }
0x350: {  	_ =	shalt  }

</sc_bundles>
